<compile_context>
chip_gen: v7x
topology: tpu7x:2x2x1
jax: 0.10.2.dev20260603
libtpu: 0.0.44.dev20260713+nightly
codegen_flags: <defaults>
</compile_context>

<pallas_src>
import functools

import jax
import jax.numpy as jnp
from jax import lax
from jax.experimental import pallas as pl
from jax.experimental.pallas import tpu as pltpu
from jax.experimental.pallas import tpu_sc as plsc

N = 10000
E = 320000
D = 128

NC = 2
NS = 16
NW = NC * NS
WIN = 128
NJ = 80
NG = NJ // 2
EPW = NJ * WIN
EPAD = NW * EPW
NTRASH = 10112
RPS = NTRASH // NS


def _mesh():
    return plsc.VectorSubcoreMesh(core_axis_name="c", subcore_axis_name="s")


_SC_PARAMS = pltpu.CompilerParams(needs_layout_passes=False)


@functools.partial(
    pl.kernel,
    mesh=_mesh(),
    compiler_params=_SC_PARAMS,
    out_type=jax.ShapeDtypeStruct((NC, NTRASH), jnp.float32),
    scratch_types=[
        pltpu.VMEM((NJ, WIN), jnp.int32),
        pltpu.VMEM((WIN,), jnp.float32),
        pltpu.VMEM((NTRASH,), jnp.float32),
        pltpu.VMEM_SHARED((NTRASH,), jnp.float32),
    ],
)
def _sc_deg(dst3, out, dst_buf, ones_v, zbuf, deg_sh):
    cid = lax.axis_index("c")
    sid = lax.axis_index("s")
    wid = cid * NS + sid

    def fill_ones(i, _):
        ones_v[pl.ds(i * 16, 16)] = jnp.ones((16,), jnp.float32)
        return 0

    lax.fori_loop(0, WIN // 16, fill_ones, 0)

    def fill_zero(i, _):
        zbuf[pl.ds(i * 16, 16)] = jnp.zeros((16,), jnp.float32)
        return 0

    lax.fori_loop(0, NTRASH // 16, fill_zero, 0)

    @pl.when(sid == 0)
    def _():
        pltpu.sync_copy(zbuf, deg_sh)

    plsc.subcore_barrier()
    pltpu.sync_copy(dst3.at[wid], dst_buf)

    def body(j, _):
        pltpu.sync_copy(ones_v, deg_sh.at[dst_buf.at[j]], add=True)
        return 0

    lax.fori_loop(0, NJ, body, 0)
    plsc.subcore_barrier()

    @pl.when(sid == 0)
    def _():
        pltpu.sync_copy(deg_sh, out.at[cid])


@functools.partial(
    pl.kernel,
    mesh=_mesh(),
    compiler_params=_SC_PARAMS,
    out_type=jax.ShapeDtypeStruct((NC, NTRASH, D), jnp.float32),
    scratch_types=[
        pltpu.VMEM((2, WIN), jnp.int32),
        pltpu.VMEM((2, WIN), jnp.int32),
        pltpu.VMEM((WIN, D), jnp.float32),
        pltpu.VMEM((WIN, D), jnp.float32),
        pltpu.SemaphoreType.DMA,
        pltpu.SemaphoreType.DMA,
        pltpu.SemaphoreType.DMA,
        pltpu.SemaphoreType.DMA,
        pltpu.VMEM_SHARED((NTRASH, D), jnp.float32),
    ],
)
def _sc_gcn(y_hbm, meta, out, mb0, mb1,
            rows0, rows1, gsem0, gsem1, ssem0, ssem1, acc_sh):
    cid = lax.axis_index("c")
    sid = lax.axis_index("s")
    wid = cid * NS + sid

    def fill_zero(i, _):
        for k in range(D // 16):
            rows0[i, pl.ds(k * 16, 16)] = jnp.zeros((16,), jnp.float32)
        return 0

    lax.fori_loop(0, WIN, fill_zero, 0)
    for k in range(RPS // WIN):
        pltpu.sync_copy(rows0, acc_sh.at[pl.ds(sid * RPS + k * WIN, WIN)])
    pltpu.sync_copy(rows0.at[pl.ds(0, RPS % WIN)],
                    acc_sh.at[pl.ds(sid * RPS + RPS - RPS % WIN, RPS % WIN)])
    plsc.subcore_barrier()

    pltpu.sync_copy(meta.at[wid, 0], mb0)
    pltpu.async_copy(y_hbm.at[mb0.at[0]], rows0, gsem0)

    def pair(g, _):
        j1 = 2 * g + 1

        @pl.when(g > 0)
        def _():
            pltpu.make_async_copy(rows1, acc_sh.at[mb1.at[1]], ssem1).wait()

        pltpu.sync_copy(meta.at[wid, j1], mb1)
        pltpu.async_copy(y_hbm.at[mb1.at[0]], rows1, gsem1)
        pltpu.make_async_copy(y_hbm.at[mb0.at[0]], rows0, gsem0).wait()
        pltpu.async_copy(rows0, acc_sh.at[mb0.at[1]], ssem0, add=True)
        pltpu.make_async_copy(rows0, acc_sh.at[mb0.at[1]], ssem0).wait()

        @pl.when(g < NG - 1)
        def _():
            pltpu.sync_copy(meta.at[wid, 2 * g + 2], mb0)
            pltpu.async_copy(y_hbm.at[mb0.at[0]], rows0, gsem0)

        pltpu.make_async_copy(y_hbm.at[mb1.at[0]], rows1, gsem1).wait()
        pltpu.async_copy(rows1, acc_sh.at[mb1.at[1]], ssem1, add=True)
        return 0

    lax.fori_loop(0, NG, pair, 0)
    pltpu.make_async_copy(rows1, acc_sh.at[mb1.at[1]], ssem1).wait()
    plsc.subcore_barrier()
    pltpu.sync_copy(acc_sh.at[pl.ds(sid * RPS, RPS)],
                    out.at[cid, pl.ds(sid * RPS, RPS)])


@functools.partial(
    pl.kernel,
    mesh=_mesh(),
    compiler_params=_SC_PARAMS,
    out_type=[
        jax.ShapeDtypeStruct((NW, NJ, WIN), jnp.float32),
        jax.ShapeDtypeStruct((NC, NTRASH), jnp.float32),
    ],
    scratch_types=[
        pltpu.VMEM((NJ, WIN), jnp.int32),
        pltpu.VMEM((NJ, WIN), jnp.int32),
        pltpu.VMEM((NJ, WIN), jnp.float32),
        pltpu.VMEM((NTRASH,), jnp.float32),
        pltpu.VMEM((NTRASH,), jnp.float32),
        pltpu.VMEM((128,), jnp.float32),
        pltpu.VMEM_SHARED((NTRASH,), jnp.float32),
    ],
)
def _sc_gat0(src3, dst3, tabs_hbm, tabd_hbm, c_hbm, out_ee, out_den,
             src_buf, dst_buf, ee_buf, asrc_v, adst_v, c_v, den_sh):
    cid = lax.axis_index("c")
    sid = lax.axis_index("s")
    wid = cid * NS + sid

    def fill_zero(i, _):
        asrc_v[pl.ds(i * 16, 16)] = jnp.zeros((16,), jnp.float32)
        return 0

    lax.fori_loop(0, NTRASH // 16, fill_zero, 0)

    @pl.when(sid == 0)
    def _():
        pltpu.sync_copy(asrc_v, den_sh)

    plsc.subcore_barrier()

    pltpu.sync_copy(tabs_hbm, asrc_v)
    pltpu.sync_copy(tabd_hbm, adst_v)
    pltpu.sync_copy(c_hbm, c_v)
    pltpu.sync_copy(src3.at[wid], src_buf)
    pltpu.sync_copy(dst3.at[wid], dst_buf)
    c16 = c_v[pl.ds(0, 16)]

    def body(j, _):
        for k in range(WIN // 16):
            sl = pl.ds(k * 16, 16)
            si = src_buf[j, sl]
            di = dst_buf[j, sl]
            t = plsc.load_gather(asrc_v, [si]) + plsc.load_gather(adst_v, [di])
            t = jnp.where(t > 0, t, 0.2 * t)
            ee_buf[j, sl] = jnp.exp(t - c16)
        pltpu.sync_copy(ee_buf.at[j], den_sh.at[dst_buf.at[j]], add=True)
        return 0

    lax.fori_loop(0, NJ, body, 0)
    pltpu.sync_copy(ee_buf, out_ee.at[wid])
    plsc.subcore_barrier()

    @pl.when(sid == 0)
    def _():
        pltpu.sync_copy(den_sh, out_den.at[cid])


@functools.partial(
    pl.kernel,
    mesh=_mesh(),
    compiler_params=_SC_PARAMS,
    out_type=jax.ShapeDtypeStruct((NC, NTRASH, D), jnp.float32),
    scratch_types=[
        pltpu.VMEM((3, WIN), jnp.int32),
        pltpu.VMEM((3, WIN), jnp.int32),
        pltpu.VMEM((WIN, D), jnp.float32),
        pltpu.VMEM((WIN, D), jnp.float32),
        pltpu.SemaphoreType.DMA,
        pltpu.SemaphoreType.DMA,
        pltpu.SemaphoreType.DMA,
        pltpu.SemaphoreType.DMA,
        pltpu.VMEM_SHARED((NTRASH, D), jnp.float32),
    ],
)
def _sc_gat(zw_hbm, meta3, out, mb0, mb1,
            rows0, rows1, gsem0, gsem1, ssem0, ssem1, acc_sh):
    cid = lax.axis_index("c")
    sid = lax.axis_index("s")
    wid = cid * NS + sid

    def fill_zero(i, _):
        for k in range(D // 16):
            rows0[i, pl.ds(k * 16, 16)] = jnp.zeros((16,), jnp.float32)
        return 0

    lax.fori_loop(0, WIN, fill_zero, 0)
    for k in range(RPS // WIN):
        pltpu.sync_copy(rows0, acc_sh.at[pl.ds(sid * RPS + k * WIN, WIN)])
    pltpu.sync_copy(rows0.at[pl.ds(0, RPS % WIN)],
                    acc_sh.at[pl.ds(sid * RPS + RPS - RPS % WIN, RPS % WIN)])
    plsc.subcore_barrier()

    def scale(rows, mb):
        def scale_grp(gi, _):
            ee16 = plsc.bitcast(mb[2, pl.ds(gi * 16, 16)], jnp.float32)
            for u in range(16):
                rr = gi * 16 + u
                s = jnp.take_along_axis(
                    ee16, jnp.full((16,), u, jnp.int32), axis=0)
                for k in range(D // 16):
                    sl = pl.ds(k * 16, 16)
                    rows[rr, sl] = rows[rr, sl] * s
            return 0

        lax.fori_loop(0, WIN // 16, scale_grp, 0)

    pltpu.sync_copy(meta3.at[wid, 0], mb0)
    pltpu.async_copy(zw_hbm.at[mb0.at[0]], rows0, gsem0)

    def pair(g, _):
        j0 = 2 * g
        j1 = j0 + 1

        @pl.when(g > 0)
        def _():
            pltpu.make_async_copy(rows1, acc_sh.at[mb1.at[1]], ssem1).wait()

        pltpu.sync_copy(meta3.at[wid, j1], mb1)
        pltpu.async_copy(zw_hbm.at[mb1.at[0]], rows1, gsem1)
        pltpu.make_async_copy(zw_hbm.at[mb0.at[0]], rows0, gsem0).wait()
        scale(rows0, mb0)
        pltpu.async_copy(rows0, acc_sh.at[mb0.at[1]], ssem0, add=True)
        pltpu.make_async_copy(zw_hbm.at[mb1.at[0]], rows1, gsem1).wait()
        scale(rows1, mb1)
        pltpu.make_async_copy(rows0, acc_sh.at[mb0.at[1]], ssem0).wait()

        @pl.when(g < NG - 1)
        def _():
            pltpu.sync_copy(meta3.at[wid, j0 + 2], mb0)
            pltpu.async_copy(zw_hbm.at[mb0.at[0]], rows0, gsem0)

        pltpu.async_copy(rows1, acc_sh.at[mb1.at[1]], ssem1, add=True)
        return 0

    lax.fori_loop(0, NG, pair, 0)
    pltpu.make_async_copy(rows1, acc_sh.at[mb1.at[1]], ssem1).wait()
    plsc.subcore_barrier()
    pltpu.sync_copy(acc_sh.at[pl.ds(sid * RPS, RPS)],
                    out.at[cid, pl.ds(sid * RPS, RPS)])


def _tc1_body(x_ref, w_ref, degp_ref, y_ref):
    deg = degp_ref[0] + degp_ref[1] + 1.0
    dinv = 1.0 / jnp.sqrt(deg)
    xw = jnp.dot(x_ref[...], w_ref[...], preferred_element_type=jnp.float32)
    y_ref[...] = dinv[:, None] * xw


def _tc2_body(x_ref, y_ref, accp_ref, degp_ref, b1_ref, gnw_ref, gnb_ref,
              gnms_ref, gatw_ref, aw_src_ref, aw_dst_ref,
              x1_ref, zw_ref, as_ref, ad_ref, c_ref):
    deg = degp_ref[0] + degp_ref[1] + 1.0
    dinv = 1.0 / jnp.sqrt(deg)
    acc = accp_ref[0] + accp_ref[1]
    h = dinv[:, None] * (acc + y_ref[...]) + b1_ref[...]
    mean = jnp.mean(h, axis=0, keepdims=True)
    cen = h - mean * gnms_ref[...]
    var = jnp.mean(cen * cen, axis=0, keepdims=True)
    h = gnw_ref[...] * cen / jnp.sqrt(var + 1e-5) + gnb_ref[...]
    h = jnp.where(h > 0, h, 0.01 * h)
    x1 = x_ref[...] + h
    x1_ref[...] = x1
    zw = jnp.dot(x1, gatw_ref[...], preferred_element_type=jnp.float32)
    zw_ref[...] = zw
    a_s = jnp.sum(zw * aw_src_ref[...][None, :], axis=1)
    a_d = jnp.sum(zw * aw_dst_ref[...][None, :], axis=1)
    as_ref[...] = a_s
    ad_ref[...] = a_d
    cb = jnp.max(a_s) + jnp.max(a_d)
    cb = jnp.where(cb > 0, cb, 0.2 * cb)
    c_ref[...] = jnp.full((128,), cb, jnp.float32)


def _tc3_body(x1_ref, zw_ref, accp2_ref, denp_ref, as_ref, ad_ref, gatb_ref,
              gnw_ref, gnb_ref, gnms_ref, out_ref):
    a_s = as_ref[...]
    a_d = ad_ref[...]
    cb = jnp.max(a_s) + jnp.max(a_d)
    cb = jnp.where(cb > 0, cb, 0.2 * cb)
    es = a_s + a_d
    es = jnp.where(es > 0, es, 0.2 * es)
    ee_self = jnp.exp(es - cb)
    den = denp_ref[0] + denp_ref[1] + ee_self
    zw = zw_ref[...]
    acc = accp2_ref[0] + accp2_ref[1] + ee_self[:, None] * zw
    h2 = acc / (den + 1e-16)[:, None] + gatb_ref[...]
    mean = jnp.mean(h2, axis=0, keepdims=True)
    cen = h2 - mean * gnms_ref[...]
    var = jnp.mean(cen * cen, axis=0, keepdims=True)
    h2 = gnw_ref[...] * cen / jnp.sqrt(var + 1e-5) + gnb_ref[...]
    h2 = jnp.where(h2 > 0, h2, 0.01 * h2)
    out_ref[...] = x1_ref[...] + h2


def _tc_call(body, out_shapes, *args):
    return pl.pallas_call(
        body,
        out_shape=out_shapes,
    )(*args)


def kernel(x, edges, W1, b1, gn_w, gn_b, gn_ms, gat_W, att_src, att_dst,
           gat_b):
    pad = EPAD - E
    pad_i = jnp.arange(pad, dtype=jnp.int32)
    src_p = jnp.concatenate([edges[0], pad_i % 256])
    dst_p = jnp.concatenate([edges[1], N + (pad_i % (NTRASH - N))])
    src3 = src_p.reshape(NW, NJ, WIN)
    dst3 = dst_p.reshape(NW, NJ, WIN)
    meta = jnp.stack([src3, dst3], axis=2)

    degp = _sc_deg(dst3)[:, :N]
    y = _tc_call(_tc1_body, jax.ShapeDtypeStruct((N, D), jnp.float32),
                 x, W1, degp)
    accp = _sc_gcn(y, meta)[:, :N, :]
    x1, zw, a_s, a_d, cvec = _tc_call(
        _tc2_body,
        [
            jax.ShapeDtypeStruct((N, D), jnp.float32),
            jax.ShapeDtypeStruct((N, D), jnp.float32),
            jax.ShapeDtypeStruct((N,), jnp.float32),
            jax.ShapeDtypeStruct((N,), jnp.float32),
            jax.ShapeDtypeStruct((128,), jnp.float32),
        ],
        x, y, accp, degp, b1, gn_w, gn_b, gn_ms, gat_W, att_src, att_dst)
    tabs = jnp.pad(a_s, (0, NTRASH - N))
    tabd = jnp.pad(a_d, (0, NTRASH - N))
    ee3, denp = _sc_gat0(src3, dst3, tabs, tabd, cvec)
    denp = denp[:, :N]
    meta3 = jnp.concatenate(
        [meta, jax.lax.bitcast_convert_type(ee3, jnp.int32)[:, :, None, :]],
        axis=2)
    accp2 = _sc_gat(zw, meta3)[:, :N, :]
    out = _tc_call(_tc3_body, jax.ShapeDtypeStruct((N, D), jnp.float32),
                   x1, zw, accp2, denp, a_s, a_d, gat_b, gn_w, gn_b, gn_ms)
    return out

# --- scband reference (transcript-rebuilt; emitter-appended) ---
"""Pipeline reference for scband-gcn-unit-40157944217632 (READ-ONLY COPY).

The authoritative reference and input builder live on the scoring server;
editing this copy changes nothing except your own understanding.
"""

import jax, jax.numpy as jnp
import numpy as np

N = 10000
E = 320000
D = 128

def setup_inputs(seed: int = 0) -> dict:
    key = jax.random.key(seed)
    ks = jax.random.split(key, 12)
    x = jax.random.normal(ks[0], (N, D), dtype=jnp.float32)
    edges = jax.random.randint(ks[1], (2, E), 0, N, dtype=jnp.int32)
    W1 = jax.random.normal(ks[2], (D, D), dtype=jnp.float32) * 0.05
    b1 = jax.random.normal(ks[3], (D,), dtype=jnp.float32) * 0.05
    gn_w = jnp.ones((D,), dtype=jnp.float32)
    gn_b = jnp.zeros((D,), dtype=jnp.float32)
    gn_ms = jnp.ones((D,), dtype=jnp.float32)
    gat_W = jax.random.normal(ks[4], (D, D), dtype=jnp.float32) * 0.05
    att_src = jax.random.normal(ks[5], (D,), dtype=jnp.float32) * 0.05
    att_dst = jax.random.normal(ks[6], (D,), dtype=jnp.float32) * 0.05
    gat_b = jax.random.normal(ks[7], (D,), dtype=jnp.float32) * 0.05
    return {"x": x, "edges": edges, "W1": W1, "b1": b1, "gn_w": gn_w, "gn_b": gn_b,
            "gn_ms": gn_ms, "gat_W": gat_W, "att_src": att_src, "att_dst": att_dst, "gat_b": gat_b}

def _graph_norm(h, gn_w, gn_b, gn_ms):
    mean = h.mean(axis=0, keepdims=True)
    out = h - mean * gn_ms
    var = (out * out).mean(axis=0, keepdims=True)
    return gn_w * out / jnp.sqrt(var + 1e-5) + gn_b

def _leaky(h, slope):
    return jnp.where(h > 0, h, slope * h)

def reference(x, edges, W1, b1, gn_w, gn_b, gn_ms, gat_W, att_src, att_dst, gat_b):
    loop = jnp.arange(N, dtype=edges.dtype)
    src = jnp.concatenate([edges[0], loop])
    dst = jnp.concatenate([edges[1], loop])
    # --- GCNConv (PyG default: add self loops, symmetric normalization) ---
    deg = jax.ops.segment_sum(jnp.ones_like(src, dtype=x.dtype), dst, num_segments=N)
    dinv = jnp.where(deg > 0, 1.0 / jnp.sqrt(deg), 0.0)
    norm = dinv[src] * dinv[dst]
    xw = x @ W1
    h = jax.ops.segment_sum(norm[:, None] * xw[src], dst, num_segments=N) + b1
    h = _graph_norm(h, gn_w, gn_b, gn_ms)
    h = _leaky(h, 0.01)
    x1 = x + h
    # --- GATConv (heads=1, add self loops, negative_slope=0.2) ---
    zw = x1 @ gat_W
    a_src = (zw * att_src).sum(-1)
    a_dst = (zw * att_dst).sum(-1)
    e = a_src[src] + a_dst[dst]
    e = _leaky(e, 0.2)
    emax = jax.ops.segment_max(e, dst, num_segments=N)
    ee = jnp.exp(e - emax[dst])
    denom = jax.ops.segment_sum(ee, dst, num_segments=N)
    attn = ee / (denom[dst] + 1e-16)
    h2 = jax.ops.segment_sum(attn[:, None] * zw[src], dst, num_segments=N) + gat_b
    h2 = _graph_norm(h2, gn_w, gn_b, gn_ms)
    h2 = _leaky(h2, 0.01)
    return x1 + h2

if __name__ == "__main__":
    import jax
    _d = setup_inputs()
    print(jax.jit(kernel)(*tuple(_d.values())))

</pallas_src>

<mosaic_0001>
#map = affine_map<(d0, d1) -> (0, 0, 0)>
#map1 = affine_map<(d0, d1) -> (0, 0)>
module attributes {stable_mosaic.version = 14 : i64} {
  func.func @_sc_deg(%arg0: i32, %arg1: i32, %arg2: memref<32x80x128xi32, #tpu.memory_space<hbm>>, %arg3: memref<2x10112xf32, #tpu.memory_space<hbm>>, %arg4: memref<80x128xi32, #tpu.memory_space<vmem>>, %arg5: memref<128xf32, #tpu.memory_space<vmem>>, %arg6: memref<10112xf32, #tpu.memory_space<vmem>>, %arg7: memref<10112xf32, #tpu.memory_space<vmem_shared>>) attributes {dimension_semantics = [#tpu.dimension_semantics<core_parallel>, #tpu.dimension_semantics<subcore_parallel>], iteration_bounds = array<i64: 2, 16>, scalar_prefetch = 0 : i64, scratch_operands = 4 : i64, tpu.core_type = #tpu.core_type<sc_vector_subcore>, window_params = [{transform_indices = #map}, {transform_indices = #map1}]} {
    %mul3A = arith.constant 16 : i32
    %mul3A_0 = arith.muli %arg0, %mul3A : i32
    %add3A = arith.addi %mul3A_0, %arg1 : i32
    %scan3A = arith.constant 0 : i32
    %scan3A_1 = arith.constant 0 : i32
    %scan3A_2 = arith.constant 8 : i32
    %scan3A_3 = arith.addi %scan3A_1, %scan3A_2 : i32
    %scan3A_4 = arith.constant 1 : i32
    %scan3A_5 = scf.for %scan3A_29 = %scan3A_1 to %scan3A_3 step %scan3A_4 iter_args(%scan3A_30 = %scan3A) -> (i32)  : i32 {
      %broadcast_in_dim3A = arith.constant 1.000000e+00 : f32
      %broadcast_in_dim3A_31 = vector.broadcast %broadcast_in_dim3A : f32 to vector<16xf32>
      %mul3A_32 = arith.constant 16 : i32
      %mul3A_33 = arith.muli %scan3A_29, %mul3A_32 : i32
      %swap3A = arith.index_cast %mul3A_33 : i32 to index
      %swap3A_34 = tpu.vector_load %arg5[%swap3A] {strides = array<i32>} : memref<128xf32, #tpu.memory_space<vmem>>, vector<16xf32>,
      tpu.vector_store %arg5[%swap3A], %broadcast_in_dim3A_31 {strides = array<i32>} : memref<128xf32, #tpu.memory_space<vmem>>, vector<16xf32>,
      %scan3A_35 = arith.constant 0 : i32
      scf.yield %scan3A_35 : i32
    }
    %scan3A_6 = arith.constant 8 : i32
    %scan3A_7 = arith.constant 0 : i32
    %scan3A_8 = arith.constant 0 : i32
    %scan3A_9 = arith.constant 632 : i32
    %scan3A_10 = arith.addi %scan3A_8, %scan3A_9 : i32
    %scan3A_11 = arith.constant 1 : i32
    %scan3A_12 = scf.for %scan3A_29 = %scan3A_8 to %scan3A_10 step %scan3A_11 iter_args(%scan3A_30 = %scan3A_7) -> (i32)  : i32 {
      %broadcast_in_dim3A = arith.constant 0.000000e+00 : f32
      %broadcast_in_dim3A_31 = vector.broadcast %broadcast_in_dim3A : f32 to vector<16xf32>
      %mul3A_32 = arith.constant 16 : i32
      %mul3A_33 = arith.muli %scan3A_29, %mul3A_32 : i32
      %swap3A = arith.index_cast %mul3A_33 : i32 to index
      %swap3A_34 = tpu.vector_load %arg6[%swap3A] {strides = array<i32>} : memref<10112xf32, #tpu.memory_space<vmem>>, vector<16xf32>,
      tpu.vector_store %arg6[%swap3A], %broadcast_in_dim3A_31 {strides = array<i32>} : memref<10112xf32, #tpu.memory_space<vmem>>, vector<16xf32>,
      %scan3A_35 = arith.constant 0 : i32
      scf.yield %scan3A_35 : i32
    }
    %scan3A_13 = arith.constant 632 : i32
    %eq3A = arith.constant 0 : i32
    %eq3A_14 = arith.cmpi eq, %arg1, %eq3A : i32
    %convert_element_type3A = arith.extui %eq3A_14 : i1 to i32
    %cond3A = arith.constant 0 : i32
    %cond3A_15 = arith.cmpi ne, %convert_element_type3A, %cond3A : i32
    scf.if %cond3A_15 {
      "tpu.region"() ({
        %run_scoped3A = tpu.sem_alloc : memref<!tpu.dma_semaphore, #tpu.memory_space<semaphore_mem>>
        tpu.enqueue_dma source(%arg6 : memref<10112xf32, #tpu.memory_space<vmem>>) target(%arg7 : memref<10112xf32, #tpu.memory_space<vmem_shared>>) target_semaphore(%run_scoped3A : memref<!tpu.dma_semaphore, #tpu.memory_space<semaphore_mem>>)
        tpu.wait_dma2 semaphore(%run_scoped3A : memref<!tpu.dma_semaphore, #tpu.memory_space<semaphore_mem>>) src(%arg6 : memref<10112xf32, #tpu.memory_space<vmem>>) dst(%arg7 : memref<10112xf32, #tpu.memory_space<vmem_shared>>)
        tpu.yield
      }) : () -> ()
    } else {
    }
    %barrier3A = arith.constant 0 : index
    tpu.barrier barrier_id(%barrier3A)
    "tpu.region"() ({
      %run_scoped3A = tpu.sem_alloc : memref<!tpu.dma_semaphore, #tpu.memory_space<semaphore_mem>>
      %dma_start3A = arith.constant 0 : i32
      %dma_start3A_29 = arith.constant 0 : i32
      %dma_start3A_30 = tpu.memref_slice %arg2[%add3A, %dma_start3A, %dma_start3A_29] : memref<32x80x128xi32, #tpu.memory_space<hbm>> -> memref<1x80x128xi32, #tpu.memory_space<hbm>>
      %dma_start3A_31 = tpu.memref_squeeze %dma_start3A_30 : memref<1x80x128xi32, #tpu.memory_space<hbm>> -> memref<80x128xi32, #tpu.memory_space<hbm>>
      %dma_start3A_32 = arith.constant 0 : i32
      %dma_start3A_33 = arith.constant 0 : i32
      %dma_start3A_34 = tpu.memref_slice %arg2[%add3A, %dma_start3A_32, %dma_start3A_33] : memref<32x80x128xi32, #tpu.memory_space<hbm>> -> memref<1x80x128xi32, #tpu.memory_space<hbm>>
      %dma_start3A_35 = tpu.memref_squeeze %dma_start3A_34 : memref<1x80x128xi32, #tpu.memory_space<hbm>> -> memref<80x128xi32, #tpu.memory_space<hbm>>
      tpu.enqueue_dma source(%dma_start3A_35 : memref<80x128xi32, #tpu.memory_space<hbm>>) target(%arg4 : memref<80x128xi32, #tpu.memory_space<vmem>>) target_semaphore(%run_scoped3A : memref<!tpu.dma_semaphore, #tpu.memory_space<semaphore_mem>>)
      %dma_wait3A = arith.constant 0 : i32
      %dma_wait3A_36 = arith.constant 0 : i32
      %dma_wait3A_37 = tpu.memref_slice %arg2[%add3A, %dma_wait3A, %dma_wait3A_36] : memref<32x80x128xi32, #tpu.memory_space<hbm>> -> memref<1x80x128xi32, #tpu.memory_space<hbm>>
      %dma_wait3A_38 = tpu.memref_squeeze %dma_wait3A_37 : memref<1x80x128xi32, #tpu.memory_space<hbm>> -> memref<80x128xi32, #tpu.memory_space<hbm>>
      %dma_wait3A_39 = arith.constant 0 : i32
      %dma_wait3A_40 = arith.constant 0 : i32
      %dma_wait3A_41 = tpu.memref_slice %arg2[%add3A, %dma_wait3A_39, %dma_wait3A_40] : memref<32x80x128xi32, #tpu.memory_space<hbm>> -> memref<1x80x128xi32, #tpu.memory_space<hbm>>
      %dma_wait3A_42 = tpu.memref_squeeze %dma_wait3A_41 : memref<1x80x128xi32, #tpu.memory_space<hbm>> -> memref<80x128xi32, #tpu.memory_space<hbm>>
      tpu.wait_dma2 semaphore(%run_scoped3A : memref<!tpu.dma_semaphore, #tpu.memory_space<semaphore_mem>>) src(%dma_wait3A_42 : memref<80x128xi32, #tpu.memory_space<hbm>>) dst(%arg4 : memref<80x128xi32, #tpu.memory_space<vmem>>)
      tpu.yield
    }) : () -> ()
    %scan3A_16 = arith.constant 0 : i32
    %scan3A_17 = arith.constant 0 : i32
    %scan3A_18 = arith.constant 80 : i32
    %scan3A_19 = arith.addi %scan3A_17, %scan3A_18 : i32
    %scan3A_20 = arith.constant 1 : i32
    %scan3A_21 = scf.for %scan3A_29 = %scan3A_17 to %scan3A_19 step %scan3A_20 iter_args(%scan3A_30 = %scan3A_16) -> (i32)  : i32 {
      "tpu.region"() ({
        %run_scoped3A = tpu.sem_alloc : memref<!tpu.dma_semaphore, #tpu.memory_space<semaphore_mem>>
        %dma_start3A = arith.constant 0 : i32
        %dma_start3A_32 = tpu.memref_slice %arg4[%scan3A_29, %dma_start3A] : memref<80x128xi32, #tpu.memory_space<vmem>> -> memref<1x128xi32, #tpu.memory_space<vmem>>
        %dma_start3A_33 = tpu.memref_squeeze %dma_start3A_32 : memref<1x128xi32, #tpu.memory_space<vmem>> -> memref<128xi32, #tpu.memory_space<vmem>>
        %dma_start3A_34 = arith.constant 0 : i32
        %dma_start3A_35 = tpu.memref_slice %arg7[%dma_start3A_34] : memref<10112xf32, #tpu.memory_space<vmem_shared>> -> memref<10112xf32, #tpu.memory_space<vmem_shared>>
        tpu.enqueue_indirect_dma source(%arg5 : memref<128xf32, #tpu.memory_space<vmem>>) target(%dma_start3A_35 : memref<10112xf32, #tpu.memory_space<vmem_shared>>) offsets(%dma_start3A_33 : memref<128xi32, #tpu.memory_space<vmem>>) semaphore(%run_scoped3A : memref<!tpu.dma_semaphore, #tpu.memory_space<semaphore_mem>>) {add = true}
        %dma_wait3A = arith.constant 0 : i32
        %dma_wait3A_36 = tpu.memref_slice %arg4[%scan3A_29, %dma_wait3A] : memref<80x128xi32, #tpu.memory_space<vmem>> -> memref<1x128xi32, #tpu.memory_space<vmem>>
        %dma_wait3A_37 = tpu.memref_squeeze %dma_wait3A_36 : memref<1x128xi32, #tpu.memory_space<vmem>> -> memref<128xi32, #tpu.memory_space<vmem>>
        %dma_wait3A_38 = arith.constant 0 : i32
        %dma_wait3A_39 = tpu.memref_slice %arg7[%dma_wait3A_38] : memref<10112xf32, #tpu.memory_space<vmem_shared>> -> memref<10112xf32, #tpu.memory_space<vmem_shared>>
        tpu.wait_indirect_dma semaphore(%run_scoped3A : memref<!tpu.dma_semaphore, #tpu.memory_space<semaphore_mem>>) src(%arg5 : memref<128xf32, #tpu.memory_space<vmem>>) dst(%dma_wait3A_39 : memref<10112xf32, #tpu.memory_space<vmem_shared>>)
        tpu.yield
      }) : () -> ()
      %scan3A_31 = arith.constant 0 : i32
      scf.yield %scan3A_31 : i32
    }
    %scan3A_22 = arith.constant 80 : i32
    %barrier3A_23 = arith.constant 0 : index
    tpu.barrier barrier_id(%barrier3A_23)
    %eq3A_24 = arith.constant 0 : i32
    %eq3A_25 = arith.cmpi eq, %arg1, %eq3A_24 : i32
    %convert_element_type3A_26 = arith.extui %eq3A_25 : i1 to i32
    %cond3A_27 = arith.constant 0 : i32
    %cond3A_28 = arith.cmpi ne, %convert_element_type3A_26, %cond3A_27 : i32
    scf.if %cond3A_28 {
      "tpu.region"() ({
        %run_scoped3A = tpu.sem_alloc : memref<!tpu.dma_semaphore, #tpu.memory_space<semaphore_mem>>
        %dma_start3A = arith.constant 0 : i32
        %dma_start3A_29 = tpu.memref_slice %arg3[%arg0, %dma_start3A] : memref<2x10112xf32, #tpu.memory_space<hbm>> -> memref<1x10112xf32, #tpu.memory_space<hbm>>
        %dma_start3A_30 = tpu.memref_squeeze %dma_start3A_29 : memref<1x10112xf32, #tpu.memory_space<hbm>> -> memref<10112xf32, #tpu.memory_space<hbm>>
        tpu.enqueue_dma source(%arg7 : memref<10112xf32, #tpu.memory_space<vmem_shared>>) target(%dma_start3A_30 : memref<10112xf32, #tpu.memory_space<hbm>>) target_semaphore(%run_scoped3A : memref<!tpu.dma_semaphore, #tpu.memory_space<semaphore_mem>>)
        %dma_wait3A = arith.constant 0 : i32
        %dma_wait3A_31 = tpu.memref_slice %arg3[%arg0, %dma_wait3A] : memref<2x10112xf32, #tpu.memory_space<hbm>> -> memref<1x10112xf32, #tpu.memory_space<hbm>>
        %dma_wait3A_32 = tpu.memref_squeeze %dma_wait3A_31 : memref<1x10112xf32, #tpu.memory_space<hbm>> -> memref<10112xf32, #tpu.memory_space<hbm>>
        tpu.wait_dma2 semaphore(%run_scoped3A : memref<!tpu.dma_semaphore, #tpu.memory_space<semaphore_mem>>) src(%arg7 : memref<10112xf32, #tpu.memory_space<vmem_shared>>) dst(%dma_wait3A_32 : memref<10112xf32, #tpu.memory_space<hbm>>)
        tpu.yield
      }) : () -> ()
    } else {
    }
    return
  }
}

#map = affine_map<(d0, d1) -> (0, 0)>
#map1 = affine_map<(d0, d1) -> (0, 0, 0, 0)>
#map2 = affine_map<(d0, d1) -> (0, 0, 0)>
module attributes {stable_mosaic.version = 14 : i64} {
  func.func @_sc_gcn(%arg0: i32, %arg1: i32, %arg2: memref<10000x128xf32, #tpu.memory_space<hbm>>, %arg3: memref<32x80x2x128xi32, #tpu.memory_space<hbm>>, %arg4: memref<2x10112x128xf32, #tpu.memory_space<hbm>>, %arg5: memref<2x128xi32, #tpu.memory_space<vmem>>, %arg6: memref<2x128xi32, #tpu.memory_space<vmem>>, %arg7: memref<128x128xf32, #tpu.memory_space<vmem>>, %arg8: memref<128x128xf32, #tpu.memory_space<vmem>>, %arg9: memref<!tpu.dma_semaphore, #tpu.memory_space<semaphore_mem>>, %arg10: memref<!tpu.dma_semaphore, #tpu.memory_space<semaphore_mem>>, %arg11: memref<!tpu.dma_semaphore, #tpu.memory_space<semaphore_mem>>, %arg12: memref<!tpu.dma_semaphore, #tpu.memory_space<semaphore_mem>>, %arg13: memref<10112x128xf32, #tpu.memory_space<vmem_shared>>) attributes {dimension_semantics = [#tpu.dimension_semantics<core_parallel>, #tpu.dimension_semantics<subcore_parallel>], iteration_bounds = array<i64: 2, 16>, scalar_prefetch = 0 : i64, scratch_operands = 9 : i64, tpu.core_type = #tpu.core_type<sc_vector_subcore>, window_params = [{transform_indices = #map}, {transform_indices = #map1}, {transform_indices = #map2}]} {
    %mul3A = arith.constant 16 : i32
    %mul3A_0 = arith.muli %arg0, %mul3A : i32
    %add3A = arith.addi %mul3A_0, %arg1 : i32
    %scan3A = arith.constant 0 : i32
    %scan3A_1 = arith.constant 0 : i32
    %scan3A_2 = arith.constant 128 : i32
    %scan3A_3 = arith.addi %scan3A_1, %scan3A_2 : i32
    %scan3A_4 = arith.constant 1 : i32
    %scan3A_5 = scf.for %scan3A_52 = %scan3A_1 to %scan3A_3 step %scan3A_4 iter_args(%scan3A_53 = %scan3A) -> (i32)  : i32 {
      %broadcast_in_dim3A = arith.constant 0.000000e+00 : f32
      %broadcast_in_dim3A_54 = vector.broadcast %broadcast_in_dim3A : f32 to vector<16xf32>
      %swap3A = arith.index_cast %scan3A_52 : i32 to index
      %swap3A_55 = arith.constant 0 : index
      %swap3A_56 = tpu.vector_load %arg7[%swap3A, %swap3A_55] {strides = array<i32>} : memref<128x128xf32, #tpu.memory_space<vmem>>, vector<16xf32>,
      tpu.vector_store %arg7[%swap3A, %swap3A_55], %broadcast_in_dim3A_54 {strides = array<i32>} : memref<128x128xf32, #tpu.memory_space<vmem>>, vector<16xf32>,
      %broadcast_in_dim3A_57 = arith.constant 0.000000e+00 : f32
      %broadcast_in_dim3A_58 = vector.broadcast %broadcast_in_dim3A_57 : f32 to vector<16xf32>
      %swap3A_59 = arith.index_cast %scan3A_52 : i32 to index
      %swap3A_60 = arith.constant 16 : index
      %swap3A_61 = tpu.vector_load %arg7[%swap3A_59, %swap3A_60] {strides = array<i32>} : memref<128x128xf32, #tpu.memory_space<vmem>>, vector<16xf32>,
      tpu.vector_store %arg7[%swap3A_59, %swap3A_60], %broadcast_in_dim3A_58 {strides = array<i32>} : memref<128x128xf32, #tpu.memory_space<vmem>>, vector<16xf32>,
      %broadcast_in_dim3A_62 = arith.constant 0.000000e+00 : f32
      %broadcast_in_dim3A_63 = vector.broadcast %broadcast_in_dim3A_62 : f32 to vector<16xf32>
      %swap3A_64 = arith.index_cast %scan3A_52 : i32 to index
      %swap3A_65 = arith.constant 32 : index
      %swap3A_66 = tpu.vector_load %arg7[%swap3A_64, %swap3A_65] {strides = array<i32>} : memref<128x128xf32, #tpu.memory_space<vmem>>, vector<16xf32>,
      tpu.vector_store %arg7[%swap3A_64, %swap3A_65], %broadcast_in_dim3A_63 {strides = array<i32>} : memref<128x128xf32, #tpu.memory_space<vmem>>, vector<16xf32>,
      %broadcast_in_dim3A_67 = arith.constant 0.000000e+00 : f32
      %broadcast_in_dim3A_68 = vector.broadcast %broadcast_in_dim3A_67 : f32 to vector<16xf32>
      %swap3A_69 = arith.index_cast %scan3A_52 : i32 to index
      %swap3A_70 = arith.constant 48 : index
      %swap3A_71 = tpu.vector_load %arg7[%swap3A_69, %swap3A_70] {strides = array<i32>} : memref<128x128xf32, #tpu.memory_space<vmem>>, vector<16xf32>,
      tpu.vector_store %arg7[%swap3A_69, %swap3A_70], %broadcast_in_dim3A_68 {strides = array<i32>} : memref<128x128xf32, #tpu.memory_space<vmem>>, vector<16xf32>,
      %broadcast_in_dim3A_72 = arith.constant 0.000000e+00 : f32
      %broadcast_in_dim3A_73 = vector.broadcast %broadcast_in_dim3A_72 : f32 to vector<16xf32>
      %swap3A_74 = arith.index_cast %scan3A_52 : i32 to index
      %swap3A_75 = arith.constant 64 : index
      %swap3A_76 = tpu.vector_load %arg7[%swap3A_74, %swap3A_75] {strides = array<i32>} : memref<128x128xf32, #tpu.memory_space<vmem>>, vector<16xf32>,
      tpu.vector_store %arg7[%swap3A_74, %swap3A_75], %broadcast_in_dim3A_73 {strides = array<i32>} : memref<128x128xf32, #tpu.memory_space<vmem>>, vector<16xf32>,
      %broadcast_in_dim3A_77 = arith.constant 0.000000e+00 : f32
      %broadcast_in_dim3A_78 = vector.broadcast %broadcast_in_dim3A_77 : f32 to vector<16xf32>
      %swap3A_79 = arith.index_cast %scan3A_52 : i32 to index
      %swap3A_80 = arith.constant 80 : index
      %swap3A_81 = tpu.vector_load %arg7[%swap3A_79, %swap3A_80] {strides = array<i32>} : memref<128x128xf32, #tpu.memory_space<vmem>>, vector<16xf32>,
      tpu.vector_store %arg7[%swap3A_79, %swap3A_80], %broadcast_in_dim3A_78 {strides = array<i32>} : memref<128x128xf32, #tpu.memory_space<vmem>>, vector<16xf32>,
      %broadcast_in_dim3A_82 = arith.constant 0.000000e+00 : f32
      %broadcast_in_dim3A_83 = vector.broadcast %broadcast_in_dim3A_82 : f32 to vector<16xf32>
      %swap3A_84 = arith.index_cast %scan3A_52 : i32 to index
      %swap3A_85 = arith.constant 96 : index
      %swap3A_86 = tpu.vector_load %arg7[%swap3A_84, %swap3A_85] {strides = array<i32>} : memref<128x128xf32, #tpu.memory_space<vmem>>, vector<16xf32>,
      tpu.vector_store %arg7[%swap3A_84, %swap3A_85], %broadcast_in_dim3A_83 {strides = array<i32>} : memref<128x128xf32, #tpu.memory_space<vmem>>, vector<16xf32>,
      %broadcast_in_dim3A_87 = arith.constant 0.000000e+00 : f32
      %broadcast_in_dim3A_88 = vector.broadcast %broadcast_in_dim3A_87 : f32 to vector<16xf32>
      %swap3A_89 = arith.index_cast %scan3A_52 : i32 to index
      %swap3A_90 = arith.constant 112 : index
      %swap3A_91 = tpu.vector_load %arg7[%swap3A_89, %swap3A_90] {strides = array<i32>} : memref<128x128xf32, #tpu.memory_space<vmem>>, vector<16xf32>,
      tpu.vector_store %arg7[%swap3A_89, %swap3A_90], %broadcast_in_dim3A_88 {strides = array<i32>} : memref<128x128xf32, #tpu.memory_space<vmem>>, vector<16xf32>,
      %scan3A_92 = arith.constant 0 : i32
      scf.yield %scan3A_92 : i32
    }
    %scan3A_6 = arith.constant 128 : i32
    %mul3A_7 = arith.constant 632 : i32
    %mul3A_8 = arith.muli %arg1, %mul3A_7 : i32
    %add3A_9 = arith.constant 0 : i32
    %add3A_10 = arith.addi %mul3A_8, %add3A_9 : i32
    "tpu.region"() ({
      %run_scoped3A_52 = tpu.sem_alloc : memref<!tpu.dma_semaphore, #tpu.memory_space<semaphore_mem>>
      %dma_start3A_53 = arith.constant 0 : i32
      %dma_start3A_54 = tpu.memref_slice %arg13[%add3A_10, %dma_start3A_53] : memref<10112x128xf32, #tpu.memory_space<vmem_shared>> -> memref<128x128xf32, #tpu.memory_space<vmem_shared>>
      %dma_start3A_55 = arith.constant 0 : i32
      %dma_start3A_56 = tpu.memref_slice %arg13[%add3A_10, %dma_start3A_55] : memref<10112x128xf32, #tpu.memory_space<vmem_shared>> -> memref<128x128xf32, #tpu.memory_space<vmem_shared>>
      tpu.enqueue_dma source(%arg7 : memref<128x128xf32, #tpu.memory_space<vmem>>) target(%dma_start3A_56 : memref<128x128xf32, #tpu.memory_space<vmem_shared>>) target_semaphore(%run_scoped3A_52 : memref<!tpu.dma_semaphore, #tpu.memory_space<semaphore_mem>>)
      %dma_wait3A_57 = arith.constant 0 : i32
      %dma_wait3A_58 = tpu.memref_slice %arg13[%add3A_10, %dma_wait3A_57] : memref<10112x128xf32, #tpu.memory_space<vmem_shared>> -> memref<128x128xf32, #tpu.memory_space<vmem_shared>>
      %dma_wait3A_59 = arith.constant 0 : i32
      %dma_wait3A_60 = tpu.memref_slice %arg13[%add3A_10, %dma_wait3A_59] : memref<10112x128xf32, #tpu.memory_space<vmem_shared>> -> memref<128x128xf32, #tpu.memory_space<vmem_shared>>
      tpu.wait_dma2 semaphore(%run_scoped3A_52 : memref<!tpu.dma_semaphore, #tpu.memory_space<semaphore_mem>>) src(%arg7 : memref<128x128xf32, #tpu.memory_space<vmem>>) dst(%dma_wait3A_60 : memref<128x128xf32, #tpu.memory_space<vmem_shared>>)
      tpu.yield
    }) : () -> ()
    %mul3A_11 = arith.constant 632 : i32
    %mul3A_12 = arith.muli %arg1, %mul3A_11 : i32
    %add3A_13 = arith.constant 128 : i32
    %add3A_14 = arith.addi %mul3A_12, %add3A_13 : i32
    "tpu.region"() ({
      %run_scoped3A_52 = tpu.sem_alloc : memref<!tpu.dma_semaphore, #tpu.memory_space<semaphore_mem>>
      %dma_start3A_53 = arith.constant 0 : i32
      %dma_start3A_54 = tpu.memref_slice %arg13[%add3A_14, %dma_start3A_53] : memref<10112x128xf32, #tpu.memory_space<vmem_shared>> -> memref<128x128xf32, #tpu.memory_space<vmem_shared>>
      %dma_start3A_55 = arith.constant 0 : i32
      %dma_start3A_56 = tpu.memref_slice %arg13[%add3A_14, %dma_start3A_55] : memref<10112x128xf32, #tpu.memory_space<vmem_shared>> -> memref<128x128xf32, #tpu.memory_space<vmem_shared>>
      tpu.enqueue_dma source(%arg7 : memref<128x128xf32, #tpu.memory_space<vmem>>) target(%dma_start3A_56 : memref<128x128xf32, #tpu.memory_space<vmem_shared>>) target_semaphore(%run_scoped3A_52 : memref<!tpu.dma_semaphore, #tpu.memory_space<semaphore_mem>>)
      %dma_wait3A_57 = arith.constant 0 : i32
      %dma_wait3A_58 = tpu.memref_slice %arg13[%add3A_14, %dma_wait3A_57] : memref<10112x128xf32, #tpu.memory_space<vmem_shared>> -> memref<128x128xf32, #tpu.memory_space<vmem_shared>>
      %dma_wait3A_59 = arith.constant 0 : i32
      %dma_wait3A_60 = tpu.memref_slice %arg13[%add3A_14, %dma_wait3A_59] : memref<10112x128xf32, #tpu.memory_space<vmem_shared>> -> memref<128x128xf32, #tpu.memory_space<vmem_shared>>
      tpu.wait_dma2 semaphore(%run_scoped3A_52 : memref<!tpu.dma_semaphore, #tpu.memory_space<semaphore_mem>>) src(%arg7 : memref<128x128xf32, #tpu.memory_space<vmem>>) dst(%dma_wait3A_60 : memref<128x128xf32, #tpu.memory_space<vmem_shared>>)
      tpu.yield
    }) : () -> ()
    %mul3A_15 = arith.constant 632 : i32
    %mul3A_16 = arith.muli %arg1, %mul3A_15 : i32
    %add3A_17 = arith.constant 256 : i32
    %add3A_18 = arith.addi %mul3A_16, %add3A_17 : i32
    "tpu.region"() ({
      %run_scoped3A_52 = tpu.sem_alloc : memref<!tpu.dma_semaphore, #tpu.memory_space<semaphore_mem>>
      %dma_start3A_53 = arith.constant 0 : i32
      %dma_start3A_54 = tpu.memref_slice %arg13[%add3A_18, %dma_start3A_53] : memref<10112x128xf32, #tpu.memory_space<vmem_shared>> -> memref<128x128xf32, #tpu.memory_space<vmem_shared>>
      %dma_start3A_55 = arith.constant 0 : i32
      %dma_start3A_56 = tpu.memref_slice %arg13[%add3A_18, %dma_start3A_55] : memref<10112x128xf32, #tpu.memory_space<vmem_shared>> -> memref<128x128xf32, #tpu.memory_space<vmem_shared>>
      tpu.enqueue_dma source(%arg7 : memref<128x128xf32, #tpu.memory_space<vmem>>) target(%dma_start3A_56 : memref<128x128xf32, #tpu.memory_space<vmem_shared>>) target_semaphore(%run_scoped3A_52 : memref<!tpu.dma_semaphore, #tpu.memory_space<semaphore_mem>>)
      %dma_wait3A_57 = arith.constant 0 : i32
      %dma_wait3A_58 = tpu.memref_slice %arg13[%add3A_18, %dma_wait3A_57] : memref<10112x128xf32, #tpu.memory_space<vmem_shared>> -> memref<128x128xf32, #tpu.memory_space<vmem_shared>>
      %dma_wait3A_59 = arith.constant 0 : i32
      %dma_wait3A_60 = tpu.memref_slice %arg13[%add3A_18, %dma_wait3A_59] : memref<10112x128xf32, #tpu.memory_space<vmem_shared>> -> memref<128x128xf32, #tpu.memory_space<vmem_shared>>
      tpu.wait_dma2 semaphore(%run_scoped3A_52 : memref<!tpu.dma_semaphore, #tpu.memory_space<semaphore_mem>>) src(%arg7 : memref<128x128xf32, #tpu.memory_space<vmem>>) dst(%dma_wait3A_60 : memref<128x128xf32, #tpu.memory_space<vmem_shared>>)
      tpu.yield
    }) : () -> ()
    %mul3A_19 = arith.constant 632 : i32
    %mul3A_20 = arith.muli %arg1, %mul3A_19 : i32
    %add3A_21 = arith.constant 384 : i32
    %add3A_22 = arith.addi %mul3A_20, %add3A_21 : i32
    "tpu.region"() ({
      %run_scoped3A_52 = tpu.sem_alloc : memref<!tpu.dma_semaphore, #tpu.memory_space<semaphore_mem>>
      %dma_start3A_53 = arith.constant 0 : i32
      %dma_start3A_54 = tpu.memref_slice %arg13[%add3A_22, %dma_start3A_53] : memref<10112x128xf32, #tpu.memory_space<vmem_shared>> -> memref<128x128xf32, #tpu.memory_space<vmem_shared>>
      %dma_start3A_55 = arith.constant 0 : i32
      %dma_start3A_56 = tpu.memref_slice %arg13[%add3A_22, %dma_start3A_55] : memref<10112x128xf32, #tpu.memory_space<vmem_shared>> -> memref<128x128xf32, #tpu.memory_space<vmem_shared>>
      tpu.enqueue_dma source(%arg7 : memref<128x128xf32, #tpu.memory_space<vmem>>) target(%dma_start3A_56 : memref<128x128xf32, #tpu.memory_space<vmem_shared>>) target_semaphore(%run_scoped3A_52 : memref<!tpu.dma_semaphore, #tpu.memory_space<semaphore_mem>>)
      %dma_wait3A_57 = arith.constant 0 : i32
      %dma_wait3A_58 = tpu.memref_slice %arg13[%add3A_22, %dma_wait3A_57] : memref<10112x128xf32, #tpu.memory_space<vmem_shared>> -> memref<128x128xf32, #tpu.memory_space<vmem_shared>>
      %dma_wait3A_59 = arith.constant 0 : i32
      %dma_wait3A_60 = tpu.memref_slice %arg13[%add3A_22, %dma_wait3A_59] : memref<10112x128xf32, #tpu.memory_space<vmem_shared>> -> memref<128x128xf32, #tpu.memory_space<vmem_shared>>
      tpu.wait_dma2 semaphore(%run_scoped3A_52 : memref<!tpu.dma_semaphore, #tpu.memory_space<semaphore_mem>>) src(%arg7 : memref<128x128xf32, #tpu.memory_space<vmem>>) dst(%dma_wait3A_60 : memref<128x128xf32, #tpu.memory_space<vmem_shared>>)
      tpu.yield
    }) : () -> ()
    %mul3A_23 = arith.constant 632 : i32
    %mul3A_24 = arith.muli %arg1, %mul3A_23 : i32
    %add3A_25 = arith.constant 632 : i32
    %add3A_26 = arith.addi %mul3A_24, %add3A_25 : i32
    %sub3A = arith.constant 120 : i32
    %sub3A_27 = arith.subi %add3A_26, %sub3A : i32
    "tpu.region"() ({
      %run_scoped3A_52 = tpu.sem_alloc : memref<!tpu.dma_semaphore, #tpu.memory_space<semaphore_mem>>
      %dma_start3A_53 = arith.constant 0 : i32
      %dma_start3A_54 = arith.constant 0 : i32
      %dma_start3A_55 = tpu.memref_slice %arg7[%dma_start3A_53, %dma_start3A_54] : memref<128x128xf32, #tpu.memory_space<vmem>> -> memref<120x128xf32, #tpu.memory_space<vmem>>
      %dma_start3A_56 = arith.constant 0 : i32
      %dma_start3A_57 = tpu.memref_slice %arg13[%sub3A_27, %dma_start3A_56] : memref<10112x128xf32, #tpu.memory_space<vmem_shared>> -> memref<120x128xf32, #tpu.memory_space<vmem_shared>>
      %dma_start3A_58 = arith.constant 0 : i32
      %dma_start3A_59 = tpu.memref_slice %arg13[%sub3A_27, %dma_start3A_58] : memref<10112x128xf32, #tpu.memory_space<vmem_shared>> -> memref<120x128xf32, #tpu.memory_space<vmem_shared>>
      %dma_start3A_60 = arith.constant 0 : i32
      %dma_start3A_61 = arith.constant 0 : i32
      %dma_start3A_62 = tpu.memref_slice %arg7[%dma_start3A_60, %dma_start3A_61] : memref<128x128xf32, #tpu.memory_space<vmem>> -> memref<120x128xf32, #tpu.memory_space<vmem>>
      tpu.enqueue_dma source(%dma_start3A_62 : memref<120x128xf32, #tpu.memory_space<vmem>>) target(%dma_start3A_59 : memref<120x128xf32, #tpu.memory_space<vmem_shared>>) target_semaphore(%run_scoped3A_52 : memref<!tpu.dma_semaphore, #tpu.memory_space<semaphore_mem>>)
      %dma_wait3A_63 = arith.constant 0 : i32
      %dma_wait3A_64 = arith.constant 0 : i32
      %dma_wait3A_65 = tpu.memref_slice %arg7[%dma_wait3A_63, %dma_wait3A_64] : memref<128x128xf32, #tpu.memory_space<vmem>> -> memref<120x128xf32, #tpu.memory_space<vmem>>
      %dma_wait3A_66 = arith.constant 0 : i32
      %dma_wait3A_67 = tpu.memref_slice %arg13[%sub3A_27, %dma_wait3A_66] : memref<10112x128xf32, #tpu.memory_space<vmem_shared>> -> memref<120x128xf32, #tpu.memory_space<vmem_shared>>
      %dma_wait3A_68 = arith.constant 0 : i32
      %dma_wait3A_69 = tpu.memref_slice %arg13[%sub3A_27, %dma_wait3A_68] : memref<10112x128xf32, #tpu.memory_space<vmem_shared>> -> memref<120x128xf32, #tpu.memory_space<vmem_shared>>
      %dma_wait3A_70 = arith.constant 0 : i32
      %dma_wait3A_71 = arith.constant 0 : i32
      %dma_wait3A_72 = tpu.memref_slice %arg7[%dma_wait3A_70, %dma_wait3A_71] : memref<128x128xf32, #tpu.memory_space<vmem>> -> memref<120x128xf32, #tpu.memory_space<vmem>>
      tpu.wait_dma2 semaphore(%run_scoped3A_52 : memref<!tpu.dma_semaphore, #tpu.memory_space<semaphore_mem>>) src(%dma_wait3A_72 : memref<120x128xf32, #tpu.memory_space<vmem>>) dst(%dma_wait3A_69 : memref<120x128xf32, #tpu.memory_space<vmem_shared>>)
      tpu.yield
    }) : () -> ()
    %barrier3A = arith.constant 0 : index
    tpu.barrier barrier_id(%barrier3A)
    %run_scoped3A = arith.constant 0 : i32
    "tpu.region"() ({
      %run_scoped3A_52 = tpu.sem_alloc : memref<!tpu.dma_semaphore, #tpu.memory_space<semaphore_mem>>
      %dma_start3A_53 = arith.constant 0 : i32
      %dma_start3A_54 = arith.constant 0 : i32
      %dma_start3A_55 = tpu.memref_slice %arg3[%add3A, %run_scoped3A, %dma_start3A_53, %dma_start3A_54] : memref<32x80x2x128xi32, #tpu.memory_space<hbm>> -> memref<1x1x2x128xi32, #tpu.memory_space<hbm>>
      %dma_start3A_56 = tpu.memref_squeeze %dma_start3A_55 : memref<1x1x2x128xi32, #tpu.memory_space<hbm>> -> memref<2x128xi32, #tpu.memory_space<hbm>>
      %dma_start3A_57 = arith.constant 0 : i32
      %dma_start3A_58 = arith.constant 0 : i32
      %dma_start3A_59 = tpu.memref_slice %arg3[%add3A, %run_scoped3A, %dma_start3A_57, %dma_start3A_58] : memref<32x80x2x128xi32, #tpu.memory_space<hbm>> -> memref<1x1x2x128xi32, #tpu.memory_space<hbm>>
      %dma_start3A_60 = tpu.memref_squeeze %dma_start3A_59 : memref<1x1x2x128xi32, #tpu.memory_space<hbm>> -> memref<2x128xi32, #tpu.memory_space<hbm>>
      tpu.enqueue_dma source(%dma_start3A_60 : memref<2x128xi32, #tpu.memory_space<hbm>>) target(%arg5 : memref<2x128xi32, #tpu.memory_space<vmem>>) target_semaphore(%run_scoped3A_52 : memref<!tpu.dma_semaphore, #tpu.memory_space<semaphore_mem>>)
      %dma_wait3A_61 = arith.constant 0 : i32
      %dma_wait3A_62 = arith.constant 0 : i32
      %dma_wait3A_63 = tpu.memref_slice %arg3[%add3A, %run_scoped3A, %dma_wait3A_61, %dma_wait3A_62] : memref<32x80x2x128xi32, #tpu.memory_space<hbm>> -> memref<1x1x2x128xi32, #tpu.memory_space<hbm>>
      %dma_wait3A_64 = tpu.memref_squeeze %dma_wait3A_63 : memref<1x1x2x128xi32, #tpu.memory_space<hbm>> -> memref<2x128xi32, #tpu.memory_space<hbm>>
      %dma_wait3A_65 = arith.constant 0 : i32
      %dma_wait3A_66 = arith.constant 0 : i32
      %dma_wait3A_67 = tpu.memref_slice %arg3[%add3A, %run_scoped3A, %dma_wait3A_65, %dma_wait3A_66] : memref<32x80x2x128xi32, #tpu.memory_space<hbm>> -> memref<1x1x2x128xi32, #tpu.memory_space<hbm>>
      %dma_wait3A_68 = tpu.memref_squeeze %dma_wait3A_67 : memref<1x1x2x128xi32, #tpu.memory_space<hbm>> -> memref<2x128xi32, #tpu.memory_space<hbm>>
      tpu.wait_dma2 semaphore(%run_scoped3A_52 : memref<!tpu.dma_semaphore, #tpu.memory_space<semaphore_mem>>) src(%dma_wait3A_68 : memref<2x128xi32, #tpu.memory_space<hbm>>) dst(%arg5 : memref<2x128xi32, #tpu.memory_space<vmem>>)
      tpu.yield
    }) : () -> ()
    %dma_start3A = arith.constant 0 : i32
    %dma_start3A_28 = arith.constant 0 : i32
    %dma_start3A_29 = tpu.memref_slice %arg5[%dma_start3A, %dma_start3A_28] : memref<2x128xi32, #tpu.memory_space<vmem>> -> memref<1x128xi32, #tpu.memory_space<vmem>>
    %dma_start3A_30 = tpu.memref_squeeze %dma_start3A_29 : memref<1x128xi32, #tpu.memory_space<vmem>> -> memref<128xi32, #tpu.memory_space<vmem>>
    %dma_start3A_31 = arith.constant 0 : i32
    %dma_start3A_32 = arith.constant 0 : i32
    %dma_start3A_33 = tpu.memref_slice %arg2[%dma_start3A_31, %dma_start3A_32] : memref<10000x128xf32, #tpu.memory_space<hbm>> -> memref<10000x128xf32, #tpu.memory_space<hbm>>
    tpu.enqueue_indirect_dma source(%dma_start3A_33 : memref<10000x128xf32, #tpu.memory_space<hbm>>) target(%arg7 : memref<128x128xf32, #tpu.memory_space<vmem>>) offsets(%dma_start3A_30 : memref<128xi32, #tpu.memory_space<vmem>>) semaphore(%arg9 : memref<!tpu.dma_semaphore, #tpu.memory_space<semaphore_mem>>)
    %scan3A_34 = arith.constant 0 : i32
    %scan3A_35 = arith.constant 0 : i32
    %scan3A_36 = arith.constant 40 : i32
    %scan3A_37 = arith.addi %scan3A_35, %scan3A_36 : i32
    %scan3A_38 = arith.constant 1 : i32
    %scan3A_39 = scf.for %scan3A_52 = %scan3A_35 to %scan3A_37 step %scan3A_38 iter_args(%scan3A_53 = %scan3A_34) -> (i32)  : i32 {
      %mul3A_54 = arith.constant 2 : i32
      %mul3A_55 = arith.muli %mul3A_54, %scan3A_52 : i32
      %add3A_56 = arith.constant 1 : i32
      %add3A_57 = arith.addi %mul3A_55, %add3A_56 : i32
      %gt3A = arith.constant 0 : i32
      %gt3A_58 = arith.cmpi sgt, %scan3A_52, %gt3A : i32
      %convert_element_type3A = arith.extui %gt3A_58 : i1 to i32
      %cond3A = arith.constant 0 : i32
      %cond3A_59 = arith.cmpi ne, %convert_element_type3A, %cond3A : i32
      scf.if %cond3A_59 {
        %dma_wait3A_107 = arith.constant 1 : i32
        %dma_wait3A_108 = arith.constant 0 : i32
        %dma_wait3A_109 = tpu.memref_slice %arg6[%dma_wait3A_107, %dma_wait3A_108] : memref<2x128xi32, #tpu.memory_space<vmem>> -> memref<1x128xi32, #tpu.memory_space<vmem>>
        %dma_wait3A_110 = tpu.memref_squeeze %dma_wait3A_109 : memref<1x128xi32, #tpu.memory_space<vmem>> -> memref<128xi32, #tpu.memory_space<vmem>>
        %dma_wait3A_111 = arith.constant 0 : i32
        %dma_wait3A_112 = arith.constant 0 : i32
        %dma_wait3A_113 = tpu.memref_slice %arg13[%dma_wait3A_111, %dma_wait3A_112] : memref<10112x128xf32, #tpu.memory_space<vmem_shared>> -> memref<10112x128xf32, #tpu.memory_space<vmem_shared>>
        tpu.wait_indirect_dma semaphore(%arg12 : memref<!tpu.dma_semaphore, #tpu.memory_space<semaphore_mem>>) src(%arg8 : memref<128x128xf32, #tpu.memory_space<vmem>>) dst(%dma_wait3A_113 : memref<10112x128xf32, #tpu.memory_space<vmem_shared>>)
      } else {
      }
      "tpu.region"() ({
        %run_scoped3A_107 = tpu.sem_alloc : memref<!tpu.dma_semaphore, #tpu.memory_space<semaphore_mem>>
        %dma_start3A_108 = arith.constant 0 : i32
        %dma_start3A_109 = arith.constant 0 : i32
        %dma_start3A_110 = tpu.memref_slice %arg3[%add3A, %add3A_57, %dma_start3A_108, %dma_start3A_109] : memref<32x80x2x128xi32, #tpu.memory_space<hbm>> -> memref<1x1x2x128xi32, #tpu.memory_space<hbm>>
        %dma_start3A_111 = tpu.memref_squeeze %dma_start3A_110 : memref<1x1x2x128xi32, #tpu.memory_space<hbm>> -> memref<2x128xi32, #tpu.memory_space<hbm>>
        %dma_start3A_112 = arith.constant 0 : i32
        %dma_start3A_113 = arith.constant 0 : i32
        %dma_start3A_114 = tpu.memref_slice %arg3[%add3A, %add3A_57, %dma_start3A_112, %dma_start3A_113] : memref<32x80x2x128xi32, #tpu.memory_space<hbm>> -> memref<1x1x2x128xi32, #tpu.memory_space<hbm>>
        %dma_start3A_115 = tpu.memref_squeeze %dma_start3A_114 : memref<1x1x2x128xi32, #tpu.memory_space<hbm>> -> memref<2x128xi32, #tpu.memory_space<hbm>>
        tpu.enqueue_dma source(%dma_start3A_115 : memref<2x128xi32, #tpu.memory_space<hbm>>) target(%arg6 : memref<2x128xi32, #tpu.memory_space<vmem>>) target_semaphore(%run_scoped3A_107 : memref<!tpu.dma_semaphore, #tpu.memory_space<semaphore_mem>>)
        %dma_wait3A_116 = arith.constant 0 : i32
        %dma_wait3A_117 = arith.constant 0 : i32
        %dma_wait3A_118 = tpu.memref_slice %arg3[%add3A, %add3A_57, %dma_wait3A_116, %dma_wait3A_117] : memref<32x80x2x128xi32, #tpu.memory_space<hbm>> -> memref<1x1x2x128xi32, #tpu.memory_space<hbm>>
        %dma_wait3A_119 = tpu.memref_squeeze %dma_wait3A_118 : memref<1x1x2x128xi32, #tpu.memory_space<hbm>> -> memref<2x128xi32, #tpu.memory_space<hbm>>
        %dma_wait3A_120 = arith.constant 0 : i32
        %dma_wait3A_121 = arith.constant 0 : i32
        %dma_wait3A_122 = tpu.memref_slice %arg3[%add3A, %add3A_57, %dma_wait3A_120, %dma_wait3A_121] : memref<32x80x2x128xi32, #tpu.memory_space<hbm>> -> memref<1x1x2x128xi32, #tpu.memory_space<hbm>>
        %dma_wait3A_123 = tpu.memref_squeeze %dma_wait3A_122 : memref<1x1x2x128xi32, #tpu.memory_space<hbm>> -> memref<2x128xi32, #tpu.memory_space<hbm>>
        tpu.wait_dma2 semaphore(%run_scoped3A_107 : memref<!tpu.dma_semaphore, #tpu.memory_space<semaphore_mem>>) src(%dma_wait3A_123 : memref<2x128xi32, #tpu.memory_space<hbm>>) dst(%arg6 : memref<2x128xi32, #tpu.memory_space<vmem>>)
        tpu.yield
      }) : () -> ()
      %dma_start3A_60 = arith.constant 0 : i32
      %dma_start3A_61 = arith.constant 0 : i32
      %dma_start3A_62 = tpu.memref_slice %arg6[%dma_start3A_60, %dma_start3A_61] : memref<2x128xi32, #tpu.memory_space<vmem>> -> memref<1x128xi32, #tpu.memory_space<vmem>>
      %dma_start3A_63 = tpu.memref_squeeze %dma_start3A_62 : memref<1x128xi32, #tpu.memory_space<vmem>> -> memref<128xi32, #tpu.memory_space<vmem>>
      %dma_start3A_64 = arith.constant 0 : i32
      %dma_start3A_65 = arith.constant 0 : i32
      %dma_start3A_66 = tpu.memref_slice %arg2[%dma_start3A_64, %dma_start3A_65] : memref<10000x128xf32, #tpu.memory_space<hbm>> -> memref<10000x128xf32, #tpu.memory_space<hbm>>
      tpu.enqueue_indirect_dma source(%dma_start3A_66 : memref<10000x128xf32, #tpu.memory_space<hbm>>) target(%arg8 : memref<128x128xf32, #tpu.memory_space<vmem>>) offsets(%dma_start3A_63 : memref<128xi32, #tpu.memory_space<vmem>>) semaphore(%arg10 : memref<!tpu.dma_semaphore, #tpu.memory_space<semaphore_mem>>)
      %dma_wait3A_67 = arith.constant 0 : i32
      %dma_wait3A_68 = arith.constant 0 : i32
      %dma_wait3A_69 = tpu.memref_slice %arg5[%dma_wait3A_67, %dma_wait3A_68] : memref<2x128xi32, #tpu.memory_space<vmem>> -> memref<1x128xi32, #tpu.memory_space<vmem>>
      %dma_wait3A_70 = tpu.memref_squeeze %dma_wait3A_69 : memref<1x128xi32, #tpu.memory_space<vmem>> -> memref<128xi32, #tpu.memory_space<vmem>>
      %dma_wait3A_71 = arith.constant 0 : i32
      %dma_wait3A_72 = arith.constant 0 : i32
      %dma_wait3A_73 = tpu.memref_slice %arg2[%dma_wait3A_71, %dma_wait3A_72] : memref<10000x128xf32, #tpu.memory_space<hbm>> -> memref<10000x128xf32, #tpu.memory_space<hbm>>
      tpu.wait_indirect_dma semaphore(%arg9 : memref<!tpu.dma_semaphore, #tpu.memory_space<semaphore_mem>>) src(%dma_wait3A_73 : memref<10000x128xf32, #tpu.memory_space<hbm>>) dst(%arg7 : memref<128x128xf32, #tpu.memory_space<vmem>>)
      %dma_start3A_74 = arith.constant 1 : i32
      %dma_start3A_75 = arith.constant 0 : i32
      %dma_start3A_76 = tpu.memref_slice %arg5[%dma_start3A_74, %dma_start3A_75] : memref<2x128xi32, #tpu.memory_space<vmem>> -> memref<1x128xi32, #tpu.memory_space<vmem>>
      %dma_start3A_77 = tpu.memref_squeeze %dma_start3A_76 : memref<1x128xi32, #tpu.memory_space<vmem>> -> memref<128xi32, #tpu.memory_space<vmem>>
      %dma_start3A_78 = arith.constant 0 : i32
      %dma_start3A_79 = arith.constant 0 : i32
      %dma_start3A_80 = tpu.memref_slice %arg13[%dma_start3A_78, %dma_start3A_79] : memref<10112x128xf32, #tpu.memory_space<vmem_shared>> -> memref<10112x128xf32, #tpu.memory_space<vmem_shared>>
      tpu.enqueue_indirect_dma source(%arg7 : memref<128x128xf32, #tpu.memory_space<vmem>>) target(%dma_start3A_80 : memref<10112x128xf32, #tpu.memory_space<vmem_shared>>) offsets(%dma_start3A_77 : memref<128xi32, #tpu.memory_space<vmem>>) semaphore(%arg11 : memref<!tpu.dma_semaphore, #tpu.memory_space<semaphore_mem>>) {add = true}
      %dma_wait3A_81 = arith.constant 1 : i32
      %dma_wait3A_82 = arith.constant 0 : i32
      %dma_wait3A_83 = tpu.memref_slice %arg5[%dma_wait3A_81, %dma_wait3A_82] : memref<2x128xi32, #tpu.memory_space<vmem>> -> memref<1x128xi32, #tpu.memory_space<vmem>>
      %dma_wait3A_84 = tpu.memref_squeeze %dma_wait3A_83 : memref<1x128xi32, #tpu.memory_space<vmem>> -> memref<128xi32, #tpu.memory_space<vmem>>
      %dma_wait3A_85 = arith.constant 0 : i32
      %dma_wait3A_86 = arith.constant 0 : i32
      %dma_wait3A_87 = tpu.memref_slice %arg13[%dma_wait3A_85, %dma_wait3A_86] : memref<10112x128xf32, #tpu.memory_space<vmem_shared>> -> memref<10112x128xf32, #tpu.memory_space<vmem_shared>>
      tpu.wait_indirect_dma semaphore(%arg11 : memref<!tpu.dma_semaphore, #tpu.memory_space<semaphore_mem>>) src(%arg7 : memref<128x128xf32, #tpu.memory_space<vmem>>) dst(%dma_wait3A_87 : memref<10112x128xf32, #tpu.memory_space<vmem_shared>>)
      %lt3A = arith.constant 39 : i32
      %lt3A_88 = arith.cmpi slt, %scan3A_52, %lt3A : i32
      %convert_element_type3A_89 = arith.extui %lt3A_88 : i1 to i32
      %cond3A_90 = arith.constant 0 : i32
      %cond3A_91 = arith.cmpi ne, %convert_element_type3A_89, %cond3A_90 : i32
      scf.if %cond3A_91 {
        %mul3A_107 = arith.constant 2 : i32
        %mul3A_108 = arith.muli %mul3A_107, %scan3A_52 : i32
        %add3A_109 = arith.constant 2 : i32
        %add3A_110 = arith.addi %mul3A_108, %add3A_109 : i32
        "tpu.region"() ({
          %run_scoped3A_118 = tpu.sem_alloc : memref<!tpu.dma_semaphore, #tpu.memory_space<semaphore_mem>>
          %dma_start3A_119 = arith.constant 0 : i32
          %dma_start3A_120 = arith.constant 0 : i32
          %dma_start3A_121 = tpu.memref_slice %arg3[%add3A, %add3A_110, %dma_start3A_119, %dma_start3A_120] : memref<32x80x2x128xi32, #tpu.memory_space<hbm>> -> memref<1x1x2x128xi32, #tpu.memory_space<hbm>>
          %dma_start3A_122 = tpu.memref_squeeze %dma_start3A_121 : memref<1x1x2x128xi32, #tpu.memory_space<hbm>> -> memref<2x128xi32, #tpu.memory_space<hbm>>
          %dma_start3A_123 = arith.constant 0 : i32
          %dma_start3A_124 = arith.constant 0 : i32
          %dma_start3A_125 = tpu.memref_slice %arg3[%add3A, %add3A_110, %dma_start3A_123, %dma_start3A_124] : memref<32x80x2x128xi32, #tpu.memory_space<hbm>> -> memref<1x1x2x128xi32, #tpu.memory_space<hbm>>
          %dma_start3A_126 = tpu.memref_squeeze %dma_start3A_125 : memref<1x1x2x128xi32, #tpu.memory_space<hbm>> -> memref<2x128xi32, #tpu.memory_space<hbm>>
          tpu.enqueue_dma source(%dma_start3A_126 : memref<2x128xi32, #tpu.memory_space<hbm>>) target(%arg5 : memref<2x128xi32, #tpu.memory_space<vmem>>) target_semaphore(%run_scoped3A_118 : memref<!tpu.dma_semaphore, #tpu.memory_space<semaphore_mem>>)
          %dma_wait3A_127 = arith.constant 0 : i32
          %dma_wait3A_128 = arith.constant 0 : i32
          %dma_wait3A_129 = tpu.memref_slice %arg3[%add3A, %add3A_110, %dma_wait3A_127, %dma_wait3A_128] : memref<32x80x2x128xi32, #tpu.memory_space<hbm>> -> memref<1x1x2x128xi32, #tpu.memory_space<hbm>>
          %dma_wait3A_130 = tpu.memref_squeeze %dma_wait3A_129 : memref<1x1x2x128xi32, #tpu.memory_space<hbm>> -> memref<2x128xi32, #tpu.memory_space<hbm>>
          %dma_wait3A_131 = arith.constant 0 : i32
          %dma_wait3A_132 = arith.constant 0 : i32
          %dma_wait3A_133 = tpu.memref_slice %arg3[%add3A, %add3A_110, %dma_wait3A_131, %dma_wait3A_132] : memref<32x80x2x128xi32, #tpu.memory_space<hbm>> -> memref<1x1x2x128xi32, #tpu.memory_space<hbm>>
          %dma_wait3A_134 = tpu.memref_squeeze %dma_wait3A_133 : memref<1x1x2x128xi32, #tpu.memory_space<hbm>> -> memref<2x128xi32, #tpu.memory_space<hbm>>
          tpu.wait_dma2 semaphore(%run_scoped3A_118 : memref<!tpu.dma_semaphore, #tpu.memory_space<semaphore_mem>>) src(%dma_wait3A_134 : memref<2x128xi32, #tpu.memory_space<hbm>>) dst(%arg5 : memref<2x128xi32, #tpu.memory_space<vmem>>)
          tpu.yield
        }) : () -> ()
        %dma_start3A_111 = arith.constant 0 : i32
        %dma_start3A_112 = arith.constant 0 : i32
        %dma_start3A_113 = tpu.memref_slice %arg5[%dma_start3A_111, %dma_start3A_112] : memref<2x128xi32, #tpu.memory_space<vmem>> -> memref<1x128xi32, #tpu.memory_space<vmem>>
        %dma_start3A_114 = tpu.memref_squeeze %dma_start3A_113 : memref<1x128xi32, #tpu.memory_space<vmem>> -> memref<128xi32, #tpu.memory_space<vmem>>
        %dma_start3A_115 = arith.constant 0 : i32
        %dma_start3A_116 = arith.constant 0 : i32
        %dma_start3A_117 = tpu.memref_slice %arg2[%dma_start3A_115, %dma_start3A_116] : memref<10000x128xf32, #tpu.memory_space<hbm>> -> memref<10000x128xf32, #tpu.memory_space<hbm>>
        tpu.enqueue_indirect_dma source(%dma_start3A_117 : memref<10000x128xf32, #tpu.memory_space<hbm>>) target(%arg7 : memref<128x128xf32, #tpu.memory_space<vmem>>) offsets(%dma_start3A_114 : memref<128xi32, #tpu.memory_space<vmem>>) semaphore(%arg9 : memref<!tpu.dma_semaphore, #tpu.memory_space<semaphore_mem>>)
      } else {
      }
      %dma_wait3A_92 = arith.constant 0 : i32
      %dma_wait3A_93 = arith.constant 0 : i32
      %dma_wait3A_94 = tpu.memref_slice %arg6[%dma_wait3A_92, %dma_wait3A_93] : memref<2x128xi32, #tpu.memory_space<vmem>> -> memref<1x128xi32, #tpu.memory_space<vmem>>
      %dma_wait3A_95 = tpu.memref_squeeze %dma_wait3A_94 : memref<1x128xi32, #tpu.memory_space<vmem>> -> memref<128xi32, #tpu.memory_space<vmem>>
      %dma_wait3A_96 = arith.constant 0 : i32
      %dma_wait3A_97 = arith.constant 0 : i32
      %dma_wait3A_98 = tpu.memref_slice %arg2[%dma_wait3A_96, %dma_wait3A_97] : memref<10000x128xf32, #tpu.memory_space<hbm>> -> memref<10000x128xf32, #tpu.memory_space<hbm>>
      tpu.wait_indirect_dma semaphore(%arg10 : memref<!tpu.dma_semaphore, #tpu.memory_space<semaphore_mem>>) src(%dma_wait3A_98 : memref<10000x128xf32, #tpu.memory_space<hbm>>) dst(%arg8 : memref<128x128xf32, #tpu.memory_space<vmem>>)
      %dma_start3A_99 = arith.constant 1 : i32
      %dma_start3A_100 = arith.constant 0 : i32
      %dma_start3A_101 = tpu.memref_slice %arg6[%dma_start3A_99, %dma_start3A_100] : memref<2x128xi32, #tpu.memory_space<vmem>> -> memref<1x128xi32, #tpu.memory_space<vmem>>
      %dma_start3A_102 = tpu.memref_squeeze %dma_start3A_101 : memref<1x128xi32, #tpu.memory_space<vmem>> -> memref<128xi32, #tpu.memory_space<vmem>>
      %dma_start3A_103 = arith.constant 0 : i32
      %dma_start3A_104 = arith.constant 0 : i32
      %dma_start3A_105 = tpu.memref_slice %arg13[%dma_start3A_103, %dma_start3A_104] : memref<10112x128xf32, #tpu.memory_space<vmem_shared>> -> memref<10112x128xf32, #tpu.memory_space<vmem_shared>>
      tpu.enqueue_indirect_dma source(%arg8 : memref<128x128xf32, #tpu.memory_space<vmem>>) target(%dma_start3A_105 : memref<10112x128xf32, #tpu.memory_space<vmem_shared>>) offsets(%dma_start3A_102 : memref<128xi32, #tpu.memory_space<vmem>>) semaphore(%arg12 : memref<!tpu.dma_semaphore, #tpu.memory_space<semaphore_mem>>) {add = true}
      %scan3A_106 = arith.constant 0 : i32
      scf.yield %scan3A_106 : i32
    }
    %scan3A_40 = arith.constant 40 : i32
    %dma_wait3A = arith.constant 1 : i32
    %dma_wait3A_41 = arith.constant 0 : i32
    %dma_wait3A_42 = tpu.memref_slice %arg6[%dma_wait3A, %dma_wait3A_41] : memref<2x128xi32, #tpu.memory_space<vmem>> -> memref<1x128xi32, #tpu.memory_space<vmem>>
    %dma_wait3A_43 = tpu.memref_squeeze %dma_wait3A_42 : memref<1x128xi32, #tpu.memory_space<vmem>> -> memref<128xi32, #tpu.memory_space<vmem>>
    %dma_wait3A_44 = arith.constant 0 : i32
    %dma_wait3A_45 = arith.constant 0 : i32
    %dma_wait3A_46 = tpu.memref_slice %arg13[%dma_wait3A_44, %dma_wait3A_45] : memref<10112x128xf32, #tpu.memory_space<vmem_shared>> -> memref<10112x128xf32, #tpu.memory_space<vmem_shared>>
    tpu.wait_indirect_dma semaphore(%arg12 : memref<!tpu.dma_semaphore, #tpu.memory_space<semaphore_mem>>) src(%arg8 : memref<128x128xf32, #tpu.memory_space<vmem>>) dst(%dma_wait3A_46 : memref<10112x128xf32, #tpu.memory_space<vmem_shared>>)
    %barrier3A_47 = arith.constant 0 : index
    tpu.barrier barrier_id(%barrier3A_47)
    %mul3A_48 = arith.constant 632 : i32
    %mul3A_49 = arith.muli %arg1, %mul3A_48 : i32
    %mul3A_50 = arith.constant 632 : i32
    %mul3A_51 = arith.muli %arg1, %mul3A_50 : i32
    "tpu.region"() ({
      %run_scoped3A_52 = tpu.sem_alloc : memref<!tpu.dma_semaphore, #tpu.memory_space<semaphore_mem>>
      %dma_start3A_53 = arith.constant 0 : i32
      %dma_start3A_54 = tpu.memref_slice %arg4[%arg0, %mul3A_51, %dma_start3A_53] : memref<2x10112x128xf32, #tpu.memory_space<hbm>> -> memref<1x632x128xf32, #tpu.memory_space<hbm>>
      %dma_start3A_55 = tpu.memref_squeeze %dma_start3A_54 : memref<1x632x128xf32, #tpu.memory_space<hbm>> -> memref<632x128xf32, #tpu.memory_space<hbm>>
      %dma_start3A_56 = arith.constant 0 : i32
      %dma_start3A_57 = tpu.memref_slice %arg13[%mul3A_49, %dma_start3A_56] : memref<10112x128xf32, #tpu.memory_space<vmem_shared>> -> memref<632x128xf32, #tpu.memory_space<vmem_shared>>
      tpu.enqueue_dma source(%dma_start3A_57 : memref<632x128xf32, #tpu.memory_space<vmem_shared>>) target(%dma_start3A_55 : memref<632x128xf32, #tpu.memory_space<hbm>>) target_semaphore(%run_scoped3A_52 : memref<!tpu.dma_semaphore, #tpu.memory_space<semaphore_mem>>)
      %dma_wait3A_58 = arith.constant 0 : i32
      %dma_wait3A_59 = tpu.memref_slice %arg4[%arg0, %mul3A_51, %dma_wait3A_58] : memref<2x10112x128xf32, #tpu.memory_space<hbm>> -> memref<1x632x128xf32, #tpu.memory_space<hbm>>
      %dma_wait3A_60 = tpu.memref_squeeze %dma_wait3A_59 : memref<1x632x128xf32, #tpu.memory_space<hbm>> -> memref<632x128xf32, #tpu.memory_space<hbm>>
      %dma_wait3A_61 = arith.constant 0 : i32
      %dma_wait3A_62 = tpu.memref_slice %arg13[%mul3A_49, %dma_wait3A_61] : memref<10112x128xf32, #tpu.memory_space<vmem_shared>> -> memref<632x128xf32, #tpu.memory_space<vmem_shared>>
      tpu.wait_dma2 semaphore(%run_scoped3A_52 : memref<!tpu.dma_semaphore, #tpu.memory_space<semaphore_mem>>) src(%dma_wait3A_62 : memref<632x128xf32, #tpu.memory_space<vmem_shared>>) dst(%dma_wait3A_60 : memref<632x128xf32, #tpu.memory_space<hbm>>)
      tpu.yield
    }) : () -> ()
    return
  }
}

#map = affine_map<(d0, d1) -> (0, 0)>
#map1 = affine_map<(d0, d1) -> (0, 0, 0, 0)>
#map2 = affine_map<(d0, d1) -> (0, 0, 0)>
module attributes {stable_mosaic.version = 14 : i64} {
  func.func @_sc_gat(%arg0: i32, %arg1: i32, %arg2: memref<10000x128xf32, #tpu.memory_space<hbm>>, %arg3: memref<32x80x3x128xi32, #tpu.memory_space<hbm>>, %arg4: memref<2x10112x128xf32, #tpu.memory_space<hbm>>, %arg5: memref<3x128xi32, #tpu.memory_space<vmem>>, %arg6: memref<3x128xi32, #tpu.memory_space<vmem>>, %arg7: memref<128x128xf32, #tpu.memory_space<vmem>>, %arg8: memref<128x128xf32, #tpu.memory_space<vmem>>, %arg9: memref<!tpu.dma_semaphore, #tpu.memory_space<semaphore_mem>>, %arg10: memref<!tpu.dma_semaphore, #tpu.memory_space<semaphore_mem>>, %arg11: memref<!tpu.dma_semaphore, #tpu.memory_space<semaphore_mem>>, %arg12: memref<!tpu.dma_semaphore, #tpu.memory_space<semaphore_mem>>, %arg13: memref<10112x128xf32, #tpu.memory_space<vmem_shared>>) attributes {dimension_semantics = [#tpu.dimension_semantics<core_parallel>, #tpu.dimension_semantics<subcore_parallel>], iteration_bounds = array<i64: 2, 16>, scalar_prefetch = 0 : i64, scratch_operands = 9 : i64, tpu.core_type = #tpu.core_type<sc_vector_subcore>, window_params = [{transform_indices = #map}, {transform_indices = #map1}, {transform_indices = #map2}]} {
    %mul3A = arith.constant 16 : i32
    %mul3A_0 = arith.muli %arg0, %mul3A : i32
    %add3A = arith.addi %mul3A_0, %arg1 : i32
    %scan3A = arith.constant 0 : i32
    %scan3A_1 = arith.constant 0 : i32
    %scan3A_2 = arith.constant 128 : i32
    %scan3A_3 = arith.addi %scan3A_1, %scan3A_2 : i32
    %scan3A_4 = arith.constant 1 : i32
    %scan3A_5 = scf.for %scan3A_52 = %scan3A_1 to %scan3A_3 step %scan3A_4 iter_args(%scan3A_53 = %scan3A) -> (i32)  : i32 {
      %broadcast_in_dim3A = arith.constant 0.000000e+00 : f32
      %broadcast_in_dim3A_54 = vector.broadcast %broadcast_in_dim3A : f32 to vector<16xf32>
      %swap3A = arith.index_cast %scan3A_52 : i32 to index
      %swap3A_55 = arith.constant 0 : index
      %swap3A_56 = tpu.vector_load %arg7[%swap3A, %swap3A_55] {strides = array<i32>} : memref<128x128xf32, #tpu.memory_space<vmem>>, vector<16xf32>,
      tpu.vector_store %arg7[%swap3A, %swap3A_55], %broadcast_in_dim3A_54 {strides = array<i32>} : memref<128x128xf32, #tpu.memory_space<vmem>>, vector<16xf32>,
      %broadcast_in_dim3A_57 = arith.constant 0.000000e+00 : f32
      %broadcast_in_dim3A_58 = vector.broadcast %broadcast_in_dim3A_57 : f32 to vector<16xf32>
      %swap3A_59 = arith.index_cast %scan3A_52 : i32 to index
      %swap3A_60 = arith.constant 16 : index
      %swap3A_61 = tpu.vector_load %arg7[%swap3A_59, %swap3A_60] {strides = array<i32>} : memref<128x128xf32, #tpu.memory_space<vmem>>, vector<16xf32>,
      tpu.vector_store %arg7[%swap3A_59, %swap3A_60], %broadcast_in_dim3A_58 {strides = array<i32>} : memref<128x128xf32, #tpu.memory_space<vmem>>, vector<16xf32>,
      %broadcast_in_dim3A_62 = arith.constant 0.000000e+00 : f32
      %broadcast_in_dim3A_63 = vector.broadcast %broadcast_in_dim3A_62 : f32 to vector<16xf32>
      %swap3A_64 = arith.index_cast %scan3A_52 : i32 to index
      %swap3A_65 = arith.constant 32 : index
      %swap3A_66 = tpu.vector_load %arg7[%swap3A_64, %swap3A_65] {strides = array<i32>} : memref<128x128xf32, #tpu.memory_space<vmem>>, vector<16xf32>,
      tpu.vector_store %arg7[%swap3A_64, %swap3A_65], %broadcast_in_dim3A_63 {strides = array<i32>} : memref<128x128xf32, #tpu.memory_space<vmem>>, vector<16xf32>,
      %broadcast_in_dim3A_67 = arith.constant 0.000000e+00 : f32
      %broadcast_in_dim3A_68 = vector.broadcast %broadcast_in_dim3A_67 : f32 to vector<16xf32>
      %swap3A_69 = arith.index_cast %scan3A_52 : i32 to index
      %swap3A_70 = arith.constant 48 : index
      %swap3A_71 = tpu.vector_load %arg7[%swap3A_69, %swap3A_70] {strides = array<i32>} : memref<128x128xf32, #tpu.memory_space<vmem>>, vector<16xf32>,
      tpu.vector_store %arg7[%swap3A_69, %swap3A_70], %broadcast_in_dim3A_68 {strides = array<i32>} : memref<128x128xf32, #tpu.memory_space<vmem>>, vector<16xf32>,
      %broadcast_in_dim3A_72 = arith.constant 0.000000e+00 : f32
      %broadcast_in_dim3A_73 = vector.broadcast %broadcast_in_dim3A_72 : f32 to vector<16xf32>
      %swap3A_74 = arith.index_cast %scan3A_52 : i32 to index
      %swap3A_75 = arith.constant 64 : index
      %swap3A_76 = tpu.vector_load %arg7[%swap3A_74, %swap3A_75] {strides = array<i32>} : memref<128x128xf32, #tpu.memory_space<vmem>>, vector<16xf32>,
      tpu.vector_store %arg7[%swap3A_74, %swap3A_75], %broadcast_in_dim3A_73 {strides = array<i32>} : memref<128x128xf32, #tpu.memory_space<vmem>>, vector<16xf32>,
      %broadcast_in_dim3A_77 = arith.constant 0.000000e+00 : f32
      %broadcast_in_dim3A_78 = vector.broadcast %broadcast_in_dim3A_77 : f32 to vector<16xf32>
      %swap3A_79 = arith.index_cast %scan3A_52 : i32 to index
      %swap3A_80 = arith.constant 80 : index
      %swap3A_81 = tpu.vector_load %arg7[%swap3A_79, %swap3A_80] {strides = array<i32>} : memref<128x128xf32, #tpu.memory_space<vmem>>, vector<16xf32>,
      tpu.vector_store %arg7[%swap3A_79, %swap3A_80], %broadcast_in_dim3A_78 {strides = array<i32>} : memref<128x128xf32, #tpu.memory_space<vmem>>, vector<16xf32>,
      %broadcast_in_dim3A_82 = arith.constant 0.000000e+00 : f32
      %broadcast_in_dim3A_83 = vector.broadcast %broadcast_in_dim3A_82 : f32 to vector<16xf32>
      %swap3A_84 = arith.index_cast %scan3A_52 : i32 to index
      %swap3A_85 = arith.constant 96 : index
      %swap3A_86 = tpu.vector_load %arg7[%swap3A_84, %swap3A_85] {strides = array<i32>} : memref<128x128xf32, #tpu.memory_space<vmem>>, vector<16xf32>,
      tpu.vector_store %arg7[%swap3A_84, %swap3A_85], %broadcast_in_dim3A_83 {strides = array<i32>} : memref<128x128xf32, #tpu.memory_space<vmem>>, vector<16xf32>,
      %broadcast_in_dim3A_87 = arith.constant 0.000000e+00 : f32
      %broadcast_in_dim3A_88 = vector.broadcast %broadcast_in_dim3A_87 : f32 to vector<16xf32>
      %swap3A_89 = arith.index_cast %scan3A_52 : i32 to index
      %swap3A_90 = arith.constant 112 : index
      %swap3A_91 = tpu.vector_load %arg7[%swap3A_89, %swap3A_90] {strides = array<i32>} : memref<128x128xf32, #tpu.memory_space<vmem>>, vector<16xf32>,
      tpu.vector_store %arg7[%swap3A_89, %swap3A_90], %broadcast_in_dim3A_88 {strides = array<i32>} : memref<128x128xf32, #tpu.memory_space<vmem>>, vector<16xf32>,
      %scan3A_92 = arith.constant 0 : i32
      scf.yield %scan3A_92 : i32
    }
    %scan3A_6 = arith.constant 128 : i32
    %mul3A_7 = arith.constant 632 : i32
    %mul3A_8 = arith.muli %arg1, %mul3A_7 : i32
    %add3A_9 = arith.constant 0 : i32
    %add3A_10 = arith.addi %mul3A_8, %add3A_9 : i32
    "tpu.region"() ({
      %run_scoped3A_52 = tpu.sem_alloc : memref<!tpu.dma_semaphore, #tpu.memory_space<semaphore_mem>>
      %dma_start3A_53 = arith.constant 0 : i32
      %dma_start3A_54 = tpu.memref_slice %arg13[%add3A_10, %dma_start3A_53] : memref<10112x128xf32, #tpu.memory_space<vmem_shared>> -> memref<128x128xf32, #tpu.memory_space<vmem_shared>>
      %dma_start3A_55 = arith.constant 0 : i32
      %dma_start3A_56 = tpu.memref_slice %arg13[%add3A_10, %dma_start3A_55] : memref<10112x128xf32, #tpu.memory_space<vmem_shared>> -> memref<128x128xf32, #tpu.memory_space<vmem_shared>>
      tpu.enqueue_dma source(%arg7 : memref<128x128xf32, #tpu.memory_space<vmem>>) target(%dma_start3A_56 : memref<128x128xf32, #tpu.memory_space<vmem_shared>>) target_semaphore(%run_scoped3A_52 : memref<!tpu.dma_semaphore, #tpu.memory_space<semaphore_mem>>)
      %dma_wait3A_57 = arith.constant 0 : i32
      %dma_wait3A_58 = tpu.memref_slice %arg13[%add3A_10, %dma_wait3A_57] : memref<10112x128xf32, #tpu.memory_space<vmem_shared>> -> memref<128x128xf32, #tpu.memory_space<vmem_shared>>
      %dma_wait3A_59 = arith.constant 0 : i32
      %dma_wait3A_60 = tpu.memref_slice %arg13[%add3A_10, %dma_wait3A_59] : memref<10112x128xf32, #tpu.memory_space<vmem_shared>> -> memref<128x128xf32, #tpu.memory_space<vmem_shared>>
      tpu.wait_dma2 semaphore(%run_scoped3A_52 : memref<!tpu.dma_semaphore, #tpu.memory_space<semaphore_mem>>) src(%arg7 : memref<128x128xf32, #tpu.memory_space<vmem>>) dst(%dma_wait3A_60 : memref<128x128xf32, #tpu.memory_space<vmem_shared>>)
      tpu.yield
    }) : () -> ()
    %mul3A_11 = arith.constant 632 : i32
    %mul3A_12 = arith.muli %arg1, %mul3A_11 : i32
    %add3A_13 = arith.constant 128 : i32
    %add3A_14 = arith.addi %mul3A_12, %add3A_13 : i32
    "tpu.region"() ({
      %run_scoped3A_52 = tpu.sem_alloc : memref<!tpu.dma_semaphore, #tpu.memory_space<semaphore_mem>>
      %dma_start3A_53 = arith.constant 0 : i32
      %dma_start3A_54 = tpu.memref_slice %arg13[%add3A_14, %dma_start3A_53] : memref<10112x128xf32, #tpu.memory_space<vmem_shared>> -> memref<128x128xf32, #tpu.memory_space<vmem_shared>>
      %dma_start3A_55 = arith.constant 0 : i32
      %dma_start3A_56 = tpu.memref_slice %arg13[%add3A_14, %dma_start3A_55] : memref<10112x128xf32, #tpu.memory_space<vmem_shared>> -> memref<128x128xf32, #tpu.memory_space<vmem_shared>>
      tpu.enqueue_dma source(%arg7 : memref<128x128xf32, #tpu.memory_space<vmem>>) target(%dma_start3A_56 : memref<128x128xf32, #tpu.memory_space<vmem_shared>>) target_semaphore(%run_scoped3A_52 : memref<!tpu.dma_semaphore, #tpu.memory_space<semaphore_mem>>)
      %dma_wait3A_57 = arith.constant 0 : i32
      %dma_wait3A_58 = tpu.memref_slice %arg13[%add3A_14, %dma_wait3A_57] : memref<10112x128xf32, #tpu.memory_space<vmem_shared>> -> memref<128x128xf32, #tpu.memory_space<vmem_shared>>
      %dma_wait3A_59 = arith.constant 0 : i32
      %dma_wait3A_60 = tpu.memref_slice %arg13[%add3A_14, %dma_wait3A_59] : memref<10112x128xf32, #tpu.memory_space<vmem_shared>> -> memref<128x128xf32, #tpu.memory_space<vmem_shared>>
      tpu.wait_dma2 semaphore(%run_scoped3A_52 : memref<!tpu.dma_semaphore, #tpu.memory_space<semaphore_mem>>) src(%arg7 : memref<128x128xf32, #tpu.memory_space<vmem>>) dst(%dma_wait3A_60 : memref<128x128xf32, #tpu.memory_space<vmem_shared>>)
      tpu.yield
    }) : () -> ()
    %mul3A_15 = arith.constant 632 : i32
    %mul3A_16 = arith.muli %arg1, %mul3A_15 : i32
    %add3A_17 = arith.constant 256 : i32
    %add3A_18 = arith.addi %mul3A_16, %add3A_17 : i32
    "tpu.region"() ({
      %run_scoped3A_52 = tpu.sem_alloc : memref<!tpu.dma_semaphore, #tpu.memory_space<semaphore_mem>>
      %dma_start3A_53 = arith.constant 0 : i32
      %dma_start3A_54 = tpu.memref_slice %arg13[%add3A_18, %dma_start3A_53] : memref<10112x128xf32, #tpu.memory_space<vmem_shared>> -> memref<128x128xf32, #tpu.memory_space<vmem_shared>>
      %dma_start3A_55 = arith.constant 0 : i32
      %dma_start3A_56 = tpu.memref_slice %arg13[%add3A_18, %dma_start3A_55] : memref<10112x128xf32, #tpu.memory_space<vmem_shared>> -> memref<128x128xf32, #tpu.memory_space<vmem_shared>>
      tpu.enqueue_dma source(%arg7 : memref<128x128xf32, #tpu.memory_space<vmem>>) target(%dma_start3A_56 : memref<128x128xf32, #tpu.memory_space<vmem_shared>>) target_semaphore(%run_scoped3A_52 : memref<!tpu.dma_semaphore, #tpu.memory_space<semaphore_mem>>)
      %dma_wait3A_57 = arith.constant 0 : i32
      %dma_wait3A_58 = tpu.memref_slice %arg13[%add3A_18, %dma_wait3A_57] : memref<10112x128xf32, #tpu.memory_space<vmem_shared>> -> memref<128x128xf32, #tpu.memory_space<vmem_shared>>
      %dma_wait3A_59 = arith.constant 0 : i32
      %dma_wait3A_60 = tpu.memref_slice %arg13[%add3A_18, %dma_wait3A_59] : memref<10112x128xf32, #tpu.memory_space<vmem_shared>> -> memref<128x128xf32, #tpu.memory_space<vmem_shared>>
      tpu.wait_dma2 semaphore(%run_scoped3A_52 : memref<!tpu.dma_semaphore, #tpu.memory_space<semaphore_mem>>) src(%arg7 : memref<128x128xf32, #tpu.memory_space<vmem>>) dst(%dma_wait3A_60 : memref<128x128xf32, #tpu.memory_space<vmem_shared>>)
      tpu.yield
    }) : () -> ()
    %mul3A_19 = arith.constant 632 : i32
    %mul3A_20 = arith.muli %arg1, %mul3A_19 : i32
    %add3A_21 = arith.constant 384 : i32
    %add3A_22 = arith.addi %mul3A_20, %add3A_21 : i32
    "tpu.region"() ({
      %run_scoped3A_52 = tpu.sem_alloc : memref<!tpu.dma_semaphore, #tpu.memory_space<semaphore_mem>>
      %dma_start3A_53 = arith.constant 0 : i32
      %dma_start3A_54 = tpu.memref_slice %arg13[%add3A_22, %dma_start3A_53] : memref<10112x128xf32, #tpu.memory_space<vmem_shared>> -> memref<128x128xf32, #tpu.memory_space<vmem_shared>>
      %dma_start3A_55 = arith.constant 0 : i32
      %dma_start3A_56 = tpu.memref_slice %arg13[%add3A_22, %dma_start3A_55] : memref<10112x128xf32, #tpu.memory_space<vmem_shared>> -> memref<128x128xf32, #tpu.memory_space<vmem_shared>>
      tpu.enqueue_dma source(%arg7 : memref<128x128xf32, #tpu.memory_space<vmem>>) target(%dma_start3A_56 : memref<128x128xf32, #tpu.memory_space<vmem_shared>>) target_semaphore(%run_scoped3A_52 : memref<!tpu.dma_semaphore, #tpu.memory_space<semaphore_mem>>)
      %dma_wait3A_57 = arith.constant 0 : i32
      %dma_wait3A_58 = tpu.memref_slice %arg13[%add3A_22, %dma_wait3A_57] : memref<10112x128xf32, #tpu.memory_space<vmem_shared>> -> memref<128x128xf32, #tpu.memory_space<vmem_shared>>
      %dma_wait3A_59 = arith.constant 0 : i32
      %dma_wait3A_60 = tpu.memref_slice %arg13[%add3A_22, %dma_wait3A_59] : memref<10112x128xf32, #tpu.memory_space<vmem_shared>> -> memref<128x128xf32, #tpu.memory_space<vmem_shared>>
      tpu.wait_dma2 semaphore(%run_scoped3A_52 : memref<!tpu.dma_semaphore, #tpu.memory_space<semaphore_mem>>) src(%arg7 : memref<128x128xf32, #tpu.memory_space<vmem>>) dst(%dma_wait3A_60 : memref<128x128xf32, #tpu.memory_space<vmem_shared>>)
      tpu.yield
    }) : () -> ()
    %mul3A_23 = arith.constant 632 : i32
    %mul3A_24 = arith.muli %arg1, %mul3A_23 : i32
    %add3A_25 = arith.constant 632 : i32
    %add3A_26 = arith.addi %mul3A_24, %add3A_25 : i32
    %sub3A = arith.constant 120 : i32
    %sub3A_27 = arith.subi %add3A_26, %sub3A : i32
    "tpu.region"() ({
      %run_scoped3A_52 = tpu.sem_alloc : memref<!tpu.dma_semaphore, #tpu.memory_space<semaphore_mem>>
      %dma_start3A_53 = arith.constant 0 : i32
      %dma_start3A_54 = arith.constant 0 : i32
      %dma_start3A_55 = tpu.memref_slice %arg7[%dma_start3A_53, %dma_start3A_54] : memref<128x128xf32, #tpu.memory_space<vmem>> -> memref<120x128xf32, #tpu.memory_space<vmem>>
      %dma_start3A_56 = arith.constant 0 : i32
      %dma_start3A_57 = tpu.memref_slice %arg13[%sub3A_27, %dma_start3A_56] : memref<10112x128xf32, #tpu.memory_space<vmem_shared>> -> memref<120x128xf32, #tpu.memory_space<vmem_shared>>
      %dma_start3A_58 = arith.constant 0 : i32
      %dma_start3A_59 = tpu.memref_slice %arg13[%sub3A_27, %dma_start3A_58] : memref<10112x128xf32, #tpu.memory_space<vmem_shared>> -> memref<120x128xf32, #tpu.memory_space<vmem_shared>>
      %dma_start3A_60 = arith.constant 0 : i32
      %dma_start3A_61 = arith.constant 0 : i32
      %dma_start3A_62 = tpu.memref_slice %arg7[%dma_start3A_60, %dma_start3A_61] : memref<128x128xf32, #tpu.memory_space<vmem>> -> memref<120x128xf32, #tpu.memory_space<vmem>>
      tpu.enqueue_dma source(%dma_start3A_62 : memref<120x128xf32, #tpu.memory_space<vmem>>) target(%dma_start3A_59 : memref<120x128xf32, #tpu.memory_space<vmem_shared>>) target_semaphore(%run_scoped3A_52 : memref<!tpu.dma_semaphore, #tpu.memory_space<semaphore_mem>>)
      %dma_wait3A_63 = arith.constant 0 : i32
      %dma_wait3A_64 = arith.constant 0 : i32
      %dma_wait3A_65 = tpu.memref_slice %arg7[%dma_wait3A_63, %dma_wait3A_64] : memref<128x128xf32, #tpu.memory_space<vmem>> -> memref<120x128xf32, #tpu.memory_space<vmem>>
      %dma_wait3A_66 = arith.constant 0 : i32
      %dma_wait3A_67 = tpu.memref_slice %arg13[%sub3A_27, %dma_wait3A_66] : memref<10112x128xf32, #tpu.memory_space<vmem_shared>> -> memref<120x128xf32, #tpu.memory_space<vmem_shared>>
      %dma_wait3A_68 = arith.constant 0 : i32
      %dma_wait3A_69 = tpu.memref_slice %arg13[%sub3A_27, %dma_wait3A_68] : memref<10112x128xf32, #tpu.memory_space<vmem_shared>> -> memref<120x128xf32, #tpu.memory_space<vmem_shared>>
      %dma_wait3A_70 = arith.constant 0 : i32
      %dma_wait3A_71 = arith.constant 0 : i32
      %dma_wait3A_72 = tpu.memref_slice %arg7[%dma_wait3A_70, %dma_wait3A_71] : memref<128x128xf32, #tpu.memory_space<vmem>> -> memref<120x128xf32, #tpu.memory_space<vmem>>
      tpu.wait_dma2 semaphore(%run_scoped3A_52 : memref<!tpu.dma_semaphore, #tpu.memory_space<semaphore_mem>>) src(%dma_wait3A_72 : memref<120x128xf32, #tpu.memory_space<vmem>>) dst(%dma_wait3A_69 : memref<120x128xf32, #tpu.memory_space<vmem_shared>>)
      tpu.yield
    }) : () -> ()
    %barrier3A = arith.constant 0 : index
    tpu.barrier barrier_id(%barrier3A)
    %run_scoped3A = arith.constant 0 : i32
    "tpu.region"() ({
      %run_scoped3A_52 = tpu.sem_alloc : memref<!tpu.dma_semaphore, #tpu.memory_space<semaphore_mem>>
      %dma_start3A_53 = arith.constant 0 : i32
      %dma_start3A_54 = arith.constant 0 : i32
      %dma_start3A_55 = tpu.memref_slice %arg3[%add3A, %run_scoped3A, %dma_start3A_53, %dma_start3A_54] : memref<32x80x3x128xi32, #tpu.memory_space<hbm>> -> memref<1x1x3x128xi32, #tpu.memory_space<hbm>>
      %dma_start3A_56 = tpu.memref_squeeze %dma_start3A_55 : memref<1x1x3x128xi32, #tpu.memory_space<hbm>> -> memref<3x128xi32, #tpu.memory_space<hbm>>
      %dma_start3A_57 = arith.constant 0 : i32
      %dma_start3A_58 = arith.constant 0 : i32
      %dma_start3A_59 = tpu.memref_slice %arg3[%add3A, %run_scoped3A, %dma_start3A_57, %dma_start3A_58] : memref<32x80x3x128xi32, #tpu.memory_space<hbm>> -> memref<1x1x3x128xi32, #tpu.memory_space<hbm>>
      %dma_start3A_60 = tpu.memref_squeeze %dma_start3A_59 : memref<1x1x3x128xi32, #tpu.memory_space<hbm>> -> memref<3x128xi32, #tpu.memory_space<hbm>>
      tpu.enqueue_dma source(%dma_start3A_60 : memref<3x128xi32, #tpu.memory_space<hbm>>) target(%arg5 : memref<3x128xi32, #tpu.memory_space<vmem>>) target_semaphore(%run_scoped3A_52 : memref<!tpu.dma_semaphore, #tpu.memory_space<semaphore_mem>>)
      %dma_wait3A_61 = arith.constant 0 : i32
      %dma_wait3A_62 = arith.constant 0 : i32
      %dma_wait3A_63 = tpu.memref_slice %arg3[%add3A, %run_scoped3A, %dma_wait3A_61, %dma_wait3A_62] : memref<32x80x3x128xi32, #tpu.memory_space<hbm>> -> memref<1x1x3x128xi32, #tpu.memory_space<hbm>>
      %dma_wait3A_64 = tpu.memref_squeeze %dma_wait3A_63 : memref<1x1x3x128xi32, #tpu.memory_space<hbm>> -> memref<3x128xi32, #tpu.memory_space<hbm>>
      %dma_wait3A_65 = arith.constant 0 : i32
      %dma_wait3A_66 = arith.constant 0 : i32
      %dma_wait3A_67 = tpu.memref_slice %arg3[%add3A, %run_scoped3A, %dma_wait3A_65, %dma_wait3A_66] : memref<32x80x3x128xi32, #tpu.memory_space<hbm>> -> memref<1x1x3x128xi32, #tpu.memory_space<hbm>>
      %dma_wait3A_68 = tpu.memref_squeeze %dma_wait3A_67 : memref<1x1x3x128xi32, #tpu.memory_space<hbm>> -> memref<3x128xi32, #tpu.memory_space<hbm>>
      tpu.wait_dma2 semaphore(%run_scoped3A_52 : memref<!tpu.dma_semaphore, #tpu.memory_space<semaphore_mem>>) src(%dma_wait3A_68 : memref<3x128xi32, #tpu.memory_space<hbm>>) dst(%arg5 : memref<3x128xi32, #tpu.memory_space<vmem>>)
      tpu.yield
    }) : () -> ()
    %dma_start3A = arith.constant 0 : i32
    %dma_start3A_28 = arith.constant 0 : i32
    %dma_start3A_29 = tpu.memref_slice %arg5[%dma_start3A, %dma_start3A_28] : memref<3x128xi32, #tpu.memory_space<vmem>> -> memref<1x128xi32, #tpu.memory_space<vmem>>
    %dma_start3A_30 = tpu.memref_squeeze %dma_start3A_29 : memref<1x128xi32, #tpu.memory_space<vmem>> -> memref<128xi32, #tpu.memory_space<vmem>>
    %dma_start3A_31 = arith.constant 0 : i32
    %dma_start3A_32 = arith.constant 0 : i32
    %dma_start3A_33 = tpu.memref_slice %arg2[%dma_start3A_31, %dma_start3A_32] : memref<10000x128xf32, #tpu.memory_space<hbm>> -> memref<10000x128xf32, #tpu.memory_space<hbm>>
    tpu.enqueue_indirect_dma source(%dma_start3A_33 : memref<10000x128xf32, #tpu.memory_space<hbm>>) target(%arg7 : memref<128x128xf32, #tpu.memory_space<vmem>>) offsets(%dma_start3A_30 : memref<128xi32, #tpu.memory_space<vmem>>) semaphore(%arg9 : memref<!tpu.dma_semaphore, #tpu.memory_space<semaphore_mem>>)
    %scan3A_34 = arith.constant 0 : i32
    %scan3A_35 = arith.constant 0 : i32
    %scan3A_36 = arith.constant 40 : i32
    %scan3A_37 = arith.addi %scan3A_35, %scan3A_36 : i32
    %scan3A_38 = arith.constant 1 : i32
    %scan3A_39 = scf.for %scan3A_52 = %scan3A_35 to %scan3A_37 step %scan3A_38 iter_args(%scan3A_53 = %scan3A_34) -> (i32)  : i32 {
      %mul3A_54 = arith.constant 2 : i32
      %mul3A_55 = arith.muli %mul3A_54, %scan3A_52 : i32
      %add3A_56 = arith.constant 1 : i32
      %add3A_57 = arith.addi %mul3A_55, %add3A_56 : i32
      %gt3A = arith.constant 0 : i32
      %gt3A_58 = arith.cmpi sgt, %scan3A_52, %gt3A : i32
      %convert_element_type3A = arith.extui %gt3A_58 : i1 to i32
      %cond3A = arith.constant 0 : i32
      %cond3A_59 = arith.cmpi ne, %convert_element_type3A, %cond3A : i32
      scf.if %cond3A_59 {
        %dma_wait3A_121 = arith.constant 1 : i32
        %dma_wait3A_122 = arith.constant 0 : i32
        %dma_wait3A_123 = tpu.memref_slice %arg6[%dma_wait3A_121, %dma_wait3A_122] : memref<3x128xi32, #tpu.memory_space<vmem>> -> memref<1x128xi32, #tpu.memory_space<vmem>>
        %dma_wait3A_124 = tpu.memref_squeeze %dma_wait3A_123 : memref<1x128xi32, #tpu.memory_space<vmem>> -> memref<128xi32, #tpu.memory_space<vmem>>
        %dma_wait3A_125 = arith.constant 0 : i32
        %dma_wait3A_126 = arith.constant 0 : i32
        %dma_wait3A_127 = tpu.memref_slice %arg13[%dma_wait3A_125, %dma_wait3A_126] : memref<10112x128xf32, #tpu.memory_space<vmem_shared>> -> memref<10112x128xf32, #tpu.memory_space<vmem_shared>>
        tpu.wait_indirect_dma semaphore(%arg12 : memref<!tpu.dma_semaphore, #tpu.memory_space<semaphore_mem>>) src(%arg8 : memref<128x128xf32, #tpu.memory_space<vmem>>) dst(%dma_wait3A_127 : memref<10112x128xf32, #tpu.memory_space<vmem_shared>>)
      } else {
      }
      "tpu.region"() ({
        %run_scoped3A_121 = tpu.sem_alloc : memref<!tpu.dma_semaphore, #tpu.memory_space<semaphore_mem>>
        %dma_start3A_122 = arith.constant 0 : i32
        %dma_start3A_123 = arith.constant 0 : i32
        %dma_start3A_124 = tpu.memref_slice %arg3[%add3A, %add3A_57, %dma_start3A_122, %dma_start3A_123] : memref<32x80x3x128xi32, #tpu.memory_space<hbm>> -> memref<1x1x3x128xi32, #tpu.memory_space<hbm>>
        %dma_start3A_125 = tpu.memref_squeeze %dma_start3A_124 : memref<1x1x3x128xi32, #tpu.memory_space<hbm>> -> memref<3x128xi32, #tpu.memory_space<hbm>>
        %dma_start3A_126 = arith.constant 0 : i32
        %dma_start3A_127 = arith.constant 0 : i32
        %dma_start3A_128 = tpu.memref_slice %arg3[%add3A, %add3A_57, %dma_start3A_126, %dma_start3A_127] : memref<32x80x3x128xi32, #tpu.memory_space<hbm>> -> memref<1x1x3x128xi32, #tpu.memory_space<hbm>>
        %dma_start3A_129 = tpu.memref_squeeze %dma_start3A_128 : memref<1x1x3x128xi32, #tpu.memory_space<hbm>> -> memref<3x128xi32, #tpu.memory_space<hbm>>
        tpu.enqueue_dma source(%dma_start3A_129 : memref<3x128xi32, #tpu.memory_space<hbm>>) target(%arg6 : memref<3x128xi32, #tpu.memory_space<vmem>>) target_semaphore(%run_scoped3A_121 : memref<!tpu.dma_semaphore, #tpu.memory_space<semaphore_mem>>)
        %dma_wait3A_130 = arith.constant 0 : i32
        %dma_wait3A_131 = arith.constant 0 : i32
        %dma_wait3A_132 = tpu.memref_slice %arg3[%add3A, %add3A_57, %dma_wait3A_130, %dma_wait3A_131] : memref<32x80x3x128xi32, #tpu.memory_space<hbm>> -> memref<1x1x3x128xi32, #tpu.memory_space<hbm>>
        %dma_wait3A_133 = tpu.memref_squeeze %dma_wait3A_132 : memref<1x1x3x128xi32, #tpu.memory_space<hbm>> -> memref<3x128xi32, #tpu.memory_space<hbm>>
        %dma_wait3A_134 = arith.constant 0 : i32
        %dma_wait3A_135 = arith.constant 0 : i32
        %dma_wait3A_136 = tpu.memref_slice %arg3[%add3A, %add3A_57, %dma_wait3A_134, %dma_wait3A_135] : memref<32x80x3x128xi32, #tpu.memory_space<hbm>> -> memref<1x1x3x128xi32, #tpu.memory_space<hbm>>
        %dma_wait3A_137 = tpu.memref_squeeze %dma_wait3A_136 : memref<1x1x3x128xi32, #tpu.memory_space<hbm>> -> memref<3x128xi32, #tpu.memory_space<hbm>>
        tpu.wait_dma2 semaphore(%run_scoped3A_121 : memref<!tpu.dma_semaphore, #tpu.memory_space<semaphore_mem>>) src(%dma_wait3A_137 : memref<3x128xi32, #tpu.memory_space<hbm>>) dst(%arg6 : memref<3x128xi32, #tpu.memory_space<vmem>>)
        tpu.yield
      }) : () -> ()
      %dma_start3A_60 = arith.constant 0 : i32
      %dma_start3A_61 = arith.constant 0 : i32
      %dma_start3A_62 = tpu.memref_slice %arg6[%dma_start3A_60, %dma_start3A_61] : memref<3x128xi32, #tpu.memory_space<vmem>> -> memref<1x128xi32, #tpu.memory_space<vmem>>
      %dma_start3A_63 = tpu.memref_squeeze %dma_start3A_62 : memref<1x128xi32, #tpu.memory_space<vmem>> -> memref<128xi32, #tpu.memory_space<vmem>>
      %dma_start3A_64 = arith.constant 0 : i32
      %dma_start3A_65 = arith.constant 0 : i32
      %dma_start3A_66 = tpu.memref_slice %arg2[%dma_start3A_64, %dma_start3A_65] : memref<10000x128xf32, #tpu.memory_space<hbm>> -> memref<10000x128xf32, #tpu.memory_space<hbm>>
      tpu.enqueue_indirect_dma source(%dma_start3A_66 : memref<10000x128xf32, #tpu.memory_space<hbm>>) target(%arg8 : memref<128x128xf32, #tpu.memory_space<vmem>>) offsets(%dma_start3A_63 : memref<128xi32, #tpu.memory_space<vmem>>) semaphore(%arg10 : memref<!tpu.dma_semaphore, #tpu.memory_space<semaphore_mem>>)
      %dma_wait3A_67 = arith.constant 0 : i32
      %dma_wait3A_68 = arith.constant 0 : i32
      %dma_wait3A_69 = tpu.memref_slice %arg5[%dma_wait3A_67, %dma_wait3A_68] : memref<3x128xi32, #tpu.memory_space<vmem>> -> memref<1x128xi32, #tpu.memory_space<vmem>>
      %dma_wait3A_70 = tpu.memref_squeeze %dma_wait3A_69 : memref<1x128xi32, #tpu.memory_space<vmem>> -> memref<128xi32, #tpu.memory_space<vmem>>
      %dma_wait3A_71 = arith.constant 0 : i32
      %dma_wait3A_72 = arith.constant 0 : i32
      %dma_wait3A_73 = tpu.memref_slice %arg2[%dma_wait3A_71, %dma_wait3A_72] : memref<10000x128xf32, #tpu.memory_space<hbm>> -> memref<10000x128xf32, #tpu.memory_space<hbm>>
      tpu.wait_indirect_dma semaphore(%arg9 : memref<!tpu.dma_semaphore, #tpu.memory_space<semaphore_mem>>) src(%dma_wait3A_73 : memref<10000x128xf32, #tpu.memory_space<hbm>>) dst(%arg7 : memref<128x128xf32, #tpu.memory_space<vmem>>)
      %scan3A_74 = arith.constant 0 : i32
      %scan3A_75 = arith.constant 0 : i32
      %scan3A_76 = arith.constant 8 : i32
      %scan3A_77 = arith.addi %scan3A_75, %scan3A_76 : i32
      %scan3A_78 = arith.constant 1 : i32
      %scan3A_79 = scf.for %scan3A_121 = %scan3A_75 to %scan3A_77 step %scan3A_78 iter_args(%scan3A_122 = %scan3A_74) -> (i32)  : i32 {
        %mul3A_123 = arith.constant 16 : i32
        %mul3A_124 = arith.muli %scan3A_121, %mul3A_123 : i32
        %get3A = arith.constant 2 : i32
        %get3A_125 = arith.index_cast %get3A : i32 to index
        %get3A_126 = arith.index_cast %mul3A_124 : i32 to index
        %get3A_127 = tpu.vector_load %arg5[%get3A_125, %get3A_126] {strides = array<i32>} : memref<3x128xi32, #tpu.memory_space<vmem>>, vector<16xi32>,
        %bitcast3A = vector.bitcast %get3A_127 : vector<16xi32> to vector<16xf32>
        %mul3A_128 = arith.constant 16 : i32
        %mul3A_129 = arith.muli %scan3A_121, %mul3A_128 : i32
        %add3A_130 = arith.constant 0 : i32
        %add3A_131 = arith.addi %mul3A_129, %add3A_130 : i32
        %broadcast_in_dim3A = arith.constant 0 : i32
        %broadcast_in_dim3A_132 = vector.broadcast %broadcast_in_dim3A : i32 to vector<16xi32>
        %lt3A_133 = arith.constant 0 : i32
        %lt3A_134 = vector.broadcast %lt3A_133 : i32 to vector<16xi32>
        %lt3A_135 = arith.cmpi slt, %broadcast_in_dim3A_132, %lt3A_134 : vector<16xi32>
        %add3A_136 = arith.constant 16 : i32
        %add3A_137 = vector.broadcast %add3A_136 : i32 to vector<16xi32>
        %add3A_138 = arith.addi %broadcast_in_dim3A_132, %add3A_137 : vector<16xi32>
        %select_n3A = arith.select %lt3A_135, %add3A_138, %broadcast_in_dim3A_132 : vector<16xi1>, vector<16xi32>
        %reshape3A = vector.shape_cast %select_n3A : vector<16xi32> to vector<16x1xi32>
        %gather3A = vector.shape_cast %reshape3A : vector<16x1xi32> to vector<16xi32>
        %gather3A_139 = tpu.dynamic_gather %bitcast3A[%gather3A] in [0] : vector<16xf32>, vector<16xi32> -> vector<16xf32>
        %get3A_140 = arith.index_cast %add3A_131 : i32 to index
        %get3A_141 = arith.constant 0 : index
        %get3A_142 = tpu.vector_load %arg7[%get3A_140, %get3A_141] {strides = array<i32>} : memref<128x128xf32, #tpu.memory_space<vmem>>, vector<16xf32>,
        %mul3A_143 = arith.mulf %get3A_142, %gather3A_139 : vector<16xf32>
        %swap3A = arith.index_cast %add3A_131 : i32 to index
        %swap3A_144 = arith.constant 0 : index
        %swap3A_145 = tpu.vector_load %arg7[%swap3A, %swap3A_144] {strides = array<i32>} : memref<128x128xf32, #tpu.memory_space<vmem>>, vector<16xf32>,
        tpu.vector_store %arg7[%swap3A, %swap3A_144], %mul3A_143 {strides = array<i32>} : memref<128x128xf32, #tpu.memory_space<vmem>>, vector<16xf32>,
        %get3A_146 = arith.index_cast %add3A_131 : i32 to index
        %get3A_147 = arith.constant 16 : index
        %get3A_148 = tpu.vector_load %arg7[%get3A_146, %get3A_147] {strides = array<i32>} : memref<128x128xf32, #tpu.memory_space<vmem>>, vector<16xf32>,
        %mul3A_149 = arith.mulf %get3A_148, %gather3A_139 : vector<16xf32>
        %swap3A_150 = arith.index_cast %add3A_131 : i32 to index
        %swap3A_151 = arith.constant 16 : index
        %swap3A_152 = tpu.vector_load %arg7[%swap3A_150, %swap3A_151] {strides = array<i32>} : memref<128x128xf32, #tpu.memory_space<vmem>>, vector<16xf32>,
        tpu.vector_store %arg7[%swap3A_150, %swap3A_151], %mul3A_149 {strides = array<i32>} : memref<128x128xf32, #tpu.memory_space<vmem>>, vector<16xf32>,
        %get3A_153 = arith.index_cast %add3A_131 : i32 to index
        %get3A_154 = arith.constant 32 : index
        %get3A_155 = tpu.vector_load %arg7[%get3A_153, %get3A_154] {strides = array<i32>} : memref<128x128xf32, #tpu.memory_space<vmem>>, vector<16xf32>,
        %mul3A_156 = arith.mulf %get3A_155, %gather3A_139 : vector<16xf32>
        %swap3A_157 = arith.index_cast %add3A_131 : i32 to index
        %swap3A_158 = arith.constant 32 : index
        %swap3A_159 = tpu.vector_load %arg7[%swap3A_157, %swap3A_158] {strides = array<i32>} : memref<128x128xf32, #tpu.memory_space<vmem>>, vector<16xf32>,
        tpu.vector_store %arg7[%swap3A_157, %swap3A_158], %mul3A_156 {strides = array<i32>} : memref<128x128xf32, #tpu.memory_space<vmem>>, vector<16xf32>,
        %get3A_160 = arith.index_cast %add3A_131 : i32 to index
        %get3A_161 = arith.constant 48 : index
        %get3A_162 = tpu.vector_load %arg7[%get3A_160, %get3A_161] {strides = array<i32>} : memref<128x128xf32, #tpu.memory_space<vmem>>, vector<16xf32>,
        %mul3A_163 = arith.mulf %get3A_162, %gather3A_139 : vector<16xf32>
        %swap3A_164 = arith.index_cast %add3A_131 : i32 to index
        %swap3A_165 = arith.constant 48 : index
        %swap3A_166 = tpu.vector_load %arg7[%swap3A_164, %swap3A_165] {strides = array<i32>} : memref<128x128xf32, #tpu.memory_space<vmem>>, vector<16xf32>,
        tpu.vector_store %arg7[%swap3A_164, %swap3A_165], %mul3A_163 {strides = array<i32>} : memref<128x128xf32, #tpu.memory_space<vmem>>, vector<16xf32>,
        %get3A_167 = arith.index_cast %add3A_131 : i32 to index
        %get3A_168 = arith.constant 64 : index
        %get3A_169 = tpu.vector_load %arg7[%get3A_167, %get3A_168] {strides = array<i32>} : memref<128x128xf32, #tpu.memory_space<vmem>>, vector<16xf32>,
        %mul3A_170 = arith.mulf %get3A_169, %gather3A_139 : vector<16xf32>
        %swap3A_171 = arith.index_cast %add3A_131 : i32 to index
        %swap3A_172 = arith.constant 64 : index
        %swap3A_173 = tpu.vector_load %arg7[%swap3A_171, %swap3A_172] {strides = array<i32>} : memref<128x128xf32, #tpu.memory_space<vmem>>, vector<16xf32>,
        tpu.vector_store %arg7[%swap3A_171, %swap3A_172], %mul3A_170 {strides = array<i32>} : memref<128x128xf32, #tpu.memory_space<vmem>>, vector<16xf32>,
        %get3A_174 = arith.index_cast %add3A_131 : i32 to index
        %get3A_175 = arith.constant 80 : index
        %get3A_176 = tpu.vector_load %arg7[%get3A_174, %get3A_175] {strides = array<i32>} : memref<128x128xf32, #tpu.memory_space<vmem>>, vector<16xf32>,
        %mul3A_177 = arith.mulf %get3A_176, %gather3A_139 : vector<16xf32>
        %swap3A_178 = arith.index_cast %add3A_131 : i32 to index
        %swap3A_179 = arith.constant 80 : index
        %swap3A_180 = tpu.vector_load %arg7[%swap3A_178, %swap3A_179] {strides = array<i32>} : memref<128x128xf32, #tpu.memory_space<vmem>>, vector<16xf32>,
        tpu.vector_store %arg7[%swap3A_178, %swap3A_179], %mul3A_177 {strides = array<i32>} : memref<128x128xf32, #tpu.memory_space<vmem>>, vector<16xf32>,
        %get3A_181 = arith.index_cast %add3A_131 : i32 to index
        %get3A_182 = arith.constant 96 : index
        %get3A_183 = tpu.vector_load %arg7[%get3A_181, %get3A_182] {strides = array<i32>} : memref<128x128xf32, #tpu.memory_space<vmem>>, vector<16xf32>,
        %mul3A_184 = arith.mulf %get3A_183, %gather3A_139 : vector<16xf32>
        %swap3A_185 = arith.index_cast %add3A_131 : i32 to index
        %swap3A_186 = arith.constant 96 : index
        %swap3A_187 = tpu.vector_load %arg7[%swap3A_185, %swap3A_186] {strides = array<i32>} : memref<128x128xf32, #tpu.memory_space<vmem>>, vector<16xf32>,
        tpu.vector_store %arg7[%swap3A_185, %swap3A_186], %mul3A_184 {strides = array<i32>} : memref<128x128xf32, #tpu.memory_space<vmem>>, vector<16xf32>,
        %get3A_188 = arith.index_cast %add3A_131 : i32 to index
        %get3A_189 = arith.constant 112 : index
        %get3A_190 = tpu.vector_load %arg7[%get3A_188, %get3A_189] {strides = array<i32>} : memref<128x128xf32, #tpu.memory_space<vmem>>, vector<16xf32>,
        %mul3A_191 = arith.mulf %get3A_190, %gather3A_139 : vector<16xf32>
        %swap3A_192 = arith.index_cast %add3A_131 : i32 to index
        %swap3A_193 = arith.constant 112 : index
        %swap3A_194 = tpu.vector_load %arg7[%swap3A_192, %swap3A_193] {strides = array<i32>} : memref<128x128xf32, #tpu.memory_space<vmem>>, vector<16xf32>,
        tpu.vector_store %arg7[%swap3A_192, %swap3A_193], %mul3A_191 {strides = array<i32>} : memref<128x128xf32, #tpu.memory_space<vmem>>, vector<16xf32>,
        %mul3A_195 = arith.constant 16 : i32
        %mul3A_196 = arith.muli %scan3A_121, %mul3A_195 : i32
        %add3A_197 = arith.constant 1 : i32
        %add3A_198 = arith.addi %mul3A_196, %add3A_197 : i32
        %broadcast_in_dim3A_199 = arith.constant 1 : i32
        %broadcast_in_dim3A_200 = vector.broadcast %broadcast_in_dim3A_199 : i32 to vector<16xi32>
        %lt3A_201 = arith.constant 0 : i32
        %lt3A_202 = vector.broadcast %lt3A_201 : i32 to vector<16xi32>
        %lt3A_203 = arith.cmpi slt, %broadcast_in_dim3A_200, %lt3A_202 : vector<16xi32>
        %add3A_204 = arith.constant 16 : i32
        %add3A_205 = vector.broadcast %add3A_204 : i32 to vector<16xi32>
        %add3A_206 = arith.addi %broadcast_in_dim3A_200, %add3A_205 : vector<16xi32>
        %select_n3A_207 = arith.select %lt3A_203, %add3A_206, %broadcast_in_dim3A_200 : vector<16xi1>, vector<16xi32>
        %reshape3A_208 = vector.shape_cast %select_n3A_207 : vector<16xi32> to vector<16x1xi32>
        %gather3A_209 = vector.shape_cast %reshape3A_208 : vector<16x1xi32> to vector<16xi32>
        %gather3A_210 = tpu.dynamic_gather %bitcast3A[%gather3A_209] in [0] : vector<16xf32>, vector<16xi32> -> vector<16xf32>
        %get3A_211 = arith.index_cast %add3A_198 : i32 to index
        %get3A_212 = arith.constant 0 : index
        %get3A_213 = tpu.vector_load %arg7[%get3A_211, %get3A_212] {strides = array<i32>} : memref<128x128xf32, #tpu.memory_space<vmem>>, vector<16xf32>,
        %mul3A_214 = arith.mulf %get3A_213, %gather3A_210 : vector<16xf32>
        %swap3A_215 = arith.index_cast %add3A_198 : i32 to index
        %swap3A_216 = arith.constant 0 : index
        %swap3A_217 = tpu.vector_load %arg7[%swap3A_215, %swap3A_216] {strides = array<i32>} : memref<128x128xf32, #tpu.memory_space<vmem>>, vector<16xf32>,
        tpu.vector_store %arg7[%swap3A_215, %swap3A_216], %mul3A_214 {strides = array<i32>} : memref<128x128xf32, #tpu.memory_space<vmem>>, vector<16xf32>,
        %get3A_218 = arith.index_cast %add3A_198 : i32 to index
        %get3A_219 = arith.constant 16 : index
        %get3A_220 = tpu.vector_load %arg7[%get3A_218, %get3A_219] {strides = array<i32>} : memref<128x128xf32, #tpu.memory_space<vmem>>, vector<16xf32>,
        %mul3A_221 = arith.mulf %get3A_220, %gather3A_210 : vector<16xf32>
        %swap3A_222 = arith.index_cast %add3A_198 : i32 to index
        %swap3A_223 = arith.constant 16 : index
        %swap3A_224 = tpu.vector_load %arg7[%swap3A_222, %swap3A_223] {strides = array<i32>} : memref<128x128xf32, #tpu.memory_space<vmem>>, vector<16xf32>,
        tpu.vector_store %arg7[%swap3A_222, %swap3A_223], %mul3A_221 {strides = array<i32>} : memref<128x128xf32, #tpu.memory_space<vmem>>, vector<16xf32>,
        %get3A_225 = arith.index_cast %add3A_198 : i32 to index
        %get3A_226 = arith.constant 32 : index
        %get3A_227 = tpu.vector_load %arg7[%get3A_225, %get3A_226] {strides = array<i32>} : memref<128x128xf32, #tpu.memory_space<vmem>>, vector<16xf32>,
        %mul3A_228 = arith.mulf %get3A_227, %gather3A_210 : vector<16xf32>
        %swap3A_229 = arith.index_cast %add3A_198 : i32 to index
        %swap3A_230 = arith.constant 32 : index
        %swap3A_231 = tpu.vector_load %arg7[%swap3A_229, %swap3A_230] {strides = array<i32>} : memref<128x128xf32, #tpu.memory_space<vmem>>, vector<16xf32>,
        tpu.vector_store %arg7[%swap3A_229, %swap3A_230], %mul3A_228 {strides = array<i32>} : memref<128x128xf32, #tpu.memory_space<vmem>>, vector<16xf32>,
        %get3A_232 = arith.index_cast %add3A_198 : i32 to index
        %get3A_233 = arith.constant 48 : index
        %get3A_234 = tpu.vector_load %arg7[%get3A_232, %get3A_233] {strides = array<i32>} : memref<128x128xf32, #tpu.memory_space<vmem>>, vector<16xf32>,
        %mul3A_235 = arith.mulf %get3A_234, %gather3A_210 : vector<16xf32>
        %swap3A_236 = arith.index_cast %add3A_198 : i32 to index
        %swap3A_237 = arith.constant 48 : index
        %swap3A_238 = tpu.vector_load %arg7[%swap3A_236, %swap3A_237] {strides = array<i32>} : memref<128x128xf32, #tpu.memory_space<vmem>>, vector<16xf32>,
        tpu.vector_store %arg7[%swap3A_236, %swap3A_237], %mul3A_235 {strides = array<i32>} : memref<128x128xf32, #tpu.memory_space<vmem>>, vector<16xf32>,
        %get3A_239 = arith.index_cast %add3A_198 : i32 to index
        %get3A_240 = arith.constant 64 : index
        %get3A_241 = tpu.vector_load %arg7[%get3A_239, %get3A_240] {strides = array<i32>} : memref<128x128xf32, #tpu.memory_space<vmem>>, vector<16xf32>,
        %mul3A_242 = arith.mulf %get3A_241, %gather3A_210 : vector<16xf32>
        %swap3A_243 = arith.index_cast %add3A_198 : i32 to index
        %swap3A_244 = arith.constant 64 : index
        %swap3A_245 = tpu.vector_load %arg7[%swap3A_243, %swap3A_244] {strides = array<i32>} : memref<128x128xf32, #tpu.memory_space<vmem>>, vector<16xf32>,
        tpu.vector_store %arg7[%swap3A_243, %swap3A_244], %mul3A_242 {strides = array<i32>} : memref<128x128xf32, #tpu.memory_space<vmem>>, vector<16xf32>,
        %get3A_246 = arith.index_cast %add3A_198 : i32 to index
        %get3A_247 = arith.constant 80 : index
        %get3A_248 = tpu.vector_load %arg7[%get3A_246, %get3A_247] {strides = array<i32>} : memref<128x128xf32, #tpu.memory_space<vmem>>, vector<16xf32>,
        %mul3A_249 = arith.mulf %get3A_248, %gather3A_210 : vector<16xf32>
        %swap3A_250 = arith.index_cast %add3A_198 : i32 to index
        %swap3A_251 = arith.constant 80 : index
        %swap3A_252 = tpu.vector_load %arg7[%swap3A_250, %swap3A_251] {strides = array<i32>} : memref<128x128xf32, #tpu.memory_space<vmem>>, vector<16xf32>,
        tpu.vector_store %arg7[%swap3A_250, %swap3A_251], %mul3A_249 {strides = array<i32>} : memref<128x128xf32, #tpu.memory_space<vmem>>, vector<16xf32>,
        %get3A_253 = arith.index_cast %add3A_198 : i32 to index
        %get3A_254 = arith.constant 96 : index
        %get3A_255 = tpu.vector_load %arg7[%get3A_253, %get3A_254] {strides = array<i32>} : memref<128x128xf32, #tpu.memory_space<vmem>>, vector<16xf32>,
        %mul3A_256 = arith.mulf %get3A_255, %gather3A_210 : vector<16xf32>
        %swap3A_257 = arith.index_cast %add3A_198 : i32 to index
        %swap3A_258 = arith.constant 96 : index
        %swap3A_259 = tpu.vector_load %arg7[%swap3A_257, %swap3A_258] {strides = array<i32>} : memref<128x128xf32, #tpu.memory_space<vmem>>, vector<16xf32>,
        tpu.vector_store %arg7[%swap3A_257, %swap3A_258], %mul3A_256 {strides = array<i32>} : memref<128x128xf32, #tpu.memory_space<vmem>>, vector<16xf32>,
        %get3A_260 = arith.index_cast %add3A_198 : i32 to index
        %get3A_261 = arith.constant 112 : index
        %get3A_262 = tpu.vector_load %arg7[%get3A_260, %get3A_261] {strides = array<i32>} : memref<128x128xf32, #tpu.memory_space<vmem>>, vector<16xf32>,
        %mul3A_263 = arith.mulf %get3A_262, %gather3A_210 : vector<16xf32>
        %swap3A_264 = arith.index_cast %add3A_198 : i32 to index
        %swap3A_265 = arith.constant 112 : index
        %swap3A_266 = tpu.vector_load %arg7[%swap3A_264, %swap3A_265] {strides = array<i32>} : memref<128x128xf32, #tpu.memory_space<vmem>>, vector<16xf32>,
        tpu.vector_store %arg7[%swap3A_264, %swap3A_265], %mul3A_263 {strides = array<i32>} : memref<128x128xf32, #tpu.memory_space<vmem>>, vector<16xf32>,
        %mul3A_267 = arith.constant 16 : i32
        %mul3A_268 = arith.muli %scan3A_121, %mul3A_267 : i32
        %add3A_269 = arith.constant 2 : i32
        %add3A_270 = arith.addi %mul3A_268, %add3A_269 : i32
        %broadcast_in_dim3A_271 = arith.constant 2 : i32
        %broadcast_in_dim3A_272 = vector.broadcast %broadcast_in_dim3A_271 : i32 to vector<16xi32>
        %lt3A_273 = arith.constant 0 : i32
        %lt3A_274 = vector.broadcast %lt3A_273 : i32 to vector<16xi32>
        %lt3A_275 = arith.cmpi slt, %broadcast_in_dim3A_272, %lt3A_274 : vector<16xi32>
        %add3A_276 = arith.constant 16 : i32
        %add3A_277 = vector.broadcast %add3A_276 : i32 to vector<16xi32>
        %add3A_278 = arith.addi %broadcast_in_dim3A_272, %add3A_277 : vector<16xi32>
        %select_n3A_279 = arith.select %lt3A_275, %add3A_278, %broadcast_in_dim3A_272 : vector<16xi1>, vector<16xi32>
        %reshape3A_280 = vector.shape_cast %select_n3A_279 : vector<16xi32> to vector<16x1xi32>
        %gather3A_281 = vector.shape_cast %reshape3A_280 : vector<16x1xi32> to vector<16xi32>
        %gather3A_282 = tpu.dynamic_gather %bitcast3A[%gather3A_281] in [0] : vector<16xf32>, vector<16xi32> -> vector<16xf32>
        %get3A_283 = arith.index_cast %add3A_270 : i32 to index
        %get3A_284 = arith.constant 0 : index
        %get3A_285 = tpu.vector_load %arg7[%get3A_283, %get3A_284] {strides = array<i32>} : memref<128x128xf32, #tpu.memory_space<vmem>>, vector<16xf32>,
        %mul3A_286 = arith.mulf %get3A_285, %gather3A_282 : vector<16xf32>
        %swap3A_287 = arith.index_cast %add3A_270 : i32 to index
        %swap3A_288 = arith.constant 0 : index
        %swap3A_289 = tpu.vector_load %arg7[%swap3A_287, %swap3A_288] {strides = array<i32>} : memref<128x128xf32, #tpu.memory_space<vmem>>, vector<16xf32>,
        tpu.vector_store %arg7[%swap3A_287, %swap3A_288], %mul3A_286 {strides = array<i32>} : memref<128x128xf32, #tpu.memory_space<vmem>>, vector<16xf32>,
        %get3A_290 = arith.index_cast %add3A_270 : i32 to index
        %get3A_291 = arith.constant 16 : index
        %get3A_292 = tpu.vector_load %arg7[%get3A_290, %get3A_291] {strides = array<i32>} : memref<128x128xf32, #tpu.memory_space<vmem>>, vector<16xf32>,
        %mul3A_293 = arith.mulf %get3A_292, %gather3A_282 : vector<16xf32>
        %swap3A_294 = arith.index_cast %add3A_270 : i32 to index
        %swap3A_295 = arith.constant 16 : index
        %swap3A_296 = tpu.vector_load %arg7[%swap3A_294, %swap3A_295] {strides = array<i32>} : memref<128x128xf32, #tpu.memory_space<vmem>>, vector<16xf32>,
        tpu.vector_store %arg7[%swap3A_294, %swap3A_295], %mul3A_293 {strides = array<i32>} : memref<128x128xf32, #tpu.memory_space<vmem>>, vector<16xf32>,
        %get3A_297 = arith.index_cast %add3A_270 : i32 to index
        %get3A_298 = arith.constant 32 : index
        %get3A_299 = tpu.vector_load %arg7[%get3A_297, %get3A_298] {strides = array<i32>} : memref<128x128xf32, #tpu.memory_space<vmem>>, vector<16xf32>,
        %mul3A_300 = arith.mulf %get3A_299, %gather3A_282 : vector<16xf32>
        %swap3A_301 = arith.index_cast %add3A_270 : i32 to index
        %swap3A_302 = arith.constant 32 : index
        %swap3A_303 = tpu.vector_load %arg7[%swap3A_301, %swap3A_302] {strides = array<i32>} : memref<128x128xf32, #tpu.memory_space<vmem>>, vector<16xf32>,
        tpu.vector_store %arg7[%swap3A_301, %swap3A_302], %mul3A_300 {strides = array<i32>} : memref<128x128xf32, #tpu.memory_space<vmem>>, vector<16xf32>,
        %get3A_304 = arith.index_cast %add3A_270 : i32 to index
        %get3A_305 = arith.constant 48 : index
        %get3A_306 = tpu.vector_load %arg7[%get3A_304, %get3A_305] {strides = array<i32>} : memref<128x128xf32, #tpu.memory_space<vmem>>, vector<16xf32>,
        %mul3A_307 = arith.mulf %get3A_306, %gather3A_282 : vector<16xf32>
        %swap3A_308 = arith.index_cast %add3A_270 : i32 to index
        %swap3A_309 = arith.constant 48 : index
        %swap3A_310 = tpu.vector_load %arg7[%swap3A_308, %swap3A_309] {strides = array<i32>} : memref<128x128xf32, #tpu.memory_space<vmem>>, vector<16xf32>,
        tpu.vector_store %arg7[%swap3A_308, %swap3A_309], %mul3A_307 {strides = array<i32>} : memref<128x128xf32, #tpu.memory_space<vmem>>, vector<16xf32>,
        %get3A_311 = arith.index_cast %add3A_270 : i32 to index
        %get3A_312 = arith.constant 64 : index
        %get3A_313 = tpu.vector_load %arg7[%get3A_311, %get3A_312] {strides = array<i32>} : memref<128x128xf32, #tpu.memory_space<vmem>>, vector<16xf32>,
        %mul3A_314 = arith.mulf %get3A_313, %gather3A_282 : vector<16xf32>
        %swap3A_315 = arith.index_cast %add3A_270 : i32 to index
        %swap3A_316 = arith.constant 64 : index
        %swap3A_317 = tpu.vector_load %arg7[%swap3A_315, %swap3A_316] {strides = array<i32>} : memref<128x128xf32, #tpu.memory_space<vmem>>, vector<16xf32>,
        tpu.vector_store %arg7[%swap3A_315, %swap3A_316], %mul3A_314 {strides = array<i32>} : memref<128x128xf32, #tpu.memory_space<vmem>>, vector<16xf32>,
        %get3A_318 = arith.index_cast %add3A_270 : i32 to index
        %get3A_319 = arith.constant 80 : index
        %get3A_320 = tpu.vector_load %arg7[%get3A_318, %get3A_319] {strides = array<i32>} : memref<128x128xf32, #tpu.memory_space<vmem>>, vector<16xf32>,
        %mul3A_321 = arith.mulf %get3A_320, %gather3A_282 : vector<16xf32>
        %swap3A_322 = arith.index_cast %add3A_270 : i32 to index
        %swap3A_323 = arith.constant 80 : index
        %swap3A_324 = tpu.vector_load %arg7[%swap3A_322, %swap3A_323] {strides = array<i32>} : memref<128x128xf32, #tpu.memory_space<vmem>>, vector<16xf32>,
        tpu.vector_store %arg7[%swap3A_322, %swap3A_323], %mul3A_321 {strides = array<i32>} : memref<128x128xf32, #tpu.memory_space<vmem>>, vector<16xf32>,
        %get3A_325 = arith.index_cast %add3A_270 : i32 to index
        %get3A_326 = arith.constant 96 : index
        %get3A_327 = tpu.vector_load %arg7[%get3A_325, %get3A_326] {strides = array<i32>} : memref<128x128xf32, #tpu.memory_space<vmem>>, vector<16xf32>,
        %mul3A_328 = arith.mulf %get3A_327, %gather3A_282 : vector<16xf32>
        %swap3A_329 = arith.index_cast %add3A_270 : i32 to index
        %swap3A_330 = arith.constant 96 : index
        %swap3A_331 = tpu.vector_load %arg7[%swap3A_329, %swap3A_330] {strides = array<i32>} : memref<128x128xf32, #tpu.memory_space<vmem>>, vector<16xf32>,
        tpu.vector_store %arg7[%swap3A_329, %swap3A_330], %mul3A_328 {strides = array<i32>} : memref<128x128xf32, #tpu.memory_space<vmem>>, vector<16xf32>,
        %get3A_332 = arith.index_cast %add3A_270 : i32 to index
        %get3A_333 = arith.constant 112 : index
        %get3A_334 = tpu.vector_load %arg7[%get3A_332, %get3A_333] {strides = array<i32>} : memref<128x128xf32, #tpu.memory_space<vmem>>, vector<16xf32>,
        %mul3A_335 = arith.mulf %get3A_334, %gather3A_282 : vector<16xf32>
        %swap3A_336 = arith.index_cast %add3A_270 : i32 to index
        %swap3A_337 = arith.constant 112 : index
        %swap3A_338 = tpu.vector_load %arg7[%swap3A_336, %swap3A_337] {strides = array<i32>} : memref<128x128xf32, #tpu.memory_space<vmem>>, vector<16xf32>,
        tpu.vector_store %arg7[%swap3A_336, %swap3A_337], %mul3A_335 {strides = array<i32>} : memref<128x128xf32, #tpu.memory_space<vmem>>, vector<16xf32>,
        %mul3A_339 = arith.constant 16 : i32
        %mul3A_340 = arith.muli %scan3A_121, %mul3A_339 : i32
        %add3A_341 = arith.constant 3 : i32
        %add3A_342 = arith.addi %mul3A_340, %add3A_341 : i32
        %broadcast_in_dim3A_343 = arith.constant 3 : i32
        %broadcast_in_dim3A_344 = vector.broadcast %broadcast_in_dim3A_343 : i32 to vector<16xi32>
        %lt3A_345 = arith.constant 0 : i32
        %lt3A_346 = vector.broadcast %lt3A_345 : i32 to vector<16xi32>
        %lt3A_347 = arith.cmpi slt, %broadcast_in_dim3A_344, %lt3A_346 : vector<16xi32>
        %add3A_348 = arith.constant 16 : i32
        %add3A_349 = vector.broadcast %add3A_348 : i32 to vector<16xi32>
        %add3A_350 = arith.addi %broadcast_in_dim3A_344, %add3A_349 : vector<16xi32>
        %select_n3A_351 = arith.select %lt3A_347, %add3A_350, %broadcast_in_dim3A_344 : vector<16xi1>, vector<16xi32>
        %reshape3A_352 = vector.shape_cast %select_n3A_351 : vector<16xi32> to vector<16x1xi32>
        %gather3A_353 = vector.shape_cast %reshape3A_352 : vector<16x1xi32> to vector<16xi32>
        %gather3A_354 = tpu.dynamic_gather %bitcast3A[%gather3A_353] in [0] : vector<16xf32>, vector<16xi32> -> vector<16xf32>
        %get3A_355 = arith.index_cast %add3A_342 : i32 to index
        %get3A_356 = arith.constant 0 : index
        %get3A_357 = tpu.vector_load %arg7[%get3A_355, %get3A_356] {strides = array<i32>} : memref<128x128xf32, #tpu.memory_space<vmem>>, vector<16xf32>,
        %mul3A_358 = arith.mulf %get3A_357, %gather3A_354 : vector<16xf32>
        %swap3A_359 = arith.index_cast %add3A_342 : i32 to index
        %swap3A_360 = arith.constant 0 : index
        %swap3A_361 = tpu.vector_load %arg7[%swap3A_359, %swap3A_360] {strides = array<i32>} : memref<128x128xf32, #tpu.memory_space<vmem>>, vector<16xf32>,
        tpu.vector_store %arg7[%swap3A_359, %swap3A_360], %mul3A_358 {strides = array<i32>} : memref<128x128xf32, #tpu.memory_space<vmem>>, vector<16xf32>,
        %get3A_362 = arith.index_cast %add3A_342 : i32 to index
        %get3A_363 = arith.constant 16 : index
        %get3A_364 = tpu.vector_load %arg7[%get3A_362, %get3A_363] {strides = array<i32>} : memref<128x128xf32, #tpu.memory_space<vmem>>, vector<16xf32>,
        %mul3A_365 = arith.mulf %get3A_364, %gather3A_354 : vector<16xf32>
        %swap3A_366 = arith.index_cast %add3A_342 : i32 to index
        %swap3A_367 = arith.constant 16 : index
        %swap3A_368 = tpu.vector_load %arg7[%swap3A_366, %swap3A_367] {strides = array<i32>} : memref<128x128xf32, #tpu.memory_space<vmem>>, vector<16xf32>,
        tpu.vector_store %arg7[%swap3A_366, %swap3A_367], %mul3A_365 {strides = array<i32>} : memref<128x128xf32, #tpu.memory_space<vmem>>, vector<16xf32>,
        %get3A_369 = arith.index_cast %add3A_342 : i32 to index
        %get3A_370 = arith.constant 32 : index
        %get3A_371 = tpu.vector_load %arg7[%get3A_369, %get3A_370] {strides = array<i32>} : memref<128x128xf32, #tpu.memory_space<vmem>>, vector<16xf32>,
        %mul3A_372 = arith.mulf %get3A_371, %gather3A_354 : vector<16xf32>
        %swap3A_373 = arith.index_cast %add3A_342 : i32 to index
        %swap3A_374 = arith.constant 32 : index
        %swap3A_375 = tpu.vector_load %arg7[%swap3A_373, %swap3A_374] {strides = array<i32>} : memref<128x128xf32, #tpu.memory_space<vmem>>, vector<16xf32>,
        tpu.vector_store %arg7[%swap3A_373, %swap3A_374], %mul3A_372 {strides = array<i32>} : memref<128x128xf32, #tpu.memory_space<vmem>>, vector<16xf32>,
        %get3A_376 = arith.index_cast %add3A_342 : i32 to index
        %get3A_377 = arith.constant 48 : index
        %get3A_378 = tpu.vector_load %arg7[%get3A_376, %get3A_377] {strides = array<i32>} : memref<128x128xf32, #tpu.memory_space<vmem>>, vector<16xf32>,
        %mul3A_379 = arith.mulf %get3A_378, %gather3A_354 : vector<16xf32>
        %swap3A_380 = arith.index_cast %add3A_342 : i32 to index
        %swap3A_381 = arith.constant 48 : index
        %swap3A_382 = tpu.vector_load %arg7[%swap3A_380, %swap3A_381] {strides = array<i32>} : memref<128x128xf32, #tpu.memory_space<vmem>>, vector<16xf32>,
        tpu.vector_store %arg7[%swap3A_380, %swap3A_381], %mul3A_379 {strides = array<i32>} : memref<128x128xf32, #tpu.memory_space<vmem>>, vector<16xf32>,
        %get3A_383 = arith.index_cast %add3A_342 : i32 to index
        %get3A_384 = arith.constant 64 : index
        %get3A_385 = tpu.vector_load %arg7[%get3A_383, %get3A_384] {strides = array<i32>} : memref<128x128xf32, #tpu.memory_space<vmem>>, vector<16xf32>,
        %mul3A_386 = arith.mulf %get3A_385, %gather3A_354 : vector<16xf32>
        %swap3A_387 = arith.index_cast %add3A_342 : i32 to index
        %swap3A_388 = arith.constant 64 : index
        %swap3A_389 = tpu.vector_load %arg7[%swap3A_387, %swap3A_388] {strides = array<i32>} : memref<128x128xf32, #tpu.memory_space<vmem>>, vector<16xf32>,
        tpu.vector_store %arg7[%swap3A_387, %swap3A_388], %mul3A_386 {strides = array<i32>} : memref<128x128xf32, #tpu.memory_space<vmem>>, vector<16xf32>,
        %get3A_390 = arith.index_cast %add3A_342 : i32 to index
        %get3A_391 = arith.constant 80 : index
        %get3A_392 = tpu.vector_load %arg7[%get3A_390, %get3A_391] {strides = array<i32>} : memref<128x128xf32, #tpu.memory_space<vmem>>, vector<16xf32>,
        %mul3A_393 = arith.mulf %get3A_392, %gather3A_354 : vector<16xf32>
        %swap3A_394 = arith.index_cast %add3A_342 : i32 to index
        %swap3A_395 = arith.constant 80 : index
        %swap3A_396 = tpu.vector_load %arg7[%swap3A_394, %swap3A_395] {strides = array<i32>} : memref<128x128xf32, #tpu.memory_space<vmem>>, vector<16xf32>,
        tpu.vector_store %arg7[%swap3A_394, %swap3A_395], %mul3A_393 {strides = array<i32>} : memref<128x128xf32, #tpu.memory_space<vmem>>, vector<16xf32>,
        %get3A_397 = arith.index_cast %add3A_342 : i32 to index
        %get3A_398 = arith.constant 96 : index
        %get3A_399 = tpu.vector_load %arg7[%get3A_397, %get3A_398] {strides = array<i32>} : memref<128x128xf32, #tpu.memory_space<vmem>>, vector<16xf32>,
        %mul3A_400 = arith.mulf %get3A_399, %gather3A_354 : vector<16xf32>
        %swap3A_401 = arith.index_cast %add3A_342 : i32 to index
        %swap3A_402 = arith.constant 96 : index
        %swap3A_403 = tpu.vector_load %arg7[%swap3A_401, %swap3A_402] {strides = array<i32>} : memref<128x128xf32, #tpu.memory_space<vmem>>, vector<16xf32>,
        tpu.vector_store %arg7[%swap3A_401, %swap3A_402], %mul3A_400 {strides = array<i32>} : memref<128x128xf32, #tpu.memory_space<vmem>>, vector<16xf32>,
        %get3A_404 = arith.index_cast %add3A_342 : i32 to index
        %get3A_405 = arith.constant 112 : index
        %get3A_406 = tpu.vector_load %arg7[%get3A_404, %get3A_405] {strides = array<i32>} : memref<128x128xf32, #tpu.memory_space<vmem>>, vector<16xf32>,
        %mul3A_407 = arith.mulf %get3A_406, %gather3A_354 : vector<16xf32>
        %swap3A_408 = arith.index_cast %add3A_342 : i32 to index
        %swap3A_409 = arith.constant 112 : index
        %swap3A_410 = tpu.vector_load %arg7[%swap3A_408, %swap3A_409] {strides = array<i32>} : memref<128x128xf32, #tpu.memory_space<vmem>>, vector<16xf32>,
        tpu.vector_store %arg7[%swap3A_408, %swap3A_409], %mul3A_407 {strides = array<i32>} : memref<128x128xf32, #tpu.memory_space<vmem>>, vector<16xf32>,
        %mul3A_411 = arith.constant 16 : i32
        %mul3A_412 = arith.muli %scan3A_121, %mul3A_411 : i32
        %add3A_413 = arith.constant 4 : i32
        %add3A_414 = arith.addi %mul3A_412, %add3A_413 : i32
        %broadcast_in_dim3A_415 = arith.constant 4 : i32
        %broadcast_in_dim3A_416 = vector.broadcast %broadcast_in_dim3A_415 : i32 to vector<16xi32>
        %lt3A_417 = arith.constant 0 : i32
        %lt3A_418 = vector.broadcast %lt3A_417 : i32 to vector<16xi32>
        %lt3A_419 = arith.cmpi slt, %broadcast_in_dim3A_416, %lt3A_418 : vector<16xi32>
        %add3A_420 = arith.constant 16 : i32
        %add3A_421 = vector.broadcast %add3A_420 : i32 to vector<16xi32>
        %add3A_422 = arith.addi %broadcast_in_dim3A_416, %add3A_421 : vector<16xi32>
        %select_n3A_423 = arith.select %lt3A_419, %add3A_422, %broadcast_in_dim3A_416 : vector<16xi1>, vector<16xi32>
        %reshape3A_424 = vector.shape_cast %select_n3A_423 : vector<16xi32> to vector<16x1xi32>
        %gather3A_425 = vector.shape_cast %reshape3A_424 : vector<16x1xi32> to vector<16xi32>
        %gather3A_426 = tpu.dynamic_gather %bitcast3A[%gather3A_425] in [0] : vector<16xf32>, vector<16xi32> -> vector<16xf32>
        %get3A_427 = arith.index_cast %add3A_414 : i32 to index
        %get3A_428 = arith.constant 0 : index
        %get3A_429 = tpu.vector_load %arg7[%get3A_427, %get3A_428] {strides = array<i32>} : memref<128x128xf32, #tpu.memory_space<vmem>>, vector<16xf32>,
        %mul3A_430 = arith.mulf %get3A_429, %gather3A_426 : vector<16xf32>
        %swap3A_431 = arith.index_cast %add3A_414 : i32 to index
        %swap3A_432 = arith.constant 0 : index
        %swap3A_433 = tpu.vector_load %arg7[%swap3A_431, %swap3A_432] {strides = array<i32>} : memref<128x128xf32, #tpu.memory_space<vmem>>, vector<16xf32>,
        tpu.vector_store %arg7[%swap3A_431, %swap3A_432], %mul3A_430 {strides = array<i32>} : memref<128x128xf32, #tpu.memory_space<vmem>>, vector<16xf32>,
        %get3A_434 = arith.index_cast %add3A_414 : i32 to index
        %get3A_435 = arith.constant 16 : index
        %get3A_436 = tpu.vector_load %arg7[%get3A_434, %get3A_435] {strides = array<i32>} : memref<128x128xf32, #tpu.memory_space<vmem>>, vector<16xf32>,
        %mul3A_437 = arith.mulf %get3A_436, %gather3A_426 : vector<16xf32>
        %swap3A_438 = arith.index_cast %add3A_414 : i32 to index
        %swap3A_439 = arith.constant 16 : index
        %swap3A_440 = tpu.vector_load %arg7[%swap3A_438, %swap3A_439] {strides = array<i32>} : memref<128x128xf32, #tpu.memory_space<vmem>>, vector<16xf32>,
        tpu.vector_store %arg7[%swap3A_438, %swap3A_439], %mul3A_437 {strides = array<i32>} : memref<128x128xf32, #tpu.memory_space<vmem>>, vector<16xf32>,
        %get3A_441 = arith.index_cast %add3A_414 : i32 to index
        %get3A_442 = arith.constant 32 : index
        %get3A_443 = tpu.vector_load %arg7[%get3A_441, %get3A_442] {strides = array<i32>} : memref<128x128xf32, #tpu.memory_space<vmem>>, vector<16xf32>,
        %mul3A_444 = arith.mulf %get3A_443, %gather3A_426 : vector<16xf32>
        %swap3A_445 = arith.index_cast %add3A_414 : i32 to index
        %swap3A_446 = arith.constant 32 : index
        %swap3A_447 = tpu.vector_load %arg7[%swap3A_445, %swap3A_446] {strides = array<i32>} : memref<128x128xf32, #tpu.memory_space<vmem>>, vector<16xf32>,
        tpu.vector_store %arg7[%swap3A_445, %swap3A_446], %mul3A_444 {strides = array<i32>} : memref<128x128xf32, #tpu.memory_space<vmem>>, vector<16xf32>,
        %get3A_448 = arith.index_cast %add3A_414 : i32 to index
        %get3A_449 = arith.constant 48 : index
        %get3A_450 = tpu.vector_load %arg7[%get3A_448, %get3A_449] {strides = array<i32>} : memref<128x128xf32, #tpu.memory_space<vmem>>, vector<16xf32>,
        %mul3A_451 = arith.mulf %get3A_450, %gather3A_426 : vector<16xf32>
        %swap3A_452 = arith.index_cast %add3A_414 : i32 to index
        %swap3A_453 = arith.constant 48 : index
        %swap3A_454 = tpu.vector_load %arg7[%swap3A_452, %swap3A_453] {strides = array<i32>} : memref<128x128xf32, #tpu.memory_space<vmem>>, vector<16xf32>,
        tpu.vector_store %arg7[%swap3A_452, %swap3A_453], %mul3A_451 {strides = array<i32>} : memref<128x128xf32, #tpu.memory_space<vmem>>, vector<16xf32>,
        %get3A_455 = arith.index_cast %add3A_414 : i32 to index
        %get3A_456 = arith.constant 64 : index
        %get3A_457 = tpu.vector_load %arg7[%get3A_455, %get3A_456] {strides = array<i32>} : memref<128x128xf32, #tpu.memory_space<vmem>>, vector<16xf32>,
        %mul3A_458 = arith.mulf %get3A_457, %gather3A_426 : vector<16xf32>
        %swap3A_459 = arith.index_cast %add3A_414 : i32 to index
        %swap3A_460 = arith.constant 64 : index
        %swap3A_461 = tpu.vector_load %arg7[%swap3A_459, %swap3A_460] {strides = array<i32>} : memref<128x128xf32, #tpu.memory_space<vmem>>, vector<16xf32>,
        tpu.vector_store %arg7[%swap3A_459, %swap3A_460], %mul3A_458 {strides = array<i32>} : memref<128x128xf32, #tpu.memory_space<vmem>>, vector<16xf32>,
        %get3A_462 = arith.index_cast %add3A_414 : i32 to index
        %get3A_463 = arith.constant 80 : index
        %get3A_464 = tpu.vector_load %arg7[%get3A_462, %get3A_463] {strides = array<i32>} : memref<128x128xf32, #tpu.memory_space<vmem>>, vector<16xf32>,
        %mul3A_465 = arith.mulf %get3A_464, %gather3A_426 : vector<16xf32>
        %swap3A_466 = arith.index_cast %add3A_414 : i32 to index
        %swap3A_467 = arith.constant 80 : index
        %swap3A_468 = tpu.vector_load %arg7[%swap3A_466, %swap3A_467] {strides = array<i32>} : memref<128x128xf32, #tpu.memory_space<vmem>>, vector<16xf32>,
        tpu.vector_store %arg7[%swap3A_466, %swap3A_467], %mul3A_465 {strides = array<i32>} : memref<128x128xf32, #tpu.memory_space<vmem>>, vector<16xf32>,
        %get3A_469 = arith.index_cast %add3A_414 : i32 to index
        %get3A_470 = arith.constant 96 : index
        %get3A_471 = tpu.vector_load %arg7[%get3A_469, %get3A_470] {strides = array<i32>} : memref<128x128xf32, #tpu.memory_space<vmem>>, vector<16xf32>,
        %mul3A_472 = arith.mulf %get3A_471, %gather3A_426 : vector<16xf32>
        %swap3A_473 = arith.index_cast %add3A_414 : i32 to index
        %swap3A_474 = arith.constant 96 : index
        %swap3A_475 = tpu.vector_load %arg7[%swap3A_473, %swap3A_474] {strides = array<i32>} : memref<128x128xf32, #tpu.memory_space<vmem>>, vector<16xf32>,
        tpu.vector_store %arg7[%swap3A_473, %swap3A_474], %mul3A_472 {strides = array<i32>} : memref<128x128xf32, #tpu.memory_space<vmem>>, vector<16xf32>,
        %get3A_476 = arith.index_cast %add3A_414 : i32 to index
        %get3A_477 = arith.constant 112 : index
        %get3A_478 = tpu.vector_load %arg7[%get3A_476, %get3A_477] {strides = array<i32>} : memref<128x128xf32, #tpu.memory_space<vmem>>, vector<16xf32>,
        %mul3A_479 = arith.mulf %get3A_478, %gather3A_426 : vector<16xf32>
        %swap3A_480 = arith.index_cast %add3A_414 : i32 to index
        %swap3A_481 = arith.constant 112 : index
        %swap3A_482 = tpu.vector_load %arg7[%swap3A_480, %swap3A_481] {strides = array<i32>} : memref<128x128xf32, #tpu.memory_space<vmem>>, vector<16xf32>,
        tpu.vector_store %arg7[%swap3A_480, %swap3A_481], %mul3A_479 {strides = array<i32>} : memref<128x128xf32, #tpu.memory_space<vmem>>, vector<16xf32>,
        %mul3A_483 = arith.constant 16 : i32
        %mul3A_484 = arith.muli %scan3A_121, %mul3A_483 : i32
        %add3A_485 = arith.constant 5 : i32
        %add3A_486 = arith.addi %mul3A_484, %add3A_485 : i32
        %broadcast_in_dim3A_487 = arith.constant 5 : i32
        %broadcast_in_dim3A_488 = vector.broadcast %broadcast_in_dim3A_487 : i32 to vector<16xi32>
        %lt3A_489 = arith.constant 0 : i32
        %lt3A_490 = vector.broadcast %lt3A_489 : i32 to vector<16xi32>
        %lt3A_491 = arith.cmpi slt, %broadcast_in_dim3A_488, %lt3A_490 : vector<16xi32>
        %add3A_492 = arith.constant 16 : i32
        %add3A_493 = vector.broadcast %add3A_492 : i32 to vector<16xi32>
        %add3A_494 = arith.addi %broadcast_in_dim3A_488, %add3A_493 : vector<16xi32>
        %select_n3A_495 = arith.select %lt3A_491, %add3A_494, %broadcast_in_dim3A_488 : vector<16xi1>, vector<16xi32>
        %reshape3A_496 = vector.shape_cast %select_n3A_495 : vector<16xi32> to vector<16x1xi32>
        %gather3A_497 = vector.shape_cast %reshape3A_496 : vector<16x1xi32> to vector<16xi32>
        %gather3A_498 = tpu.dynamic_gather %bitcast3A[%gather3A_497] in [0] : vector<16xf32>, vector<16xi32> -> vector<16xf32>
        %get3A_499 = arith.index_cast %add3A_486 : i32 to index
        %get3A_500 = arith.constant 0 : index
        %get3A_501 = tpu.vector_load %arg7[%get3A_499, %get3A_500] {strides = array<i32>} : memref<128x128xf32, #tpu.memory_space<vmem>>, vector<16xf32>,
        %mul3A_502 = arith.mulf %get3A_501, %gather3A_498 : vector<16xf32>
        %swap3A_503 = arith.index_cast %add3A_486 : i32 to index
        %swap3A_504 = arith.constant 0 : index
        %swap3A_505 = tpu.vector_load %arg7[%swap3A_503, %swap3A_504] {strides = array<i32>} : memref<128x128xf32, #tpu.memory_space<vmem>>, vector<16xf32>,
        tpu.vector_store %arg7[%swap3A_503, %swap3A_504], %mul3A_502 {strides = array<i32>} : memref<128x128xf32, #tpu.memory_space<vmem>>, vector<16xf32>,
        %get3A_506 = arith.index_cast %add3A_486 : i32 to index
        %get3A_507 = arith.constant 16 : index
        %get3A_508 = tpu.vector_load %arg7[%get3A_506, %get3A_507] {strides = array<i32>} : memref<128x128xf32, #tpu.memory_space<vmem>>, vector<16xf32>,
        %mul3A_509 = arith.mulf %get3A_508, %gather3A_498 : vector<16xf32>
        %swap3A_510 = arith.index_cast %add3A_486 : i32 to index
        %swap3A_511 = arith.constant 16 : index
        %swap3A_512 = tpu.vector_load %arg7[%swap3A_510, %swap3A_511] {strides = array<i32>} : memref<128x128xf32, #tpu.memory_space<vmem>>, vector<16xf32>,
        tpu.vector_store %arg7[%swap3A_510, %swap3A_511], %mul3A_509 {strides = array<i32>} : memref<128x128xf32, #tpu.memory_space<vmem>>, vector<16xf32>,
        %get3A_513 = arith.index_cast %add3A_486 : i32 to index
        %get3A_514 = arith.constant 32 : index
        %get3A_515 = tpu.vector_load %arg7[%get3A_513, %get3A_514] {strides = array<i32>} : memref<128x128xf32, #tpu.memory_space<vmem>>, vector<16xf32>,
        %mul3A_516 = arith.mulf %get3A_515, %gather3A_498 : vector<16xf32>
        %swap3A_517 = arith.index_cast %add3A_486 : i32 to index
        %swap3A_518 = arith.constant 32 : index
        %swap3A_519 = tpu.vector_load %arg7[%swap3A_517, %swap3A_518] {strides = array<i32>} : memref<128x128xf32, #tpu.memory_space<vmem>>, vector<16xf32>,
        tpu.vector_store %arg7[%swap3A_517, %swap3A_518], %mul3A_516 {strides = array<i32>} : memref<128x128xf32, #tpu.memory_space<vmem>>, vector<16xf32>,
        %get3A_520 = arith.index_cast %add3A_486 : i32 to index
        %get3A_521 = arith.constant 48 : index
        %get3A_522 = tpu.vector_load %arg7[%get3A_520, %get3A_521] {strides = array<i32>} : memref<128x128xf32, #tpu.memory_space<vmem>>, vector<16xf32>,
        %mul3A_523 = arith.mulf %get3A_522, %gather3A_498 : vector<16xf32>
        %swap3A_524 = arith.index_cast %add3A_486 : i32 to index
        %swap3A_525 = arith.constant 48 : index
        %swap3A_526 = tpu.vector_load %arg7[%swap3A_524, %swap3A_525] {strides = array<i32>} : memref<128x128xf32, #tpu.memory_space<vmem>>, vector<16xf32>,
        tpu.vector_store %arg7[%swap3A_524, %swap3A_525], %mul3A_523 {strides = array<i32>} : memref<128x128xf32, #tpu.memory_space<vmem>>, vector<16xf32>,
        %get3A_527 = arith.index_cast %add3A_486 : i32 to index
        %get3A_528 = arith.constant 64 : index
        %get3A_529 = tpu.vector_load %arg7[%get3A_527, %get3A_528] {strides = array<i32>} : memref<128x128xf32, #tpu.memory_space<vmem>>, vector<16xf32>,
        %mul3A_530 = arith.mulf %get3A_529, %gather3A_498 : vector<16xf32>
        %swap3A_531 = arith.index_cast %add3A_486 : i32 to index
        %swap3A_532 = arith.constant 64 : index
        %swap3A_533 = tpu.vector_load %arg7[%swap3A_531, %swap3A_532] {strides = array<i32>} : memref<128x128xf32, #tpu.memory_space<vmem>>, vector<16xf32>,
        tpu.vector_store %arg7[%swap3A_531, %swap3A_532], %mul3A_530 {strides = array<i32>} : memref<128x128xf32, #tpu.memory_space<vmem>>, vector<16xf32>,
        %get3A_534 = arith.index_cast %add3A_486 : i32 to index
        %get3A_535 = arith.constant 80 : index
        %get3A_536 = tpu.vector_load %arg7[%get3A_534, %get3A_535] {strides = array<i32>} : memref<128x128xf32, #tpu.memory_space<vmem>>, vector<16xf32>,
        %mul3A_537 = arith.mulf %get3A_536, %gather3A_498 : vector<16xf32>
        %swap3A_538 = arith.index_cast %add3A_486 : i32 to index
        %swap3A_539 = arith.constant 80 : index
        %swap3A_540 = tpu.vector_load %arg7[%swap3A_538, %swap3A_539] {strides = array<i32>} : memref<128x128xf32, #tpu.memory_space<vmem>>, vector<16xf32>,
        tpu.vector_store %arg7[%swap3A_538, %swap3A_539], %mul3A_537 {strides = array<i32>} : memref<128x128xf32, #tpu.memory_space<vmem>>, vector<16xf32>,
        %get3A_541 = arith.index_cast %add3A_486 : i32 to index
        %get3A_542 = arith.constant 96 : index
        %get3A_543 = tpu.vector_load %arg7[%get3A_541, %get3A_542] {strides = array<i32>} : memref<128x128xf32, #tpu.memory_space<vmem>>, vector<16xf32>,
        %mul3A_544 = arith.mulf %get3A_543, %gather3A_498 : vector<16xf32>
        %swap3A_545 = arith.index_cast %add3A_486 : i32 to index
        %swap3A_546 = arith.constant 96 : index
        %swap3A_547 = tpu.vector_load %arg7[%swap3A_545, %swap3A_546] {strides = array<i32>} : memref<128x128xf32, #tpu.memory_space<vmem>>, vector<16xf32>,
        tpu.vector_store %arg7[%swap3A_545, %swap3A_546], %mul3A_544 {strides = array<i32>} : memref<128x128xf32, #tpu.memory_space<vmem>>, vector<16xf32>,
        %get3A_548 = arith.index_cast %add3A_486 : i32 to index
        %get3A_549 = arith.constant 112 : index
        %get3A_550 = tpu.vector_load %arg7[%get3A_548, %get3A_549] {strides = array<i32>} : memref<128x128xf32, #tpu.memory_space<vmem>>, vector<16xf32>,
        %mul3A_551 = arith.mulf %get3A_550, %gather3A_498 : vector<16xf32>
        %swap3A_552 = arith.index_cast %add3A_486 : i32 to index
        %swap3A_553 = arith.constant 112 : index
        %swap3A_554 = tpu.vector_load %arg7[%swap3A_552, %swap3A_553] {strides = array<i32>} : memref<128x128xf32, #tpu.memory_space<vmem>>, vector<16xf32>,
        tpu.vector_store %arg7[%swap3A_552, %swap3A_553], %mul3A_551 {strides = array<i32>} : memref<128x128xf32, #tpu.memory_space<vmem>>, vector<16xf32>,
        %mul3A_555 = arith.constant 16 : i32
        %mul3A_556 = arith.muli %scan3A_121, %mul3A_555 : i32
        %add3A_557 = arith.constant 6 : i32
        %add3A_558 = arith.addi %mul3A_556, %add3A_557 : i32
        %broadcast_in_dim3A_559 = arith.constant 6 : i32
        %broadcast_in_dim3A_560 = vector.broadcast %broadcast_in_dim3A_559 : i32 to vector<16xi32>
        %lt3A_561 = arith.constant 0 : i32
        %lt3A_562 = vector.broadcast %lt3A_561 : i32 to vector<16xi32>
        %lt3A_563 = arith.cmpi slt, %broadcast_in_dim3A_560, %lt3A_562 : vector<16xi32>
        %add3A_564 = arith.constant 16 : i32
        %add3A_565 = vector.broadcast %add3A_564 : i32 to vector<16xi32>
        %add3A_566 = arith.addi %broadcast_in_dim3A_560, %add3A_565 : vector<16xi32>
        %select_n3A_567 = arith.select %lt3A_563, %add3A_566, %broadcast_in_dim3A_560 : vector<16xi1>, vector<16xi32>
        %reshape3A_568 = vector.shape_cast %select_n3A_567 : vector<16xi32> to vector<16x1xi32>
        %gather3A_569 = vector.shape_cast %reshape3A_568 : vector<16x1xi32> to vector<16xi32>
        %gather3A_570 = tpu.dynamic_gather %bitcast3A[%gather3A_569] in [0] : vector<16xf32>, vector<16xi32> -> vector<16xf32>
        %get3A_571 = arith.index_cast %add3A_558 : i32 to index
        %get3A_572 = arith.constant 0 : index
        %get3A_573 = tpu.vector_load %arg7[%get3A_571, %get3A_572] {strides = array<i32>} : memref<128x128xf32, #tpu.memory_space<vmem>>, vector<16xf32>,
        %mul3A_574 = arith.mulf %get3A_573, %gather3A_570 : vector<16xf32>
        %swap3A_575 = arith.index_cast %add3A_558 : i32 to index
        %swap3A_576 = arith.constant 0 : index
        %swap3A_577 = tpu.vector_load %arg7[%swap3A_575, %swap3A_576] {strides = array<i32>} : memref<128x128xf32, #tpu.memory_space<vmem>>, vector<16xf32>,
        tpu.vector_store %arg7[%swap3A_575, %swap3A_576], %mul3A_574 {strides = array<i32>} : memref<128x128xf32, #tpu.memory_space<vmem>>, vector<16xf32>,
        %get3A_578 = arith.index_cast %add3A_558 : i32 to index
        %get3A_579 = arith.constant 16 : index
        %get3A_580 = tpu.vector_load %arg7[%get3A_578, %get3A_579] {strides = array<i32>} : memref<128x128xf32, #tpu.memory_space<vmem>>, vector<16xf32>,
        %mul3A_581 = arith.mulf %get3A_580, %gather3A_570 : vector<16xf32>
        %swap3A_582 = arith.index_cast %add3A_558 : i32 to index
        %swap3A_583 = arith.constant 16 : index
        %swap3A_584 = tpu.vector_load %arg7[%swap3A_582, %swap3A_583] {strides = array<i32>} : memref<128x128xf32, #tpu.memory_space<vmem>>, vector<16xf32>,
        tpu.vector_store %arg7[%swap3A_582, %swap3A_583], %mul3A_581 {strides = array<i32>} : memref<128x128xf32, #tpu.memory_space<vmem>>, vector<16xf32>,
        %get3A_585 = arith.index_cast %add3A_558 : i32 to index
        %get3A_586 = arith.constant 32 : index
        %get3A_587 = tpu.vector_load %arg7[%get3A_585, %get3A_586] {strides = array<i32>} : memref<128x128xf32, #tpu.memory_space<vmem>>, vector<16xf32>,
        %mul3A_588 = arith.mulf %get3A_587, %gather3A_570 : vector<16xf32>
        %swap3A_589 = arith.index_cast %add3A_558 : i32 to index
        %swap3A_590 = arith.constant 32 : index
        %swap3A_591 = tpu.vector_load %arg7[%swap3A_589, %swap3A_590] {strides = array<i32>} : memref<128x128xf32, #tpu.memory_space<vmem>>, vector<16xf32>,
        tpu.vector_store %arg7[%swap3A_589, %swap3A_590], %mul3A_588 {strides = array<i32>} : memref<128x128xf32, #tpu.memory_space<vmem>>, vector<16xf32>,
        %get3A_592 = arith.index_cast %add3A_558 : i32 to index
        %get3A_593 = arith.constant 48 : index
        %get3A_594 = tpu.vector_load %arg7[%get3A_592, %get3A_593] {strides = array<i32>} : memref<128x128xf32, #tpu.memory_space<vmem>>, vector<16xf32>,
        %mul3A_595 = arith.mulf %get3A_594, %gather3A_570 : vector<16xf32>
        %swap3A_596 = arith.index_cast %add3A_558 : i32 to index
        %swap3A_597 = arith.constant 48 : index
        %swap3A_598 = tpu.vector_load %arg7[%swap3A_596, %swap3A_597] {strides = array<i32>} : memref<128x128xf32, #tpu.memory_space<vmem>>, vector<16xf32>,
        tpu.vector_store %arg7[%swap3A_596, %swap3A_597], %mul3A_595 {strides = array<i32>} : memref<128x128xf32, #tpu.memory_space<vmem>>, vector<16xf32>,
        %get3A_599 = arith.index_cast %add3A_558 : i32 to index
        %get3A_600 = arith.constant 64 : index
        %get3A_601 = tpu.vector_load %arg7[%get3A_599, %get3A_600] {strides = array<i32>} : memref<128x128xf32, #tpu.memory_space<vmem>>, vector<16xf32>,
        %mul3A_602 = arith.mulf %get3A_601, %gather3A_570 : vector<16xf32>
        %swap3A_603 = arith.index_cast %add3A_558 : i32 to index
        %swap3A_604 = arith.constant 64 : index
        %swap3A_605 = tpu.vector_load %arg7[%swap3A_603, %swap3A_604] {strides = array<i32>} : memref<128x128xf32, #tpu.memory_space<vmem>>, vector<16xf32>,
        tpu.vector_store %arg7[%swap3A_603, %swap3A_604], %mul3A_602 {strides = array<i32>} : memref<128x128xf32, #tpu.memory_space<vmem>>, vector<16xf32>,
        %get3A_606 = arith.index_cast %add3A_558 : i32 to index
        %get3A_607 = arith.constant 80 : index
        %get3A_608 = tpu.vector_load %arg7[%get3A_606, %get3A_607] {strides = array<i32>} : memref<128x128xf32, #tpu.memory_space<vmem>>, vector<16xf32>,
        %mul3A_609 = arith.mulf %get3A_608, %gather3A_570 : vector<16xf32>
        %swap3A_610 = arith.index_cast %add3A_558 : i32 to index
        %swap3A_611 = arith.constant 80 : index
        %swap3A_612 = tpu.vector_load %arg7[%swap3A_610, %swap3A_611] {strides = array<i32>} : memref<128x128xf32, #tpu.memory_space<vmem>>, vector<16xf32>,
        tpu.vector_store %arg7[%swap3A_610, %swap3A_611], %mul3A_609 {strides = array<i32>} : memref<128x128xf32, #tpu.memory_space<vmem>>, vector<16xf32>,
        %get3A_613 = arith.index_cast %add3A_558 : i32 to index
        %get3A_614 = arith.constant 96 : index
        %get3A_615 = tpu.vector_load %arg7[%get3A_613, %get3A_614] {strides = array<i32>} : memref<128x128xf32, #tpu.memory_space<vmem>>, vector<16xf32>,
        %mul3A_616 = arith.mulf %get3A_615, %gather3A_570 : vector<16xf32>
        %swap3A_617 = arith.index_cast %add3A_558 : i32 to index
        %swap3A_618 = arith.constant 96 : index
        %swap3A_619 = tpu.vector_load %arg7[%swap3A_617, %swap3A_618] {strides = array<i32>} : memref<128x128xf32, #tpu.memory_space<vmem>>, vector<16xf32>,
        tpu.vector_store %arg7[%swap3A_617, %swap3A_618], %mul3A_616 {strides = array<i32>} : memref<128x128xf32, #tpu.memory_space<vmem>>, vector<16xf32>,
        %get3A_620 = arith.index_cast %add3A_558 : i32 to index
        %get3A_621 = arith.constant 112 : index
        %get3A_622 = tpu.vector_load %arg7[%get3A_620, %get3A_621] {strides = array<i32>} : memref<128x128xf32, #tpu.memory_space<vmem>>, vector<16xf32>,
        %mul3A_623 = arith.mulf %get3A_622, %gather3A_570 : vector<16xf32>
        %swap3A_624 = arith.index_cast %add3A_558 : i32 to index
        %swap3A_625 = arith.constant 112 : index
        %swap3A_626 = tpu.vector_load %arg7[%swap3A_624, %swap3A_625] {strides = array<i32>} : memref<128x128xf32, #tpu.memory_space<vmem>>, vector<16xf32>,
        tpu.vector_store %arg7[%swap3A_624, %swap3A_625], %mul3A_623 {strides = array<i32>} : memref<128x128xf32, #tpu.memory_space<vmem>>, vector<16xf32>,
        %mul3A_627 = arith.constant 16 : i32
        %mul3A_628 = arith.muli %scan3A_121, %mul3A_627 : i32
        %add3A_629 = arith.constant 7 : i32
        %add3A_630 = arith.addi %mul3A_628, %add3A_629 : i32
        %broadcast_in_dim3A_631 = arith.constant 7 : i32
        %broadcast_in_dim3A_632 = vector.broadcast %broadcast_in_dim3A_631 : i32 to vector<16xi32>
        %lt3A_633 = arith.constant 0 : i32
        %lt3A_634 = vector.broadcast %lt3A_633 : i32 to vector<16xi32>
        %lt3A_635 = arith.cmpi slt, %broadcast_in_dim3A_632, %lt3A_634 : vector<16xi32>
        %add3A_636 = arith.constant 16 : i32
        %add3A_637 = vector.broadcast %add3A_636 : i32 to vector<16xi32>
        %add3A_638 = arith.addi %broadcast_in_dim3A_632, %add3A_637 : vector<16xi32>
        %select_n3A_639 = arith.select %lt3A_635, %add3A_638, %broadcast_in_dim3A_632 : vector<16xi1>, vector<16xi32>
        %reshape3A_640 = vector.shape_cast %select_n3A_639 : vector<16xi32> to vector<16x1xi32>
        %gather3A_641 = vector.shape_cast %reshape3A_640 : vector<16x1xi32> to vector<16xi32>
        %gather3A_642 = tpu.dynamic_gather %bitcast3A[%gather3A_641] in [0] : vector<16xf32>, vector<16xi32> -> vector<16xf32>
        %get3A_643 = arith.index_cast %add3A_630 : i32 to index
        %get3A_644 = arith.constant 0 : index
        %get3A_645 = tpu.vector_load %arg7[%get3A_643, %get3A_644] {strides = array<i32>} : memref<128x128xf32, #tpu.memory_space<vmem>>, vector<16xf32>,
        %mul3A_646 = arith.mulf %get3A_645, %gather3A_642 : vector<16xf32>
        %swap3A_647 = arith.index_cast %add3A_630 : i32 to index
        %swap3A_648 = arith.constant 0 : index
        %swap3A_649 = tpu.vector_load %arg7[%swap3A_647, %swap3A_648] {strides = array<i32>} : memref<128x128xf32, #tpu.memory_space<vmem>>, vector<16xf32>,
        tpu.vector_store %arg7[%swap3A_647, %swap3A_648], %mul3A_646 {strides = array<i32>} : memref<128x128xf32, #tpu.memory_space<vmem>>, vector<16xf32>,
        %get3A_650 = arith.index_cast %add3A_630 : i32 to index
        %get3A_651 = arith.constant 16 : index
        %get3A_652 = tpu.vector_load %arg7[%get3A_650, %get3A_651] {strides = array<i32>} : memref<128x128xf32, #tpu.memory_space<vmem>>, vector<16xf32>,
        %mul3A_653 = arith.mulf %get3A_652, %gather3A_642 : vector<16xf32>
        %swap3A_654 = arith.index_cast %add3A_630 : i32 to index
        %swap3A_655 = arith.constant 16 : index
        %swap3A_656 = tpu.vector_load %arg7[%swap3A_654, %swap3A_655] {strides = array<i32>} : memref<128x128xf32, #tpu.memory_space<vmem>>, vector<16xf32>,
        tpu.vector_store %arg7[%swap3A_654, %swap3A_655], %mul3A_653 {strides = array<i32>} : memref<128x128xf32, #tpu.memory_space<vmem>>, vector<16xf32>,
        %get3A_657 = arith.index_cast %add3A_630 : i32 to index
        %get3A_658 = arith.constant 32 : index
        %get3A_659 = tpu.vector_load %arg7[%get3A_657, %get3A_658] {strides = array<i32>} : memref<128x128xf32, #tpu.memory_space<vmem>>, vector<16xf32>,
        %mul3A_660 = arith.mulf %get3A_659, %gather3A_642 : vector<16xf32>
        %swap3A_661 = arith.index_cast %add3A_630 : i32 to index
        %swap3A_662 = arith.constant 32 : index
        %swap3A_663 = tpu.vector_load %arg7[%swap3A_661, %swap3A_662] {strides = array<i32>} : memref<128x128xf32, #tpu.memory_space<vmem>>, vector<16xf32>,
        tpu.vector_store %arg7[%swap3A_661, %swap3A_662], %mul3A_660 {strides = array<i32>} : memref<128x128xf32, #tpu.memory_space<vmem>>, vector<16xf32>,
        %get3A_664 = arith.index_cast %add3A_630 : i32 to index
        %get3A_665 = arith.constant 48 : index
        %get3A_666 = tpu.vector_load %arg7[%get3A_664, %get3A_665] {strides = array<i32>} : memref<128x128xf32, #tpu.memory_space<vmem>>, vector<16xf32>,
        %mul3A_667 = arith.mulf %get3A_666, %gather3A_642 : vector<16xf32>
        %swap3A_668 = arith.index_cast %add3A_630 : i32 to index
        %swap3A_669 = arith.constant 48 : index
        %swap3A_670 = tpu.vector_load %arg7[%swap3A_668, %swap3A_669] {strides = array<i32>} : memref<128x128xf32, #tpu.memory_space<vmem>>, vector<16xf32>,
        tpu.vector_store %arg7[%swap3A_668, %swap3A_669], %mul3A_667 {strides = array<i32>} : memref<128x128xf32, #tpu.memory_space<vmem>>, vector<16xf32>,
        %get3A_671 = arith.index_cast %add3A_630 : i32 to index
        %get3A_672 = arith.constant 64 : index
        %get3A_673 = tpu.vector_load %arg7[%get3A_671, %get3A_672] {strides = array<i32>} : memref<128x128xf32, #tpu.memory_space<vmem>>, vector<16xf32>,
        %mul3A_674 = arith.mulf %get3A_673, %gather3A_642 : vector<16xf32>
        %swap3A_675 = arith.index_cast %add3A_630 : i32 to index
        %swap3A_676 = arith.constant 64 : index
        %swap3A_677 = tpu.vector_load %arg7[%swap3A_675, %swap3A_676] {strides = array<i32>} : memref<128x128xf32, #tpu.memory_space<vmem>>, vector<16xf32>,
        tpu.vector_store %arg7[%swap3A_675, %swap3A_676], %mul3A_674 {strides = array<i32>} : memref<128x128xf32, #tpu.memory_space<vmem>>, vector<16xf32>,
        %get3A_678 = arith.index_cast %add3A_630 : i32 to index
        %get3A_679 = arith.constant 80 : index
        %get3A_680 = tpu.vector_load %arg7[%get3A_678, %get3A_679] {strides = array<i32>} : memref<128x128xf32, #tpu.memory_space<vmem>>, vector<16xf32>,
        %mul3A_681 = arith.mulf %get3A_680, %gather3A_642 : vector<16xf32>
        %swap3A_682 = arith.index_cast %add3A_630 : i32 to index
        %swap3A_683 = arith.constant 80 : index
        %swap3A_684 = tpu.vector_load %arg7[%swap3A_682, %swap3A_683] {strides = array<i32>} : memref<128x128xf32, #tpu.memory_space<vmem>>, vector<16xf32>,
        tpu.vector_store %arg7[%swap3A_682, %swap3A_683], %mul3A_681 {strides = array<i32>} : memref<128x128xf32, #tpu.memory_space<vmem>>, vector<16xf32>,
        %get3A_685 = arith.index_cast %add3A_630 : i32 to index
        %get3A_686 = arith.constant 96 : index
        %get3A_687 = tpu.vector_load %arg7[%get3A_685, %get3A_686] {strides = array<i32>} : memref<128x128xf32, #tpu.memory_space<vmem>>, vector<16xf32>,
        %mul3A_688 = arith.mulf %get3A_687, %gather3A_642 : vector<16xf32>
        %swap3A_689 = arith.index_cast %add3A_630 : i32 to index
        %swap3A_690 = arith.constant 96 : index
        %swap3A_691 = tpu.vector_load %arg7[%swap3A_689, %swap3A_690] {strides = array<i32>} : memref<128x128xf32, #tpu.memory_space<vmem>>, vector<16xf32>,
        tpu.vector_store %arg7[%swap3A_689, %swap3A_690], %mul3A_688 {strides = array<i32>} : memref<128x128xf32, #tpu.memory_space<vmem>>, vector<16xf32>,
        %get3A_692 = arith.index_cast %add3A_630 : i32 to index
        %get3A_693 = arith.constant 112 : index
        %get3A_694 = tpu.vector_load %arg7[%get3A_692, %get3A_693] {strides = array<i32>} : memref<128x128xf32, #tpu.memory_space<vmem>>, vector<16xf32>,
        %mul3A_695 = arith.mulf %get3A_694, %gather3A_642 : vector<16xf32>
        %swap3A_696 = arith.index_cast %add3A_630 : i32 to index
        %swap3A_697 = arith.constant 112 : index
        %swap3A_698 = tpu.vector_load %arg7[%swap3A_696, %swap3A_697] {strides = array<i32>} : memref<128x128xf32, #tpu.memory_space<vmem>>, vector<16xf32>,
        tpu.vector_store %arg7[%swap3A_696, %swap3A_697], %mul3A_695 {strides = array<i32>} : memref<128x128xf32, #tpu.memory_space<vmem>>, vector<16xf32>,
        %mul3A_699 = arith.constant 16 : i32
        %mul3A_700 = arith.muli %scan3A_121, %mul3A_699 : i32
        %add3A_701 = arith.constant 8 : i32
        %add3A_702 = arith.addi %mul3A_700, %add3A_701 : i32
        %broadcast_in_dim3A_703 = arith.constant 8 : i32
        %broadcast_in_dim3A_704 = vector.broadcast %broadcast_in_dim3A_703 : i32 to vector<16xi32>
        %lt3A_705 = arith.constant 0 : i32
        %lt3A_706 = vector.broadcast %lt3A_705 : i32 to vector<16xi32>
        %lt3A_707 = arith.cmpi slt, %broadcast_in_dim3A_704, %lt3A_706 : vector<16xi32>
        %add3A_708 = arith.constant 16 : i32
        %add3A_709 = vector.broadcast %add3A_708 : i32 to vector<16xi32>
        %add3A_710 = arith.addi %broadcast_in_dim3A_704, %add3A_709 : vector<16xi32>
        %select_n3A_711 = arith.select %lt3A_707, %add3A_710, %broadcast_in_dim3A_704 : vector<16xi1>, vector<16xi32>
        %reshape3A_712 = vector.shape_cast %select_n3A_711 : vector<16xi32> to vector<16x1xi32>
        %gather3A_713 = vector.shape_cast %reshape3A_712 : vector<16x1xi32> to vector<16xi32>
        %gather3A_714 = tpu.dynamic_gather %bitcast3A[%gather3A_713] in [0] : vector<16xf32>, vector<16xi32> -> vector<16xf32>
        %get3A_715 = arith.index_cast %add3A_702 : i32 to index
        %get3A_716 = arith.constant 0 : index
        %get3A_717 = tpu.vector_load %arg7[%get3A_715, %get3A_716] {strides = array<i32>} : memref<128x128xf32, #tpu.memory_space<vmem>>, vector<16xf32>,
        %mul3A_718 = arith.mulf %get3A_717, %gather3A_714 : vector<16xf32>
        %swap3A_719 = arith.index_cast %add3A_702 : i32 to index
        %swap3A_720 = arith.constant 0 : index
        %swap3A_721 = tpu.vector_load %arg7[%swap3A_719, %swap3A_720] {strides = array<i32>} : memref<128x128xf32, #tpu.memory_space<vmem>>, vector<16xf32>,
        tpu.vector_store %arg7[%swap3A_719, %swap3A_720], %mul3A_718 {strides = array<i32>} : memref<128x128xf32, #tpu.memory_space<vmem>>, vector<16xf32>,
        %get3A_722 = arith.index_cast %add3A_702 : i32 to index
        %get3A_723 = arith.constant 16 : index
        %get3A_724 = tpu.vector_load %arg7[%get3A_722, %get3A_723] {strides = array<i32>} : memref<128x128xf32, #tpu.memory_space<vmem>>, vector<16xf32>,
        %mul3A_725 = arith.mulf %get3A_724, %gather3A_714 : vector<16xf32>
        %swap3A_726 = arith.index_cast %add3A_702 : i32 to index
        %swap3A_727 = arith.constant 16 : index
        %swap3A_728 = tpu.vector_load %arg7[%swap3A_726, %swap3A_727] {strides = array<i32>} : memref<128x128xf32, #tpu.memory_space<vmem>>, vector<16xf32>,
        tpu.vector_store %arg7[%swap3A_726, %swap3A_727], %mul3A_725 {strides = array<i32>} : memref<128x128xf32, #tpu.memory_space<vmem>>, vector<16xf32>,
        %get3A_729 = arith.index_cast %add3A_702 : i32 to index
        %get3A_730 = arith.constant 32 : index
        %get3A_731 = tpu.vector_load %arg7[%get3A_729, %get3A_730] {strides = array<i32>} : memref<128x128xf32, #tpu.memory_space<vmem>>, vector<16xf32>,
        %mul3A_732 = arith.mulf %get3A_731, %gather3A_714 : vector<16xf32>
        %swap3A_733 = arith.index_cast %add3A_702 : i32 to index
        %swap3A_734 = arith.constant 32 : index
        %swap3A_735 = tpu.vector_load %arg7[%swap3A_733, %swap3A_734] {strides = array<i32>} : memref<128x128xf32, #tpu.memory_space<vmem>>, vector<16xf32>,
        tpu.vector_store %arg7[%swap3A_733, %swap3A_734], %mul3A_732 {strides = array<i32>} : memref<128x128xf32, #tpu.memory_space<vmem>>, vector<16xf32>,
        %get3A_736 = arith.index_cast %add3A_702 : i32 to index
        %get3A_737 = arith.constant 48 : index
        %get3A_738 = tpu.vector_load %arg7[%get3A_736, %get3A_737] {strides = array<i32>} : memref<128x128xf32, #tpu.memory_space<vmem>>, vector<16xf32>,
        %mul3A_739 = arith.mulf %get3A_738, %gather3A_714 : vector<16xf32>
        %swap3A_740 = arith.index_cast %add3A_702 : i32 to index
        %swap3A_741 = arith.constant 48 : index
        %swap3A_742 = tpu.vector_load %arg7[%swap3A_740, %swap3A_741] {strides = array<i32>} : memref<128x128xf32, #tpu.memory_space<vmem>>, vector<16xf32>,
        tpu.vector_store %arg7[%swap3A_740, %swap3A_741], %mul3A_739 {strides = array<i32>} : memref<128x128xf32, #tpu.memory_space<vmem>>, vector<16xf32>,
        %get3A_743 = arith.index_cast %add3A_702 : i32 to index
        %get3A_744 = arith.constant 64 : index
        %get3A_745 = tpu.vector_load %arg7[%get3A_743, %get3A_744] {strides = array<i32>} : memref<128x128xf32, #tpu.memory_space<vmem>>, vector<16xf32>,
        %mul3A_746 = arith.mulf %get3A_745, %gather3A_714 : vector<16xf32>
        %swap3A_747 = arith.index_cast %add3A_702 : i32 to index
        %swap3A_748 = arith.constant 64 : index
        %swap3A_749 = tpu.vector_load %arg7[%swap3A_747, %swap3A_748] {strides = array<i32>} : memref<128x128xf32, #tpu.memory_space<vmem>>, vector<16xf32>,
        tpu.vector_store %arg7[%swap3A_747, %swap3A_748], %mul3A_746 {strides = array<i32>} : memref<128x128xf32, #tpu.memory_space<vmem>>, vector<16xf32>,
        %get3A_750 = arith.index_cast %add3A_702 : i32 to index
        %get3A_751 = arith.constant 80 : index
        %get3A_752 = tpu.vector_load %arg7[%get3A_750, %get3A_751] {strides = array<i32>} : memref<128x128xf32, #tpu.memory_space<vmem>>, vector<16xf32>,
        %mul3A_753 = arith.mulf %get3A_752, %gather3A_714 : vector<16xf32>
        %swap3A_754 = arith.index_cast %add3A_702 : i32 to index
        %swap3A_755 = arith.constant 80 : index
        %swap3A_756 = tpu.vector_load %arg7[%swap3A_754, %swap3A_755] {strides = array<i32>} : memref<128x128xf32, #tpu.memory_space<vmem>>, vector<16xf32>,
        tpu.vector_store %arg7[%swap3A_754, %swap3A_755], %mul3A_753 {strides = array<i32>} : memref<128x128xf32, #tpu.memory_space<vmem>>, vector<16xf32>,
        %get3A_757 = arith.index_cast %add3A_702 : i32 to index
        %get3A_758 = arith.constant 96 : index
        %get3A_759 = tpu.vector_load %arg7[%get3A_757, %get3A_758] {strides = array<i32>} : memref<128x128xf32, #tpu.memory_space<vmem>>, vector<16xf32>,
        %mul3A_760 = arith.mulf %get3A_759, %gather3A_714 : vector<16xf32>
        %swap3A_761 = arith.index_cast %add3A_702 : i32 to index
        %swap3A_762 = arith.constant 96 : index
        %swap3A_763 = tpu.vector_load %arg7[%swap3A_761, %swap3A_762] {strides = array<i32>} : memref<128x128xf32, #tpu.memory_space<vmem>>, vector<16xf32>,
        tpu.vector_store %arg7[%swap3A_761, %swap3A_762], %mul3A_760 {strides = array<i32>} : memref<128x128xf32, #tpu.memory_space<vmem>>, vector<16xf32>,
        %get3A_764 = arith.index_cast %add3A_702 : i32 to index
        %get3A_765 = arith.constant 112 : index
        %get3A_766 = tpu.vector_load %arg7[%get3A_764, %get3A_765] {strides = array<i32>} : memref<128x128xf32, #tpu.memory_space<vmem>>, vector<16xf32>,
        %mul3A_767 = arith.mulf %get3A_766, %gather3A_714 : vector<16xf32>
        %swap3A_768 = arith.index_cast %add3A_702 : i32 to index
        %swap3A_769 = arith.constant 112 : index
        %swap3A_770 = tpu.vector_load %arg7[%swap3A_768, %swap3A_769] {strides = array<i32>} : memref<128x128xf32, #tpu.memory_space<vmem>>, vector<16xf32>,
        tpu.vector_store %arg7[%swap3A_768, %swap3A_769], %mul3A_767 {strides = array<i32>} : memref<128x128xf32, #tpu.memory_space<vmem>>, vector<16xf32>,
        %mul3A_771 = arith.constant 16 : i32
        %mul3A_772 = arith.muli %scan3A_121, %mul3A_771 : i32
        %add3A_773 = arith.constant 9 : i32
        %add3A_774 = arith.addi %mul3A_772, %add3A_773 : i32
        %broadcast_in_dim3A_775 = arith.constant 9 : i32
        %broadcast_in_dim3A_776 = vector.broadcast %broadcast_in_dim3A_775 : i32 to vector<16xi32>
        %lt3A_777 = arith.constant 0 : i32
        %lt3A_778 = vector.broadcast %lt3A_777 : i32 to vector<16xi32>
        %lt3A_779 = arith.cmpi slt, %broadcast_in_dim3A_776, %lt3A_778 : vector<16xi32>
        %add3A_780 = arith.constant 16 : i32
        %add3A_781 = vector.broadcast %add3A_780 : i32 to vector<16xi32>
        %add3A_782 = arith.addi %broadcast_in_dim3A_776, %add3A_781 : vector<16xi32>
        %select_n3A_783 = arith.select %lt3A_779, %add3A_782, %broadcast_in_dim3A_776 : vector<16xi1>, vector<16xi32>
        %reshape3A_784 = vector.shape_cast %select_n3A_783 : vector<16xi32> to vector<16x1xi32>
        %gather3A_785 = vector.shape_cast %reshape3A_784 : vector<16x1xi32> to vector<16xi32>
        %gather3A_786 = tpu.dynamic_gather %bitcast3A[%gather3A_785] in [0] : vector<16xf32>, vector<16xi32> -> vector<16xf32>
        %get3A_787 = arith.index_cast %add3A_774 : i32 to index
        %get3A_788 = arith.constant 0 : index
        %get3A_789 = tpu.vector_load %arg7[%get3A_787, %get3A_788] {strides = array<i32>} : memref<128x128xf32, #tpu.memory_space<vmem>>, vector<16xf32>,
        %mul3A_790 = arith.mulf %get3A_789, %gather3A_786 : vector<16xf32>
        %swap3A_791 = arith.index_cast %add3A_774 : i32 to index
        %swap3A_792 = arith.constant 0 : index
        %swap3A_793 = tpu.vector_load %arg7[%swap3A_791, %swap3A_792] {strides = array<i32>} : memref<128x128xf32, #tpu.memory_space<vmem>>, vector<16xf32>,
        tpu.vector_store %arg7[%swap3A_791, %swap3A_792], %mul3A_790 {strides = array<i32>} : memref<128x128xf32, #tpu.memory_space<vmem>>, vector<16xf32>,
        %get3A_794 = arith.index_cast %add3A_774 : i32 to index
        %get3A_795 = arith.constant 16 : index
        %get3A_796 = tpu.vector_load %arg7[%get3A_794, %get3A_795] {strides = array<i32>} : memref<128x128xf32, #tpu.memory_space<vmem>>, vector<16xf32>,
        %mul3A_797 = arith.mulf %get3A_796, %gather3A_786 : vector<16xf32>
        %swap3A_798 = arith.index_cast %add3A_774 : i32 to index
        %swap3A_799 = arith.constant 16 : index
        %swap3A_800 = tpu.vector_load %arg7[%swap3A_798, %swap3A_799] {strides = array<i32>} : memref<128x128xf32, #tpu.memory_space<vmem>>, vector<16xf32>,
        tpu.vector_store %arg7[%swap3A_798, %swap3A_799], %mul3A_797 {strides = array<i32>} : memref<128x128xf32, #tpu.memory_space<vmem>>, vector<16xf32>,
        %get3A_801 = arith.index_cast %add3A_774 : i32 to index
        %get3A_802 = arith.constant 32 : index
        %get3A_803 = tpu.vector_load %arg7[%get3A_801, %get3A_802] {strides = array<i32>} : memref<128x128xf32, #tpu.memory_space<vmem>>, vector<16xf32>,
        %mul3A_804 = arith.mulf %get3A_803, %gather3A_786 : vector<16xf32>
        %swap3A_805 = arith.index_cast %add3A_774 : i32 to index
        %swap3A_806 = arith.constant 32 : index
        %swap3A_807 = tpu.vector_load %arg7[%swap3A_805, %swap3A_806] {strides = array<i32>} : memref<128x128xf32, #tpu.memory_space<vmem>>, vector<16xf32>,
        tpu.vector_store %arg7[%swap3A_805, %swap3A_806], %mul3A_804 {strides = array<i32>} : memref<128x128xf32, #tpu.memory_space<vmem>>, vector<16xf32>,
        %get3A_808 = arith.index_cast %add3A_774 : i32 to index
        %get3A_809 = arith.constant 48 : index
        %get3A_810 = tpu.vector_load %arg7[%get3A_808, %get3A_809] {strides = array<i32>} : memref<128x128xf32, #tpu.memory_space<vmem>>, vector<16xf32>,
        %mul3A_811 = arith.mulf %get3A_810, %gather3A_786 : vector<16xf32>
        %swap3A_812 = arith.index_cast %add3A_774 : i32 to index
        %swap3A_813 = arith.constant 48 : index
        %swap3A_814 = tpu.vector_load %arg7[%swap3A_812, %swap3A_813] {strides = array<i32>} : memref<128x128xf32, #tpu.memory_space<vmem>>, vector<16xf32>,
        tpu.vector_store %arg7[%swap3A_812, %swap3A_813], %mul3A_811 {strides = array<i32>} : memref<128x128xf32, #tpu.memory_space<vmem>>, vector<16xf32>,
        %get3A_815 = arith.index_cast %add3A_774 : i32 to index
        %get3A_816 = arith.constant 64 : index
        %get3A_817 = tpu.vector_load %arg7[%get3A_815, %get3A_816] {strides = array<i32>} : memref<128x128xf32, #tpu.memory_space<vmem>>, vector<16xf32>,
        %mul3A_818 = arith.mulf %get3A_817, %gather3A_786 : vector<16xf32>
        %swap3A_819 = arith.index_cast %add3A_774 : i32 to index
        %swap3A_820 = arith.constant 64 : index
        %swap3A_821 = tpu.vector_load %arg7[%swap3A_819, %swap3A_820] {strides = array<i32>} : memref<128x128xf32, #tpu.memory_space<vmem>>, vector<16xf32>,
        tpu.vector_store %arg7[%swap3A_819, %swap3A_820], %mul3A_818 {strides = array<i32>} : memref<128x128xf32, #tpu.memory_space<vmem>>, vector<16xf32>,
        %get3A_822 = arith.index_cast %add3A_774 : i32 to index
        %get3A_823 = arith.constant 80 : index
        %get3A_824 = tpu.vector_load %arg7[%get3A_822, %get3A_823] {strides = array<i32>} : memref<128x128xf32, #tpu.memory_space<vmem>>, vector<16xf32>,
        %mul3A_825 = arith.mulf %get3A_824, %gather3A_786 : vector<16xf32>
        %swap3A_826 = arith.index_cast %add3A_774 : i32 to index
        %swap3A_827 = arith.constant 80 : index
        %swap3A_828 = tpu.vector_load %arg7[%swap3A_826, %swap3A_827] {strides = array<i32>} : memref<128x128xf32, #tpu.memory_space<vmem>>, vector<16xf32>,
        tpu.vector_store %arg7[%swap3A_826, %swap3A_827], %mul3A_825 {strides = array<i32>} : memref<128x128xf32, #tpu.memory_space<vmem>>, vector<16xf32>,
        %get3A_829 = arith.index_cast %add3A_774 : i32 to index
        %get3A_830 = arith.constant 96 : index
        %get3A_831 = tpu.vector_load %arg7[%get3A_829, %get3A_830] {strides = array<i32>} : memref<128x128xf32, #tpu.memory_space<vmem>>, vector<16xf32>,
        %mul3A_832 = arith.mulf %get3A_831, %gather3A_786 : vector<16xf32>
        %swap3A_833 = arith.index_cast %add3A_774 : i32 to index
        %swap3A_834 = arith.constant 96 : index
        %swap3A_835 = tpu.vector_load %arg7[%swap3A_833, %swap3A_834] {strides = array<i32>} : memref<128x128xf32, #tpu.memory_space<vmem>>, vector<16xf32>,
        tpu.vector_store %arg7[%swap3A_833, %swap3A_834], %mul3A_832 {strides = array<i32>} : memref<128x128xf32, #tpu.memory_space<vmem>>, vector<16xf32>,
        %get3A_836 = arith.index_cast %add3A_774 : i32 to index
        %get3A_837 = arith.constant 112 : index
        %get3A_838 = tpu.vector_load %arg7[%get3A_836, %get3A_837] {strides = array<i32>} : memref<128x128xf32, #tpu.memory_space<vmem>>, vector<16xf32>,
        %mul3A_839 = arith.mulf %get3A_838, %gather3A_786 : vector<16xf32>
        %swap3A_840 = arith.index_cast %add3A_774 : i32 to index
        %swap3A_841 = arith.constant 112 : index
        %swap3A_842 = tpu.vector_load %arg7[%swap3A_840, %swap3A_841] {strides = array<i32>} : memref<128x128xf32, #tpu.memory_space<vmem>>, vector<16xf32>,
        tpu.vector_store %arg7[%swap3A_840, %swap3A_841], %mul3A_839 {strides = array<i32>} : memref<128x128xf32, #tpu.memory_space<vmem>>, vector<16xf32>,
        %mul3A_843 = arith.constant 16 : i32
        %mul3A_844 = arith.muli %scan3A_121, %mul3A_843 : i32
        %add3A_845 = arith.constant 10 : i32
        %add3A_846 = arith.addi %mul3A_844, %add3A_845 : i32
        %broadcast_in_dim3A_847 = arith.constant 10 : i32
        %broadcast_in_dim3A_848 = vector.broadcast %broadcast_in_dim3A_847 : i32 to vector<16xi32>
        %lt3A_849 = arith.constant 0 : i32
        %lt3A_850 = vector.broadcast %lt3A_849 : i32 to vector<16xi32>
        %lt3A_851 = arith.cmpi slt, %broadcast_in_dim3A_848, %lt3A_850 : vector<16xi32>
        %add3A_852 = arith.constant 16 : i32
        %add3A_853 = vector.broadcast %add3A_852 : i32 to vector<16xi32>
        %add3A_854 = arith.addi %broadcast_in_dim3A_848, %add3A_853 : vector<16xi32>
        %select_n3A_855 = arith.select %lt3A_851, %add3A_854, %broadcast_in_dim3A_848 : vector<16xi1>, vector<16xi32>
        %reshape3A_856 = vector.shape_cast %select_n3A_855 : vector<16xi32> to vector<16x1xi32>
        %gather3A_857 = vector.shape_cast %reshape3A_856 : vector<16x1xi32> to vector<16xi32>
        %gather3A_858 = tpu.dynamic_gather %bitcast3A[%gather3A_857] in [0] : vector<16xf32>, vector<16xi32> -> vector<16xf32>
        %get3A_859 = arith.index_cast %add3A_846 : i32 to index
        %get3A_860 = arith.constant 0 : index
        %get3A_861 = tpu.vector_load %arg7[%get3A_859, %get3A_860] {strides = array<i32>} : memref<128x128xf32, #tpu.memory_space<vmem>>, vector<16xf32>,
        %mul3A_862 = arith.mulf %get3A_861, %gather3A_858 : vector<16xf32>
        %swap3A_863 = arith.index_cast %add3A_846 : i32 to index
        %swap3A_864 = arith.constant 0 : index
        %swap3A_865 = tpu.vector_load %arg7[%swap3A_863, %swap3A_864] {strides = array<i32>} : memref<128x128xf32, #tpu.memory_space<vmem>>, vector<16xf32>,
        tpu.vector_store %arg7[%swap3A_863, %swap3A_864], %mul3A_862 {strides = array<i32>} : memref<128x128xf32, #tpu.memory_space<vmem>>, vector<16xf32>,
        %get3A_866 = arith.index_cast %add3A_846 : i32 to index
        %get3A_867 = arith.constant 16 : index
        %get3A_868 = tpu.vector_load %arg7[%get3A_866, %get3A_867] {strides = array<i32>} : memref<128x128xf32, #tpu.memory_space<vmem>>, vector<16xf32>,
        %mul3A_869 = arith.mulf %get3A_868, %gather3A_858 : vector<16xf32>
        %swap3A_870 = arith.index_cast %add3A_846 : i32 to index
        %swap3A_871 = arith.constant 16 : index
        %swap3A_872 = tpu.vector_load %arg7[%swap3A_870, %swap3A_871] {strides = array<i32>} : memref<128x128xf32, #tpu.memory_space<vmem>>, vector<16xf32>,
        tpu.vector_store %arg7[%swap3A_870, %swap3A_871], %mul3A_869 {strides = array<i32>} : memref<128x128xf32, #tpu.memory_space<vmem>>, vector<16xf32>,
        %get3A_873 = arith.index_cast %add3A_846 : i32 to index
        %get3A_874 = arith.constant 32 : index
        %get3A_875 = tpu.vector_load %arg7[%get3A_873, %get3A_874] {strides = array<i32>} : memref<128x128xf32, #tpu.memory_space<vmem>>, vector<16xf32>,
        %mul3A_876 = arith.mulf %get3A_875, %gather3A_858 : vector<16xf32>
        %swap3A_877 = arith.index_cast %add3A_846 : i32 to index
        %swap3A_878 = arith.constant 32 : index
        %swap3A_879 = tpu.vector_load %arg7[%swap3A_877, %swap3A_878] {strides = array<i32>} : memref<128x128xf32, #tpu.memory_space<vmem>>, vector<16xf32>,
        tpu.vector_store %arg7[%swap3A_877, %swap3A_878], %mul3A_876 {strides = array<i32>} : memref<128x128xf32, #tpu.memory_space<vmem>>, vector<16xf32>,
        %get3A_880 = arith.index_cast %add3A_846 : i32 to index
        %get3A_881 = arith.constant 48 : index
        %get3A_882 = tpu.vector_load %arg7[%get3A_880, %get3A_881] {strides = array<i32>} : memref<128x128xf32, #tpu.memory_space<vmem>>, vector<16xf32>,
        %mul3A_883 = arith.mulf %get3A_882, %gather3A_858 : vector<16xf32>
        %swap3A_884 = arith.index_cast %add3A_846 : i32 to index
        %swap3A_885 = arith.constant 48 : index
        %swap3A_886 = tpu.vector_load %arg7[%swap3A_884, %swap3A_885] {strides = array<i32>} : memref<128x128xf32, #tpu.memory_space<vmem>>, vector<16xf32>,
        tpu.vector_store %arg7[%swap3A_884, %swap3A_885], %mul3A_883 {strides = array<i32>} : memref<128x128xf32, #tpu.memory_space<vmem>>, vector<16xf32>,
        %get3A_887 = arith.index_cast %add3A_846 : i32 to index
        %get3A_888 = arith.constant 64 : index
        %get3A_889 = tpu.vector_load %arg7[%get3A_887, %get3A_888] {strides = array<i32>} : memref<128x128xf32, #tpu.memory_space<vmem>>, vector<16xf32>,
        %mul3A_890 = arith.mulf %get3A_889, %gather3A_858 : vector<16xf32>
        %swap3A_891 = arith.index_cast %add3A_846 : i32 to index
        %swap3A_892 = arith.constant 64 : index
        %swap3A_893 = tpu.vector_load %arg7[%swap3A_891, %swap3A_892] {strides = array<i32>} : memref<128x128xf32, #tpu.memory_space<vmem>>, vector<16xf32>,
        tpu.vector_store %arg7[%swap3A_891, %swap3A_892], %mul3A_890 {strides = array<i32>} : memref<128x128xf32, #tpu.memory_space<vmem>>, vector<16xf32>,
        %get3A_894 = arith.index_cast %add3A_846 : i32 to index
        %get3A_895 = arith.constant 80 : index
        %get3A_896 = tpu.vector_load %arg7[%get3A_894, %get3A_895] {strides = array<i32>} : memref<128x128xf32, #tpu.memory_space<vmem>>, vector<16xf32>,
        %mul3A_897 = arith.mulf %get3A_896, %gather3A_858 : vector<16xf32>
        %swap3A_898 = arith.index_cast %add3A_846 : i32 to index
        %swap3A_899 = arith.constant 80 : index
        %swap3A_900 = tpu.vector_load %arg7[%swap3A_898, %swap3A_899] {strides = array<i32>} : memref<128x128xf32, #tpu.memory_space<vmem>>, vector<16xf32>,
        tpu.vector_store %arg7[%swap3A_898, %swap3A_899], %mul3A_897 {strides = array<i32>} : memref<128x128xf32, #tpu.memory_space<vmem>>, vector<16xf32>,
        %get3A_901 = arith.index_cast %add3A_846 : i32 to index
        %get3A_902 = arith.constant 96 : index
        %get3A_903 = tpu.vector_load %arg7[%get3A_901, %get3A_902] {strides = array<i32>} : memref<128x128xf32, #tpu.memory_space<vmem>>, vector<16xf32>,
        %mul3A_904 = arith.mulf %get3A_903, %gather3A_858 : vector<16xf32>
        %swap3A_905 = arith.index_cast %add3A_846 : i32 to index
        %swap3A_906 = arith.constant 96 : index
        %swap3A_907 = tpu.vector_load %arg7[%swap3A_905, %swap3A_906] {strides = array<i32>} : memref<128x128xf32, #tpu.memory_space<vmem>>, vector<16xf32>,
        tpu.vector_store %arg7[%swap3A_905, %swap3A_906], %mul3A_904 {strides = array<i32>} : memref<128x128xf32, #tpu.memory_space<vmem>>, vector<16xf32>,
        %get3A_908 = arith.index_cast %add3A_846 : i32 to index
        %get3A_909 = arith.constant 112 : index
        %get3A_910 = tpu.vector_load %arg7[%get3A_908, %get3A_909] {strides = array<i32>} : memref<128x128xf32, #tpu.memory_space<vmem>>, vector<16xf32>,
        %mul3A_911 = arith.mulf %get3A_910, %gather3A_858 : vector<16xf32>
        %swap3A_912 = arith.index_cast %add3A_846 : i32 to index
        %swap3A_913 = arith.constant 112 : index
        %swap3A_914 = tpu.vector_load %arg7[%swap3A_912, %swap3A_913] {strides = array<i32>} : memref<128x128xf32, #tpu.memory_space<vmem>>, vector<16xf32>,
        tpu.vector_store %arg7[%swap3A_912, %swap3A_913], %mul3A_911 {strides = array<i32>} : memref<128x128xf32, #tpu.memory_space<vmem>>, vector<16xf32>,
        %mul3A_915 = arith.constant 16 : i32
        %mul3A_916 = arith.muli %scan3A_121, %mul3A_915 : i32
        %add3A_917 = arith.constant 11 : i32
        %add3A_918 = arith.addi %mul3A_916, %add3A_917 : i32
        %broadcast_in_dim3A_919 = arith.constant 11 : i32
        %broadcast_in_dim3A_920 = vector.broadcast %broadcast_in_dim3A_919 : i32 to vector<16xi32>
        %lt3A_921 = arith.constant 0 : i32
        %lt3A_922 = vector.broadcast %lt3A_921 : i32 to vector<16xi32>
        %lt3A_923 = arith.cmpi slt, %broadcast_in_dim3A_920, %lt3A_922 : vector<16xi32>
        %add3A_924 = arith.constant 16 : i32
        %add3A_925 = vector.broadcast %add3A_924 : i32 to vector<16xi32>
        %add3A_926 = arith.addi %broadcast_in_dim3A_920, %add3A_925 : vector<16xi32>
        %select_n3A_927 = arith.select %lt3A_923, %add3A_926, %broadcast_in_dim3A_920 : vector<16xi1>, vector<16xi32>
        %reshape3A_928 = vector.shape_cast %select_n3A_927 : vector<16xi32> to vector<16x1xi32>
        %gather3A_929 = vector.shape_cast %reshape3A_928 : vector<16x1xi32> to vector<16xi32>
        %gather3A_930 = tpu.dynamic_gather %bitcast3A[%gather3A_929] in [0] : vector<16xf32>, vector<16xi32> -> vector<16xf32>
        %get3A_931 = arith.index_cast %add3A_918 : i32 to index
        %get3A_932 = arith.constant 0 : index
        %get3A_933 = tpu.vector_load %arg7[%get3A_931, %get3A_932] {strides = array<i32>} : memref<128x128xf32, #tpu.memory_space<vmem>>, vector<16xf32>,
        %mul3A_934 = arith.mulf %get3A_933, %gather3A_930 : vector<16xf32>
        %swap3A_935 = arith.index_cast %add3A_918 : i32 to index
        %swap3A_936 = arith.constant 0 : index
        %swap3A_937 = tpu.vector_load %arg7[%swap3A_935, %swap3A_936] {strides = array<i32>} : memref<128x128xf32, #tpu.memory_space<vmem>>, vector<16xf32>,
        tpu.vector_store %arg7[%swap3A_935, %swap3A_936], %mul3A_934 {strides = array<i32>} : memref<128x128xf32, #tpu.memory_space<vmem>>, vector<16xf32>,
        %get3A_938 = arith.index_cast %add3A_918 : i32 to index
        %get3A_939 = arith.constant 16 : index
        %get3A_940 = tpu.vector_load %arg7[%get3A_938, %get3A_939] {strides = array<i32>} : memref<128x128xf32, #tpu.memory_space<vmem>>, vector<16xf32>,
        %mul3A_941 = arith.mulf %get3A_940, %gather3A_930 : vector<16xf32>
        %swap3A_942 = arith.index_cast %add3A_918 : i32 to index
        %swap3A_943 = arith.constant 16 : index
        %swap3A_944 = tpu.vector_load %arg7[%swap3A_942, %swap3A_943] {strides = array<i32>} : memref<128x128xf32, #tpu.memory_space<vmem>>, vector<16xf32>,
        tpu.vector_store %arg7[%swap3A_942, %swap3A_943], %mul3A_941 {strides = array<i32>} : memref<128x128xf32, #tpu.memory_space<vmem>>, vector<16xf32>,
        %get3A_945 = arith.index_cast %add3A_918 : i32 to index
        %get3A_946 = arith.constant 32 : index
        %get3A_947 = tpu.vector_load %arg7[%get3A_945, %get3A_946] {strides = array<i32>} : memref<128x128xf32, #tpu.memory_space<vmem>>, vector<16xf32>,
        %mul3A_948 = arith.mulf %get3A_947, %gather3A_930 : vector<16xf32>
        %swap3A_949 = arith.index_cast %add3A_918 : i32 to index
        %swap3A_950 = arith.constant 32 : index
        %swap3A_951 = tpu.vector_load %arg7[%swap3A_949, %swap3A_950] {strides = array<i32>} : memref<128x128xf32, #tpu.memory_space<vmem>>, vector<16xf32>,
        tpu.vector_store %arg7[%swap3A_949, %swap3A_950], %mul3A_948 {strides = array<i32>} : memref<128x128xf32, #tpu.memory_space<vmem>>, vector<16xf32>,
        %get3A_952 = arith.index_cast %add3A_918 : i32 to index
        %get3A_953 = arith.constant 48 : index
        %get3A_954 = tpu.vector_load %arg7[%get3A_952, %get3A_953] {strides = array<i32>} : memref<128x128xf32, #tpu.memory_space<vmem>>, vector<16xf32>,
        %mul3A_955 = arith.mulf %get3A_954, %gather3A_930 : vector<16xf32>
        %swap3A_956 = arith.index_cast %add3A_918 : i32 to index
        %swap3A_957 = arith.constant 48 : index
        %swap3A_958 = tpu.vector_load %arg7[%swap3A_956, %swap3A_957] {strides = array<i32>} : memref<128x128xf32, #tpu.memory_space<vmem>>, vector<16xf32>,
        tpu.vector_store %arg7[%swap3A_956, %swap3A_957], %mul3A_955 {strides = array<i32>} : memref<128x128xf32, #tpu.memory_space<vmem>>, vector<16xf32>,
        %get3A_959 = arith.index_cast %add3A_918 : i32 to index
        %get3A_960 = arith.constant 64 : index
        %get3A_961 = tpu.vector_load %arg7[%get3A_959, %get3A_960] {strides = array<i32>} : memref<128x128xf32, #tpu.memory_space<vmem>>, vector<16xf32>,
        %mul3A_962 = arith.mulf %get3A_961, %gather3A_930 : vector<16xf32>
        %swap3A_963 = arith.index_cast %add3A_918 : i32 to index
        %swap3A_964 = arith.constant 64 : index
        %swap3A_965 = tpu.vector_load %arg7[%swap3A_963, %swap3A_964] {strides = array<i32>} : memref<128x128xf32, #tpu.memory_space<vmem>>, vector<16xf32>,
        tpu.vector_store %arg7[%swap3A_963, %swap3A_964], %mul3A_962 {strides = array<i32>} : memref<128x128xf32, #tpu.memory_space<vmem>>, vector<16xf32>,
        %get3A_966 = arith.index_cast %add3A_918 : i32 to index
        %get3A_967 = arith.constant 80 : index
        %get3A_968 = tpu.vector_load %arg7[%get3A_966, %get3A_967] {strides = array<i32>} : memref<128x128xf32, #tpu.memory_space<vmem>>, vector<16xf32>,
        %mul3A_969 = arith.mulf %get3A_968, %gather3A_930 : vector<16xf32>
        %swap3A_970 = arith.index_cast %add3A_918 : i32 to index
        %swap3A_971 = arith.constant 80 : index
        %swap3A_972 = tpu.vector_load %arg7[%swap3A_970, %swap3A_971] {strides = array<i32>} : memref<128x128xf32, #tpu.memory_space<vmem>>, vector<16xf32>,
        tpu.vector_store %arg7[%swap3A_970, %swap3A_971], %mul3A_969 {strides = array<i32>} : memref<128x128xf32, #tpu.memory_space<vmem>>, vector<16xf32>,
        %get3A_973 = arith.index_cast %add3A_918 : i32 to index
        %get3A_974 = arith.constant 96 : index
        %get3A_975 = tpu.vector_load %arg7[%get3A_973, %get3A_974] {strides = array<i32>} : memref<128x128xf32, #tpu.memory_space<vmem>>, vector<16xf32>,
        %mul3A_976 = arith.mulf %get3A_975, %gather3A_930 : vector<16xf32>
        %swap3A_977 = arith.index_cast %add3A_918 : i32 to index
        %swap3A_978 = arith.constant 96 : index
        %swap3A_979 = tpu.vector_load %arg7[%swap3A_977, %swap3A_978] {strides = array<i32>} : memref<128x128xf32, #tpu.memory_space<vmem>>, vector<16xf32>,
        tpu.vector_store %arg7[%swap3A_977, %swap3A_978], %mul3A_976 {strides = array<i32>} : memref<128x128xf32, #tpu.memory_space<vmem>>, vector<16xf32>,
        %get3A_980 = arith.index_cast %add3A_918 : i32 to index
        %get3A_981 = arith.constant 112 : index
        %get3A_982 = tpu.vector_load %arg7[%get3A_980, %get3A_981] {strides = array<i32>} : memref<128x128xf32, #tpu.memory_space<vmem>>, vector<16xf32>,
        %mul3A_983 = arith.mulf %get3A_982, %gather3A_930 : vector<16xf32>
        %swap3A_984 = arith.index_cast %add3A_918 : i32 to index
        %swap3A_985 = arith.constant 112 : index
        %swap3A_986 = tpu.vector_load %arg7[%swap3A_984, %swap3A_985] {strides = array<i32>} : memref<128x128xf32, #tpu.memory_space<vmem>>, vector<16xf32>,
        tpu.vector_store %arg7[%swap3A_984, %swap3A_985], %mul3A_983 {strides = array<i32>} : memref<128x128xf32, #tpu.memory_space<vmem>>, vector<16xf32>,
        %mul3A_987 = arith.constant 16 : i32
        %mul3A_988 = arith.muli %scan3A_121, %mul3A_987 : i32
        %add3A_989 = arith.constant 12 : i32
        %add3A_990 = arith.addi %mul3A_988, %add3A_989 : i32
        %broadcast_in_dim3A_991 = arith.constant 12 : i32
        %broadcast_in_dim3A_992 = vector.broadcast %broadcast_in_dim3A_991 : i32 to vector<16xi32>
        %lt3A_993 = arith.constant 0 : i32
        %lt3A_994 = vector.broadcast %lt3A_993 : i32 to vector<16xi32>
        %lt3A_995 = arith.cmpi slt, %broadcast_in_dim3A_992, %lt3A_994 : vector<16xi32>
        %add3A_996 = arith.constant 16 : i32
        %add3A_997 = vector.broadcast %add3A_996 : i32 to vector<16xi32>
        %add3A_998 = arith.addi %broadcast_in_dim3A_992, %add3A_997 : vector<16xi32>
        %select_n3A_999 = arith.select %lt3A_995, %add3A_998, %broadcast_in_dim3A_992 : vector<16xi1>, vector<16xi32>
        %reshape3A_1000 = vector.shape_cast %select_n3A_999 : vector<16xi32> to vector<16x1xi32>
        %gather3A_1001 = vector.shape_cast %reshape3A_1000 : vector<16x1xi32> to vector<16xi32>
        %gather3A_1002 = tpu.dynamic_gather %bitcast3A[%gather3A_1001] in [0] : vector<16xf32>, vector<16xi32> -> vector<16xf32>
        %get3A_1003 = arith.index_cast %add3A_990 : i32 to index
        %get3A_1004 = arith.constant 0 : index
        %get3A_1005 = tpu.vector_load %arg7[%get3A_1003, %get3A_1004] {strides = array<i32>} : memref<128x128xf32, #tpu.memory_space<vmem>>, vector<16xf32>,
        %mul3A_1006 = arith.mulf %get3A_1005, %gather3A_1002 : vector<16xf32>
        %swap3A_1007 = arith.index_cast %add3A_990 : i32 to index
        %swap3A_1008 = arith.constant 0 : index
        %swap3A_1009 = tpu.vector_load %arg7[%swap3A_1007, %swap3A_1008] {strides = array<i32>} : memref<128x128xf32, #tpu.memory_space<vmem>>, vector<16xf32>,
        tpu.vector_store %arg7[%swap3A_1007, %swap3A_1008], %mul3A_1006 {strides = array<i32>} : memref<128x128xf32, #tpu.memory_space<vmem>>, vector<16xf32>,
        %get3A_1010 = arith.index_cast %add3A_990 : i32 to index
        %get3A_1011 = arith.constant 16 : index
        %get3A_1012 = tpu.vector_load %arg7[%get3A_1010, %get3A_1011] {strides = array<i32>} : memref<128x128xf32, #tpu.memory_space<vmem>>, vector<16xf32>,
        %mul3A_1013 = arith.mulf %get3A_1012, %gather3A_1002 : vector<16xf32>
        %swap3A_1014 = arith.index_cast %add3A_990 : i32 to index
        %swap3A_1015 = arith.constant 16 : index
        %swap3A_1016 = tpu.vector_load %arg7[%swap3A_1014, %swap3A_1015] {strides = array<i32>} : memref<128x128xf32, #tpu.memory_space<vmem>>, vector<16xf32>,
        tpu.vector_store %arg7[%swap3A_1014, %swap3A_1015], %mul3A_1013 {strides = array<i32>} : memref<128x128xf32, #tpu.memory_space<vmem>>, vector<16xf32>,
        %get3A_1017 = arith.index_cast %add3A_990 : i32 to index
        %get3A_1018 = arith.constant 32 : index
        %get3A_1019 = tpu.vector_load %arg7[%get3A_1017, %get3A_1018] {strides = array<i32>} : memref<128x128xf32, #tpu.memory_space<vmem>>, vector<16xf32>,
        %mul3A_1020 = arith.mulf %get3A_1019, %gather3A_1002 : vector<16xf32>
        %swap3A_1021 = arith.index_cast %add3A_990 : i32 to index
        %swap3A_1022 = arith.constant 32 : index
        %swap3A_1023 = tpu.vector_load %arg7[%swap3A_1021, %swap3A_1022] {strides = array<i32>} : memref<128x128xf32, #tpu.memory_space<vmem>>, vector<16xf32>,
        tpu.vector_store %arg7[%swap3A_1021, %swap3A_1022], %mul3A_1020 {strides = array<i32>} : memref<128x128xf32, #tpu.memory_space<vmem>>, vector<16xf32>,
        %get3A_1024 = arith.index_cast %add3A_990 : i32 to index
        %get3A_1025 = arith.constant 48 : index
        %get3A_1026 = tpu.vector_load %arg7[%get3A_1024, %get3A_1025] {strides = array<i32>} : memref<128x128xf32, #tpu.memory_space<vmem>>, vector<16xf32>,
        %mul3A_1027 = arith.mulf %get3A_1026, %gather3A_1002 : vector<16xf32>
        %swap3A_1028 = arith.index_cast %add3A_990 : i32 to index
        %swap3A_1029 = arith.constant 48 : index
        %swap3A_1030 = tpu.vector_load %arg7[%swap3A_1028, %swap3A_1029] {strides = array<i32>} : memref<128x128xf32, #tpu.memory_space<vmem>>, vector<16xf32>,
        tpu.vector_store %arg7[%swap3A_1028, %swap3A_1029], %mul3A_1027 {strides = array<i32>} : memref<128x128xf32, #tpu.memory_space<vmem>>, vector<16xf32>,
        %get3A_1031 = arith.index_cast %add3A_990 : i32 to index
        %get3A_1032 = arith.constant 64 : index
        %get3A_1033 = tpu.vector_load %arg7[%get3A_1031, %get3A_1032] {strides = array<i32>} : memref<128x128xf32, #tpu.memory_space<vmem>>, vector<16xf32>,
        %mul3A_1034 = arith.mulf %get3A_1033, %gather3A_1002 : vector<16xf32>
        %swap3A_1035 = arith.index_cast %add3A_990 : i32 to index
        %swap3A_1036 = arith.constant 64 : index
        %swap3A_1037 = tpu.vector_load %arg7[%swap3A_1035, %swap3A_1036] {strides = array<i32>} : memref<128x128xf32, #tpu.memory_space<vmem>>, vector<16xf32>,
        tpu.vector_store %arg7[%swap3A_1035, %swap3A_1036], %mul3A_1034 {strides = array<i32>} : memref<128x128xf32, #tpu.memory_space<vmem>>, vector<16xf32>,
        %get3A_1038 = arith.index_cast %add3A_990 : i32 to index
        %get3A_1039 = arith.constant 80 : index
        %get3A_1040 = tpu.vector_load %arg7[%get3A_1038, %get3A_1039] {strides = array<i32>} : memref<128x128xf32, #tpu.memory_space<vmem>>, vector<16xf32>,
        %mul3A_1041 = arith.mulf %get3A_1040, %gather3A_1002 : vector<16xf32>
        %swap3A_1042 = arith.index_cast %add3A_990 : i32 to index
        %swap3A_1043 = arith.constant 80 : index
        %swap3A_1044 = tpu.vector_load %arg7[%swap3A_1042, %swap3A_1043] {strides = array<i32>} : memref<128x128xf32, #tpu.memory_space<vmem>>, vector<16xf32>,
        tpu.vector_store %arg7[%swap3A_1042, %swap3A_1043], %mul3A_1041 {strides = array<i32>} : memref<128x128xf32, #tpu.memory_space<vmem>>, vector<16xf32>,
        %get3A_1045 = arith.index_cast %add3A_990 : i32 to index
        %get3A_1046 = arith.constant 96 : index
        %get3A_1047 = tpu.vector_load %arg7[%get3A_1045, %get3A_1046] {strides = array<i32>} : memref<128x128xf32, #tpu.memory_space<vmem>>, vector<16xf32>,
        %mul3A_1048 = arith.mulf %get3A_1047, %gather3A_1002 : vector<16xf32>
        %swap3A_1049 = arith.index_cast %add3A_990 : i32 to index
        %swap3A_1050 = arith.constant 96 : index
        %swap3A_1051 = tpu.vector_load %arg7[%swap3A_1049, %swap3A_1050] {strides = array<i32>} : memref<128x128xf32, #tpu.memory_space<vmem>>, vector<16xf32>,
        tpu.vector_store %arg7[%swap3A_1049, %swap3A_1050], %mul3A_1048 {strides = array<i32>} : memref<128x128xf32, #tpu.memory_space<vmem>>, vector<16xf32>,
        %get3A_1052 = arith.index_cast %add3A_990 : i32 to index
        %get3A_1053 = arith.constant 112 : index
        %get3A_1054 = tpu.vector_load %arg7[%get3A_1052, %get3A_1053] {strides = array<i32>} : memref<128x128xf32, #tpu.memory_space<vmem>>, vector<16xf32>,
        %mul3A_1055 = arith.mulf %get3A_1054, %gather3A_1002 : vector<16xf32>
        %swap3A_1056 = arith.index_cast %add3A_990 : i32 to index
        %swap3A_1057 = arith.constant 112 : index
        %swap3A_1058 = tpu.vector_load %arg7[%swap3A_1056, %swap3A_1057] {strides = array<i32>} : memref<128x128xf32, #tpu.memory_space<vmem>>, vector<16xf32>,
        tpu.vector_store %arg7[%swap3A_1056, %swap3A_1057], %mul3A_1055 {strides = array<i32>} : memref<128x128xf32, #tpu.memory_space<vmem>>, vector<16xf32>,
        %mul3A_1059 = arith.constant 16 : i32
        %mul3A_1060 = arith.muli %scan3A_121, %mul3A_1059 : i32
        %add3A_1061 = arith.constant 13 : i32
        %add3A_1062 = arith.addi %mul3A_1060, %add3A_1061 : i32
        %broadcast_in_dim3A_1063 = arith.constant 13 : i32
        %broadcast_in_dim3A_1064 = vector.broadcast %broadcast_in_dim3A_1063 : i32 to vector<16xi32>
        %lt3A_1065 = arith.constant 0 : i32
        %lt3A_1066 = vector.broadcast %lt3A_1065 : i32 to vector<16xi32>
        %lt3A_1067 = arith.cmpi slt, %broadcast_in_dim3A_1064, %lt3A_1066 : vector<16xi32>
        %add3A_1068 = arith.constant 16 : i32
        %add3A_1069 = vector.broadcast %add3A_1068 : i32 to vector<16xi32>
        %add3A_1070 = arith.addi %broadcast_in_dim3A_1064, %add3A_1069 : vector<16xi32>
        %select_n3A_1071 = arith.select %lt3A_1067, %add3A_1070, %broadcast_in_dim3A_1064 : vector<16xi1>, vector<16xi32>
        %reshape3A_1072 = vector.shape_cast %select_n3A_1071 : vector<16xi32> to vector<16x1xi32>
        %gather3A_1073 = vector.shape_cast %reshape3A_1072 : vector<16x1xi32> to vector<16xi32>
        %gather3A_1074 = tpu.dynamic_gather %bitcast3A[%gather3A_1073] in [0] : vector<16xf32>, vector<16xi32> -> vector<16xf32>
        %get3A_1075 = arith.index_cast %add3A_1062 : i32 to index
        %get3A_1076 = arith.constant 0 : index
        %get3A_1077 = tpu.vector_load %arg7[%get3A_1075, %get3A_1076] {strides = array<i32>} : memref<128x128xf32, #tpu.memory_space<vmem>>, vector<16xf32>,
        %mul3A_1078 = arith.mulf %get3A_1077, %gather3A_1074 : vector<16xf32>
        %swap3A_1079 = arith.index_cast %add3A_1062 : i32 to index
        %swap3A_1080 = arith.constant 0 : index
        %swap3A_1081 = tpu.vector_load %arg7[%swap3A_1079, %swap3A_1080] {strides = array<i32>} : memref<128x128xf32, #tpu.memory_space<vmem>>, vector<16xf32>,
        tpu.vector_store %arg7[%swap3A_1079, %swap3A_1080], %mul3A_1078 {strides = array<i32>} : memref<128x128xf32, #tpu.memory_space<vmem>>, vector<16xf32>,
        %get3A_1082 = arith.index_cast %add3A_1062 : i32 to index
        %get3A_1083 = arith.constant 16 : index
        %get3A_1084 = tpu.vector_load %arg7[%get3A_1082, %get3A_1083] {strides = array<i32>} : memref<128x128xf32, #tpu.memory_space<vmem>>, vector<16xf32>,
        %mul3A_1085 = arith.mulf %get3A_1084, %gather3A_1074 : vector<16xf32>
        %swap3A_1086 = arith.index_cast %add3A_1062 : i32 to index
        %swap3A_1087 = arith.constant 16 : index
        %swap3A_1088 = tpu.vector_load %arg7[%swap3A_1086, %swap3A_1087] {strides = array<i32>} : memref<128x128xf32, #tpu.memory_space<vmem>>, vector<16xf32>,
        tpu.vector_store %arg7[%swap3A_1086, %swap3A_1087], %mul3A_1085 {strides = array<i32>} : memref<128x128xf32, #tpu.memory_space<vmem>>, vector<16xf32>,
        %get3A_1089 = arith.index_cast %add3A_1062 : i32 to index
        %get3A_1090 = arith.constant 32 : index
        %get3A_1091 = tpu.vector_load %arg7[%get3A_1089, %get3A_1090] {strides = array<i32>} : memref<128x128xf32, #tpu.memory_space<vmem>>, vector<16xf32>,
        %mul3A_1092 = arith.mulf %get3A_1091, %gather3A_1074 : vector<16xf32>
        %swap3A_1093 = arith.index_cast %add3A_1062 : i32 to index
        %swap3A_1094 = arith.constant 32 : index
        %swap3A_1095 = tpu.vector_load %arg7[%swap3A_1093, %swap3A_1094] {strides = array<i32>} : memref<128x128xf32, #tpu.memory_space<vmem>>, vector<16xf32>,
        tpu.vector_store %arg7[%swap3A_1093, %swap3A_1094], %mul3A_1092 {strides = array<i32>} : memref<128x128xf32, #tpu.memory_space<vmem>>, vector<16xf32>,
        %get3A_1096 = arith.index_cast %add3A_1062 : i32 to index
        %get3A_1097 = arith.constant 48 : index
        %get3A_1098 = tpu.vector_load %arg7[%get3A_1096, %get3A_1097] {strides = array<i32>} : memref<128x128xf32, #tpu.memory_space<vmem>>, vector<16xf32>,
        %mul3A_1099 = arith.mulf %get3A_1098, %gather3A_1074 : vector<16xf32>
        %swap3A_1100 = arith.index_cast %add3A_1062 : i32 to index
        %swap3A_1101 = arith.constant 48 : index
        %swap3A_1102 = tpu.vector_load %arg7[%swap3A_1100, %swap3A_1101] {strides = array<i32>} : memref<128x128xf32, #tpu.memory_space<vmem>>, vector<16xf32>,
        tpu.vector_store %arg7[%swap3A_1100, %swap3A_1101], %mul3A_1099 {strides = array<i32>} : memref<128x128xf32, #tpu.memory_space<vmem>>, vector<16xf32>,
        %get3A_1103 = arith.index_cast %add3A_1062 : i32 to index
        %get3A_1104 = arith.constant 64 : index
        %get3A_1105 = tpu.vector_load %arg7[%get3A_1103, %get3A_1104] {strides = array<i32>} : memref<128x128xf32, #tpu.memory_space<vmem>>, vector<16xf32>,
        %mul3A_1106 = arith.mulf %get3A_1105, %gather3A_1074 : vector<16xf32>
        %swap3A_1107 = arith.index_cast %add3A_1062 : i32 to index
        %swap3A_1108 = arith.constant 64 : index
        %swap3A_1109 = tpu.vector_load %arg7[%swap3A_1107, %swap3A_1108] {strides = array<i32>} : memref<128x128xf32, #tpu.memory_space<vmem>>, vector<16xf32>,
        tpu.vector_store %arg7[%swap3A_1107, %swap3A_1108], %mul3A_1106 {strides = array<i32>} : memref<128x128xf32, #tpu.memory_space<vmem>>, vector<16xf32>,
        %get3A_1110 = arith.index_cast %add3A_1062 : i32 to index
        %get3A_1111 = arith.constant 80 : index
        %get3A_1112 = tpu.vector_load %arg7[%get3A_1110, %get3A_1111] {strides = array<i32>} : memref<128x128xf32, #tpu.memory_space<vmem>>, vector<16xf32>,
        %mul3A_1113 = arith.mulf %get3A_1112, %gather3A_1074 : vector<16xf32>
        %swap3A_1114 = arith.index_cast %add3A_1062 : i32 to index
        %swap3A_1115 = arith.constant 80 : index
        %swap3A_1116 = tpu.vector_load %arg7[%swap3A_1114, %swap3A_1115] {strides = array<i32>} : memref<128x128xf32, #tpu.memory_space<vmem>>, vector<16xf32>,
        tpu.vector_store %arg7[%swap3A_1114, %swap3A_1115], %mul3A_1113 {strides = array<i32>} : memref<128x128xf32, #tpu.memory_space<vmem>>, vector<16xf32>,
        %get3A_1117 = arith.index_cast %add3A_1062 : i32 to index
        %get3A_1118 = arith.constant 96 : index
        %get3A_1119 = tpu.vector_load %arg7[%get3A_1117, %get3A_1118] {strides = array<i32>} : memref<128x128xf32, #tpu.memory_space<vmem>>, vector<16xf32>,
        %mul3A_1120 = arith.mulf %get3A_1119, %gather3A_1074 : vector<16xf32>
        %swap3A_1121 = arith.index_cast %add3A_1062 : i32 to index
        %swap3A_1122 = arith.constant 96 : index
        %swap3A_1123 = tpu.vector_load %arg7[%swap3A_1121, %swap3A_1122] {strides = array<i32>} : memref<128x128xf32, #tpu.memory_space<vmem>>, vector<16xf32>,
        tpu.vector_store %arg7[%swap3A_1121, %swap3A_1122], %mul3A_1120 {strides = array<i32>} : memref<128x128xf32, #tpu.memory_space<vmem>>, vector<16xf32>,
        %get3A_1124 = arith.index_cast %add3A_1062 : i32 to index
        %get3A_1125 = arith.constant 112 : index
        %get3A_1126 = tpu.vector_load %arg7[%get3A_1124, %get3A_1125] {strides = array<i32>} : memref<128x128xf32, #tpu.memory_space<vmem>>, vector<16xf32>,
        %mul3A_1127 = arith.mulf %get3A_1126, %gather3A_1074 : vector<16xf32>
        %swap3A_1128 = arith.index_cast %add3A_1062 : i32 to index
        %swap3A_1129 = arith.constant 112 : index
        %swap3A_1130 = tpu.vector_load %arg7[%swap3A_1128, %swap3A_1129] {strides = array<i32>} : memref<128x128xf32, #tpu.memory_space<vmem>>, vector<16xf32>,
        tpu.vector_store %arg7[%swap3A_1128, %swap3A_1129], %mul3A_1127 {strides = array<i32>} : memref<128x128xf32, #tpu.memory_space<vmem>>, vector<16xf32>,
        %mul3A_1131 = arith.constant 16 : i32
        %mul3A_1132 = arith.muli %scan3A_121, %mul3A_1131 : i32
        %add3A_1133 = arith.constant 14 : i32
        %add3A_1134 = arith.addi %mul3A_1132, %add3A_1133 : i32
        %broadcast_in_dim3A_1135 = arith.constant 14 : i32
        %broadcast_in_dim3A_1136 = vector.broadcast %broadcast_in_dim3A_1135 : i32 to vector<16xi32>
        %lt3A_1137 = arith.constant 0 : i32
        %lt3A_1138 = vector.broadcast %lt3A_1137 : i32 to vector<16xi32>
        %lt3A_1139 = arith.cmpi slt, %broadcast_in_dim3A_1136, %lt3A_1138 : vector<16xi32>
        %add3A_1140 = arith.constant 16 : i32
        %add3A_1141 = vector.broadcast %add3A_1140 : i32 to vector<16xi32>
        %add3A_1142 = arith.addi %broadcast_in_dim3A_1136, %add3A_1141 : vector<16xi32>
        %select_n3A_1143 = arith.select %lt3A_1139, %add3A_1142, %broadcast_in_dim3A_1136 : vector<16xi1>, vector<16xi32>
        %reshape3A_1144 = vector.shape_cast %select_n3A_1143 : vector<16xi32> to vector<16x1xi32>
        %gather3A_1145 = vector.shape_cast %reshape3A_1144 : vector<16x1xi32> to vector<16xi32>
        %gather3A_1146 = tpu.dynamic_gather %bitcast3A[%gather3A_1145] in [0] : vector<16xf32>, vector<16xi32> -> vector<16xf32>
        %get3A_1147 = arith.index_cast %add3A_1134 : i32 to index
        %get3A_1148 = arith.constant 0 : index
        %get3A_1149 = tpu.vector_load %arg7[%get3A_1147, %get3A_1148] {strides = array<i32>} : memref<128x128xf32, #tpu.memory_space<vmem>>, vector<16xf32>,
        %mul3A_1150 = arith.mulf %get3A_1149, %gather3A_1146 : vector<16xf32>
        %swap3A_1151 = arith.index_cast %add3A_1134 : i32 to index
        %swap3A_1152 = arith.constant 0 : index
        %swap3A_1153 = tpu.vector_load %arg7[%swap3A_1151, %swap3A_1152] {strides = array<i32>} : memref<128x128xf32, #tpu.memory_space<vmem>>, vector<16xf32>,
        tpu.vector_store %arg7[%swap3A_1151, %swap3A_1152], %mul3A_1150 {strides = array<i32>} : memref<128x128xf32, #tpu.memory_space<vmem>>, vector<16xf32>,
        %get3A_1154 = arith.index_cast %add3A_1134 : i32 to index
        %get3A_1155 = arith.constant 16 : index
        %get3A_1156 = tpu.vector_load %arg7[%get3A_1154, %get3A_1155] {strides = array<i32>} : memref<128x128xf32, #tpu.memory_space<vmem>>, vector<16xf32>,
        %mul3A_1157 = arith.mulf %get3A_1156, %gather3A_1146 : vector<16xf32>
        %swap3A_1158 = arith.index_cast %add3A_1134 : i32 to index
        %swap3A_1159 = arith.constant 16 : index
        %swap3A_1160 = tpu.vector_load %arg7[%swap3A_1158, %swap3A_1159] {strides = array<i32>} : memref<128x128xf32, #tpu.memory_space<vmem>>, vector<16xf32>,
        tpu.vector_store %arg7[%swap3A_1158, %swap3A_1159], %mul3A_1157 {strides = array<i32>} : memref<128x128xf32, #tpu.memory_space<vmem>>, vector<16xf32>,
        %get3A_1161 = arith.index_cast %add3A_1134 : i32 to index
        %get3A_1162 = arith.constant 32 : index
        %get3A_1163 = tpu.vector_load %arg7[%get3A_1161, %get3A_1162] {strides = array<i32>} : memref<128x128xf32, #tpu.memory_space<vmem>>, vector<16xf32>,
        %mul3A_1164 = arith.mulf %get3A_1163, %gather3A_1146 : vector<16xf32>
        %swap3A_1165 = arith.index_cast %add3A_1134 : i32 to index
        %swap3A_1166 = arith.constant 32 : index
        %swap3A_1167 = tpu.vector_load %arg7[%swap3A_1165, %swap3A_1166] {strides = array<i32>} : memref<128x128xf32, #tpu.memory_space<vmem>>, vector<16xf32>,
        tpu.vector_store %arg7[%swap3A_1165, %swap3A_1166], %mul3A_1164 {strides = array<i32>} : memref<128x128xf32, #tpu.memory_space<vmem>>, vector<16xf32>,
        %get3A_1168 = arith.index_cast %add3A_1134 : i32 to index
        %get3A_1169 = arith.constant 48 : index
        %get3A_1170 = tpu.vector_load %arg7[%get3A_1168, %get3A_1169] {strides = array<i32>} : memref<128x128xf32, #tpu.memory_space<vmem>>, vector<16xf32>,
        %mul3A_1171 = arith.mulf %get3A_1170, %gather3A_1146 : vector<16xf32>
        %swap3A_1172 = arith.index_cast %add3A_1134 : i32 to index
        %swap3A_1173 = arith.constant 48 : index
        %swap3A_1174 = tpu.vector_load %arg7[%swap3A_1172, %swap3A_1173] {strides = array<i32>} : memref<128x128xf32, #tpu.memory_space<vmem>>, vector<16xf32>,
        tpu.vector_store %arg7[%swap3A_1172, %swap3A_1173], %mul3A_1171 {strides = array<i32>} : memref<128x128xf32, #tpu.memory_space<vmem>>, vector<16xf32>,
        %get3A_1175 = arith.index_cast %add3A_1134 : i32 to index
        %get3A_1176 = arith.constant 64 : index
        %get3A_1177 = tpu.vector_load %arg7[%get3A_1175, %get3A_1176] {strides = array<i32>} : memref<128x128xf32, #tpu.memory_space<vmem>>, vector<16xf32>,
        %mul3A_1178 = arith.mulf %get3A_1177, %gather3A_1146 : vector<16xf32>
        %swap3A_1179 = arith.index_cast %add3A_1134 : i32 to index
        %swap3A_1180 = arith.constant 64 : index
        %swap3A_1181 = tpu.vector_load %arg7[%swap3A_1179, %swap3A_1180] {strides = array<i32>} : memref<128x128xf32, #tpu.memory_space<vmem>>, vector<16xf32>,
        tpu.vector_store %arg7[%swap3A_1179, %swap3A_1180], %mul3A_1178 {strides = array<i32>} : memref<128x128xf32, #tpu.memory_space<vmem>>, vector<16xf32>,
        %get3A_1182 = arith.index_cast %add3A_1134 : i32 to index
        %get3A_1183 = arith.constant 80 : index
        %get3A_1184 = tpu.vector_load %arg7[%get3A_1182, %get3A_1183] {strides = array<i32>} : memref<128x128xf32, #tpu.memory_space<vmem>>, vector<16xf32>,
        %mul3A_1185 = arith.mulf %get3A_1184, %gather3A_1146 : vector<16xf32>
        %swap3A_1186 = arith.index_cast %add3A_1134 : i32 to index
        %swap3A_1187 = arith.constant 80 : index
        %swap3A_1188 = tpu.vector_load %arg7[%swap3A_1186, %swap3A_1187] {strides = array<i32>} : memref<128x128xf32, #tpu.memory_space<vmem>>, vector<16xf32>,
        tpu.vector_store %arg7[%swap3A_1186, %swap3A_1187], %mul3A_1185 {strides = array<i32>} : memref<128x128xf32, #tpu.memory_space<vmem>>, vector<16xf32>,
        %get3A_1189 = arith.index_cast %add3A_1134 : i32 to index
        %get3A_1190 = arith.constant 96 : index
        %get3A_1191 = tpu.vector_load %arg7[%get3A_1189, %get3A_1190] {strides = array<i32>} : memref<128x128xf32, #tpu.memory_space<vmem>>, vector<16xf32>,
        %mul3A_1192 = arith.mulf %get3A_1191, %gather3A_1146 : vector<16xf32>
        %swap3A_1193 = arith.index_cast %add3A_1134 : i32 to index
        %swap3A_1194 = arith.constant 96 : index
        %swap3A_1195 = tpu.vector_load %arg7[%swap3A_1193, %swap3A_1194] {strides = array<i32>} : memref<128x128xf32, #tpu.memory_space<vmem>>, vector<16xf32>,
        tpu.vector_store %arg7[%swap3A_1193, %swap3A_1194], %mul3A_1192 {strides = array<i32>} : memref<128x128xf32, #tpu.memory_space<vmem>>, vector<16xf32>,
        %get3A_1196 = arith.index_cast %add3A_1134 : i32 to index
        %get3A_1197 = arith.constant 112 : index
        %get3A_1198 = tpu.vector_load %arg7[%get3A_1196, %get3A_1197] {strides = array<i32>} : memref<128x128xf32, #tpu.memory_space<vmem>>, vector<16xf32>,
        %mul3A_1199 = arith.mulf %get3A_1198, %gather3A_1146 : vector<16xf32>
        %swap3A_1200 = arith.index_cast %add3A_1134 : i32 to index
        %swap3A_1201 = arith.constant 112 : index
        %swap3A_1202 = tpu.vector_load %arg7[%swap3A_1200, %swap3A_1201] {strides = array<i32>} : memref<128x128xf32, #tpu.memory_space<vmem>>, vector<16xf32>,
        tpu.vector_store %arg7[%swap3A_1200, %swap3A_1201], %mul3A_1199 {strides = array<i32>} : memref<128x128xf32, #tpu.memory_space<vmem>>, vector<16xf32>,
        %mul3A_1203 = arith.constant 16 : i32
        %mul3A_1204 = arith.muli %scan3A_121, %mul3A_1203 : i32
        %add3A_1205 = arith.constant 15 : i32
        %add3A_1206 = arith.addi %mul3A_1204, %add3A_1205 : i32
        %broadcast_in_dim3A_1207 = arith.constant 15 : i32
        %broadcast_in_dim3A_1208 = vector.broadcast %broadcast_in_dim3A_1207 : i32 to vector<16xi32>
        %lt3A_1209 = arith.constant 0 : i32
        %lt3A_1210 = vector.broadcast %lt3A_1209 : i32 to vector<16xi32>
        %lt3A_1211 = arith.cmpi slt, %broadcast_in_dim3A_1208, %lt3A_1210 : vector<16xi32>
        %add3A_1212 = arith.constant 16 : i32
        %add3A_1213 = vector.broadcast %add3A_1212 : i32 to vector<16xi32>
        %add3A_1214 = arith.addi %broadcast_in_dim3A_1208, %add3A_1213 : vector<16xi32>
        %select_n3A_1215 = arith.select %lt3A_1211, %add3A_1214, %broadcast_in_dim3A_1208 : vector<16xi1>, vector<16xi32>
        %reshape3A_1216 = vector.shape_cast %select_n3A_1215 : vector<16xi32> to vector<16x1xi32>
        %gather3A_1217 = vector.shape_cast %reshape3A_1216 : vector<16x1xi32> to vector<16xi32>
        %gather3A_1218 = tpu.dynamic_gather %bitcast3A[%gather3A_1217] in [0] : vector<16xf32>, vector<16xi32> -> vector<16xf32>
        %get3A_1219 = arith.index_cast %add3A_1206 : i32 to index
        %get3A_1220 = arith.constant 0 : index
        %get3A_1221 = tpu.vector_load %arg7[%get3A_1219, %get3A_1220] {strides = array<i32>} : memref<128x128xf32, #tpu.memory_space<vmem>>, vector<16xf32>,
        %mul3A_1222 = arith.mulf %get3A_1221, %gather3A_1218 : vector<16xf32>
        %swap3A_1223 = arith.index_cast %add3A_1206 : i32 to index
        %swap3A_1224 = arith.constant 0 : index
        %swap3A_1225 = tpu.vector_load %arg7[%swap3A_1223, %swap3A_1224] {strides = array<i32>} : memref<128x128xf32, #tpu.memory_space<vmem>>, vector<16xf32>,
        tpu.vector_store %arg7[%swap3A_1223, %swap3A_1224], %mul3A_1222 {strides = array<i32>} : memref<128x128xf32, #tpu.memory_space<vmem>>, vector<16xf32>,
        %get3A_1226 = arith.index_cast %add3A_1206 : i32 to index
        %get3A_1227 = arith.constant 16 : index
        %get3A_1228 = tpu.vector_load %arg7[%get3A_1226, %get3A_1227] {strides = array<i32>} : memref<128x128xf32, #tpu.memory_space<vmem>>, vector<16xf32>,
        %mul3A_1229 = arith.mulf %get3A_1228, %gather3A_1218 : vector<16xf32>
        %swap3A_1230 = arith.index_cast %add3A_1206 : i32 to index
        %swap3A_1231 = arith.constant 16 : index
        %swap3A_1232 = tpu.vector_load %arg7[%swap3A_1230, %swap3A_1231] {strides = array<i32>} : memref<128x128xf32, #tpu.memory_space<vmem>>, vector<16xf32>,
        tpu.vector_store %arg7[%swap3A_1230, %swap3A_1231], %mul3A_1229 {strides = array<i32>} : memref<128x128xf32, #tpu.memory_space<vmem>>, vector<16xf32>,
        %get3A_1233 = arith.index_cast %add3A_1206 : i32 to index
        %get3A_1234 = arith.constant 32 : index
        %get3A_1235 = tpu.vector_load %arg7[%get3A_1233, %get3A_1234] {strides = array<i32>} : memref<128x128xf32, #tpu.memory_space<vmem>>, vector<16xf32>,
        %mul3A_1236 = arith.mulf %get3A_1235, %gather3A_1218 : vector<16xf32>
        %swap3A_1237 = arith.index_cast %add3A_1206 : i32 to index
        %swap3A_1238 = arith.constant 32 : index
        %swap3A_1239 = tpu.vector_load %arg7[%swap3A_1237, %swap3A_1238] {strides = array<i32>} : memref<128x128xf32, #tpu.memory_space<vmem>>, vector<16xf32>,
        tpu.vector_store %arg7[%swap3A_1237, %swap3A_1238], %mul3A_1236 {strides = array<i32>} : memref<128x128xf32, #tpu.memory_space<vmem>>, vector<16xf32>,
        %get3A_1240 = arith.index_cast %add3A_1206 : i32 to index
        %get3A_1241 = arith.constant 48 : index
        %get3A_1242 = tpu.vector_load %arg7[%get3A_1240, %get3A_1241] {strides = array<i32>} : memref<128x128xf32, #tpu.memory_space<vmem>>, vector<16xf32>,
        %mul3A_1243 = arith.mulf %get3A_1242, %gather3A_1218 : vector<16xf32>
        %swap3A_1244 = arith.index_cast %add3A_1206 : i32 to index
        %swap3A_1245 = arith.constant 48 : index
        %swap3A_1246 = tpu.vector_load %arg7[%swap3A_1244, %swap3A_1245] {strides = array<i32>} : memref<128x128xf32, #tpu.memory_space<vmem>>, vector<16xf32>,
        tpu.vector_store %arg7[%swap3A_1244, %swap3A_1245], %mul3A_1243 {strides = array<i32>} : memref<128x128xf32, #tpu.memory_space<vmem>>, vector<16xf32>,
        %get3A_1247 = arith.index_cast %add3A_1206 : i32 to index
        %get3A_1248 = arith.constant 64 : index
        %get3A_1249 = tpu.vector_load %arg7[%get3A_1247, %get3A_1248] {strides = array<i32>} : memref<128x128xf32, #tpu.memory_space<vmem>>, vector<16xf32>,
        %mul3A_1250 = arith.mulf %get3A_1249, %gather3A_1218 : vector<16xf32>
        %swap3A_1251 = arith.index_cast %add3A_1206 : i32 to index
        %swap3A_1252 = arith.constant 64 : index
        %swap3A_1253 = tpu.vector_load %arg7[%swap3A_1251, %swap3A_1252] {strides = array<i32>} : memref<128x128xf32, #tpu.memory_space<vmem>>, vector<16xf32>,
        tpu.vector_store %arg7[%swap3A_1251, %swap3A_1252], %mul3A_1250 {strides = array<i32>} : memref<128x128xf32, #tpu.memory_space<vmem>>, vector<16xf32>,
        %get3A_1254 = arith.index_cast %add3A_1206 : i32 to index
        %get3A_1255 = arith.constant 80 : index
        %get3A_1256 = tpu.vector_load %arg7[%get3A_1254, %get3A_1255] {strides = array<i32>} : memref<128x128xf32, #tpu.memory_space<vmem>>, vector<16xf32>,
        %mul3A_1257 = arith.mulf %get3A_1256, %gather3A_1218 : vector<16xf32>
        %swap3A_1258 = arith.index_cast %add3A_1206 : i32 to index
        %swap3A_1259 = arith.constant 80 : index
        %swap3A_1260 = tpu.vector_load %arg7[%swap3A_1258, %swap3A_1259] {strides = array<i32>} : memref<128x128xf32, #tpu.memory_space<vmem>>, vector<16xf32>,
        tpu.vector_store %arg7[%swap3A_1258, %swap3A_1259], %mul3A_1257 {strides = array<i32>} : memref<128x128xf32, #tpu.memory_space<vmem>>, vector<16xf32>,
        %get3A_1261 = arith.index_cast %add3A_1206 : i32 to index
        %get3A_1262 = arith.constant 96 : index
        %get3A_1263 = tpu.vector_load %arg7[%get3A_1261, %get3A_1262] {strides = array<i32>} : memref<128x128xf32, #tpu.memory_space<vmem>>, vector<16xf32>,
        %mul3A_1264 = arith.mulf %get3A_1263, %gather3A_1218 : vector<16xf32>
        %swap3A_1265 = arith.index_cast %add3A_1206 : i32 to index
        %swap3A_1266 = arith.constant 96 : index
        %swap3A_1267 = tpu.vector_load %arg7[%swap3A_1265, %swap3A_1266] {strides = array<i32>} : memref<128x128xf32, #tpu.memory_space<vmem>>, vector<16xf32>,
        tpu.vector_store %arg7[%swap3A_1265, %swap3A_1266], %mul3A_1264 {strides = array<i32>} : memref<128x128xf32, #tpu.memory_space<vmem>>, vector<16xf32>,
        %get3A_1268 = arith.index_cast %add3A_1206 : i32 to index
        %get3A_1269 = arith.constant 112 : index
        %get3A_1270 = tpu.vector_load %arg7[%get3A_1268, %get3A_1269] {strides = array<i32>} : memref<128x128xf32, #tpu.memory_space<vmem>>, vector<16xf32>,
        %mul3A_1271 = arith.mulf %get3A_1270, %gather3A_1218 : vector<16xf32>
        %swap3A_1272 = arith.index_cast %add3A_1206 : i32 to index
        %swap3A_1273 = arith.constant 112 : index
        %swap3A_1274 = tpu.vector_load %arg7[%swap3A_1272, %swap3A_1273] {strides = array<i32>} : memref<128x128xf32, #tpu.memory_space<vmem>>, vector<16xf32>,
        tpu.vector_store %arg7[%swap3A_1272, %swap3A_1273], %mul3A_1271 {strides = array<i32>} : memref<128x128xf32, #tpu.memory_space<vmem>>, vector<16xf32>,
        %scan3A_1275 = arith.constant 0 : i32
        scf.yield %scan3A_1275 : i32
      }
      %scan3A_80 = arith.constant 8 : i32
      %dma_start3A_81 = arith.constant 1 : i32
      %dma_start3A_82 = arith.constant 0 : i32
      %dma_start3A_83 = tpu.memref_slice %arg5[%dma_start3A_81, %dma_start3A_82] : memref<3x128xi32, #tpu.memory_space<vmem>> -> memref<1x128xi32, #tpu.memory_space<vmem>>
      %dma_start3A_84 = tpu.memref_squeeze %dma_start3A_83 : memref<1x128xi32, #tpu.memory_space<vmem>> -> memref<128xi32, #tpu.memory_space<vmem>>
      %dma_start3A_85 = arith.constant 0 : i32
      %dma_start3A_86 = arith.constant 0 : i32
      %dma_start3A_87 = tpu.memref_slice %arg13[%dma_start3A_85, %dma_start3A_86] : memref<10112x128xf32, #tpu.memory_space<vmem_shared>> -> memref<10112x128xf32, #tpu.memory_space<vmem_shared>>
      tpu.enqueue_indirect_dma source(%arg7 : memref<128x128xf32, #tpu.memory_space<vmem>>) target(%dma_start3A_87 : memref<10112x128xf32, #tpu.memory_space<vmem_shared>>) offsets(%dma_start3A_84 : memref<128xi32, #tpu.memory_space<vmem>>) semaphore(%arg11 : memref<!tpu.dma_semaphore, #tpu.memory_space<semaphore_mem>>) {add = true}
      %dma_wait3A_88 = arith.constant 0 : i32
      %dma_wait3A_89 = arith.constant 0 : i32
      %dma_wait3A_90 = tpu.memref_slice %arg6[%dma_wait3A_88, %dma_wait3A_89] : memref<3x128xi32, #tpu.memory_space<vmem>> -> memref<1x128xi32, #tpu.memory_space<vmem>>
      %dma_wait3A_91 = tpu.memref_squeeze %dma_wait3A_90 : memref<1x128xi32, #tpu.memory_space<vmem>> -> memref<128xi32, #tpu.memory_space<vmem>>
      %dma_wait3A_92 = arith.constant 0 : i32
      %dma_wait3A_93 = arith.constant 0 : i32
      %dma_wait3A_94 = tpu.memref_slice %arg2[%dma_wait3A_92, %dma_wait3A_93] : memref<10000x128xf32, #tpu.memory_space<hbm>> -> memref<10000x128xf32, #tpu.memory_space<hbm>>
      tpu.wait_indirect_dma semaphore(%arg10 : memref<!tpu.dma_semaphore, #tpu.memory_space<semaphore_mem>>) src(%dma_wait3A_94 : memref<10000x128xf32, #tpu.memory_space<hbm>>) dst(%arg8 : memref<128x128xf32, #tpu.memory_space<vmem>>)
      %scan3A_95 = arith.constant 0 : i32
      %scan3A_96 = arith.constant 0 : i32
      %scan3A_97 = arith.constant 8 : i32
      %scan3A_98 = arith.addi %scan3A_96, %scan3A_97 : i32
      %scan3A_99 = arith.constant 1 : i32
      %scan3A_100 = scf.for %scan3A_121 = %scan3A_96 to %scan3A_98 step %scan3A_99 iter_args(%scan3A_122 = %scan3A_95) -> (i32)  : i32 {
        %mul3A_123 = arith.constant 16 : i32
        %mul3A_124 = arith.muli %scan3A_121, %mul3A_123 : i32
        %get3A = arith.constant 2 : i32
        %get3A_125 = arith.index_cast %get3A : i32 to index
        %get3A_126 = arith.index_cast %mul3A_124 : i32 to index
        %get3A_127 = tpu.vector_load %arg6[%get3A_125, %get3A_126] {strides = array<i32>} : memref<3x128xi32, #tpu.memory_space<vmem>>, vector<16xi32>,
        %bitcast3A = vector.bitcast %get3A_127 : vector<16xi32> to vector<16xf32>
        %mul3A_128 = arith.constant 16 : i32
        %mul3A_129 = arith.muli %scan3A_121, %mul3A_128 : i32
        %add3A_130 = arith.constant 0 : i32
        %add3A_131 = arith.addi %mul3A_129, %add3A_130 : i32
        %broadcast_in_dim3A = arith.constant 0 : i32
        %broadcast_in_dim3A_132 = vector.broadcast %broadcast_in_dim3A : i32 to vector<16xi32>
        %lt3A_133 = arith.constant 0 : i32
        %lt3A_134 = vector.broadcast %lt3A_133 : i32 to vector<16xi32>
        %lt3A_135 = arith.cmpi slt, %broadcast_in_dim3A_132, %lt3A_134 : vector<16xi32>
        %add3A_136 = arith.constant 16 : i32
        %add3A_137 = vector.broadcast %add3A_136 : i32 to vector<16xi32>
        %add3A_138 = arith.addi %broadcast_in_dim3A_132, %add3A_137 : vector<16xi32>
        %select_n3A = arith.select %lt3A_135, %add3A_138, %broadcast_in_dim3A_132 : vector<16xi1>, vector<16xi32>
        %reshape3A = vector.shape_cast %select_n3A : vector<16xi32> to vector<16x1xi32>
        %gather3A = vector.shape_cast %reshape3A : vector<16x1xi32> to vector<16xi32>
        %gather3A_139 = tpu.dynamic_gather %bitcast3A[%gather3A] in [0] : vector<16xf32>, vector<16xi32> -> vector<16xf32>
        %get3A_140 = arith.index_cast %add3A_131 : i32 to index
        %get3A_141 = arith.constant 0 : index
        %get3A_142 = tpu.vector_load %arg8[%get3A_140, %get3A_141] {strides = array<i32>} : memref<128x128xf32, #tpu.memory_space<vmem>>, vector<16xf32>,
        %mul3A_143 = arith.mulf %get3A_142, %gather3A_139 : vector<16xf32>
        %swap3A = arith.index_cast %add3A_131 : i32 to index
        %swap3A_144 = arith.constant 0 : index
        %swap3A_145 = tpu.vector_load %arg8[%swap3A, %swap3A_144] {strides = array<i32>} : memref<128x128xf32, #tpu.memory_space<vmem>>, vector<16xf32>,
        tpu.vector_store %arg8[%swap3A, %swap3A_144], %mul3A_143 {strides = array<i32>} : memref<128x128xf32, #tpu.memory_space<vmem>>, vector<16xf32>,
        %get3A_146 = arith.index_cast %add3A_131 : i32 to index
        %get3A_147 = arith.constant 16 : index
        %get3A_148 = tpu.vector_load %arg8[%get3A_146, %get3A_147] {strides = array<i32>} : memref<128x128xf32, #tpu.memory_space<vmem>>, vector<16xf32>,
        %mul3A_149 = arith.mulf %get3A_148, %gather3A_139 : vector<16xf32>
        %swap3A_150 = arith.index_cast %add3A_131 : i32 to index
        %swap3A_151 = arith.constant 16 : index
        %swap3A_152 = tpu.vector_load %arg8[%swap3A_150, %swap3A_151] {strides = array<i32>} : memref<128x128xf32, #tpu.memory_space<vmem>>, vector<16xf32>,
        tpu.vector_store %arg8[%swap3A_150, %swap3A_151], %mul3A_149 {strides = array<i32>} : memref<128x128xf32, #tpu.memory_space<vmem>>, vector<16xf32>,
        %get3A_153 = arith.index_cast %add3A_131 : i32 to index
        %get3A_154 = arith.constant 32 : index
        %get3A_155 = tpu.vector_load %arg8[%get3A_153, %get3A_154] {strides = array<i32>} : memref<128x128xf32, #tpu.memory_space<vmem>>, vector<16xf32>,
        %mul3A_156 = arith.mulf %get3A_155, %gather3A_139 : vector<16xf32>
        %swap3A_157 = arith.index_cast %add3A_131 : i32 to index
        %swap3A_158 = arith.constant 32 : index
        %swap3A_159 = tpu.vector_load %arg8[%swap3A_157, %swap3A_158] {strides = array<i32>} : memref<128x128xf32, #tpu.memory_space<vmem>>, vector<16xf32>,
        tpu.vector_store %arg8[%swap3A_157, %swap3A_158], %mul3A_156 {strides = array<i32>} : memref<128x128xf32, #tpu.memory_space<vmem>>, vector<16xf32>,
        %get3A_160 = arith.index_cast %add3A_131 : i32 to index
        %get3A_161 = arith.constant 48 : index
        %get3A_162 = tpu.vector_load %arg8[%get3A_160, %get3A_161] {strides = array<i32>} : memref<128x128xf32, #tpu.memory_space<vmem>>, vector<16xf32>,
        %mul3A_163 = arith.mulf %get3A_162, %gather3A_139 : vector<16xf32>
        %swap3A_164 = arith.index_cast %add3A_131 : i32 to index
        %swap3A_165 = arith.constant 48 : index
        %swap3A_166 = tpu.vector_load %arg8[%swap3A_164, %swap3A_165] {strides = array<i32>} : memref<128x128xf32, #tpu.memory_space<vmem>>, vector<16xf32>,
        tpu.vector_store %arg8[%swap3A_164, %swap3A_165], %mul3A_163 {strides = array<i32>} : memref<128x128xf32, #tpu.memory_space<vmem>>, vector<16xf32>,
        %get3A_167 = arith.index_cast %add3A_131 : i32 to index
        %get3A_168 = arith.constant 64 : index
        %get3A_169 = tpu.vector_load %arg8[%get3A_167, %get3A_168] {strides = array<i32>} : memref<128x128xf32, #tpu.memory_space<vmem>>, vector<16xf32>,
        %mul3A_170 = arith.mulf %get3A_169, %gather3A_139 : vector<16xf32>
        %swap3A_171 = arith.index_cast %add3A_131 : i32 to index
        %swap3A_172 = arith.constant 64 : index
        %swap3A_173 = tpu.vector_load %arg8[%swap3A_171, %swap3A_172] {strides = array<i32>} : memref<128x128xf32, #tpu.memory_space<vmem>>, vector<16xf32>,
        tpu.vector_store %arg8[%swap3A_171, %swap3A_172], %mul3A_170 {strides = array<i32>} : memref<128x128xf32, #tpu.memory_space<vmem>>, vector<16xf32>,
        %get3A_174 = arith.index_cast %add3A_131 : i32 to index
        %get3A_175 = arith.constant 80 : index
        %get3A_176 = tpu.vector_load %arg8[%get3A_174, %get3A_175] {strides = array<i32>} : memref<128x128xf32, #tpu.memory_space<vmem>>, vector<16xf32>,
        %mul3A_177 = arith.mulf %get3A_176, %gather3A_139 : vector<16xf32>
        %swap3A_178 = arith.index_cast %add3A_131 : i32 to index
        %swap3A_179 = arith.constant 80 : index
        %swap3A_180 = tpu.vector_load %arg8[%swap3A_178, %swap3A_179] {strides = array<i32>} : memref<128x128xf32, #tpu.memory_space<vmem>>, vector<16xf32>,
        tpu.vector_store %arg8[%swap3A_178, %swap3A_179], %mul3A_177 {strides = array<i32>} : memref<128x128xf32, #tpu.memory_space<vmem>>, vector<16xf32>,
        %get3A_181 = arith.index_cast %add3A_131 : i32 to index
        %get3A_182 = arith.constant 96 : index
        %get3A_183 = tpu.vector_load %arg8[%get3A_181, %get3A_182] {strides = array<i32>} : memref<128x128xf32, #tpu.memory_space<vmem>>, vector<16xf32>,
        %mul3A_184 = arith.mulf %get3A_183, %gather3A_139 : vector<16xf32>
        %swap3A_185 = arith.index_cast %add3A_131 : i32 to index
        %swap3A_186 = arith.constant 96 : index
        %swap3A_187 = tpu.vector_load %arg8[%swap3A_185, %swap3A_186] {strides = array<i32>} : memref<128x128xf32, #tpu.memory_space<vmem>>, vector<16xf32>,
        tpu.vector_store %arg8[%swap3A_185, %swap3A_186], %mul3A_184 {strides = array<i32>} : memref<128x128xf32, #tpu.memory_space<vmem>>, vector<16xf32>,
        %get3A_188 = arith.index_cast %add3A_131 : i32 to index
        %get3A_189 = arith.constant 112 : index
        %get3A_190 = tpu.vector_load %arg8[%get3A_188, %get3A_189] {strides = array<i32>} : memref<128x128xf32, #tpu.memory_space<vmem>>, vector<16xf32>,
        %mul3A_191 = arith.mulf %get3A_190, %gather3A_139 : vector<16xf32>
        %swap3A_192 = arith.index_cast %add3A_131 : i32 to index
        %swap3A_193 = arith.constant 112 : index
        %swap3A_194 = tpu.vector_load %arg8[%swap3A_192, %swap3A_193] {strides = array<i32>} : memref<128x128xf32, #tpu.memory_space<vmem>>, vector<16xf32>,
        tpu.vector_store %arg8[%swap3A_192, %swap3A_193], %mul3A_191 {strides = array<i32>} : memref<128x128xf32, #tpu.memory_space<vmem>>, vector<16xf32>,
        %mul3A_195 = arith.constant 16 : i32
        %mul3A_196 = arith.muli %scan3A_121, %mul3A_195 : i32
        %add3A_197 = arith.constant 1 : i32
        %add3A_198 = arith.addi %mul3A_196, %add3A_197 : i32
        %broadcast_in_dim3A_199 = arith.constant 1 : i32
        %broadcast_in_dim3A_200 = vector.broadcast %broadcast_in_dim3A_199 : i32 to vector<16xi32>
        %lt3A_201 = arith.constant 0 : i32
        %lt3A_202 = vector.broadcast %lt3A_201 : i32 to vector<16xi32>
        %lt3A_203 = arith.cmpi slt, %broadcast_in_dim3A_200, %lt3A_202 : vector<16xi32>
        %add3A_204 = arith.constant 16 : i32
        %add3A_205 = vector.broadcast %add3A_204 : i32 to vector<16xi32>
        %add3A_206 = arith.addi %broadcast_in_dim3A_200, %add3A_205 : vector<16xi32>
        %select_n3A_207 = arith.select %lt3A_203, %add3A_206, %broadcast_in_dim3A_200 : vector<16xi1>, vector<16xi32>
        %reshape3A_208 = vector.shape_cast %select_n3A_207 : vector<16xi32> to vector<16x1xi32>
        %gather3A_209 = vector.shape_cast %reshape3A_208 : vector<16x1xi32> to vector<16xi32>
        %gather3A_210 = tpu.dynamic_gather %bitcast3A[%gather3A_209] in [0] : vector<16xf32>, vector<16xi32> -> vector<16xf32>
        %get3A_211 = arith.index_cast %add3A_198 : i32 to index
        %get3A_212 = arith.constant 0 : index
        %get3A_213 = tpu.vector_load %arg8[%get3A_211, %get3A_212] {strides = array<i32>} : memref<128x128xf32, #tpu.memory_space<vmem>>, vector<16xf32>,
        %mul3A_214 = arith.mulf %get3A_213, %gather3A_210 : vector<16xf32>
        %swap3A_215 = arith.index_cast %add3A_198 : i32 to index
        %swap3A_216 = arith.constant 0 : index
        %swap3A_217 = tpu.vector_load %arg8[%swap3A_215, %swap3A_216] {strides = array<i32>} : memref<128x128xf32, #tpu.memory_space<vmem>>, vector<16xf32>,
        tpu.vector_store %arg8[%swap3A_215, %swap3A_216], %mul3A_214 {strides = array<i32>} : memref<128x128xf32, #tpu.memory_space<vmem>>, vector<16xf32>,
        %get3A_218 = arith.index_cast %add3A_198 : i32 to index
        %get3A_219 = arith.constant 16 : index
        %get3A_220 = tpu.vector_load %arg8[%get3A_218, %get3A_219] {strides = array<i32>} : memref<128x128xf32, #tpu.memory_space<vmem>>, vector<16xf32>,
        %mul3A_221 = arith.mulf %get3A_220, %gather3A_210 : vector<16xf32>
        %swap3A_222 = arith.index_cast %add3A_198 : i32 to index
        %swap3A_223 = arith.constant 16 : index
        %swap3A_224 = tpu.vector_load %arg8[%swap3A_222, %swap3A_223] {strides = array<i32>} : memref<128x128xf32, #tpu.memory_space<vmem>>, vector<16xf32>,
        tpu.vector_store %arg8[%swap3A_222, %swap3A_223], %mul3A_221 {strides = array<i32>} : memref<128x128xf32, #tpu.memory_space<vmem>>, vector<16xf32>,
        %get3A_225 = arith.index_cast %add3A_198 : i32 to index
        %get3A_226 = arith.constant 32 : index
        %get3A_227 = tpu.vector_load %arg8[%get3A_225, %get3A_226] {strides = array<i32>} : memref<128x128xf32, #tpu.memory_space<vmem>>, vector<16xf32>,
        %mul3A_228 = arith.mulf %get3A_227, %gather3A_210 : vector<16xf32>
        %swap3A_229 = arith.index_cast %add3A_198 : i32 to index
        %swap3A_230 = arith.constant 32 : index
        %swap3A_231 = tpu.vector_load %arg8[%swap3A_229, %swap3A_230] {strides = array<i32>} : memref<128x128xf32, #tpu.memory_space<vmem>>, vector<16xf32>,
        tpu.vector_store %arg8[%swap3A_229, %swap3A_230], %mul3A_228 {strides = array<i32>} : memref<128x128xf32, #tpu.memory_space<vmem>>, vector<16xf32>,
        %get3A_232 = arith.index_cast %add3A_198 : i32 to index
        %get3A_233 = arith.constant 48 : index
        %get3A_234 = tpu.vector_load %arg8[%get3A_232, %get3A_233] {strides = array<i32>} : memref<128x128xf32, #tpu.memory_space<vmem>>, vector<16xf32>,
        %mul3A_235 = arith.mulf %get3A_234, %gather3A_210 : vector<16xf32>
        %swap3A_236 = arith.index_cast %add3A_198 : i32 to index
        %swap3A_237 = arith.constant 48 : index
        %swap3A_238 = tpu.vector_load %arg8[%swap3A_236, %swap3A_237] {strides = array<i32>} : memref<128x128xf32, #tpu.memory_space<vmem>>, vector<16xf32>,
        tpu.vector_store %arg8[%swap3A_236, %swap3A_237], %mul3A_235 {strides = array<i32>} : memref<128x128xf32, #tpu.memory_space<vmem>>, vector<16xf32>,
        %get3A_239 = arith.index_cast %add3A_198 : i32 to index
        %get3A_240 = arith.constant 64 : index
        %get3A_241 = tpu.vector_load %arg8[%get3A_239, %get3A_240] {strides = array<i32>} : memref<128x128xf32, #tpu.memory_space<vmem>>, vector<16xf32>,
        %mul3A_242 = arith.mulf %get3A_241, %gather3A_210 : vector<16xf32>
        %swap3A_243 = arith.index_cast %add3A_198 : i32 to index
        %swap3A_244 = arith.constant 64 : index
        %swap3A_245 = tpu.vector_load %arg8[%swap3A_243, %swap3A_244] {strides = array<i32>} : memref<128x128xf32, #tpu.memory_space<vmem>>, vector<16xf32>,
        tpu.vector_store %arg8[%swap3A_243, %swap3A_244], %mul3A_242 {strides = array<i32>} : memref<128x128xf32, #tpu.memory_space<vmem>>, vector<16xf32>,
        %get3A_246 = arith.index_cast %add3A_198 : i32 to index
        %get3A_247 = arith.constant 80 : index
        %get3A_248 = tpu.vector_load %arg8[%get3A_246, %get3A_247] {strides = array<i32>} : memref<128x128xf32, #tpu.memory_space<vmem>>, vector<16xf32>,
        %mul3A_249 = arith.mulf %get3A_248, %gather3A_210 : vector<16xf32>
        %swap3A_250 = arith.index_cast %add3A_198 : i32 to index
        %swap3A_251 = arith.constant 80 : index
        %swap3A_252 = tpu.vector_load %arg8[%swap3A_250, %swap3A_251] {strides = array<i32>} : memref<128x128xf32, #tpu.memory_space<vmem>>, vector<16xf32>,
        tpu.vector_store %arg8[%swap3A_250, %swap3A_251], %mul3A_249 {strides = array<i32>} : memref<128x128xf32, #tpu.memory_space<vmem>>, vector<16xf32>,
        %get3A_253 = arith.index_cast %add3A_198 : i32 to index
        %get3A_254 = arith.constant 96 : index
        %get3A_255 = tpu.vector_load %arg8[%get3A_253, %get3A_254] {strides = array<i32>} : memref<128x128xf32, #tpu.memory_space<vmem>>, vector<16xf32>,
        %mul3A_256 = arith.mulf %get3A_255, %gather3A_210 : vector<16xf32>
        %swap3A_257 = arith.index_cast %add3A_198 : i32 to index
        %swap3A_258 = arith.constant 96 : index
        %swap3A_259 = tpu.vector_load %arg8[%swap3A_257, %swap3A_258] {strides = array<i32>} : memref<128x128xf32, #tpu.memory_space<vmem>>, vector<16xf32>,
        tpu.vector_store %arg8[%swap3A_257, %swap3A_258], %mul3A_256 {strides = array<i32>} : memref<128x128xf32, #tpu.memory_space<vmem>>, vector<16xf32>,
        %get3A_260 = arith.index_cast %add3A_198 : i32 to index
        %get3A_261 = arith.constant 112 : index
        %get3A_262 = tpu.vector_load %arg8[%get3A_260, %get3A_261] {strides = array<i32>} : memref<128x128xf32, #tpu.memory_space<vmem>>, vector<16xf32>,
        %mul3A_263 = arith.mulf %get3A_262, %gather3A_210 : vector<16xf32>
        %swap3A_264 = arith.index_cast %add3A_198 : i32 to index
        %swap3A_265 = arith.constant 112 : index
        %swap3A_266 = tpu.vector_load %arg8[%swap3A_264, %swap3A_265] {strides = array<i32>} : memref<128x128xf32, #tpu.memory_space<vmem>>, vector<16xf32>,
        tpu.vector_store %arg8[%swap3A_264, %swap3A_265], %mul3A_263 {strides = array<i32>} : memref<128x128xf32, #tpu.memory_space<vmem>>, vector<16xf32>,
        %mul3A_267 = arith.constant 16 : i32
        %mul3A_268 = arith.muli %scan3A_121, %mul3A_267 : i32
        %add3A_269 = arith.constant 2 : i32
        %add3A_270 = arith.addi %mul3A_268, %add3A_269 : i32
        %broadcast_in_dim3A_271 = arith.constant 2 : i32
        %broadcast_in_dim3A_272 = vector.broadcast %broadcast_in_dim3A_271 : i32 to vector<16xi32>
        %lt3A_273 = arith.constant 0 : i32
        %lt3A_274 = vector.broadcast %lt3A_273 : i32 to vector<16xi32>
        %lt3A_275 = arith.cmpi slt, %broadcast_in_dim3A_272, %lt3A_274 : vector<16xi32>
        %add3A_276 = arith.constant 16 : i32
        %add3A_277 = vector.broadcast %add3A_276 : i32 to vector<16xi32>
        %add3A_278 = arith.addi %broadcast_in_dim3A_272, %add3A_277 : vector<16xi32>
        %select_n3A_279 = arith.select %lt3A_275, %add3A_278, %broadcast_in_dim3A_272 : vector<16xi1>, vector<16xi32>
        %reshape3A_280 = vector.shape_cast %select_n3A_279 : vector<16xi32> to vector<16x1xi32>
        %gather3A_281 = vector.shape_cast %reshape3A_280 : vector<16x1xi32> to vector<16xi32>
        %gather3A_282 = tpu.dynamic_gather %bitcast3A[%gather3A_281] in [0] : vector<16xf32>, vector<16xi32> -> vector<16xf32>
        %get3A_283 = arith.index_cast %add3A_270 : i32 to index
        %get3A_284 = arith.constant 0 : index
        %get3A_285 = tpu.vector_load %arg8[%get3A_283, %get3A_284] {strides = array<i32>} : memref<128x128xf32, #tpu.memory_space<vmem>>, vector<16xf32>,
        %mul3A_286 = arith.mulf %get3A_285, %gather3A_282 : vector<16xf32>
        %swap3A_287 = arith.index_cast %add3A_270 : i32 to index
        %swap3A_288 = arith.constant 0 : index
        %swap3A_289 = tpu.vector_load %arg8[%swap3A_287, %swap3A_288] {strides = array<i32>} : memref<128x128xf32, #tpu.memory_space<vmem>>, vector<16xf32>,
        tpu.vector_store %arg8[%swap3A_287, %swap3A_288], %mul3A_286 {strides = array<i32>} : memref<128x128xf32, #tpu.memory_space<vmem>>, vector<16xf32>,
        %get3A_290 = arith.index_cast %add3A_270 : i32 to index
        %get3A_291 = arith.constant 16 : index
        %get3A_292 = tpu.vector_load %arg8[%get3A_290, %get3A_291] {strides = array<i32>} : memref<128x128xf32, #tpu.memory_space<vmem>>, vector<16xf32>,
        %mul3A_293 = arith.mulf %get3A_292, %gather3A_282 : vector<16xf32>
        %swap3A_294 = arith.index_cast %add3A_270 : i32 to index
        %swap3A_295 = arith.constant 16 : index
        %swap3A_296 = tpu.vector_load %arg8[%swap3A_294, %swap3A_295] {strides = array<i32>} : memref<128x128xf32, #tpu.memory_space<vmem>>, vector<16xf32>,
        tpu.vector_store %arg8[%swap3A_294, %swap3A_295], %mul3A_293 {strides = array<i32>} : memref<128x128xf32, #tpu.memory_space<vmem>>, vector<16xf32>,
        %get3A_297 = arith.index_cast %add3A_270 : i32 to index
        %get3A_298 = arith.constant 32 : index
        %get3A_299 = tpu.vector_load %arg8[%get3A_297, %get3A_298] {strides = array<i32>} : memref<128x128xf32, #tpu.memory_space<vmem>>, vector<16xf32>,
        %mul3A_300 = arith.mulf %get3A_299, %gather3A_282 : vector<16xf32>
        %swap3A_301 = arith.index_cast %add3A_270 : i32 to index
        %swap3A_302 = arith.constant 32 : index
        %swap3A_303 = tpu.vector_load %arg8[%swap3A_301, %swap3A_302] {strides = array<i32>} : memref<128x128xf32, #tpu.memory_space<vmem>>, vector<16xf32>,
        tpu.vector_store %arg8[%swap3A_301, %swap3A_302], %mul3A_300 {strides = array<i32>} : memref<128x128xf32, #tpu.memory_space<vmem>>, vector<16xf32>,
        %get3A_304 = arith.index_cast %add3A_270 : i32 to index
        %get3A_305 = arith.constant 48 : index
        %get3A_306 = tpu.vector_load %arg8[%get3A_304, %get3A_305] {strides = array<i32>} : memref<128x128xf32, #tpu.memory_space<vmem>>, vector<16xf32>,
        %mul3A_307 = arith.mulf %get3A_306, %gather3A_282 : vector<16xf32>
        %swap3A_308 = arith.index_cast %add3A_270 : i32 to index
        %swap3A_309 = arith.constant 48 : index
        %swap3A_310 = tpu.vector_load %arg8[%swap3A_308, %swap3A_309] {strides = array<i32>} : memref<128x128xf32, #tpu.memory_space<vmem>>, vector<16xf32>,
        tpu.vector_store %arg8[%swap3A_308, %swap3A_309], %mul3A_307 {strides = array<i32>} : memref<128x128xf32, #tpu.memory_space<vmem>>, vector<16xf32>,
        %get3A_311 = arith.index_cast %add3A_270 : i32 to index
        %get3A_312 = arith.constant 64 : index
        %get3A_313 = tpu.vector_load %arg8[%get3A_311, %get3A_312] {strides = array<i32>} : memref<128x128xf32, #tpu.memory_space<vmem>>, vector<16xf32>,
        %mul3A_314 = arith.mulf %get3A_313, %gather3A_282 : vector<16xf32>
        %swap3A_315 = arith.index_cast %add3A_270 : i32 to index
        %swap3A_316 = arith.constant 64 : index
        %swap3A_317 = tpu.vector_load %arg8[%swap3A_315, %swap3A_316] {strides = array<i32>} : memref<128x128xf32, #tpu.memory_space<vmem>>, vector<16xf32>,
        tpu.vector_store %arg8[%swap3A_315, %swap3A_316], %mul3A_314 {strides = array<i32>} : memref<128x128xf32, #tpu.memory_space<vmem>>, vector<16xf32>,
        %get3A_318 = arith.index_cast %add3A_270 : i32 to index
        %get3A_319 = arith.constant 80 : index
        %get3A_320 = tpu.vector_load %arg8[%get3A_318, %get3A_319] {strides = array<i32>} : memref<128x128xf32, #tpu.memory_space<vmem>>, vector<16xf32>,
        %mul3A_321 = arith.mulf %get3A_320, %gather3A_282 : vector<16xf32>
        %swap3A_322 = arith.index_cast %add3A_270 : i32 to index
        %swap3A_323 = arith.constant 80 : index
        %swap3A_324 = tpu.vector_load %arg8[%swap3A_322, %swap3A_323] {strides = array<i32>} : memref<128x128xf32, #tpu.memory_space<vmem>>, vector<16xf32>,
        tpu.vector_store %arg8[%swap3A_322, %swap3A_323], %mul3A_321 {strides = array<i32>} : memref<128x128xf32, #tpu.memory_space<vmem>>, vector<16xf32>,
        %get3A_325 = arith.index_cast %add3A_270 : i32 to index
        %get3A_326 = arith.constant 96 : index
        %get3A_327 = tpu.vector_load %arg8[%get3A_325, %get3A_326] {strides = array<i32>} : memref<128x128xf32, #tpu.memory_space<vmem>>, vector<16xf32>,
        %mul3A_328 = arith.mulf %get3A_327, %gather3A_282 : vector<16xf32>
        %swap3A_329 = arith.index_cast %add3A_270 : i32 to index
        %swap3A_330 = arith.constant 96 : index
        %swap3A_331 = tpu.vector_load %arg8[%swap3A_329, %swap3A_330] {strides = array<i32>} : memref<128x128xf32, #tpu.memory_space<vmem>>, vector<16xf32>,
        tpu.vector_store %arg8[%swap3A_329, %swap3A_330], %mul3A_328 {strides = array<i32>} : memref<128x128xf32, #tpu.memory_space<vmem>>, vector<16xf32>,
        %get3A_332 = arith.index_cast %add3A_270 : i32 to index
        %get3A_333 = arith.constant 112 : index
        %get3A_334 = tpu.vector_load %arg8[%get3A_332, %get3A_333] {strides = array<i32>} : memref<128x128xf32, #tpu.memory_space<vmem>>, vector<16xf32>,
        %mul3A_335 = arith.mulf %get3A_334, %gather3A_282 : vector<16xf32>
        %swap3A_336 = arith.index_cast %add3A_270 : i32 to index
        %swap3A_337 = arith.constant 112 : index
        %swap3A_338 = tpu.vector_load %arg8[%swap3A_336, %swap3A_337] {strides = array<i32>} : memref<128x128xf32, #tpu.memory_space<vmem>>, vector<16xf32>,
        tpu.vector_store %arg8[%swap3A_336, %swap3A_337], %mul3A_335 {strides = array<i32>} : memref<128x128xf32, #tpu.memory_space<vmem>>, vector<16xf32>,
        %mul3A_339 = arith.constant 16 : i32
        %mul3A_340 = arith.muli %scan3A_121, %mul3A_339 : i32
        %add3A_341 = arith.constant 3 : i32
        %add3A_342 = arith.addi %mul3A_340, %add3A_341 : i32
        %broadcast_in_dim3A_343 = arith.constant 3 : i32
        %broadcast_in_dim3A_344 = vector.broadcast %broadcast_in_dim3A_343 : i32 to vector<16xi32>
        %lt3A_345 = arith.constant 0 : i32
        %lt3A_346 = vector.broadcast %lt3A_345 : i32 to vector<16xi32>
        %lt3A_347 = arith.cmpi slt, %broadcast_in_dim3A_344, %lt3A_346 : vector<16xi32>
        %add3A_348 = arith.constant 16 : i32
        %add3A_349 = vector.broadcast %add3A_348 : i32 to vector<16xi32>
        %add3A_350 = arith.addi %broadcast_in_dim3A_344, %add3A_349 : vector<16xi32>
        %select_n3A_351 = arith.select %lt3A_347, %add3A_350, %broadcast_in_dim3A_344 : vector<16xi1>, vector<16xi32>
        %reshape3A_352 = vector.shape_cast %select_n3A_351 : vector<16xi32> to vector<16x1xi32>
        %gather3A_353 = vector.shape_cast %reshape3A_352 : vector<16x1xi32> to vector<16xi32>
        %gather3A_354 = tpu.dynamic_gather %bitcast3A[%gather3A_353] in [0] : vector<16xf32>, vector<16xi32> -> vector<16xf32>
        %get3A_355 = arith.index_cast %add3A_342 : i32 to index
        %get3A_356 = arith.constant 0 : index
        %get3A_357 = tpu.vector_load %arg8[%get3A_355, %get3A_356] {strides = array<i32>} : memref<128x128xf32, #tpu.memory_space<vmem>>, vector<16xf32>,
        %mul3A_358 = arith.mulf %get3A_357, %gather3A_354 : vector<16xf32>
        %swap3A_359 = arith.index_cast %add3A_342 : i32 to index
        %swap3A_360 = arith.constant 0 : index
        %swap3A_361 = tpu.vector_load %arg8[%swap3A_359, %swap3A_360] {strides = array<i32>} : memref<128x128xf32, #tpu.memory_space<vmem>>, vector<16xf32>,
        tpu.vector_store %arg8[%swap3A_359, %swap3A_360], %mul3A_358 {strides = array<i32>} : memref<128x128xf32, #tpu.memory_space<vmem>>, vector<16xf32>,
        %get3A_362 = arith.index_cast %add3A_342 : i32 to index
        %get3A_363 = arith.constant 16 : index
        %get3A_364 = tpu.vector_load %arg8[%get3A_362, %get3A_363] {strides = array<i32>} : memref<128x128xf32, #tpu.memory_space<vmem>>, vector<16xf32>,
        %mul3A_365 = arith.mulf %get3A_364, %gather3A_354 : vector<16xf32>
        %swap3A_366 = arith.index_cast %add3A_342 : i32 to index
        %swap3A_367 = arith.constant 16 : index
        %swap3A_368 = tpu.vector_load %arg8[%swap3A_366, %swap3A_367] {strides = array<i32>} : memref<128x128xf32, #tpu.memory_space<vmem>>, vector<16xf32>,
        tpu.vector_store %arg8[%swap3A_366, %swap3A_367], %mul3A_365 {strides = array<i32>} : memref<128x128xf32, #tpu.memory_space<vmem>>, vector<16xf32>,
        %get3A_369 = arith.index_cast %add3A_342 : i32 to index
        %get3A_370 = arith.constant 32 : index
        %get3A_371 = tpu.vector_load %arg8[%get3A_369, %get3A_370] {strides = array<i32>} : memref<128x128xf32, #tpu.memory_space<vmem>>, vector<16xf32>,
        %mul3A_372 = arith.mulf %get3A_371, %gather3A_354 : vector<16xf32>
        %swap3A_373 = arith.index_cast %add3A_342 : i32 to index
        %swap3A_374 = arith.constant 32 : index
        %swap3A_375 = tpu.vector_load %arg8[%swap3A_373, %swap3A_374] {strides = array<i32>} : memref<128x128xf32, #tpu.memory_space<vmem>>, vector<16xf32>,
        tpu.vector_store %arg8[%swap3A_373, %swap3A_374], %mul3A_372 {strides = array<i32>} : memref<128x128xf32, #tpu.memory_space<vmem>>, vector<16xf32>,
        %get3A_376 = arith.index_cast %add3A_342 : i32 to index
        %get3A_377 = arith.constant 48 : index
        %get3A_378 = tpu.vector_load %arg8[%get3A_376, %get3A_377] {strides = array<i32>} : memref<128x128xf32, #tpu.memory_space<vmem>>, vector<16xf32>,
        %mul3A_379 = arith.mulf %get3A_378, %gather3A_354 : vector<16xf32>
        %swap3A_380 = arith.index_cast %add3A_342 : i32 to index
        %swap3A_381 = arith.constant 48 : index
        %swap3A_382 = tpu.vector_load %arg8[%swap3A_380, %swap3A_381] {strides = array<i32>} : memref<128x128xf32, #tpu.memory_space<vmem>>, vector<16xf32>,
        tpu.vector_store %arg8[%swap3A_380, %swap3A_381], %mul3A_379 {strides = array<i32>} : memref<128x128xf32, #tpu.memory_space<vmem>>, vector<16xf32>,
        %get3A_383 = arith.index_cast %add3A_342 : i32 to index
        %get3A_384 = arith.constant 64 : index
        %get3A_385 = tpu.vector_load %arg8[%get3A_383, %get3A_384] {strides = array<i32>} : memref<128x128xf32, #tpu.memory_space<vmem>>, vector<16xf32>,
        %mul3A_386 = arith.mulf %get3A_385, %gather3A_354 : vector<16xf32>
        %swap3A_387 = arith.index_cast %add3A_342 : i32 to index
        %swap3A_388 = arith.constant 64 : index
        %swap3A_389 = tpu.vector_load %arg8[%swap3A_387, %swap3A_388] {strides = array<i32>} : memref<128x128xf32, #tpu.memory_space<vmem>>, vector<16xf32>,
        tpu.vector_store %arg8[%swap3A_387, %swap3A_388], %mul3A_386 {strides = array<i32>} : memref<128x128xf32, #tpu.memory_space<vmem>>, vector<16xf32>,
        %get3A_390 = arith.index_cast %add3A_342 : i32 to index
        %get3A_391 = arith.constant 80 : index
        %get3A_392 = tpu.vector_load %arg8[%get3A_390, %get3A_391] {strides = array<i32>} : memref<128x128xf32, #tpu.memory_space<vmem>>, vector<16xf32>,
        %mul3A_393 = arith.mulf %get3A_392, %gather3A_354 : vector<16xf32>
        %swap3A_394 = arith.index_cast %add3A_342 : i32 to index
        %swap3A_395 = arith.constant 80 : index
        %swap3A_396 = tpu.vector_load %arg8[%swap3A_394, %swap3A_395] {strides = array<i32>} : memref<128x128xf32, #tpu.memory_space<vmem>>, vector<16xf32>,
        tpu.vector_store %arg8[%swap3A_394, %swap3A_395], %mul3A_393 {strides = array<i32>} : memref<128x128xf32, #tpu.memory_space<vmem>>, vector<16xf32>,
        %get3A_397 = arith.index_cast %add3A_342 : i32 to index
        %get3A_398 = arith.constant 96 : index
        %get3A_399 = tpu.vector_load %arg8[%get3A_397, %get3A_398] {strides = array<i32>} : memref<128x128xf32, #tpu.memory_space<vmem>>, vector<16xf32>,
        %mul3A_400 = arith.mulf %get3A_399, %gather3A_354 : vector<16xf32>
        %swap3A_401 = arith.index_cast %add3A_342 : i32 to index
        %swap3A_402 = arith.constant 96 : index
        %swap3A_403 = tpu.vector_load %arg8[%swap3A_401, %swap3A_402] {strides = array<i32>} : memref<128x128xf32, #tpu.memory_space<vmem>>, vector<16xf32>,
        tpu.vector_store %arg8[%swap3A_401, %swap3A_402], %mul3A_400 {strides = array<i32>} : memref<128x128xf32, #tpu.memory_space<vmem>>, vector<16xf32>,
        %get3A_404 = arith.index_cast %add3A_342 : i32 to index
        %get3A_405 = arith.constant 112 : index
        %get3A_406 = tpu.vector_load %arg8[%get3A_404, %get3A_405] {strides = array<i32>} : memref<128x128xf32, #tpu.memory_space<vmem>>, vector<16xf32>,
        %mul3A_407 = arith.mulf %get3A_406, %gather3A_354 : vector<16xf32>
        %swap3A_408 = arith.index_cast %add3A_342 : i32 to index
        %swap3A_409 = arith.constant 112 : index
        %swap3A_410 = tpu.vector_load %arg8[%swap3A_408, %swap3A_409] {strides = array<i32>} : memref<128x128xf32, #tpu.memory_space<vmem>>, vector<16xf32>,
        tpu.vector_store %arg8[%swap3A_408, %swap3A_409], %mul3A_407 {strides = array<i32>} : memref<128x128xf32, #tpu.memory_space<vmem>>, vector<16xf32>,
        %mul3A_411 = arith.constant 16 : i32
        %mul3A_412 = arith.muli %scan3A_121, %mul3A_411 : i32
        %add3A_413 = arith.constant 4 : i32
        %add3A_414 = arith.addi %mul3A_412, %add3A_413 : i32
        %broadcast_in_dim3A_415 = arith.constant 4 : i32
        %broadcast_in_dim3A_416 = vector.broadcast %broadcast_in_dim3A_415 : i32 to vector<16xi32>
        %lt3A_417 = arith.constant 0 : i32
        %lt3A_418 = vector.broadcast %lt3A_417 : i32 to vector<16xi32>
        %lt3A_419 = arith.cmpi slt, %broadcast_in_dim3A_416, %lt3A_418 : vector<16xi32>
        %add3A_420 = arith.constant 16 : i32
        %add3A_421 = vector.broadcast %add3A_420 : i32 to vector<16xi32>
        %add3A_422 = arith.addi %broadcast_in_dim3A_416, %add3A_421 : vector<16xi32>
        %select_n3A_423 = arith.select %lt3A_419, %add3A_422, %broadcast_in_dim3A_416 : vector<16xi1>, vector<16xi32>
        %reshape3A_424 = vector.shape_cast %select_n3A_423 : vector<16xi32> to vector<16x1xi32>
        %gather3A_425 = vector.shape_cast %reshape3A_424 : vector<16x1xi32> to vector<16xi32>
        %gather3A_426 = tpu.dynamic_gather %bitcast3A[%gather3A_425] in [0] : vector<16xf32>, vector<16xi32> -> vector<16xf32>
        %get3A_427 = arith.index_cast %add3A_414 : i32 to index
        %get3A_428 = arith.constant 0 : index
        %get3A_429 = tpu.vector_load %arg8[%get3A_427, %get3A_428] {strides = array<i32>} : memref<128x128xf32, #tpu.memory_space<vmem>>, vector<16xf32>,
        %mul3A_430 = arith.mulf %get3A_429, %gather3A_426 : vector<16xf32>
        %swap3A_431 = arith.index_cast %add3A_414 : i32 to index
        %swap3A_432 = arith.constant 0 : index
        %swap3A_433 = tpu.vector_load %arg8[%swap3A_431, %swap3A_432] {strides = array<i32>} : memref<128x128xf32, #tpu.memory_space<vmem>>, vector<16xf32>,
        tpu.vector_store %arg8[%swap3A_431, %swap3A_432], %mul3A_430 {strides = array<i32>} : memref<128x128xf32, #tpu.memory_space<vmem>>, vector<16xf32>,
        %get3A_434 = arith.index_cast %add3A_414 : i32 to index
        %get3A_435 = arith.constant 16 : index
        %get3A_436 = tpu.vector_load %arg8[%get3A_434, %get3A_435] {strides = array<i32>} : memref<128x128xf32, #tpu.memory_space<vmem>>, vector<16xf32>,
        %mul3A_437 = arith.mulf %get3A_436, %gather3A_426 : vector<16xf32>
        %swap3A_438 = arith.index_cast %add3A_414 : i32 to index
        %swap3A_439 = arith.constant 16 : index
        %swap3A_440 = tpu.vector_load %arg8[%swap3A_438, %swap3A_439] {strides = array<i32>} : memref<128x128xf32, #tpu.memory_space<vmem>>, vector<16xf32>,
        tpu.vector_store %arg8[%swap3A_438, %swap3A_439], %mul3A_437 {strides = array<i32>} : memref<128x128xf32, #tpu.memory_space<vmem>>, vector<16xf32>,
        %get3A_441 = arith.index_cast %add3A_414 : i32 to index
        %get3A_442 = arith.constant 32 : index
        %get3A_443 = tpu.vector_load %arg8[%get3A_441, %get3A_442] {strides = array<i32>} : memref<128x128xf32, #tpu.memory_space<vmem>>, vector<16xf32>,
        %mul3A_444 = arith.mulf %get3A_443, %gather3A_426 : vector<16xf32>
        %swap3A_445 = arith.index_cast %add3A_414 : i32 to index
        %swap3A_446 = arith.constant 32 : index
        %swap3A_447 = tpu.vector_load %arg8[%swap3A_445, %swap3A_446] {strides = array<i32>} : memref<128x128xf32, #tpu.memory_space<vmem>>, vector<16xf32>,
        tpu.vector_store %arg8[%swap3A_445, %swap3A_446], %mul3A_444 {strides = array<i32>} : memref<128x128xf32, #tpu.memory_space<vmem>>, vector<16xf32>,
        %get3A_448 = arith.index_cast %add3A_414 : i32 to index
        %get3A_449 = arith.constant 48 : index
        %get3A_450 = tpu.vector_load %arg8[%get3A_448, %get3A_449] {strides = array<i32>} : memref<128x128xf32, #tpu.memory_space<vmem>>, vector<16xf32>,
        %mul3A_451 = arith.mulf %get3A_450, %gather3A_426 : vector<16xf32>
        %swap3A_452 = arith.index_cast %add3A_414 : i32 to index
        %swap3A_453 = arith.constant 48 : index
        %swap3A_454 = tpu.vector_load %arg8[%swap3A_452, %swap3A_453] {strides = array<i32>} : memref<128x128xf32, #tpu.memory_space<vmem>>, vector<16xf32>,
        tpu.vector_store %arg8[%swap3A_452, %swap3A_453], %mul3A_451 {strides = array<i32>} : memref<128x128xf32, #tpu.memory_space<vmem>>, vector<16xf32>,
        %get3A_455 = arith.index_cast %add3A_414 : i32 to index
        %get3A_456 = arith.constant 64 : index
        %get3A_457 = tpu.vector_load %arg8[%get3A_455, %get3A_456] {strides = array<i32>} : memref<128x128xf32, #tpu.memory_space<vmem>>, vector<16xf32>,
        %mul3A_458 = arith.mulf %get3A_457, %gather3A_426 : vector<16xf32>
        %swap3A_459 = arith.index_cast %add3A_414 : i32 to index
        %swap3A_460 = arith.constant 64 : index
        %swap3A_461 = tpu.vector_load %arg8[%swap3A_459, %swap3A_460] {strides = array<i32>} : memref<128x128xf32, #tpu.memory_space<vmem>>, vector<16xf32>,
        tpu.vector_store %arg8[%swap3A_459, %swap3A_460], %mul3A_458 {strides = array<i32>} : memref<128x128xf32, #tpu.memory_space<vmem>>, vector<16xf32>,
        %get3A_462 = arith.index_cast %add3A_414 : i32 to index
        %get3A_463 = arith.constant 80 : index
        %get3A_464 = tpu.vector_load %arg8[%get3A_462, %get3A_463] {strides = array<i32>} : memref<128x128xf32, #tpu.memory_space<vmem>>, vector<16xf32>,
        %mul3A_465 = arith.mulf %get3A_464, %gather3A_426 : vector<16xf32>
        %swap3A_466 = arith.index_cast %add3A_414 : i32 to index
        %swap3A_467 = arith.constant 80 : index
        %swap3A_468 = tpu.vector_load %arg8[%swap3A_466, %swap3A_467] {strides = array<i32>} : memref<128x128xf32, #tpu.memory_space<vmem>>, vector<16xf32>,
        tpu.vector_store %arg8[%swap3A_466, %swap3A_467], %mul3A_465 {strides = array<i32>} : memref<128x128xf32, #tpu.memory_space<vmem>>, vector<16xf32>,
        %get3A_469 = arith.index_cast %add3A_414 : i32 to index
        %get3A_470 = arith.constant 96 : index
        %get3A_471 = tpu.vector_load %arg8[%get3A_469, %get3A_470] {strides = array<i32>} : memref<128x128xf32, #tpu.memory_space<vmem>>, vector<16xf32>,
        %mul3A_472 = arith.mulf %get3A_471, %gather3A_426 : vector<16xf32>
        %swap3A_473 = arith.index_cast %add3A_414 : i32 to index
        %swap3A_474 = arith.constant 96 : index
        %swap3A_475 = tpu.vector_load %arg8[%swap3A_473, %swap3A_474] {strides = array<i32>} : memref<128x128xf32, #tpu.memory_space<vmem>>, vector<16xf32>,
        tpu.vector_store %arg8[%swap3A_473, %swap3A_474], %mul3A_472 {strides = array<i32>} : memref<128x128xf32, #tpu.memory_space<vmem>>, vector<16xf32>,
        %get3A_476 = arith.index_cast %add3A_414 : i32 to index
        %get3A_477 = arith.constant 112 : index
        %get3A_478 = tpu.vector_load %arg8[%get3A_476, %get3A_477] {strides = array<i32>} : memref<128x128xf32, #tpu.memory_space<vmem>>, vector<16xf32>,
        %mul3A_479 = arith.mulf %get3A_478, %gather3A_426 : vector<16xf32>
        %swap3A_480 = arith.index_cast %add3A_414 : i32 to index
        %swap3A_481 = arith.constant 112 : index
        %swap3A_482 = tpu.vector_load %arg8[%swap3A_480, %swap3A_481] {strides = array<i32>} : memref<128x128xf32, #tpu.memory_space<vmem>>, vector<16xf32>,
        tpu.vector_store %arg8[%swap3A_480, %swap3A_481], %mul3A_479 {strides = array<i32>} : memref<128x128xf32, #tpu.memory_space<vmem>>, vector<16xf32>,
        %mul3A_483 = arith.constant 16 : i32
        %mul3A_484 = arith.muli %scan3A_121, %mul3A_483 : i32
        %add3A_485 = arith.constant 5 : i32
        %add3A_486 = arith.addi %mul3A_484, %add3A_485 : i32
        %broadcast_in_dim3A_487 = arith.constant 5 : i32
        %broadcast_in_dim3A_488 = vector.broadcast %broadcast_in_dim3A_487 : i32 to vector<16xi32>
        %lt3A_489 = arith.constant 0 : i32
        %lt3A_490 = vector.broadcast %lt3A_489 : i32 to vector<16xi32>
        %lt3A_491 = arith.cmpi slt, %broadcast_in_dim3A_488, %lt3A_490 : vector<16xi32>
        %add3A_492 = arith.constant 16 : i32
        %add3A_493 = vector.broadcast %add3A_492 : i32 to vector<16xi32>
        %add3A_494 = arith.addi %broadcast_in_dim3A_488, %add3A_493 : vector<16xi32>
        %select_n3A_495 = arith.select %lt3A_491, %add3A_494, %broadcast_in_dim3A_488 : vector<16xi1>, vector<16xi32>
        %reshape3A_496 = vector.shape_cast %select_n3A_495 : vector<16xi32> to vector<16x1xi32>
        %gather3A_497 = vector.shape_cast %reshape3A_496 : vector<16x1xi32> to vector<16xi32>
        %gather3A_498 = tpu.dynamic_gather %bitcast3A[%gather3A_497] in [0] : vector<16xf32>, vector<16xi32> -> vector<16xf32>
        %get3A_499 = arith.index_cast %add3A_486 : i32 to index
        %get3A_500 = arith.constant 0 : index
        %get3A_501 = tpu.vector_load %arg8[%get3A_499, %get3A_500] {strides = array<i32>} : memref<128x128xf32, #tpu.memory_space<vmem>>, vector<16xf32>,
        %mul3A_502 = arith.mulf %get3A_501, %gather3A_498 : vector<16xf32>
        %swap3A_503 = arith.index_cast %add3A_486 : i32 to index
        %swap3A_504 = arith.constant 0 : index
        %swap3A_505 = tpu.vector_load %arg8[%swap3A_503, %swap3A_504] {strides = array<i32>} : memref<128x128xf32, #tpu.memory_space<vmem>>, vector<16xf32>,
        tpu.vector_store %arg8[%swap3A_503, %swap3A_504], %mul3A_502 {strides = array<i32>} : memref<128x128xf32, #tpu.memory_space<vmem>>, vector<16xf32>,
        %get3A_506 = arith.index_cast %add3A_486 : i32 to index
        %get3A_507 = arith.constant 16 : index
        %get3A_508 = tpu.vector_load %arg8[%get3A_506, %get3A_507] {strides = array<i32>} : memref<128x128xf32, #tpu.memory_space<vmem>>, vector<16xf32>,
        %mul3A_509 = arith.mulf %get3A_508, %gather3A_498 : vector<16xf32>
        %swap3A_510 = arith.index_cast %add3A_486 : i32 to index
        %swap3A_511 = arith.constant 16 : index
        %swap3A_512 = tpu.vector_load %arg8[%swap3A_510, %swap3A_511] {strides = array<i32>} : memref<128x128xf32, #tpu.memory_space<vmem>>, vector<16xf32>,
        tpu.vector_store %arg8[%swap3A_510, %swap3A_511], %mul3A_509 {strides = array<i32>} : memref<128x128xf32, #tpu.memory_space<vmem>>, vector<16xf32>,
        %get3A_513 = arith.index_cast %add3A_486 : i32 to index
        %get3A_514 = arith.constant 32 : index
        %get3A_515 = tpu.vector_load %arg8[%get3A_513, %get3A_514] {strides = array<i32>} : memref<128x128xf32, #tpu.memory_space<vmem>>, vector<16xf32>,
        %mul3A_516 = arith.mulf %get3A_515, %gather3A_498 : vector<16xf32>
        %swap3A_517 = arith.index_cast %add3A_486 : i32 to index
        %swap3A_518 = arith.constant 32 : index
        %swap3A_519 = tpu.vector_load %arg8[%swap3A_517, %swap3A_518] {strides = array<i32>} : memref<128x128xf32, #tpu.memory_space<vmem>>, vector<16xf32>,
        tpu.vector_store %arg8[%swap3A_517, %swap3A_518], %mul3A_516 {strides = array<i32>} : memref<128x128xf32, #tpu.memory_space<vmem>>, vector<16xf32>,
        %get3A_520 = arith.index_cast %add3A_486 : i32 to index
        %get3A_521 = arith.constant 48 : index
        %get3A_522 = tpu.vector_load %arg8[%get3A_520, %get3A_521] {strides = array<i32>} : memref<128x128xf32, #tpu.memory_space<vmem>>, vector<16xf32>,
        %mul3A_523 = arith.mulf %get3A_522, %gather3A_498 : vector<16xf32>
        %swap3A_524 = arith.index_cast %add3A_486 : i32 to index
        %swap3A_525 = arith.constant 48 : index
        %swap3A_526 = tpu.vector_load %arg8[%swap3A_524, %swap3A_525] {strides = array<i32>} : memref<128x128xf32, #tpu.memory_space<vmem>>, vector<16xf32>,
        tpu.vector_store %arg8[%swap3A_524, %swap3A_525], %mul3A_523 {strides = array<i32>} : memref<128x128xf32, #tpu.memory_space<vmem>>, vector<16xf32>,
        %get3A_527 = arith.index_cast %add3A_486 : i32 to index
        %get3A_528 = arith.constant 64 : index
        %get3A_529 = tpu.vector_load %arg8[%get3A_527, %get3A_528] {strides = array<i32>} : memref<128x128xf32, #tpu.memory_space<vmem>>, vector<16xf32>,
        %mul3A_530 = arith.mulf %get3A_529, %gather3A_498 : vector<16xf32>
        %swap3A_531 = arith.index_cast %add3A_486 : i32 to index
        %swap3A_532 = arith.constant 64 : index
        %swap3A_533 = tpu.vector_load %arg8[%swap3A_531, %swap3A_532] {strides = array<i32>} : memref<128x128xf32, #tpu.memory_space<vmem>>, vector<16xf32>,
        tpu.vector_store %arg8[%swap3A_531, %swap3A_532], %mul3A_530 {strides = array<i32>} : memref<128x128xf32, #tpu.memory_space<vmem>>, vector<16xf32>,
        %get3A_534 = arith.index_cast %add3A_486 : i32 to index
        %get3A_535 = arith.constant 80 : index
        %get3A_536 = tpu.vector_load %arg8[%get3A_534, %get3A_535] {strides = array<i32>} : memref<128x128xf32, #tpu.memory_space<vmem>>, vector<16xf32>,
        %mul3A_537 = arith.mulf %get3A_536, %gather3A_498 : vector<16xf32>
        %swap3A_538 = arith.index_cast %add3A_486 : i32 to index
        %swap3A_539 = arith.constant 80 : index
        %swap3A_540 = tpu.vector_load %arg8[%swap3A_538, %swap3A_539] {strides = array<i32>} : memref<128x128xf32, #tpu.memory_space<vmem>>, vector<16xf32>,
        tpu.vector_store %arg8[%swap3A_538, %swap3A_539], %mul3A_537 {strides = array<i32>} : memref<128x128xf32, #tpu.memory_space<vmem>>, vector<16xf32>,
        %get3A_541 = arith.index_cast %add3A_486 : i32 to index
        %get3A_542 = arith.constant 96 : index
        %get3A_543 = tpu.vector_load %arg8[%get3A_541, %get3A_542] {strides = array<i32>} : memref<128x128xf32, #tpu.memory_space<vmem>>, vector<16xf32>,
        %mul3A_544 = arith.mulf %get3A_543, %gather3A_498 : vector<16xf32>
        %swap3A_545 = arith.index_cast %add3A_486 : i32 to index
        %swap3A_546 = arith.constant 96 : index
        %swap3A_547 = tpu.vector_load %arg8[%swap3A_545, %swap3A_546] {strides = array<i32>} : memref<128x128xf32, #tpu.memory_space<vmem>>, vector<16xf32>,
        tpu.vector_store %arg8[%swap3A_545, %swap3A_546], %mul3A_544 {strides = array<i32>} : memref<128x128xf32, #tpu.memory_space<vmem>>, vector<16xf32>,
        %get3A_548 = arith.index_cast %add3A_486 : i32 to index
        %get3A_549 = arith.constant 112 : index
        %get3A_550 = tpu.vector_load %arg8[%get3A_548, %get3A_549] {strides = array<i32>} : memref<128x128xf32, #tpu.memory_space<vmem>>, vector<16xf32>,
        %mul3A_551 = arith.mulf %get3A_550, %gather3A_498 : vector<16xf32>
        %swap3A_552 = arith.index_cast %add3A_486 : i32 to index
        %swap3A_553 = arith.constant 112 : index
        %swap3A_554 = tpu.vector_load %arg8[%swap3A_552, %swap3A_553] {strides = array<i32>} : memref<128x128xf32, #tpu.memory_space<vmem>>, vector<16xf32>,
        tpu.vector_store %arg8[%swap3A_552, %swap3A_553], %mul3A_551 {strides = array<i32>} : memref<128x128xf32, #tpu.memory_space<vmem>>, vector<16xf32>,
        %mul3A_555 = arith.constant 16 : i32
        %mul3A_556 = arith.muli %scan3A_121, %mul3A_555 : i32
        %add3A_557 = arith.constant 6 : i32
        %add3A_558 = arith.addi %mul3A_556, %add3A_557 : i32
        %broadcast_in_dim3A_559 = arith.constant 6 : i32
        %broadcast_in_dim3A_560 = vector.broadcast %broadcast_in_dim3A_559 : i32 to vector<16xi32>
        %lt3A_561 = arith.constant 0 : i32
        %lt3A_562 = vector.broadcast %lt3A_561 : i32 to vector<16xi32>
        %lt3A_563 = arith.cmpi slt, %broadcast_in_dim3A_560, %lt3A_562 : vector<16xi32>
        %add3A_564 = arith.constant 16 : i32
        %add3A_565 = vector.broadcast %add3A_564 : i32 to vector<16xi32>
        %add3A_566 = arith.addi %broadcast_in_dim3A_560, %add3A_565 : vector<16xi32>
        %select_n3A_567 = arith.select %lt3A_563, %add3A_566, %broadcast_in_dim3A_560 : vector<16xi1>, vector<16xi32>
        %reshape3A_568 = vector.shape_cast %select_n3A_567 : vector<16xi32> to vector<16x1xi32>
        %gather3A_569 = vector.shape_cast %reshape3A_568 : vector<16x1xi32> to vector<16xi32>
        %gather3A_570 = tpu.dynamic_gather %bitcast3A[%gather3A_569] in [0] : vector<16xf32>, vector<16xi32> -> vector<16xf32>
        %get3A_571 = arith.index_cast %add3A_558 : i32 to index
        %get3A_572 = arith.constant 0 : index
        %get3A_573 = tpu.vector_load %arg8[%get3A_571, %get3A_572] {strides = array<i32>} : memref<128x128xf32, #tpu.memory_space<vmem>>, vector<16xf32>,
        %mul3A_574 = arith.mulf %get3A_573, %gather3A_570 : vector<16xf32>
        %swap3A_575 = arith.index_cast %add3A_558 : i32 to index
        %swap3A_576 = arith.constant 0 : index
        %swap3A_577 = tpu.vector_load %arg8[%swap3A_575, %swap3A_576] {strides = array<i32>} : memref<128x128xf32, #tpu.memory_space<vmem>>, vector<16xf32>,
        tpu.vector_store %arg8[%swap3A_575, %swap3A_576], %mul3A_574 {strides = array<i32>} : memref<128x128xf32, #tpu.memory_space<vmem>>, vector<16xf32>,
        %get3A_578 = arith.index_cast %add3A_558 : i32 to index
        %get3A_579 = arith.constant 16 : index
        %get3A_580 = tpu.vector_load %arg8[%get3A_578, %get3A_579] {strides = array<i32>} : memref<128x128xf32, #tpu.memory_space<vmem>>, vector<16xf32>,
        %mul3A_581 = arith.mulf %get3A_580, %gather3A_570 : vector<16xf32>
        %swap3A_582 = arith.index_cast %add3A_558 : i32 to index
        %swap3A_583 = arith.constant 16 : index
        %swap3A_584 = tpu.vector_load %arg8[%swap3A_582, %swap3A_583] {strides = array<i32>} : memref<128x128xf32, #tpu.memory_space<vmem>>, vector<16xf32>,
        tpu.vector_store %arg8[%swap3A_582, %swap3A_583], %mul3A_581 {strides = array<i32>} : memref<128x128xf32, #tpu.memory_space<vmem>>, vector<16xf32>,
        %get3A_585 = arith.index_cast %add3A_558 : i32 to index
        %get3A_586 = arith.constant 32 : index
        %get3A_587 = tpu.vector_load %arg8[%get3A_585, %get3A_586] {strides = array<i32>} : memref<128x128xf32, #tpu.memory_space<vmem>>, vector<16xf32>,
        %mul3A_588 = arith.mulf %get3A_587, %gather3A_570 : vector<16xf32>
        %swap3A_589 = arith.index_cast %add3A_558 : i32 to index
        %swap3A_590 = arith.constant 32 : index
        %swap3A_591 = tpu.vector_load %arg8[%swap3A_589, %swap3A_590] {strides = array<i32>} : memref<128x128xf32, #tpu.memory_space<vmem>>, vector<16xf32>,
        tpu.vector_store %arg8[%swap3A_589, %swap3A_590], %mul3A_588 {strides = array<i32>} : memref<128x128xf32, #tpu.memory_space<vmem>>, vector<16xf32>,
        %get3A_592 = arith.index_cast %add3A_558 : i32 to index
        %get3A_593 = arith.constant 48 : index
        %get3A_594 = tpu.vector_load %arg8[%get3A_592, %get3A_593] {strides = array<i32>} : memref<128x128xf32, #tpu.memory_space<vmem>>, vector<16xf32>,
        %mul3A_595 = arith.mulf %get3A_594, %gather3A_570 : vector<16xf32>
        %swap3A_596 = arith.index_cast %add3A_558 : i32 to index
        %swap3A_597 = arith.constant 48 : index
        %swap3A_598 = tpu.vector_load %arg8[%swap3A_596, %swap3A_597] {strides = array<i32>} : memref<128x128xf32, #tpu.memory_space<vmem>>, vector<16xf32>,
        tpu.vector_store %arg8[%swap3A_596, %swap3A_597], %mul3A_595 {strides = array<i32>} : memref<128x128xf32, #tpu.memory_space<vmem>>, vector<16xf32>,
        %get3A_599 = arith.index_cast %add3A_558 : i32 to index
        %get3A_600 = arith.constant 64 : index
        %get3A_601 = tpu.vector_load %arg8[%get3A_599, %get3A_600] {strides = array<i32>} : memref<128x128xf32, #tpu.memory_space<vmem>>, vector<16xf32>,
        %mul3A_602 = arith.mulf %get3A_601, %gather3A_570 : vector<16xf32>
        %swap3A_603 = arith.index_cast %add3A_558 : i32 to index
        %swap3A_604 = arith.constant 64 : index
        %swap3A_605 = tpu.vector_load %arg8[%swap3A_603, %swap3A_604] {strides = array<i32>} : memref<128x128xf32, #tpu.memory_space<vmem>>, vector<16xf32>,
        tpu.vector_store %arg8[%swap3A_603, %swap3A_604], %mul3A_602 {strides = array<i32>} : memref<128x128xf32, #tpu.memory_space<vmem>>, vector<16xf32>,
        %get3A_606 = arith.index_cast %add3A_558 : i32 to index
        %get3A_607 = arith.constant 80 : index
        %get3A_608 = tpu.vector_load %arg8[%get3A_606, %get3A_607] {strides = array<i32>} : memref<128x128xf32, #tpu.memory_space<vmem>>, vector<16xf32>,
        %mul3A_609 = arith.mulf %get3A_608, %gather3A_570 : vector<16xf32>
        %swap3A_610 = arith.index_cast %add3A_558 : i32 to index
        %swap3A_611 = arith.constant 80 : index
        %swap3A_612 = tpu.vector_load %arg8[%swap3A_610, %swap3A_611] {strides = array<i32>} : memref<128x128xf32, #tpu.memory_space<vmem>>, vector<16xf32>,
        tpu.vector_store %arg8[%swap3A_610, %swap3A_611], %mul3A_609 {strides = array<i32>} : memref<128x128xf32, #tpu.memory_space<vmem>>, vector<16xf32>,
        %get3A_613 = arith.index_cast %add3A_558 : i32 to index
        %get3A_614 = arith.constant 96 : index
        %get3A_615 = tpu.vector_load %arg8[%get3A_613, %get3A_614] {strides = array<i32>} : memref<128x128xf32, #tpu.memory_space<vmem>>, vector<16xf32>,
        %mul3A_616 = arith.mulf %get3A_615, %gather3A_570 : vector<16xf32>
        %swap3A_617 = arith.index_cast %add3A_558 : i32 to index
        %swap3A_618 = arith.constant 96 : index
        %swap3A_619 = tpu.vector_load %arg8[%swap3A_617, %swap3A_618] {strides = array<i32>} : memref<128x128xf32, #tpu.memory_space<vmem>>, vector<16xf32>,
        tpu.vector_store %arg8[%swap3A_617, %swap3A_618], %mul3A_616 {strides = array<i32>} : memref<128x128xf32, #tpu.memory_space<vmem>>, vector<16xf32>,
        %get3A_620 = arith.index_cast %add3A_558 : i32 to index
        %get3A_621 = arith.constant 112 : index
        %get3A_622 = tpu.vector_load %arg8[%get3A_620, %get3A_621] {strides = array<i32>} : memref<128x128xf32, #tpu.memory_space<vmem>>, vector<16xf32>,
        %mul3A_623 = arith.mulf %get3A_622, %gather3A_570 : vector<16xf32>
        %swap3A_624 = arith.index_cast %add3A_558 : i32 to index
        %swap3A_625 = arith.constant 112 : index
        %swap3A_626 = tpu.vector_load %arg8[%swap3A_624, %swap3A_625] {strides = array<i32>} : memref<128x128xf32, #tpu.memory_space<vmem>>, vector<16xf32>,
        tpu.vector_store %arg8[%swap3A_624, %swap3A_625], %mul3A_623 {strides = array<i32>} : memref<128x128xf32, #tpu.memory_space<vmem>>, vector<16xf32>,
        %mul3A_627 = arith.constant 16 : i32
        %mul3A_628 = arith.muli %scan3A_121, %mul3A_627 : i32
        %add3A_629 = arith.constant 7 : i32
        %add3A_630 = arith.addi %mul3A_628, %add3A_629 : i32
        %broadcast_in_dim3A_631 = arith.constant 7 : i32
        %broadcast_in_dim3A_632 = vector.broadcast %broadcast_in_dim3A_631 : i32 to vector<16xi32>
        %lt3A_633 = arith.constant 0 : i32
        %lt3A_634 = vector.broadcast %lt3A_633 : i32 to vector<16xi32>
        %lt3A_635 = arith.cmpi slt, %broadcast_in_dim3A_632, %lt3A_634 : vector<16xi32>
        %add3A_636 = arith.constant 16 : i32
        %add3A_637 = vector.broadcast %add3A_636 : i32 to vector<16xi32>
        %add3A_638 = arith.addi %broadcast_in_dim3A_632, %add3A_637 : vector<16xi32>
        %select_n3A_639 = arith.select %lt3A_635, %add3A_638, %broadcast_in_dim3A_632 : vector<16xi1>, vector<16xi32>
        %reshape3A_640 = vector.shape_cast %select_n3A_639 : vector<16xi32> to vector<16x1xi32>
        %gather3A_641 = vector.shape_cast %reshape3A_640 : vector<16x1xi32> to vector<16xi32>
        %gather3A_642 = tpu.dynamic_gather %bitcast3A[%gather3A_641] in [0] : vector<16xf32>, vector<16xi32> -> vector<16xf32>
        %get3A_643 = arith.index_cast %add3A_630 : i32 to index
        %get3A_644 = arith.constant 0 : index
        %get3A_645 = tpu.vector_load %arg8[%get3A_643, %get3A_644] {strides = array<i32>} : memref<128x128xf32, #tpu.memory_space<vmem>>, vector<16xf32>,
        %mul3A_646 = arith.mulf %get3A_645, %gather3A_642 : vector<16xf32>
        %swap3A_647 = arith.index_cast %add3A_630 : i32 to index
        %swap3A_648 = arith.constant 0 : index
        %swap3A_649 = tpu.vector_load %arg8[%swap3A_647, %swap3A_648] {strides = array<i32>} : memref<128x128xf32, #tpu.memory_space<vmem>>, vector<16xf32>,
        tpu.vector_store %arg8[%swap3A_647, %swap3A_648], %mul3A_646 {strides = array<i32>} : memref<128x128xf32, #tpu.memory_space<vmem>>, vector<16xf32>,
        %get3A_650 = arith.index_cast %add3A_630 : i32 to index
        %get3A_651 = arith.constant 16 : index
        %get3A_652 = tpu.vector_load %arg8[%get3A_650, %get3A_651] {strides = array<i32>} : memref<128x128xf32, #tpu.memory_space<vmem>>, vector<16xf32>,
        %mul3A_653 = arith.mulf %get3A_652, %gather3A_642 : vector<16xf32>
        %swap3A_654 = arith.index_cast %add3A_630 : i32 to index
        %swap3A_655 = arith.constant 16 : index
        %swap3A_656 = tpu.vector_load %arg8[%swap3A_654, %swap3A_655] {strides = array<i32>} : memref<128x128xf32, #tpu.memory_space<vmem>>, vector<16xf32>,
        tpu.vector_store %arg8[%swap3A_654, %swap3A_655], %mul3A_653 {strides = array<i32>} : memref<128x128xf32, #tpu.memory_space<vmem>>, vector<16xf32>,
        %get3A_657 = arith.index_cast %add3A_630 : i32 to index
        %get3A_658 = arith.constant 32 : index
        %get3A_659 = tpu.vector_load %arg8[%get3A_657, %get3A_658] {strides = array<i32>} : memref<128x128xf32, #tpu.memory_space<vmem>>, vector<16xf32>,
        %mul3A_660 = arith.mulf %get3A_659, %gather3A_642 : vector<16xf32>
        %swap3A_661 = arith.index_cast %add3A_630 : i32 to index
        %swap3A_662 = arith.constant 32 : index
        %swap3A_663 = tpu.vector_load %arg8[%swap3A_661, %swap3A_662] {strides = array<i32>} : memref<128x128xf32, #tpu.memory_space<vmem>>, vector<16xf32>,
        tpu.vector_store %arg8[%swap3A_661, %swap3A_662], %mul3A_660 {strides = array<i32>} : memref<128x128xf32, #tpu.memory_space<vmem>>, vector<16xf32>,
        %get3A_664 = arith.index_cast %add3A_630 : i32 to index
        %get3A_665 = arith.constant 48 : index
        %get3A_666 = tpu.vector_load %arg8[%get3A_664, %get3A_665] {strides = array<i32>} : memref<128x128xf32, #tpu.memory_space<vmem>>, vector<16xf32>,
        %mul3A_667 = arith.mulf %get3A_666, %gather3A_642 : vector<16xf32>
        %swap3A_668 = arith.index_cast %add3A_630 : i32 to index
        %swap3A_669 = arith.constant 48 : index
        %swap3A_670 = tpu.vector_load %arg8[%swap3A_668, %swap3A_669] {strides = array<i32>} : memref<128x128xf32, #tpu.memory_space<vmem>>, vector<16xf32>,
        tpu.vector_store %arg8[%swap3A_668, %swap3A_669], %mul3A_667 {strides = array<i32>} : memref<128x128xf32, #tpu.memory_space<vmem>>, vector<16xf32>,
        %get3A_671 = arith.index_cast %add3A_630 : i32 to index
        %get3A_672 = arith.constant 64 : index
        %get3A_673 = tpu.vector_load %arg8[%get3A_671, %get3A_672] {strides = array<i32>} : memref<128x128xf32, #tpu.memory_space<vmem>>, vector<16xf32>,
        %mul3A_674 = arith.mulf %get3A_673, %gather3A_642 : vector<16xf32>
        %swap3A_675 = arith.index_cast %add3A_630 : i32 to index
        %swap3A_676 = arith.constant 64 : index
        %swap3A_677 = tpu.vector_load %arg8[%swap3A_675, %swap3A_676] {strides = array<i32>} : memref<128x128xf32, #tpu.memory_space<vmem>>, vector<16xf32>,
        tpu.vector_store %arg8[%swap3A_675, %swap3A_676], %mul3A_674 {strides = array<i32>} : memref<128x128xf32, #tpu.memory_space<vmem>>, vector<16xf32>,
        %get3A_678 = arith.index_cast %add3A_630 : i32 to index
        %get3A_679 = arith.constant 80 : index
        %get3A_680 = tpu.vector_load %arg8[%get3A_678, %get3A_679] {strides = array<i32>} : memref<128x128xf32, #tpu.memory_space<vmem>>, vector<16xf32>,
        %mul3A_681 = arith.mulf %get3A_680, %gather3A_642 : vector<16xf32>
        %swap3A_682 = arith.index_cast %add3A_630 : i32 to index
        %swap3A_683 = arith.constant 80 : index
        %swap3A_684 = tpu.vector_load %arg8[%swap3A_682, %swap3A_683] {strides = array<i32>} : memref<128x128xf32, #tpu.memory_space<vmem>>, vector<16xf32>,
        tpu.vector_store %arg8[%swap3A_682, %swap3A_683], %mul3A_681 {strides = array<i32>} : memref<128x128xf32, #tpu.memory_space<vmem>>, vector<16xf32>,
        %get3A_685 = arith.index_cast %add3A_630 : i32 to index
        %get3A_686 = arith.constant 96 : index
        %get3A_687 = tpu.vector_load %arg8[%get3A_685, %get3A_686] {strides = array<i32>} : memref<128x128xf32, #tpu.memory_space<vmem>>, vector<16xf32>,
        %mul3A_688 = arith.mulf %get3A_687, %gather3A_642 : vector<16xf32>
        %swap3A_689 = arith.index_cast %add3A_630 : i32 to index
        %swap3A_690 = arith.constant 96 : index
        %swap3A_691 = tpu.vector_load %arg8[%swap3A_689, %swap3A_690] {strides = array<i32>} : memref<128x128xf32, #tpu.memory_space<vmem>>, vector<16xf32>,
        tpu.vector_store %arg8[%swap3A_689, %swap3A_690], %mul3A_688 {strides = array<i32>} : memref<128x128xf32, #tpu.memory_space<vmem>>, vector<16xf32>,
        %get3A_692 = arith.index_cast %add3A_630 : i32 to index
        %get3A_693 = arith.constant 112 : index
        %get3A_694 = tpu.vector_load %arg8[%get3A_692, %get3A_693] {strides = array<i32>} : memref<128x128xf32, #tpu.memory_space<vmem>>, vector<16xf32>,
        %mul3A_695 = arith.mulf %get3A_694, %gather3A_642 : vector<16xf32>
        %swap3A_696 = arith.index_cast %add3A_630 : i32 to index
        %swap3A_697 = arith.constant 112 : index
        %swap3A_698 = tpu.vector_load %arg8[%swap3A_696, %swap3A_697] {strides = array<i32>} : memref<128x128xf32, #tpu.memory_space<vmem>>, vector<16xf32>,
        tpu.vector_store %arg8[%swap3A_696, %swap3A_697], %mul3A_695 {strides = array<i32>} : memref<128x128xf32, #tpu.memory_space<vmem>>, vector<16xf32>,
        %mul3A_699 = arith.constant 16 : i32
        %mul3A_700 = arith.muli %scan3A_121, %mul3A_699 : i32
        %add3A_701 = arith.constant 8 : i32
        %add3A_702 = arith.addi %mul3A_700, %add3A_701 : i32
        %broadcast_in_dim3A_703 = arith.constant 8 : i32
        %broadcast_in_dim3A_704 = vector.broadcast %broadcast_in_dim3A_703 : i32 to vector<16xi32>
        %lt3A_705 = arith.constant 0 : i32
        %lt3A_706 = vector.broadcast %lt3A_705 : i32 to vector<16xi32>
        %lt3A_707 = arith.cmpi slt, %broadcast_in_dim3A_704, %lt3A_706 : vector<16xi32>
        %add3A_708 = arith.constant 16 : i32
        %add3A_709 = vector.broadcast %add3A_708 : i32 to vector<16xi32>
        %add3A_710 = arith.addi %broadcast_in_dim3A_704, %add3A_709 : vector<16xi32>
        %select_n3A_711 = arith.select %lt3A_707, %add3A_710, %broadcast_in_dim3A_704 : vector<16xi1>, vector<16xi32>
        %reshape3A_712 = vector.shape_cast %select_n3A_711 : vector<16xi32> to vector<16x1xi32>
        %gather3A_713 = vector.shape_cast %reshape3A_712 : vector<16x1xi32> to vector<16xi32>
        %gather3A_714 = tpu.dynamic_gather %bitcast3A[%gather3A_713] in [0] : vector<16xf32>, vector<16xi32> -> vector<16xf32>
        %get3A_715 = arith.index_cast %add3A_702 : i32 to index
        %get3A_716 = arith.constant 0 : index
        %get3A_717 = tpu.vector_load %arg8[%get3A_715, %get3A_716] {strides = array<i32>} : memref<128x128xf32, #tpu.memory_space<vmem>>, vector<16xf32>,
        %mul3A_718 = arith.mulf %get3A_717, %gather3A_714 : vector<16xf32>
        %swap3A_719 = arith.index_cast %add3A_702 : i32 to index
        %swap3A_720 = arith.constant 0 : index
        %swap3A_721 = tpu.vector_load %arg8[%swap3A_719, %swap3A_720] {strides = array<i32>} : memref<128x128xf32, #tpu.memory_space<vmem>>, vector<16xf32>,
        tpu.vector_store %arg8[%swap3A_719, %swap3A_720], %mul3A_718 {strides = array<i32>} : memref<128x128xf32, #tpu.memory_space<vmem>>, vector<16xf32>,
        %get3A_722 = arith.index_cast %add3A_702 : i32 to index
        %get3A_723 = arith.constant 16 : index
        %get3A_724 = tpu.vector_load %arg8[%get3A_722, %get3A_723] {strides = array<i32>} : memref<128x128xf32, #tpu.memory_space<vmem>>, vector<16xf32>,
        %mul3A_725 = arith.mulf %get3A_724, %gather3A_714 : vector<16xf32>
        %swap3A_726 = arith.index_cast %add3A_702 : i32 to index
        %swap3A_727 = arith.constant 16 : index
        %swap3A_728 = tpu.vector_load %arg8[%swap3A_726, %swap3A_727] {strides = array<i32>} : memref<128x128xf32, #tpu.memory_space<vmem>>, vector<16xf32>,
        tpu.vector_store %arg8[%swap3A_726, %swap3A_727], %mul3A_725 {strides = array<i32>} : memref<128x128xf32, #tpu.memory_space<vmem>>, vector<16xf32>,
        %get3A_729 = arith.index_cast %add3A_702 : i32 to index
        %get3A_730 = arith.constant 32 : index
        %get3A_731 = tpu.vector_load %arg8[%get3A_729, %get3A_730] {strides = array<i32>} : memref<128x128xf32, #tpu.memory_space<vmem>>, vector<16xf32>,
        %mul3A_732 = arith.mulf %get3A_731, %gather3A_714 : vector<16xf32>
        %swap3A_733 = arith.index_cast %add3A_702 : i32 to index
        %swap3A_734 = arith.constant 32 : index
        %swap3A_735 = tpu.vector_load %arg8[%swap3A_733, %swap3A_734] {strides = array<i32>} : memref<128x128xf32, #tpu.memory_space<vmem>>, vector<16xf32>,
        tpu.vector_store %arg8[%swap3A_733, %swap3A_734], %mul3A_732 {strides = array<i32>} : memref<128x128xf32, #tpu.memory_space<vmem>>, vector<16xf32>,
        %get3A_736 = arith.index_cast %add3A_702 : i32 to index
        %get3A_737 = arith.constant 48 : index
        %get3A_738 = tpu.vector_load %arg8[%get3A_736, %get3A_737] {strides = array<i32>} : memref<128x128xf32, #tpu.memory_space<vmem>>, vector<16xf32>,
        %mul3A_739 = arith.mulf %get3A_738, %gather3A_714 : vector<16xf32>
        %swap3A_740 = arith.index_cast %add3A_702 : i32 to index
        %swap3A_741 = arith.constant 48 : index
        %swap3A_742 = tpu.vector_load %arg8[%swap3A_740, %swap3A_741] {strides = array<i32>} : memref<128x128xf32, #tpu.memory_space<vmem>>, vector<16xf32>,
        tpu.vector_store %arg8[%swap3A_740, %swap3A_741], %mul3A_739 {strides = array<i32>} : memref<128x128xf32, #tpu.memory_space<vmem>>, vector<16xf32>,
        %get3A_743 = arith.index_cast %add3A_702 : i32 to index
        %get3A_744 = arith.constant 64 : index
        %get3A_745 = tpu.vector_load %arg8[%get3A_743, %get3A_744] {strides = array<i32>} : memref<128x128xf32, #tpu.memory_space<vmem>>, vector<16xf32>,
        %mul3A_746 = arith.mulf %get3A_745, %gather3A_714 : vector<16xf32>
        %swap3A_747 = arith.index_cast %add3A_702 : i32 to index
        %swap3A_748 = arith.constant 64 : index
        %swap3A_749 = tpu.vector_load %arg8[%swap3A_747, %swap3A_748] {strides = array<i32>} : memref<128x128xf32, #tpu.memory_space<vmem>>, vector<16xf32>,
        tpu.vector_store %arg8[%swap3A_747, %swap3A_748], %mul3A_746 {strides = array<i32>} : memref<128x128xf32, #tpu.memory_space<vmem>>, vector<16xf32>,
        %get3A_750 = arith.index_cast %add3A_702 : i32 to index
        %get3A_751 = arith.constant 80 : index
        %get3A_752 = tpu.vector_load %arg8[%get3A_750, %get3A_751] {strides = array<i32>} : memref<128x128xf32, #tpu.memory_space<vmem>>, vector<16xf32>,
        %mul3A_753 = arith.mulf %get3A_752, %gather3A_714 : vector<16xf32>
        %swap3A_754 = arith.index_cast %add3A_702 : i32 to index
        %swap3A_755 = arith.constant 80 : index
        %swap3A_756 = tpu.vector_load %arg8[%swap3A_754, %swap3A_755] {strides = array<i32>} : memref<128x128xf32, #tpu.memory_space<vmem>>, vector<16xf32>,
        tpu.vector_store %arg8[%swap3A_754, %swap3A_755], %mul3A_753 {strides = array<i32>} : memref<128x128xf32, #tpu.memory_space<vmem>>, vector<16xf32>,
        %get3A_757 = arith.index_cast %add3A_702 : i32 to index
        %get3A_758 = arith.constant 96 : index
        %get3A_759 = tpu.vector_load %arg8[%get3A_757, %get3A_758] {strides = array<i32>} : memref<128x128xf32, #tpu.memory_space<vmem>>, vector<16xf32>,
        %mul3A_760 = arith.mulf %get3A_759, %gather3A_714 : vector<16xf32>
        %swap3A_761 = arith.index_cast %add3A_702 : i32 to index
        %swap3A_762 = arith.constant 96 : index
        %swap3A_763 = tpu.vector_load %arg8[%swap3A_761, %swap3A_762] {strides = array<i32>} : memref<128x128xf32, #tpu.memory_space<vmem>>, vector<16xf32>,
        tpu.vector_store %arg8[%swap3A_761, %swap3A_762], %mul3A_760 {strides = array<i32>} : memref<128x128xf32, #tpu.memory_space<vmem>>, vector<16xf32>,
        %get3A_764 = arith.index_cast %add3A_702 : i32 to index
        %get3A_765 = arith.constant 112 : index
        %get3A_766 = tpu.vector_load %arg8[%get3A_764, %get3A_765] {strides = array<i32>} : memref<128x128xf32, #tpu.memory_space<vmem>>, vector<16xf32>,
        %mul3A_767 = arith.mulf %get3A_766, %gather3A_714 : vector<16xf32>
        %swap3A_768 = arith.index_cast %add3A_702 : i32 to index
        %swap3A_769 = arith.constant 112 : index
        %swap3A_770 = tpu.vector_load %arg8[%swap3A_768, %swap3A_769] {strides = array<i32>} : memref<128x128xf32, #tpu.memory_space<vmem>>, vector<16xf32>,
        tpu.vector_store %arg8[%swap3A_768, %swap3A_769], %mul3A_767 {strides = array<i32>} : memref<128x128xf32, #tpu.memory_space<vmem>>, vector<16xf32>,
        %mul3A_771 = arith.constant 16 : i32
        %mul3A_772 = arith.muli %scan3A_121, %mul3A_771 : i32
        %add3A_773 = arith.constant 9 : i32
        %add3A_774 = arith.addi %mul3A_772, %add3A_773 : i32
        %broadcast_in_dim3A_775 = arith.constant 9 : i32
        %broadcast_in_dim3A_776 = vector.broadcast %broadcast_in_dim3A_775 : i32 to vector<16xi32>
        %lt3A_777 = arith.constant 0 : i32
        %lt3A_778 = vector.broadcast %lt3A_777 : i32 to vector<16xi32>
        %lt3A_779 = arith.cmpi slt, %broadcast_in_dim3A_776, %lt3A_778 : vector<16xi32>
        %add3A_780 = arith.constant 16 : i32
        %add3A_781 = vector.broadcast %add3A_780 : i32 to vector<16xi32>
        %add3A_782 = arith.addi %broadcast_in_dim3A_776, %add3A_781 : vector<16xi32>
        %select_n3A_783 = arith.select %lt3A_779, %add3A_782, %broadcast_in_dim3A_776 : vector<16xi1>, vector<16xi32>
        %reshape3A_784 = vector.shape_cast %select_n3A_783 : vector<16xi32> to vector<16x1xi32>
        %gather3A_785 = vector.shape_cast %reshape3A_784 : vector<16x1xi32> to vector<16xi32>
        %gather3A_786 = tpu.dynamic_gather %bitcast3A[%gather3A_785] in [0] : vector<16xf32>, vector<16xi32> -> vector<16xf32>
        %get3A_787 = arith.index_cast %add3A_774 : i32 to index
        %get3A_788 = arith.constant 0 : index
        %get3A_789 = tpu.vector_load %arg8[%get3A_787, %get3A_788] {strides = array<i32>} : memref<128x128xf32, #tpu.memory_space<vmem>>, vector<16xf32>,
        %mul3A_790 = arith.mulf %get3A_789, %gather3A_786 : vector<16xf32>
        %swap3A_791 = arith.index_cast %add3A_774 : i32 to index
        %swap3A_792 = arith.constant 0 : index
        %swap3A_793 = tpu.vector_load %arg8[%swap3A_791, %swap3A_792] {strides = array<i32>} : memref<128x128xf32, #tpu.memory_space<vmem>>, vector<16xf32>,
        tpu.vector_store %arg8[%swap3A_791, %swap3A_792], %mul3A_790 {strides = array<i32>} : memref<128x128xf32, #tpu.memory_space<vmem>>, vector<16xf32>,
        %get3A_794 = arith.index_cast %add3A_774 : i32 to index
        %get3A_795 = arith.constant 16 : index
        %get3A_796 = tpu.vector_load %arg8[%get3A_794, %get3A_795] {strides = array<i32>} : memref<128x128xf32, #tpu.memory_space<vmem>>, vector<16xf32>,
        %mul3A_797 = arith.mulf %get3A_796, %gather3A_786 : vector<16xf32>
        %swap3A_798 = arith.index_cast %add3A_774 : i32 to index
        %swap3A_799 = arith.constant 16 : index
        %swap3A_800 = tpu.vector_load %arg8[%swap3A_798, %swap3A_799] {strides = array<i32>} : memref<128x128xf32, #tpu.memory_space<vmem>>, vector<16xf32>,
        tpu.vector_store %arg8[%swap3A_798, %swap3A_799], %mul3A_797 {strides = array<i32>} : memref<128x128xf32, #tpu.memory_space<vmem>>, vector<16xf32>,
        %get3A_801 = arith.index_cast %add3A_774 : i32 to index
        %get3A_802 = arith.constant 32 : index
        %get3A_803 = tpu.vector_load %arg8[%get3A_801, %get3A_802] {strides = array<i32>} : memref<128x128xf32, #tpu.memory_space<vmem>>, vector<16xf32>,
        %mul3A_804 = arith.mulf %get3A_803, %gather3A_786 : vector<16xf32>
        %swap3A_805 = arith.index_cast %add3A_774 : i32 to index
        %swap3A_806 = arith.constant 32 : index
        %swap3A_807 = tpu.vector_load %arg8[%swap3A_805, %swap3A_806] {strides = array<i32>} : memref<128x128xf32, #tpu.memory_space<vmem>>, vector<16xf32>,
        tpu.vector_store %arg8[%swap3A_805, %swap3A_806], %mul3A_804 {strides = array<i32>} : memref<128x128xf32, #tpu.memory_space<vmem>>, vector<16xf32>,
        %get3A_808 = arith.index_cast %add3A_774 : i32 to index
        %get3A_809 = arith.constant 48 : index
        %get3A_810 = tpu.vector_load %arg8[%get3A_808, %get3A_809] {strides = array<i32>} : memref<128x128xf32, #tpu.memory_space<vmem>>, vector<16xf32>,
        %mul3A_811 = arith.mulf %get3A_810, %gather3A_786 : vector<16xf32>
        %swap3A_812 = arith.index_cast %add3A_774 : i32 to index
        %swap3A_813 = arith.constant 48 : index
        %swap3A_814 = tpu.vector_load %arg8[%swap3A_812, %swap3A_813] {strides = array<i32>} : memref<128x128xf32, #tpu.memory_space<vmem>>, vector<16xf32>,
        tpu.vector_store %arg8[%swap3A_812, %swap3A_813], %mul3A_811 {strides = array<i32>} : memref<128x128xf32, #tpu.memory_space<vmem>>, vector<16xf32>,
        %get3A_815 = arith.index_cast %add3A_774 : i32 to index
        %get3A_816 = arith.constant 64 : index
        %get3A_817 = tpu.vector_load %arg8[%get3A_815, %get3A_816] {strides = array<i32>} : memref<128x128xf32, #tpu.memory_space<vmem>>, vector<16xf32>,
        %mul3A_818 = arith.mulf %get3A_817, %gather3A_786 : vector<16xf32>
        %swap3A_819 = arith.index_cast %add3A_774 : i32 to index
        %swap3A_820 = arith.constant 64 : index
        %swap3A_821 = tpu.vector_load %arg8[%swap3A_819, %swap3A_820] {strides = array<i32>} : memref<128x128xf32, #tpu.memory_space<vmem>>, vector<16xf32>,
        tpu.vector_store %arg8[%swap3A_819, %swap3A_820], %mul3A_818 {strides = array<i32>} : memref<128x128xf32, #tpu.memory_space<vmem>>, vector<16xf32>,
        %get3A_822 = arith.index_cast %add3A_774 : i32 to index
        %get3A_823 = arith.constant 80 : index
        %get3A_824 = tpu.vector_load %arg8[%get3A_822, %get3A_823] {strides = array<i32>} : memref<128x128xf32, #tpu.memory_space<vmem>>, vector<16xf32>,
        %mul3A_825 = arith.mulf %get3A_824, %gather3A_786 : vector<16xf32>
        %swap3A_826 = arith.index_cast %add3A_774 : i32 to index
        %swap3A_827 = arith.constant 80 : index
        %swap3A_828 = tpu.vector_load %arg8[%swap3A_826, %swap3A_827] {strides = array<i32>} : memref<128x128xf32, #tpu.memory_space<vmem>>, vector<16xf32>,
        tpu.vector_store %arg8[%swap3A_826, %swap3A_827], %mul3A_825 {strides = array<i32>} : memref<128x128xf32, #tpu.memory_space<vmem>>, vector<16xf32>,
        %get3A_829 = arith.index_cast %add3A_774 : i32 to index
        %get3A_830 = arith.constant 96 : index
        %get3A_831 = tpu.vector_load %arg8[%get3A_829, %get3A_830] {strides = array<i32>} : memref<128x128xf32, #tpu.memory_space<vmem>>, vector<16xf32>,
        %mul3A_832 = arith.mulf %get3A_831, %gather3A_786 : vector<16xf32>
        %swap3A_833 = arith.index_cast %add3A_774 : i32 to index
        %swap3A_834 = arith.constant 96 : index
        %swap3A_835 = tpu.vector_load %arg8[%swap3A_833, %swap3A_834] {strides = array<i32>} : memref<128x128xf32, #tpu.memory_space<vmem>>, vector<16xf32>,
        tpu.vector_store %arg8[%swap3A_833, %swap3A_834], %mul3A_832 {strides = array<i32>} : memref<128x128xf32, #tpu.memory_space<vmem>>, vector<16xf32>,
        %get3A_836 = arith.index_cast %add3A_774 : i32 to index
        %get3A_837 = arith.constant 112 : index
        %get3A_838 = tpu.vector_load %arg8[%get3A_836, %get3A_837] {strides = array<i32>} : memref<128x128xf32, #tpu.memory_space<vmem>>, vector<16xf32>,
        %mul3A_839 = arith.mulf %get3A_838, %gather3A_786 : vector<16xf32>
        %swap3A_840 = arith.index_cast %add3A_774 : i32 to index
        %swap3A_841 = arith.constant 112 : index
        %swap3A_842 = tpu.vector_load %arg8[%swap3A_840, %swap3A_841] {strides = array<i32>} : memref<128x128xf32, #tpu.memory_space<vmem>>, vector<16xf32>,
        tpu.vector_store %arg8[%swap3A_840, %swap3A_841], %mul3A_839 {strides = array<i32>} : memref<128x128xf32, #tpu.memory_space<vmem>>, vector<16xf32>,
        %mul3A_843 = arith.constant 16 : i32
        %mul3A_844 = arith.muli %scan3A_121, %mul3A_843 : i32
        %add3A_845 = arith.constant 10 : i32
        %add3A_846 = arith.addi %mul3A_844, %add3A_845 : i32
        %broadcast_in_dim3A_847 = arith.constant 10 : i32
        %broadcast_in_dim3A_848 = vector.broadcast %broadcast_in_dim3A_847 : i32 to vector<16xi32>
        %lt3A_849 = arith.constant 0 : i32
        %lt3A_850 = vector.broadcast %lt3A_849 : i32 to vector<16xi32>
        %lt3A_851 = arith.cmpi slt, %broadcast_in_dim3A_848, %lt3A_850 : vector<16xi32>
        %add3A_852 = arith.constant 16 : i32
        %add3A_853 = vector.broadcast %add3A_852 : i32 to vector<16xi32>
        %add3A_854 = arith.addi %broadcast_in_dim3A_848, %add3A_853 : vector<16xi32>
        %select_n3A_855 = arith.select %lt3A_851, %add3A_854, %broadcast_in_dim3A_848 : vector<16xi1>, vector<16xi32>
        %reshape3A_856 = vector.shape_cast %select_n3A_855 : vector<16xi32> to vector<16x1xi32>
        %gather3A_857 = vector.shape_cast %reshape3A_856 : vector<16x1xi32> to vector<16xi32>
        %gather3A_858 = tpu.dynamic_gather %bitcast3A[%gather3A_857] in [0] : vector<16xf32>, vector<16xi32> -> vector<16xf32>
        %get3A_859 = arith.index_cast %add3A_846 : i32 to index
        %get3A_860 = arith.constant 0 : index
        %get3A_861 = tpu.vector_load %arg8[%get3A_859, %get3A_860] {strides = array<i32>} : memref<128x128xf32, #tpu.memory_space<vmem>>, vector<16xf32>,
        %mul3A_862 = arith.mulf %get3A_861, %gather3A_858 : vector<16xf32>
        %swap3A_863 = arith.index_cast %add3A_846 : i32 to index
        %swap3A_864 = arith.constant 0 : index
        %swap3A_865 = tpu.vector_load %arg8[%swap3A_863, %swap3A_864] {strides = array<i32>} : memref<128x128xf32, #tpu.memory_space<vmem>>, vector<16xf32>,
        tpu.vector_store %arg8[%swap3A_863, %swap3A_864], %mul3A_862 {strides = array<i32>} : memref<128x128xf32, #tpu.memory_space<vmem>>, vector<16xf32>,
        %get3A_866 = arith.index_cast %add3A_846 : i32 to index
        %get3A_867 = arith.constant 16 : index
        %get3A_868 = tpu.vector_load %arg8[%get3A_866, %get3A_867] {strides = array<i32>} : memref<128x128xf32, #tpu.memory_space<vmem>>, vector<16xf32>,
        %mul3A_869 = arith.mulf %get3A_868, %gather3A_858 : vector<16xf32>
        %swap3A_870 = arith.index_cast %add3A_846 : i32 to index
        %swap3A_871 = arith.constant 16 : index
        %swap3A_872 = tpu.vector_load %arg8[%swap3A_870, %swap3A_871] {strides = array<i32>} : memref<128x128xf32, #tpu.memory_space<vmem>>, vector<16xf32>,
        tpu.vector_store %arg8[%swap3A_870, %swap3A_871], %mul3A_869 {strides = array<i32>} : memref<128x128xf32, #tpu.memory_space<vmem>>, vector<16xf32>,
        %get3A_873 = arith.index_cast %add3A_846 : i32 to index
        %get3A_874 = arith.constant 32 : index
        %get3A_875 = tpu.vector_load %arg8[%get3A_873, %get3A_874] {strides = array<i32>} : memref<128x128xf32, #tpu.memory_space<vmem>>, vector<16xf32>,
        %mul3A_876 = arith.mulf %get3A_875, %gather3A_858 : vector<16xf32>
        %swap3A_877 = arith.index_cast %add3A_846 : i32 to index
        %swap3A_878 = arith.constant 32 : index
        %swap3A_879 = tpu.vector_load %arg8[%swap3A_877, %swap3A_878] {strides = array<i32>} : memref<128x128xf32, #tpu.memory_space<vmem>>, vector<16xf32>,
        tpu.vector_store %arg8[%swap3A_877, %swap3A_878], %mul3A_876 {strides = array<i32>} : memref<128x128xf32, #tpu.memory_space<vmem>>, vector<16xf32>,
        %get3A_880 = arith.index_cast %add3A_846 : i32 to index
        %get3A_881 = arith.constant 48 : index
        %get3A_882 = tpu.vector_load %arg8[%get3A_880, %get3A_881] {strides = array<i32>} : memref<128x128xf32, #tpu.memory_space<vmem>>, vector<16xf32>,
        %mul3A_883 = arith.mulf %get3A_882, %gather3A_858 : vector<16xf32>
        %swap3A_884 = arith.index_cast %add3A_846 : i32 to index
        %swap3A_885 = arith.constant 48 : index
        %swap3A_886 = tpu.vector_load %arg8[%swap3A_884, %swap3A_885] {strides = array<i32>} : memref<128x128xf32, #tpu.memory_space<vmem>>, vector<16xf32>,
        tpu.vector_store %arg8[%swap3A_884, %swap3A_885], %mul3A_883 {strides = array<i32>} : memref<128x128xf32, #tpu.memory_space<vmem>>, vector<16xf32>,
        %get3A_887 = arith.index_cast %add3A_846 : i32 to index
        %get3A_888 = arith.constant 64 : index
        %get3A_889 = tpu.vector_load %arg8[%get3A_887, %get3A_888] {strides = array<i32>} : memref<128x128xf32, #tpu.memory_space<vmem>>, vector<16xf32>,
        %mul3A_890 = arith.mulf %get3A_889, %gather3A_858 : vector<16xf32>
        %swap3A_891 = arith.index_cast %add3A_846 : i32 to index
        %swap3A_892 = arith.constant 64 : index
        %swap3A_893 = tpu.vector_load %arg8[%swap3A_891, %swap3A_892] {strides = array<i32>} : memref<128x128xf32, #tpu.memory_space<vmem>>, vector<16xf32>,
        tpu.vector_store %arg8[%swap3A_891, %swap3A_892], %mul3A_890 {strides = array<i32>} : memref<128x128xf32, #tpu.memory_space<vmem>>, vector<16xf32>,
        %get3A_894 = arith.index_cast %add3A_846 : i32 to index
        %get3A_895 = arith.constant 80 : index
        %get3A_896 = tpu.vector_load %arg8[%get3A_894, %get3A_895] {strides = array<i32>} : memref<128x128xf32, #tpu.memory_space<vmem>>, vector<16xf32>,
        %mul3A_897 = arith.mulf %get3A_896, %gather3A_858 : vector<16xf32>
        %swap3A_898 = arith.index_cast %add3A_846 : i32 to index
        %swap3A_899 = arith.constant 80 : index
        %swap3A_900 = tpu.vector_load %arg8[%swap3A_898, %swap3A_899] {strides = array<i32>} : memref<128x128xf32, #tpu.memory_space<vmem>>, vector<16xf32>,
        tpu.vector_store %arg8[%swap3A_898, %swap3A_899], %mul3A_897 {strides = array<i32>} : memref<128x128xf32, #tpu.memory_space<vmem>>, vector<16xf32>,
        %get3A_901 = arith.index_cast %add3A_846 : i32 to index
        %get3A_902 = arith.constant 96 : index
        %get3A_903 = tpu.vector_load %arg8[%get3A_901, %get3A_902] {strides = array<i32>} : memref<128x128xf32, #tpu.memory_space<vmem>>, vector<16xf32>,
        %mul3A_904 = arith.mulf %get3A_903, %gather3A_858 : vector<16xf32>
        %swap3A_905 = arith.index_cast %add3A_846 : i32 to index
        %swap3A_906 = arith.constant 96 : index
        %swap3A_907 = tpu.vector_load %arg8[%swap3A_905, %swap3A_906] {strides = array<i32>} : memref<128x128xf32, #tpu.memory_space<vmem>>, vector<16xf32>,
        tpu.vector_store %arg8[%swap3A_905, %swap3A_906], %mul3A_904 {strides = array<i32>} : memref<128x128xf32, #tpu.memory_space<vmem>>, vector<16xf32>,
        %get3A_908 = arith.index_cast %add3A_846 : i32 to index
        %get3A_909 = arith.constant 112 : index
        %get3A_910 = tpu.vector_load %arg8[%get3A_908, %get3A_909] {strides = array<i32>} : memref<128x128xf32, #tpu.memory_space<vmem>>, vector<16xf32>,
        %mul3A_911 = arith.mulf %get3A_910, %gather3A_858 : vector<16xf32>
        %swap3A_912 = arith.index_cast %add3A_846 : i32 to index
        %swap3A_913 = arith.constant 112 : index
        %swap3A_914 = tpu.vector_load %arg8[%swap3A_912, %swap3A_913] {strides = array<i32>} : memref<128x128xf32, #tpu.memory_space<vmem>>, vector<16xf32>,
        tpu.vector_store %arg8[%swap3A_912, %swap3A_913], %mul3A_911 {strides = array<i32>} : memref<128x128xf32, #tpu.memory_space<vmem>>, vector<16xf32>,
        %mul3A_915 = arith.constant 16 : i32
        %mul3A_916 = arith.muli %scan3A_121, %mul3A_915 : i32
        %add3A_917 = arith.constant 11 : i32
        %add3A_918 = arith.addi %mul3A_916, %add3A_917 : i32
        %broadcast_in_dim3A_919 = arith.constant 11 : i32
        %broadcast_in_dim3A_920 = vector.broadcast %broadcast_in_dim3A_919 : i32 to vector<16xi32>
        %lt3A_921 = arith.constant 0 : i32
        %lt3A_922 = vector.broadcast %lt3A_921 : i32 to vector<16xi32>
        %lt3A_923 = arith.cmpi slt, %broadcast_in_dim3A_920, %lt3A_922 : vector<16xi32>
        %add3A_924 = arith.constant 16 : i32
        %add3A_925 = vector.broadcast %add3A_924 : i32 to vector<16xi32>
        %add3A_926 = arith.addi %broadcast_in_dim3A_920, %add3A_925 : vector<16xi32>
        %select_n3A_927 = arith.select %lt3A_923, %add3A_926, %broadcast_in_dim3A_920 : vector<16xi1>, vector<16xi32>
        %reshape3A_928 = vector.shape_cast %select_n3A_927 : vector<16xi32> to vector<16x1xi32>
        %gather3A_929 = vector.shape_cast %reshape3A_928 : vector<16x1xi32> to vector<16xi32>
        %gather3A_930 = tpu.dynamic_gather %bitcast3A[%gather3A_929] in [0] : vector<16xf32>, vector<16xi32> -> vector<16xf32>
        %get3A_931 = arith.index_cast %add3A_918 : i32 to index
        %get3A_932 = arith.constant 0 : index
        %get3A_933 = tpu.vector_load %arg8[%get3A_931, %get3A_932] {strides = array<i32>} : memref<128x128xf32, #tpu.memory_space<vmem>>, vector<16xf32>,
        %mul3A_934 = arith.mulf %get3A_933, %gather3A_930 : vector<16xf32>
        %swap3A_935 = arith.index_cast %add3A_918 : i32 to index
        %swap3A_936 = arith.constant 0 : index
        %swap3A_937 = tpu.vector_load %arg8[%swap3A_935, %swap3A_936] {strides = array<i32>} : memref<128x128xf32, #tpu.memory_space<vmem>>, vector<16xf32>,
        tpu.vector_store %arg8[%swap3A_935, %swap3A_936], %mul3A_934 {strides = array<i32>} : memref<128x128xf32, #tpu.memory_space<vmem>>, vector<16xf32>,
        %get3A_938 = arith.index_cast %add3A_918 : i32 to index
        %get3A_939 = arith.constant 16 : index
        %get3A_940 = tpu.vector_load %arg8[%get3A_938, %get3A_939] {strides = array<i32>} : memref<128x128xf32, #tpu.memory_space<vmem>>, vector<16xf32>,
        %mul3A_941 = arith.mulf %get3A_940, %gather3A_930 : vector<16xf32>
        %swap3A_942 = arith.index_cast %add3A_918 : i32 to index
        %swap3A_943 = arith.constant 16 : index
        %swap3A_944 = tpu.vector_load %arg8[%swap3A_942, %swap3A_943] {strides = array<i32>} : memref<128x128xf32, #tpu.memory_space<vmem>>, vector<16xf32>,
        tpu.vector_store %arg8[%swap3A_942, %swap3A_943], %mul3A_941 {strides = array<i32>} : memref<128x128xf32, #tpu.memory_space<vmem>>, vector<16xf32>,
        %get3A_945 = arith.index_cast %add3A_918 : i32 to index
        %get3A_946 = arith.constant 32 : index
        %get3A_947 = tpu.vector_load %arg8[%get3A_945, %get3A_946] {strides = array<i32>} : memref<128x128xf32, #tpu.memory_space<vmem>>, vector<16xf32>,
        %mul3A_948 = arith.mulf %get3A_947, %gather3A_930 : vector<16xf32>
        %swap3A_949 = arith.index_cast %add3A_918 : i32 to index
        %swap3A_950 = arith.constant 32 : index
        %swap3A_951 = tpu.vector_load %arg8[%swap3A_949, %swap3A_950] {strides = array<i32>} : memref<128x128xf32, #tpu.memory_space<vmem>>, vector<16xf32>,
        tpu.vector_store %arg8[%swap3A_949, %swap3A_950], %mul3A_948 {strides = array<i32>} : memref<128x128xf32, #tpu.memory_space<vmem>>, vector<16xf32>,
        %get3A_952 = arith.index_cast %add3A_918 : i32 to index
        %get3A_953 = arith.constant 48 : index
        %get3A_954 = tpu.vector_load %arg8[%get3A_952, %get3A_953] {strides = array<i32>} : memref<128x128xf32, #tpu.memory_space<vmem>>, vector<16xf32>,
        %mul3A_955 = arith.mulf %get3A_954, %gather3A_930 : vector<16xf32>
        %swap3A_956 = arith.index_cast %add3A_918 : i32 to index
        %swap3A_957 = arith.constant 48 : index
        %swap3A_958 = tpu.vector_load %arg8[%swap3A_956, %swap3A_957] {strides = array<i32>} : memref<128x128xf32, #tpu.memory_space<vmem>>, vector<16xf32>,
        tpu.vector_store %arg8[%swap3A_956, %swap3A_957], %mul3A_955 {strides = array<i32>} : memref<128x128xf32, #tpu.memory_space<vmem>>, vector<16xf32>,
        %get3A_959 = arith.index_cast %add3A_918 : i32 to index
        %get3A_960 = arith.constant 64 : index
        %get3A_961 = tpu.vector_load %arg8[%get3A_959, %get3A_960] {strides = array<i32>} : memref<128x128xf32, #tpu.memory_space<vmem>>, vector<16xf32>,
        %mul3A_962 = arith.mulf %get3A_961, %gather3A_930 : vector<16xf32>
        %swap3A_963 = arith.index_cast %add3A_918 : i32 to index
        %swap3A_964 = arith.constant 64 : index
        %swap3A_965 = tpu.vector_load %arg8[%swap3A_963, %swap3A_964] {strides = array<i32>} : memref<128x128xf32, #tpu.memory_space<vmem>>, vector<16xf32>,
        tpu.vector_store %arg8[%swap3A_963, %swap3A_964], %mul3A_962 {strides = array<i32>} : memref<128x128xf32, #tpu.memory_space<vmem>>, vector<16xf32>,
        %get3A_966 = arith.index_cast %add3A_918 : i32 to index
        %get3A_967 = arith.constant 80 : index
        %get3A_968 = tpu.vector_load %arg8[%get3A_966, %get3A_967] {strides = array<i32>} : memref<128x128xf32, #tpu.memory_space<vmem>>, vector<16xf32>,
        %mul3A_969 = arith.mulf %get3A_968, %gather3A_930 : vector<16xf32>
        %swap3A_970 = arith.index_cast %add3A_918 : i32 to index
        %swap3A_971 = arith.constant 80 : index
        %swap3A_972 = tpu.vector_load %arg8[%swap3A_970, %swap3A_971] {strides = array<i32>} : memref<128x128xf32, #tpu.memory_space<vmem>>, vector<16xf32>,
        tpu.vector_store %arg8[%swap3A_970, %swap3A_971], %mul3A_969 {strides = array<i32>} : memref<128x128xf32, #tpu.memory_space<vmem>>, vector<16xf32>,
        %get3A_973 = arith.index_cast %add3A_918 : i32 to index
        %get3A_974 = arith.constant 96 : index
        %get3A_975 = tpu.vector_load %arg8[%get3A_973, %get3A_974] {strides = array<i32>} : memref<128x128xf32, #tpu.memory_space<vmem>>, vector<16xf32>,
        %mul3A_976 = arith.mulf %get3A_975, %gather3A_930 : vector<16xf32>
        %swap3A_977 = arith.index_cast %add3A_918 : i32 to index
        %swap3A_978 = arith.constant 96 : index
        %swap3A_979 = tpu.vector_load %arg8[%swap3A_977, %swap3A_978] {strides = array<i32>} : memref<128x128xf32, #tpu.memory_space<vmem>>, vector<16xf32>,
        tpu.vector_store %arg8[%swap3A_977, %swap3A_978], %mul3A_976 {strides = array<i32>} : memref<128x128xf32, #tpu.memory_space<vmem>>, vector<16xf32>,
        %get3A_980 = arith.index_cast %add3A_918 : i32 to index
        %get3A_981 = arith.constant 112 : index
        %get3A_982 = tpu.vector_load %arg8[%get3A_980, %get3A_981] {strides = array<i32>} : memref<128x128xf32, #tpu.memory_space<vmem>>, vector<16xf32>,
        %mul3A_983 = arith.mulf %get3A_982, %gather3A_930 : vector<16xf32>
        %swap3A_984 = arith.index_cast %add3A_918 : i32 to index
        %swap3A_985 = arith.constant 112 : index
        %swap3A_986 = tpu.vector_load %arg8[%swap3A_984, %swap3A_985] {strides = array<i32>} : memref<128x128xf32, #tpu.memory_space<vmem>>, vector<16xf32>,
        tpu.vector_store %arg8[%swap3A_984, %swap3A_985], %mul3A_983 {strides = array<i32>} : memref<128x128xf32, #tpu.memory_space<vmem>>, vector<16xf32>,
        %mul3A_987 = arith.constant 16 : i32
        %mul3A_988 = arith.muli %scan3A_121, %mul3A_987 : i32
        %add3A_989 = arith.constant 12 : i32
        %add3A_990 = arith.addi %mul3A_988, %add3A_989 : i32
        %broadcast_in_dim3A_991 = arith.constant 12 : i32
        %broadcast_in_dim3A_992 = vector.broadcast %broadcast_in_dim3A_991 : i32 to vector<16xi32>
        %lt3A_993 = arith.constant 0 : i32
        %lt3A_994 = vector.broadcast %lt3A_993 : i32 to vector<16xi32>
        %lt3A_995 = arith.cmpi slt, %broadcast_in_dim3A_992, %lt3A_994 : vector<16xi32>
        %add3A_996 = arith.constant 16 : i32
        %add3A_997 = vector.broadcast %add3A_996 : i32 to vector<16xi32>
        %add3A_998 = arith.addi %broadcast_in_dim3A_992, %add3A_997 : vector<16xi32>
        %select_n3A_999 = arith.select %lt3A_995, %add3A_998, %broadcast_in_dim3A_992 : vector<16xi1>, vector<16xi32>
        %reshape3A_1000 = vector.shape_cast %select_n3A_999 : vector<16xi32> to vector<16x1xi32>
        %gather3A_1001 = vector.shape_cast %reshape3A_1000 : vector<16x1xi32> to vector<16xi32>
        %gather3A_1002 = tpu.dynamic_gather %bitcast3A[%gather3A_1001] in [0] : vector<16xf32>, vector<16xi32> -> vector<16xf32>
        %get3A_1003 = arith.index_cast %add3A_990 : i32 to index
        %get3A_1004 = arith.constant 0 : index
        %get3A_1005 = tpu.vector_load %arg8[%get3A_1003, %get3A_1004] {strides = array<i32>} : memref<128x128xf32, #tpu.memory_space<vmem>>, vector<16xf32>,
        %mul3A_1006 = arith.mulf %get3A_1005, %gather3A_1002 : vector<16xf32>
        %swap3A_1007 = arith.index_cast %add3A_990 : i32 to index
        %swap3A_1008 = arith.constant 0 : index
        %swap3A_1009 = tpu.vector_load %arg8[%swap3A_1007, %swap3A_1008] {strides = array<i32>} : memref<128x128xf32, #tpu.memory_space<vmem>>, vector<16xf32>,
        tpu.vector_store %arg8[%swap3A_1007, %swap3A_1008], %mul3A_1006 {strides = array<i32>} : memref<128x128xf32, #tpu.memory_space<vmem>>, vector<16xf32>,
        %get3A_1010 = arith.index_cast %add3A_990 : i32 to index
        %get3A_1011 = arith.constant 16 : index
        %get3A_1012 = tpu.vector_load %arg8[%get3A_1010, %get3A_1011] {strides = array<i32>} : memref<128x128xf32, #tpu.memory_space<vmem>>, vector<16xf32>,
        %mul3A_1013 = arith.mulf %get3A_1012, %gather3A_1002 : vector<16xf32>
        %swap3A_1014 = arith.index_cast %add3A_990 : i32 to index
        %swap3A_1015 = arith.constant 16 : index
        %swap3A_1016 = tpu.vector_load %arg8[%swap3A_1014, %swap3A_1015] {strides = array<i32>} : memref<128x128xf32, #tpu.memory_space<vmem>>, vector<16xf32>,
        tpu.vector_store %arg8[%swap3A_1014, %swap3A_1015], %mul3A_1013 {strides = array<i32>} : memref<128x128xf32, #tpu.memory_space<vmem>>, vector<16xf32>,
        %get3A_1017 = arith.index_cast %add3A_990 : i32 to index
        %get3A_1018 = arith.constant 32 : index
        %get3A_1019 = tpu.vector_load %arg8[%get3A_1017, %get3A_1018] {strides = array<i32>} : memref<128x128xf32, #tpu.memory_space<vmem>>, vector<16xf32>,
        %mul3A_1020 = arith.mulf %get3A_1019, %gather3A_1002 : vector<16xf32>
        %swap3A_1021 = arith.index_cast %add3A_990 : i32 to index
        %swap3A_1022 = arith.constant 32 : index
        %swap3A_1023 = tpu.vector_load %arg8[%swap3A_1021, %swap3A_1022] {strides = array<i32>} : memref<128x128xf32, #tpu.memory_space<vmem>>, vector<16xf32>,
        tpu.vector_store %arg8[%swap3A_1021, %swap3A_1022], %mul3A_1020 {strides = array<i32>} : memref<128x128xf32, #tpu.memory_space<vmem>>, vector<16xf32>,
        %get3A_1024 = arith.index_cast %add3A_990 : i32 to index
        %get3A_1025 = arith.constant 48 : index
        %get3A_1026 = tpu.vector_load %arg8[%get3A_1024, %get3A_1025] {strides = array<i32>} : memref<128x128xf32, #tpu.memory_space<vmem>>, vector<16xf32>,
        %mul3A_1027 = arith.mulf %get3A_1026, %gather3A_1002 : vector<16xf32>
        %swap3A_1028 = arith.index_cast %add3A_990 : i32 to index
        %swap3A_1029 = arith.constant 48 : index
        %swap3A_1030 = tpu.vector_load %arg8[%swap3A_1028, %swap3A_1029] {strides = array<i32>} : memref<128x128xf32, #tpu.memory_space<vmem>>, vector<16xf32>,
        tpu.vector_store %arg8[%swap3A_1028, %swap3A_1029], %mul3A_1027 {strides = array<i32>} : memref<128x128xf32, #tpu.memory_space<vmem>>, vector<16xf32>,
        %get3A_1031 = arith.index_cast %add3A_990 : i32 to index
        %get3A_1032 = arith.constant 64 : index
        %get3A_1033 = tpu.vector_load %arg8[%get3A_1031, %get3A_1032] {strides = array<i32>} : memref<128x128xf32, #tpu.memory_space<vmem>>, vector<16xf32>,
        %mul3A_1034 = arith.mulf %get3A_1033, %gather3A_1002 : vector<16xf32>
        %swap3A_1035 = arith.index_cast %add3A_990 : i32 to index
        %swap3A_1036 = arith.constant 64 : index
        %swap3A_1037 = tpu.vector_load %arg8[%swap3A_1035, %swap3A_1036] {strides = array<i32>} : memref<128x128xf32, #tpu.memory_space<vmem>>, vector<16xf32>,
        tpu.vector_store %arg8[%swap3A_1035, %swap3A_1036], %mul3A_1034 {strides = array<i32>} : memref<128x128xf32, #tpu.memory_space<vmem>>, vector<16xf32>,
        %get3A_1038 = arith.index_cast %add3A_990 : i32 to index
        %get3A_1039 = arith.constant 80 : index
        %get3A_1040 = tpu.vector_load %arg8[%get3A_1038, %get3A_1039] {strides = array<i32>} : memref<128x128xf32, #tpu.memory_space<vmem>>, vector<16xf32>,
        %mul3A_1041 = arith.mulf %get3A_1040, %gather3A_1002 : vector<16xf32>
        %swap3A_1042 = arith.index_cast %add3A_990 : i32 to index
        %swap3A_1043 = arith.constant 80 : index
        %swap3A_1044 = tpu.vector_load %arg8[%swap3A_1042, %swap3A_1043] {strides = array<i32>} : memref<128x128xf32, #tpu.memory_space<vmem>>, vector<16xf32>,
        tpu.vector_store %arg8[%swap3A_1042, %swap3A_1043], %mul3A_1041 {strides = array<i32>} : memref<128x128xf32, #tpu.memory_space<vmem>>, vector<16xf32>,
        %get3A_1045 = arith.index_cast %add3A_990 : i32 to index
        %get3A_1046 = arith.constant 96 : index
        %get3A_1047 = tpu.vector_load %arg8[%get3A_1045, %get3A_1046] {strides = array<i32>} : memref<128x128xf32, #tpu.memory_space<vmem>>, vector<16xf32>,
        %mul3A_1048 = arith.mulf %get3A_1047, %gather3A_1002 : vector<16xf32>
        %swap3A_1049 = arith.index_cast %add3A_990 : i32 to index
        %swap3A_1050 = arith.constant 96 : index
        %swap3A_1051 = tpu.vector_load %arg8[%swap3A_1049, %swap3A_1050] {strides = array<i32>} : memref<128x128xf32, #tpu.memory_space<vmem>>, vector<16xf32>,
        tpu.vector_store %arg8[%swap3A_1049, %swap3A_1050], %mul3A_1048 {strides = array<i32>} : memref<128x128xf32, #tpu.memory_space<vmem>>, vector<16xf32>,
        %get3A_1052 = arith.index_cast %add3A_990 : i32 to index
        %get3A_1053 = arith.constant 112 : index
        %get3A_1054 = tpu.vector_load %arg8[%get3A_1052, %get3A_1053] {strides = array<i32>} : memref<128x128xf32, #tpu.memory_space<vmem>>, vector<16xf32>,
        %mul3A_1055 = arith.mulf %get3A_1054, %gather3A_1002 : vector<16xf32>
        %swap3A_1056 = arith.index_cast %add3A_990 : i32 to index
        %swap3A_1057 = arith.constant 112 : index
        %swap3A_1058 = tpu.vector_load %arg8[%swap3A_1056, %swap3A_1057] {strides = array<i32>} : memref<128x128xf32, #tpu.memory_space<vmem>>, vector<16xf32>,
        tpu.vector_store %arg8[%swap3A_1056, %swap3A_1057], %mul3A_1055 {strides = array<i32>} : memref<128x128xf32, #tpu.memory_space<vmem>>, vector<16xf32>,
        %mul3A_1059 = arith.constant 16 : i32
        %mul3A_1060 = arith.muli %scan3A_121, %mul3A_1059 : i32
        %add3A_1061 = arith.constant 13 : i32
        %add3A_1062 = arith.addi %mul3A_1060, %add3A_1061 : i32
        %broadcast_in_dim3A_1063 = arith.constant 13 : i32
        %broadcast_in_dim3A_1064 = vector.broadcast %broadcast_in_dim3A_1063 : i32 to vector<16xi32>
        %lt3A_1065 = arith.constant 0 : i32
        %lt3A_1066 = vector.broadcast %lt3A_1065 : i32 to vector<16xi32>
        %lt3A_1067 = arith.cmpi slt, %broadcast_in_dim3A_1064, %lt3A_1066 : vector<16xi32>
        %add3A_1068 = arith.constant 16 : i32
        %add3A_1069 = vector.broadcast %add3A_1068 : i32 to vector<16xi32>
        %add3A_1070 = arith.addi %broadcast_in_dim3A_1064, %add3A_1069 : vector<16xi32>
        %select_n3A_1071 = arith.select %lt3A_1067, %add3A_1070, %broadcast_in_dim3A_1064 : vector<16xi1>, vector<16xi32>
        %reshape3A_1072 = vector.shape_cast %select_n3A_1071 : vector<16xi32> to vector<16x1xi32>
        %gather3A_1073 = vector.shape_cast %reshape3A_1072 : vector<16x1xi32> to vector<16xi32>
        %gather3A_1074 = tpu.dynamic_gather %bitcast3A[%gather3A_1073] in [0] : vector<16xf32>, vector<16xi32> -> vector<16xf32>
        %get3A_1075 = arith.index_cast %add3A_1062 : i32 to index
        %get3A_1076 = arith.constant 0 : index
        %get3A_1077 = tpu.vector_load %arg8[%get3A_1075, %get3A_1076] {strides = array<i32>} : memref<128x128xf32, #tpu.memory_space<vmem>>, vector<16xf32>,
        %mul3A_1078 = arith.mulf %get3A_1077, %gather3A_1074 : vector<16xf32>
        %swap3A_1079 = arith.index_cast %add3A_1062 : i32 to index
        %swap3A_1080 = arith.constant 0 : index
        %swap3A_1081 = tpu.vector_load %arg8[%swap3A_1079, %swap3A_1080] {strides = array<i32>} : memref<128x128xf32, #tpu.memory_space<vmem>>, vector<16xf32>,
        tpu.vector_store %arg8[%swap3A_1079, %swap3A_1080], %mul3A_1078 {strides = array<i32>} : memref<128x128xf32, #tpu.memory_space<vmem>>, vector<16xf32>,
        %get3A_1082 = arith.index_cast %add3A_1062 : i32 to index
        %get3A_1083 = arith.constant 16 : index
        %get3A_1084 = tpu.vector_load %arg8[%get3A_1082, %get3A_1083] {strides = array<i32>} : memref<128x128xf32, #tpu.memory_space<vmem>>, vector<16xf32>,
        %mul3A_1085 = arith.mulf %get3A_1084, %gather3A_1074 : vector<16xf32>
        %swap3A_1086 = arith.index_cast %add3A_1062 : i32 to index
        %swap3A_1087 = arith.constant 16 : index
        %swap3A_1088 = tpu.vector_load %arg8[%swap3A_1086, %swap3A_1087] {strides = array<i32>} : memref<128x128xf32, #tpu.memory_space<vmem>>, vector<16xf32>,
        tpu.vector_store %arg8[%swap3A_1086, %swap3A_1087], %mul3A_1085 {strides = array<i32>} : memref<128x128xf32, #tpu.memory_space<vmem>>, vector<16xf32>,
        %get3A_1089 = arith.index_cast %add3A_1062 : i32 to index
        %get3A_1090 = arith.constant 32 : index
        %get3A_1091 = tpu.vector_load %arg8[%get3A_1089, %get3A_1090] {strides = array<i32>} : memref<128x128xf32, #tpu.memory_space<vmem>>, vector<16xf32>,
        %mul3A_1092 = arith.mulf %get3A_1091, %gather3A_1074 : vector<16xf32>
        %swap3A_1093 = arith.index_cast %add3A_1062 : i32 to index
        %swap3A_1094 = arith.constant 32 : index
        %swap3A_1095 = tpu.vector_load %arg8[%swap3A_1093, %swap3A_1094] {strides = array<i32>} : memref<128x128xf32, #tpu.memory_space<vmem>>, vector<16xf32>,
        tpu.vector_store %arg8[%swap3A_1093, %swap3A_1094], %mul3A_1092 {strides = array<i32>} : memref<128x128xf32, #tpu.memory_space<vmem>>, vector<16xf32>,
        %get3A_1096 = arith.index_cast %add3A_1062 : i32 to index
        %get3A_1097 = arith.constant 48 : index
        %get3A_1098 = tpu.vector_load %arg8[%get3A_1096, %get3A_1097] {strides = array<i32>} : memref<128x128xf32, #tpu.memory_space<vmem>>, vector<16xf32>,
        %mul3A_1099 = arith.mulf %get3A_1098, %gather3A_1074 : vector<16xf32>
        %swap3A_1100 = arith.index_cast %add3A_1062 : i32 to index
        %swap3A_1101 = arith.constant 48 : index
        %swap3A_1102 = tpu.vector_load %arg8[%swap3A_1100, %swap3A_1101] {strides = array<i32>} : memref<128x128xf32, #tpu.memory_space<vmem>>, vector<16xf32>,
        tpu.vector_store %arg8[%swap3A_1100, %swap3A_1101], %mul3A_1099 {strides = array<i32>} : memref<128x128xf32, #tpu.memory_space<vmem>>, vector<16xf32>,
        %get3A_1103 = arith.index_cast %add3A_1062 : i32 to index
        %get3A_1104 = arith.constant 64 : index
        %get3A_1105 = tpu.vector_load %arg8[%get3A_1103, %get3A_1104] {strides = array<i32>} : memref<128x128xf32, #tpu.memory_space<vmem>>, vector<16xf32>,
        %mul3A_1106 = arith.mulf %get3A_1105, %gather3A_1074 : vector<16xf32>
        %swap3A_1107 = arith.index_cast %add3A_1062 : i32 to index
        %swap3A_1108 = arith.constant 64 : index
        %swap3A_1109 = tpu.vector_load %arg8[%swap3A_1107, %swap3A_1108] {strides = array<i32>} : memref<128x128xf32, #tpu.memory_space<vmem>>, vector<16xf32>,
        tpu.vector_store %arg8[%swap3A_1107, %swap3A_1108], %mul3A_1106 {strides = array<i32>} : memref<128x128xf32, #tpu.memory_space<vmem>>, vector<16xf32>,
        %get3A_1110 = arith.index_cast %add3A_1062 : i32 to index
        %get3A_1111 = arith.constant 80 : index
        %get3A_1112 = tpu.vector_load %arg8[%get3A_1110, %get3A_1111] {strides = array<i32>} : memref<128x128xf32, #tpu.memory_space<vmem>>, vector<16xf32>,
        %mul3A_1113 = arith.mulf %get3A_1112, %gather3A_1074 : vector<16xf32>
        %swap3A_1114 = arith.index_cast %add3A_1062 : i32 to index
        %swap3A_1115 = arith.constant 80 : index
        %swap3A_1116 = tpu.vector_load %arg8[%swap3A_1114, %swap3A_1115] {strides = array<i32>} : memref<128x128xf32, #tpu.memory_space<vmem>>, vector<16xf32>,
        tpu.vector_store %arg8[%swap3A_1114, %swap3A_1115], %mul3A_1113 {strides = array<i32>} : memref<128x128xf32, #tpu.memory_space<vmem>>, vector<16xf32>,
        %get3A_1117 = arith.index_cast %add3A_1062 : i32 to index
        %get3A_1118 = arith.constant 96 : index
        %get3A_1119 = tpu.vector_load %arg8[%get3A_1117, %get3A_1118] {strides = array<i32>} : memref<128x128xf32, #tpu.memory_space<vmem>>, vector<16xf32>,
        %mul3A_1120 = arith.mulf %get3A_1119, %gather3A_1074 : vector<16xf32>
        %swap3A_1121 = arith.index_cast %add3A_1062 : i32 to index
        %swap3A_1122 = arith.constant 96 : index
        %swap3A_1123 = tpu.vector_load %arg8[%swap3A_1121, %swap3A_1122] {strides = array<i32>} : memref<128x128xf32, #tpu.memory_space<vmem>>, vector<16xf32>,
        tpu.vector_store %arg8[%swap3A_1121, %swap3A_1122], %mul3A_1120 {strides = array<i32>} : memref<128x128xf32, #tpu.memory_space<vmem>>, vector<16xf32>,
        %get3A_1124 = arith.index_cast %add3A_1062 : i32 to index
        %get3A_1125 = arith.constant 112 : index
        %get3A_1126 = tpu.vector_load %arg8[%get3A_1124, %get3A_1125] {strides = array<i32>} : memref<128x128xf32, #tpu.memory_space<vmem>>, vector<16xf32>,
        %mul3A_1127 = arith.mulf %get3A_1126, %gather3A_1074 : vector<16xf32>
        %swap3A_1128 = arith.index_cast %add3A_1062 : i32 to index
        %swap3A_1129 = arith.constant 112 : index
        %swap3A_1130 = tpu.vector_load %arg8[%swap3A_1128, %swap3A_1129] {strides = array<i32>} : memref<128x128xf32, #tpu.memory_space<vmem>>, vector<16xf32>,
        tpu.vector_store %arg8[%swap3A_1128, %swap3A_1129], %mul3A_1127 {strides = array<i32>} : memref<128x128xf32, #tpu.memory_space<vmem>>, vector<16xf32>,
        %mul3A_1131 = arith.constant 16 : i32
        %mul3A_1132 = arith.muli %scan3A_121, %mul3A_1131 : i32
        %add3A_1133 = arith.constant 14 : i32
        %add3A_1134 = arith.addi %mul3A_1132, %add3A_1133 : i32
        %broadcast_in_dim3A_1135 = arith.constant 14 : i32
        %broadcast_in_dim3A_1136 = vector.broadcast %broadcast_in_dim3A_1135 : i32 to vector<16xi32>
        %lt3A_1137 = arith.constant 0 : i32
        %lt3A_1138 = vector.broadcast %lt3A_1137 : i32 to vector<16xi32>
        %lt3A_1139 = arith.cmpi slt, %broadcast_in_dim3A_1136, %lt3A_1138 : vector<16xi32>
        %add3A_1140 = arith.constant 16 : i32
        %add3A_1141 = vector.broadcast %add3A_1140 : i32 to vector<16xi32>
        %add3A_1142 = arith.addi %broadcast_in_dim3A_1136, %add3A_1141 : vector<16xi32>
        %select_n3A_1143 = arith.select %lt3A_1139, %add3A_1142, %broadcast_in_dim3A_1136 : vector<16xi1>, vector<16xi32>
        %reshape3A_1144 = vector.shape_cast %select_n3A_1143 : vector<16xi32> to vector<16x1xi32>
        %gather3A_1145 = vector.shape_cast %reshape3A_1144 : vector<16x1xi32> to vector<16xi32>
        %gather3A_1146 = tpu.dynamic_gather %bitcast3A[%gather3A_1145] in [0] : vector<16xf32>, vector<16xi32> -> vector<16xf32>
        %get3A_1147 = arith.index_cast %add3A_1134 : i32 to index
        %get3A_1148 = arith.constant 0 : index
        %get3A_1149 = tpu.vector_load %arg8[%get3A_1147, %get3A_1148] {strides = array<i32>} : memref<128x128xf32, #tpu.memory_space<vmem>>, vector<16xf32>,
        %mul3A_1150 = arith.mulf %get3A_1149, %gather3A_1146 : vector<16xf32>
        %swap3A_1151 = arith.index_cast %add3A_1134 : i32 to index
        %swap3A_1152 = arith.constant 0 : index
        %swap3A_1153 = tpu.vector_load %arg8[%swap3A_1151, %swap3A_1152] {strides = array<i32>} : memref<128x128xf32, #tpu.memory_space<vmem>>, vector<16xf32>,
        tpu.vector_store %arg8[%swap3A_1151, %swap3A_1152], %mul3A_1150 {strides = array<i32>} : memref<128x128xf32, #tpu.memory_space<vmem>>, vector<16xf32>,
        %get3A_1154 = arith.index_cast %add3A_1134 : i32 to index
        %get3A_1155 = arith.constant 16 : index
        %get3A_1156 = tpu.vector_load %arg8[%get3A_1154, %get3A_1155] {strides = array<i32>} : memref<128x128xf32, #tpu.memory_space<vmem>>, vector<16xf32>,
        %mul3A_1157 = arith.mulf %get3A_1156, %gather3A_1146 : vector<16xf32>
        %swap3A_1158 = arith.index_cast %add3A_1134 : i32 to index
        %swap3A_1159 = arith.constant 16 : index
        %swap3A_1160 = tpu.vector_load %arg8[%swap3A_1158, %swap3A_1159] {strides = array<i32>} : memref<128x128xf32, #tpu.memory_space<vmem>>, vector<16xf32>,
        tpu.vector_store %arg8[%swap3A_1158, %swap3A_1159], %mul3A_1157 {strides = array<i32>} : memref<128x128xf32, #tpu.memory_space<vmem>>, vector<16xf32>,
        %get3A_1161 = arith.index_cast %add3A_1134 : i32 to index
        %get3A_1162 = arith.constant 32 : index
        %get3A_1163 = tpu.vector_load %arg8[%get3A_1161, %get3A_1162] {strides = array<i32>} : memref<128x128xf32, #tpu.memory_space<vmem>>, vector<16xf32>,
        %mul3A_1164 = arith.mulf %get3A_1163, %gather3A_1146 : vector<16xf32>
        %swap3A_1165 = arith.index_cast %add3A_1134 : i32 to index
        %swap3A_1166 = arith.constant 32 : index
        %swap3A_1167 = tpu.vector_load %arg8[%swap3A_1165, %swap3A_1166] {strides = array<i32>} : memref<128x128xf32, #tpu.memory_space<vmem>>, vector<16xf32>,
        tpu.vector_store %arg8[%swap3A_1165, %swap3A_1166], %mul3A_1164 {strides = array<i32>} : memref<128x128xf32, #tpu.memory_space<vmem>>, vector<16xf32>,
        %get3A_1168 = arith.index_cast %add3A_1134 : i32 to index
        %get3A_1169 = arith.constant 48 : index
        %get3A_1170 = tpu.vector_load %arg8[%get3A_1168, %get3A_1169] {strides = array<i32>} : memref<128x128xf32, #tpu.memory_space<vmem>>, vector<16xf32>,
        %mul3A_1171 = arith.mulf %get3A_1170, %gather3A_1146 : vector<16xf32>
        %swap3A_1172 = arith.index_cast %add3A_1134 : i32 to index
        %swap3A_1173 = arith.constant 48 : index
        %swap3A_1174 = tpu.vector_load %arg8[%swap3A_1172, %swap3A_1173] {strides = array<i32>} : memref<128x128xf32, #tpu.memory_space<vmem>>, vector<16xf32>,
        tpu.vector_store %arg8[%swap3A_1172, %swap3A_1173], %mul3A_1171 {strides = array<i32>} : memref<128x128xf32, #tpu.memory_space<vmem>>, vector<16xf32>,
        %get3A_1175 = arith.index_cast %add3A_1134 : i32 to index
        %get3A_1176 = arith.constant 64 : index
        %get3A_1177 = tpu.vector_load %arg8[%get3A_1175, %get3A_1176] {strides = array<i32>} : memref<128x128xf32, #tpu.memory_space<vmem>>, vector<16xf32>,
        %mul3A_1178 = arith.mulf %get3A_1177, %gather3A_1146 : vector<16xf32>
        %swap3A_1179 = arith.index_cast %add3A_1134 : i32 to index
        %swap3A_1180 = arith.constant 64 : index
        %swap3A_1181 = tpu.vector_load %arg8[%swap3A_1179, %swap3A_1180] {strides = array<i32>} : memref<128x128xf32, #tpu.memory_space<vmem>>, vector<16xf32>,
        tpu.vector_store %arg8[%swap3A_1179, %swap3A_1180], %mul3A_1178 {strides = array<i32>} : memref<128x128xf32, #tpu.memory_space<vmem>>, vector<16xf32>,
        %get3A_1182 = arith.index_cast %add3A_1134 : i32 to index
        %get3A_1183 = arith.constant 80 : index
        %get3A_1184 = tpu.vector_load %arg8[%get3A_1182, %get3A_1183] {strides = array<i32>} : memref<128x128xf32, #tpu.memory_space<vmem>>, vector<16xf32>,
        %mul3A_1185 = arith.mulf %get3A_1184, %gather3A_1146 : vector<16xf32>
        %swap3A_1186 = arith.index_cast %add3A_1134 : i32 to index
        %swap3A_1187 = arith.constant 80 : index
        %swap3A_1188 = tpu.vector_load %arg8[%swap3A_1186, %swap3A_1187] {strides = array<i32>} : memref<128x128xf32, #tpu.memory_space<vmem>>, vector<16xf32>,
        tpu.vector_store %arg8[%swap3A_1186, %swap3A_1187], %mul3A_1185 {strides = array<i32>} : memref<128x128xf32, #tpu.memory_space<vmem>>, vector<16xf32>,
        %get3A_1189 = arith.index_cast %add3A_1134 : i32 to index
        %get3A_1190 = arith.constant 96 : index
        %get3A_1191 = tpu.vector_load %arg8[%get3A_1189, %get3A_1190] {strides = array<i32>} : memref<128x128xf32, #tpu.memory_space<vmem>>, vector<16xf32>,
        %mul3A_1192 = arith.mulf %get3A_1191, %gather3A_1146 : vector<16xf32>
        %swap3A_1193 = arith.index_cast %add3A_1134 : i32 to index
        %swap3A_1194 = arith.constant 96 : index
        %swap3A_1195 = tpu.vector_load %arg8[%swap3A_1193, %swap3A_1194] {strides = array<i32>} : memref<128x128xf32, #tpu.memory_space<vmem>>, vector<16xf32>,
        tpu.vector_store %arg8[%swap3A_1193, %swap3A_1194], %mul3A_1192 {strides = array<i32>} : memref<128x128xf32, #tpu.memory_space<vmem>>, vector<16xf32>,
        %get3A_1196 = arith.index_cast %add3A_1134 : i32 to index
        %get3A_1197 = arith.constant 112 : index
        %get3A_1198 = tpu.vector_load %arg8[%get3A_1196, %get3A_1197] {strides = array<i32>} : memref<128x128xf32, #tpu.memory_space<vmem>>, vector<16xf32>,
        %mul3A_1199 = arith.mulf %get3A_1198, %gather3A_1146 : vector<16xf32>
        %swap3A_1200 = arith.index_cast %add3A_1134 : i32 to index
        %swap3A_1201 = arith.constant 112 : index
        %swap3A_1202 = tpu.vector_load %arg8[%swap3A_1200, %swap3A_1201] {strides = array<i32>} : memref<128x128xf32, #tpu.memory_space<vmem>>, vector<16xf32>,
        tpu.vector_store %arg8[%swap3A_1200, %swap3A_1201], %mul3A_1199 {strides = array<i32>} : memref<128x128xf32, #tpu.memory_space<vmem>>, vector<16xf32>,
        %mul3A_1203 = arith.constant 16 : i32
        %mul3A_1204 = arith.muli %scan3A_121, %mul3A_1203 : i32
        %add3A_1205 = arith.constant 15 : i32
        %add3A_1206 = arith.addi %mul3A_1204, %add3A_1205 : i32
        %broadcast_in_dim3A_1207 = arith.constant 15 : i32
        %broadcast_in_dim3A_1208 = vector.broadcast %broadcast_in_dim3A_1207 : i32 to vector<16xi32>
        %lt3A_1209 = arith.constant 0 : i32
        %lt3A_1210 = vector.broadcast %lt3A_1209 : i32 to vector<16xi32>
        %lt3A_1211 = arith.cmpi slt, %broadcast_in_dim3A_1208, %lt3A_1210 : vector<16xi32>
        %add3A_1212 = arith.constant 16 : i32
        %add3A_1213 = vector.broadcast %add3A_1212 : i32 to vector<16xi32>
        %add3A_1214 = arith.addi %broadcast_in_dim3A_1208, %add3A_1213 : vector<16xi32>
        %select_n3A_1215 = arith.select %lt3A_1211, %add3A_1214, %broadcast_in_dim3A_1208 : vector<16xi1>, vector<16xi32>
        %reshape3A_1216 = vector.shape_cast %select_n3A_1215 : vector<16xi32> to vector<16x1xi32>
        %gather3A_1217 = vector.shape_cast %reshape3A_1216 : vector<16x1xi32> to vector<16xi32>
        %gather3A_1218 = tpu.dynamic_gather %bitcast3A[%gather3A_1217] in [0] : vector<16xf32>, vector<16xi32> -> vector<16xf32>
        %get3A_1219 = arith.index_cast %add3A_1206 : i32 to index
        %get3A_1220 = arith.constant 0 : index
        %get3A_1221 = tpu.vector_load %arg8[%get3A_1219, %get3A_1220] {strides = array<i32>} : memref<128x128xf32, #tpu.memory_space<vmem>>, vector<16xf32>,
        %mul3A_1222 = arith.mulf %get3A_1221, %gather3A_1218 : vector<16xf32>
        %swap3A_1223 = arith.index_cast %add3A_1206 : i32 to index
        %swap3A_1224 = arith.constant 0 : index
        %swap3A_1225 = tpu.vector_load %arg8[%swap3A_1223, %swap3A_1224] {strides = array<i32>} : memref<128x128xf32, #tpu.memory_space<vmem>>, vector<16xf32>,
        tpu.vector_store %arg8[%swap3A_1223, %swap3A_1224], %mul3A_1222 {strides = array<i32>} : memref<128x128xf32, #tpu.memory_space<vmem>>, vector<16xf32>,
        %get3A_1226 = arith.index_cast %add3A_1206 : i32 to index
        %get3A_1227 = arith.constant 16 : index
        %get3A_1228 = tpu.vector_load %arg8[%get3A_1226, %get3A_1227] {strides = array<i32>} : memref<128x128xf32, #tpu.memory_space<vmem>>, vector<16xf32>,
        %mul3A_1229 = arith.mulf %get3A_1228, %gather3A_1218 : vector<16xf32>
        %swap3A_1230 = arith.index_cast %add3A_1206 : i32 to index
        %swap3A_1231 = arith.constant 16 : index
        %swap3A_1232 = tpu.vector_load %arg8[%swap3A_1230, %swap3A_1231] {strides = array<i32>} : memref<128x128xf32, #tpu.memory_space<vmem>>, vector<16xf32>,
        tpu.vector_store %arg8[%swap3A_1230, %swap3A_1231], %mul3A_1229 {strides = array<i32>} : memref<128x128xf32, #tpu.memory_space<vmem>>, vector<16xf32>,
        %get3A_1233 = arith.index_cast %add3A_1206 : i32 to index
        %get3A_1234 = arith.constant 32 : index
        %get3A_1235 = tpu.vector_load %arg8[%get3A_1233, %get3A_1234] {strides = array<i32>} : memref<128x128xf32, #tpu.memory_space<vmem>>, vector<16xf32>,
        %mul3A_1236 = arith.mulf %get3A_1235, %gather3A_1218 : vector<16xf32>
        %swap3A_1237 = arith.index_cast %add3A_1206 : i32 to index
        %swap3A_1238 = arith.constant 32 : index
        %swap3A_1239 = tpu.vector_load %arg8[%swap3A_1237, %swap3A_1238] {strides = array<i32>} : memref<128x128xf32, #tpu.memory_space<vmem>>, vector<16xf32>,
        tpu.vector_store %arg8[%swap3A_1237, %swap3A_1238], %mul3A_1236 {strides = array<i32>} : memref<128x128xf32, #tpu.memory_space<vmem>>, vector<16xf32>,
        %get3A_1240 = arith.index_cast %add3A_1206 : i32 to index
        %get3A_1241 = arith.constant 48 : index
        %get3A_1242 = tpu.vector_load %arg8[%get3A_1240, %get3A_1241] {strides = array<i32>} : memref<128x128xf32, #tpu.memory_space<vmem>>, vector<16xf32>,
        %mul3A_1243 = arith.mulf %get3A_1242, %gather3A_1218 : vector<16xf32>
        %swap3A_1244 = arith.index_cast %add3A_1206 : i32 to index
        %swap3A_1245 = arith.constant 48 : index
        %swap3A_1246 = tpu.vector_load %arg8[%swap3A_1244, %swap3A_1245] {strides = array<i32>} : memref<128x128xf32, #tpu.memory_space<vmem>>, vector<16xf32>,
        tpu.vector_store %arg8[%swap3A_1244, %swap3A_1245], %mul3A_1243 {strides = array<i32>} : memref<128x128xf32, #tpu.memory_space<vmem>>, vector<16xf32>,
        %get3A_1247 = arith.index_cast %add3A_1206 : i32 to index
        %get3A_1248 = arith.constant 64 : index
        %get3A_1249 = tpu.vector_load %arg8[%get3A_1247, %get3A_1248] {strides = array<i32>} : memref<128x128xf32, #tpu.memory_space<vmem>>, vector<16xf32>,
        %mul3A_1250 = arith.mulf %get3A_1249, %gather3A_1218 : vector<16xf32>
        %swap3A_1251 = arith.index_cast %add3A_1206 : i32 to index
        %swap3A_1252 = arith.constant 64 : index
        %swap3A_1253 = tpu.vector_load %arg8[%swap3A_1251, %swap3A_1252] {strides = array<i32>} : memref<128x128xf32, #tpu.memory_space<vmem>>, vector<16xf32>,
        tpu.vector_store %arg8[%swap3A_1251, %swap3A_1252], %mul3A_1250 {strides = array<i32>} : memref<128x128xf32, #tpu.memory_space<vmem>>, vector<16xf32>,
        %get3A_1254 = arith.index_cast %add3A_1206 : i32 to index
        %get3A_1255 = arith.constant 80 : index
        %get3A_1256 = tpu.vector_load %arg8[%get3A_1254, %get3A_1255] {strides = array<i32>} : memref<128x128xf32, #tpu.memory_space<vmem>>, vector<16xf32>,
        %mul3A_1257 = arith.mulf %get3A_1256, %gather3A_1218 : vector<16xf32>
        %swap3A_1258 = arith.index_cast %add3A_1206 : i32 to index
        %swap3A_1259 = arith.constant 80 : index
        %swap3A_1260 = tpu.vector_load %arg8[%swap3A_1258, %swap3A_1259] {strides = array<i32>} : memref<128x128xf32, #tpu.memory_space<vmem>>, vector<16xf32>,
        tpu.vector_store %arg8[%swap3A_1258, %swap3A_1259], %mul3A_1257 {strides = array<i32>} : memref<128x128xf32, #tpu.memory_space<vmem>>, vector<16xf32>,
        %get3A_1261 = arith.index_cast %add3A_1206 : i32 to index
        %get3A_1262 = arith.constant 96 : index
        %get3A_1263 = tpu.vector_load %arg8[%get3A_1261, %get3A_1262] {strides = array<i32>} : memref<128x128xf32, #tpu.memory_space<vmem>>, vector<16xf32>,
        %mul3A_1264 = arith.mulf %get3A_1263, %gather3A_1218 : vector<16xf32>
        %swap3A_1265 = arith.index_cast %add3A_1206 : i32 to index
        %swap3A_1266 = arith.constant 96 : index
        %swap3A_1267 = tpu.vector_load %arg8[%swap3A_1265, %swap3A_1266] {strides = array<i32>} : memref<128x128xf32, #tpu.memory_space<vmem>>, vector<16xf32>,
        tpu.vector_store %arg8[%swap3A_1265, %swap3A_1266], %mul3A_1264 {strides = array<i32>} : memref<128x128xf32, #tpu.memory_space<vmem>>, vector<16xf32>,
        %get3A_1268 = arith.index_cast %add3A_1206 : i32 to index
        %get3A_1269 = arith.constant 112 : index
        %get3A_1270 = tpu.vector_load %arg8[%get3A_1268, %get3A_1269] {strides = array<i32>} : memref<128x128xf32, #tpu.memory_space<vmem>>, vector<16xf32>,
        %mul3A_1271 = arith.mulf %get3A_1270, %gather3A_1218 : vector<16xf32>
        %swap3A_1272 = arith.index_cast %add3A_1206 : i32 to index
        %swap3A_1273 = arith.constant 112 : index
        %swap3A_1274 = tpu.vector_load %arg8[%swap3A_1272, %swap3A_1273] {strides = array<i32>} : memref<128x128xf32, #tpu.memory_space<vmem>>, vector<16xf32>,
        tpu.vector_store %arg8[%swap3A_1272, %swap3A_1273], %mul3A_1271 {strides = array<i32>} : memref<128x128xf32, #tpu.memory_space<vmem>>, vector<16xf32>,
        %scan3A_1275 = arith.constant 0 : i32
        scf.yield %scan3A_1275 : i32
      }
      %scan3A_101 = arith.constant 8 : i32
      %dma_wait3A_102 = arith.constant 1 : i32
      %dma_wait3A_103 = arith.constant 0 : i32
      %dma_wait3A_104 = tpu.memref_slice %arg5[%dma_wait3A_102, %dma_wait3A_103] : memref<3x128xi32, #tpu.memory_space<vmem>> -> memref<1x128xi32, #tpu.memory_space<vmem>>
      %dma_wait3A_105 = tpu.memref_squeeze %dma_wait3A_104 : memref<1x128xi32, #tpu.memory_space<vmem>> -> memref<128xi32, #tpu.memory_space<vmem>>
      %dma_wait3A_106 = arith.constant 0 : i32
      %dma_wait3A_107 = arith.constant 0 : i32
      %dma_wait3A_108 = tpu.memref_slice %arg13[%dma_wait3A_106, %dma_wait3A_107] : memref<10112x128xf32, #tpu.memory_space<vmem_shared>> -> memref<10112x128xf32, #tpu.memory_space<vmem_shared>>
      tpu.wait_indirect_dma semaphore(%arg11 : memref<!tpu.dma_semaphore, #tpu.memory_space<semaphore_mem>>) src(%arg7 : memref<128x128xf32, #tpu.memory_space<vmem>>) dst(%dma_wait3A_108 : memref<10112x128xf32, #tpu.memory_space<vmem_shared>>)
      %lt3A = arith.constant 39 : i32
      %lt3A_109 = arith.cmpi slt, %scan3A_52, %lt3A : i32
      %convert_element_type3A_110 = arith.extui %lt3A_109 : i1 to i32
      %cond3A_111 = arith.constant 0 : i32
      %cond3A_112 = arith.cmpi ne, %convert_element_type3A_110, %cond3A_111 : i32
      scf.if %cond3A_112 {
        %add3A_121 = arith.constant 2 : i32
        %add3A_122 = arith.addi %mul3A_55, %add3A_121 : i32
        "tpu.region"() ({
          %run_scoped3A_130 = tpu.sem_alloc : memref<!tpu.dma_semaphore, #tpu.memory_space<semaphore_mem>>
          %dma_start3A_131 = arith.constant 0 : i32
          %dma_start3A_132 = arith.constant 0 : i32
          %dma_start3A_133 = tpu.memref_slice %arg3[%add3A, %add3A_122, %dma_start3A_131, %dma_start3A_132] : memref<32x80x3x128xi32, #tpu.memory_space<hbm>> -> memref<1x1x3x128xi32, #tpu.memory_space<hbm>>
          %dma_start3A_134 = tpu.memref_squeeze %dma_start3A_133 : memref<1x1x3x128xi32, #tpu.memory_space<hbm>> -> memref<3x128xi32, #tpu.memory_space<hbm>>
          %dma_start3A_135 = arith.constant 0 : i32
          %dma_start3A_136 = arith.constant 0 : i32
          %dma_start3A_137 = tpu.memref_slice %arg3[%add3A, %add3A_122, %dma_start3A_135, %dma_start3A_136] : memref<32x80x3x128xi32, #tpu.memory_space<hbm>> -> memref<1x1x3x128xi32, #tpu.memory_space<hbm>>
          %dma_start3A_138 = tpu.memref_squeeze %dma_start3A_137 : memref<1x1x3x128xi32, #tpu.memory_space<hbm>> -> memref<3x128xi32, #tpu.memory_space<hbm>>
          tpu.enqueue_dma source(%dma_start3A_138 : memref<3x128xi32, #tpu.memory_space<hbm>>) target(%arg5 : memref<3x128xi32, #tpu.memory_space<vmem>>) target_semaphore(%run_scoped3A_130 : memref<!tpu.dma_semaphore, #tpu.memory_space<semaphore_mem>>)
          %dma_wait3A_139 = arith.constant 0 : i32
          %dma_wait3A_140 = arith.constant 0 : i32
          %dma_wait3A_141 = tpu.memref_slice %arg3[%add3A, %add3A_122, %dma_wait3A_139, %dma_wait3A_140] : memref<32x80x3x128xi32, #tpu.memory_space<hbm>> -> memref<1x1x3x128xi32, #tpu.memory_space<hbm>>
          %dma_wait3A_142 = tpu.memref_squeeze %dma_wait3A_141 : memref<1x1x3x128xi32, #tpu.memory_space<hbm>> -> memref<3x128xi32, #tpu.memory_space<hbm>>
          %dma_wait3A_143 = arith.constant 0 : i32
          %dma_wait3A_144 = arith.constant 0 : i32
          %dma_wait3A_145 = tpu.memref_slice %arg3[%add3A, %add3A_122, %dma_wait3A_143, %dma_wait3A_144] : memref<32x80x3x128xi32, #tpu.memory_space<hbm>> -> memref<1x1x3x128xi32, #tpu.memory_space<hbm>>
          %dma_wait3A_146 = tpu.memref_squeeze %dma_wait3A_145 : memref<1x1x3x128xi32, #tpu.memory_space<hbm>> -> memref<3x128xi32, #tpu.memory_space<hbm>>
          tpu.wait_dma2 semaphore(%run_scoped3A_130 : memref<!tpu.dma_semaphore, #tpu.memory_space<semaphore_mem>>) src(%dma_wait3A_146 : memref<3x128xi32, #tpu.memory_space<hbm>>) dst(%arg5 : memref<3x128xi32, #tpu.memory_space<vmem>>)
          tpu.yield
        }) : () -> ()
        %dma_start3A_123 = arith.constant 0 : i32
        %dma_start3A_124 = arith.constant 0 : i32
        %dma_start3A_125 = tpu.memref_slice %arg5[%dma_start3A_123, %dma_start3A_124] : memref<3x128xi32, #tpu.memory_space<vmem>> -> memref<1x128xi32, #tpu.memory_space<vmem>>
        %dma_start3A_126 = tpu.memref_squeeze %dma_start3A_125 : memref<1x128xi32, #tpu.memory_space<vmem>> -> memref<128xi32, #tpu.memory_space<vmem>>
        %dma_start3A_127 = arith.constant 0 : i32
        %dma_start3A_128 = arith.constant 0 : i32
        %dma_start3A_129 = tpu.memref_slice %arg2[%dma_start3A_127, %dma_start3A_128] : memref<10000x128xf32, #tpu.memory_space<hbm>> -> memref<10000x128xf32, #tpu.memory_space<hbm>>
        tpu.enqueue_indirect_dma source(%dma_start3A_129 : memref<10000x128xf32, #tpu.memory_space<hbm>>) target(%arg7 : memref<128x128xf32, #tpu.memory_space<vmem>>) offsets(%dma_start3A_126 : memref<128xi32, #tpu.memory_space<vmem>>) semaphore(%arg9 : memref<!tpu.dma_semaphore, #tpu.memory_space<semaphore_mem>>)
      } else {
      }
      %dma_start3A_113 = arith.constant 1 : i32
      %dma_start3A_114 = arith.constant 0 : i32
      %dma_start3A_115 = tpu.memref_slice %arg6[%dma_start3A_113, %dma_start3A_114] : memref<3x128xi32, #tpu.memory_space<vmem>> -> memref<1x128xi32, #tpu.memory_space<vmem>>
      %dma_start3A_116 = tpu.memref_squeeze %dma_start3A_115 : memref<1x128xi32, #tpu.memory_space<vmem>> -> memref<128xi32, #tpu.memory_space<vmem>>
      %dma_start3A_117 = arith.constant 0 : i32
      %dma_start3A_118 = arith.constant 0 : i32
      %dma_start3A_119 = tpu.memref_slice %arg13[%dma_start3A_117, %dma_start3A_118] : memref<10112x128xf32, #tpu.memory_space<vmem_shared>> -> memref<10112x128xf32, #tpu.memory_space<vmem_shared>>
      tpu.enqueue_indirect_dma source(%arg8 : memref<128x128xf32, #tpu.memory_space<vmem>>) target(%dma_start3A_119 : memref<10112x128xf32, #tpu.memory_space<vmem_shared>>) offsets(%dma_start3A_116 : memref<128xi32, #tpu.memory_space<vmem>>) semaphore(%arg12 : memref<!tpu.dma_semaphore, #tpu.memory_space<semaphore_mem>>) {add = true}
      %scan3A_120 = arith.constant 0 : i32
      scf.yield %scan3A_120 : i32
    }
    %scan3A_40 = arith.constant 40 : i32
    %dma_wait3A = arith.constant 1 : i32
    %dma_wait3A_41 = arith.constant 0 : i32
    %dma_wait3A_42 = tpu.memref_slice %arg6[%dma_wait3A, %dma_wait3A_41] : memref<3x128xi32, #tpu.memory_space<vmem>> -> memref<1x128xi32, #tpu.memory_space<vmem>>
    %dma_wait3A_43 = tpu.memref_squeeze %dma_wait3A_42 : memref<1x128xi32, #tpu.memory_space<vmem>> -> memref<128xi32, #tpu.memory_space<vmem>>
    %dma_wait3A_44 = arith.constant 0 : i32
    %dma_wait3A_45 = arith.constant 0 : i32
    %dma_wait3A_46 = tpu.memref_slice %arg13[%dma_wait3A_44, %dma_wait3A_45] : memref<10112x128xf32, #tpu.memory_space<vmem_shared>> -> memref<10112x128xf32, #tpu.memory_space<vmem_shared>>
    tpu.wait_indirect_dma semaphore(%arg12 : memref<!tpu.dma_semaphore, #tpu.memory_space<semaphore_mem>>) src(%arg8 : memref<128x128xf32, #tpu.memory_space<vmem>>) dst(%dma_wait3A_46 : memref<10112x128xf32, #tpu.memory_space<vmem_shared>>)
    %barrier3A_47 = arith.constant 0 : index
    tpu.barrier barrier_id(%barrier3A_47)
    %mul3A_48 = arith.constant 632 : i32
    %mul3A_49 = arith.muli %arg1, %mul3A_48 : i32
    %mul3A_50 = arith.constant 632 : i32
    %mul3A_51 = arith.muli %arg1, %mul3A_50 : i32
    "tpu.region"() ({
      %run_scoped3A_52 = tpu.sem_alloc : memref<!tpu.dma_semaphore, #tpu.memory_space<semaphore_mem>>
      %dma_start3A_53 = arith.constant 0 : i32
      %dma_start3A_54 = tpu.memref_slice %arg4[%arg0, %mul3A_51, %dma_start3A_53] : memref<2x10112x128xf32, #tpu.memory_space<hbm>> -> memref<1x632x128xf32, #tpu.memory_space<hbm>>
      %dma_start3A_55 = tpu.memref_squeeze %dma_start3A_54 : memref<1x632x128xf32, #tpu.memory_space<hbm>> -> memref<632x128xf32, #tpu.memory_space<hbm>>
      %dma_start3A_56 = arith.constant 0 : i32
      %dma_start3A_57 = tpu.memref_slice %arg13[%mul3A_49, %dma_start3A_56] : memref<10112x128xf32, #tpu.memory_space<vmem_shared>> -> memref<632x128xf32, #tpu.memory_space<vmem_shared>>
      tpu.enqueue_dma source(%dma_start3A_57 : memref<632x128xf32, #tpu.memory_space<vmem_shared>>) target(%dma_start3A_55 : memref<632x128xf32, #tpu.memory_space<hbm>>) target_semaphore(%run_scoped3A_52 : memref<!tpu.dma_semaphore, #tpu.memory_space<semaphore_mem>>)
      %dma_wait3A_58 = arith.constant 0 : i32
      %dma_wait3A_59 = tpu.memref_slice %arg4[%arg0, %mul3A_51, %dma_wait3A_58] : memref<2x10112x128xf32, #tpu.memory_space<hbm>> -> memref<1x632x128xf32, #tpu.memory_space<hbm>>
      %dma_wait3A_60 = tpu.memref_squeeze %dma_wait3A_59 : memref<1x632x128xf32, #tpu.memory_space<hbm>> -> memref<632x128xf32, #tpu.memory_space<hbm>>
      %dma_wait3A_61 = arith.constant 0 : i32
      %dma_wait3A_62 = tpu.memref_slice %arg13[%mul3A_49, %dma_wait3A_61] : memref<10112x128xf32, #tpu.memory_space<vmem_shared>> -> memref<632x128xf32, #tpu.memory_space<vmem_shared>>
      tpu.wait_dma2 semaphore(%run_scoped3A_52 : memref<!tpu.dma_semaphore, #tpu.memory_space<semaphore_mem>>) src(%dma_wait3A_62 : memref<632x128xf32, #tpu.memory_space<vmem_shared>>) dst(%dma_wait3A_60 : memref<632x128xf32, #tpu.memory_space<hbm>>)
      tpu.yield
    }) : () -> ()
    return
  }
}

#map = affine_map<(d0, d1) -> (0, 0, 0)>
#map1 = affine_map<(d0, d1) -> (0)>
#map2 = affine_map<(d0, d1) -> (0, 0)>
module attributes {stable_mosaic.version = 14 : i64} {
  func.func @_sc_gat0(%arg0: i32, %arg1: i32, %arg2: memref<32x80x128xi32, #tpu.memory_space<hbm>>, %arg3: memref<32x80x128xi32, #tpu.memory_space<hbm>>, %arg4: memref<10112xf32, #tpu.memory_space<hbm>>, %arg5: memref<10112xf32, #tpu.memory_space<hbm>>, %arg6: memref<128xf32, #tpu.memory_space<hbm>>, %arg7: memref<32x80x128xf32, #tpu.memory_space<hbm>>, %arg8: memref<2x10112xf32, #tpu.memory_space<hbm>>, %arg9: memref<80x128xi32, #tpu.memory_space<vmem>>, %arg10: memref<80x128xi32, #tpu.memory_space<vmem>>, %arg11: memref<80x128xf32, #tpu.memory_space<vmem>>, %arg12: memref<10112xf32, #tpu.memory_space<vmem>>, %arg13: memref<10112xf32, #tpu.memory_space<vmem>>, %arg14: memref<128xf32, #tpu.memory_space<vmem>>, %arg15: memref<10112xf32, #tpu.memory_space<vmem_shared>>) attributes {dimension_semantics = [#tpu.dimension_semantics<core_parallel>, #tpu.dimension_semantics<subcore_parallel>], iteration_bounds = array<i64: 2, 16>, scalar_prefetch = 0 : i64, scratch_operands = 7 : i64, tpu.core_type = #tpu.core_type<sc_vector_subcore>, window_params = [{transform_indices = #map}, {transform_indices = #map}, {transform_indices = #map1}, {transform_indices = #map1}, {transform_indices = #map1}, {transform_indices = #map}, {transform_indices = #map2}]} {
    %mul3A = arith.constant 16 : i32
    %mul3A_0 = arith.muli %arg0, %mul3A : i32
    %add3A = arith.addi %mul3A_0, %arg1 : i32
    %scan3A = arith.constant 0 : i32
    %scan3A_1 = arith.constant 0 : i32
    %scan3A_2 = arith.constant 632 : i32
    %scan3A_3 = arith.addi %scan3A_1, %scan3A_2 : i32
    %scan3A_4 = arith.constant 1 : i32
    %scan3A_5 = scf.for %scan3A_23 = %scan3A_1 to %scan3A_3 step %scan3A_4 iter_args(%scan3A_24 = %scan3A) -> (i32)  : i32 {
      %broadcast_in_dim3A = arith.constant 0.000000e+00 : f32
      %broadcast_in_dim3A_25 = vector.broadcast %broadcast_in_dim3A : f32 to vector<16xf32>
      %mul3A_26 = arith.constant 16 : i32
      %mul3A_27 = arith.muli %scan3A_23, %mul3A_26 : i32
      %swap3A = arith.index_cast %mul3A_27 : i32 to index
      %swap3A_28 = tpu.vector_load %arg12[%swap3A] {strides = array<i32>} : memref<10112xf32, #tpu.memory_space<vmem>>, vector<16xf32>,
      tpu.vector_store %arg12[%swap3A], %broadcast_in_dim3A_25 {strides = array<i32>} : memref<10112xf32, #tpu.memory_space<vmem>>, vector<16xf32>,
      %scan3A_29 = arith.constant 0 : i32
      scf.yield %scan3A_29 : i32
    }
    %scan3A_6 = arith.constant 632 : i32
    %eq3A = arith.constant 0 : i32
    %eq3A_7 = arith.cmpi eq, %arg1, %eq3A : i32
    %convert_element_type3A = arith.extui %eq3A_7 : i1 to i32
    %cond3A = arith.constant 0 : i32
    %cond3A_8 = arith.cmpi ne, %convert_element_type3A, %cond3A : i32
    scf.if %cond3A_8 {
      "tpu.region"() ({
        %run_scoped3A = tpu.sem_alloc : memref<!tpu.dma_semaphore, #tpu.memory_space<semaphore_mem>>
        tpu.enqueue_dma source(%arg12 : memref<10112xf32, #tpu.memory_space<vmem>>) target(%arg15 : memref<10112xf32, #tpu.memory_space<vmem_shared>>) target_semaphore(%run_scoped3A : memref<!tpu.dma_semaphore, #tpu.memory_space<semaphore_mem>>)
        tpu.wait_dma2 semaphore(%run_scoped3A : memref<!tpu.dma_semaphore, #tpu.memory_space<semaphore_mem>>) src(%arg12 : memref<10112xf32, #tpu.memory_space<vmem>>) dst(%arg15 : memref<10112xf32, #tpu.memory_space<vmem_shared>>)
        tpu.yield
      }) : () -> ()
    } else {
    }
    %barrier3A = arith.constant 0 : index
    tpu.barrier barrier_id(%barrier3A)
    "tpu.region"() ({
      %run_scoped3A = tpu.sem_alloc : memref<!tpu.dma_semaphore, #tpu.memory_space<semaphore_mem>>
      tpu.enqueue_dma source(%arg4 : memref<10112xf32, #tpu.memory_space<hbm>>) target(%arg12 : memref<10112xf32, #tpu.memory_space<vmem>>) target_semaphore(%run_scoped3A : memref<!tpu.dma_semaphore, #tpu.memory_space<semaphore_mem>>)
      tpu.wait_dma2 semaphore(%run_scoped3A : memref<!tpu.dma_semaphore, #tpu.memory_space<semaphore_mem>>) src(%arg4 : memref<10112xf32, #tpu.memory_space<hbm>>) dst(%arg12 : memref<10112xf32, #tpu.memory_space<vmem>>)
      tpu.yield
    }) : () -> ()
    "tpu.region"() ({
      %run_scoped3A = tpu.sem_alloc : memref<!tpu.dma_semaphore, #tpu.memory_space<semaphore_mem>>
      tpu.enqueue_dma source(%arg5 : memref<10112xf32, #tpu.memory_space<hbm>>) target(%arg13 : memref<10112xf32, #tpu.memory_space<vmem>>) target_semaphore(%run_scoped3A : memref<!tpu.dma_semaphore, #tpu.memory_space<semaphore_mem>>)
      tpu.wait_dma2 semaphore(%run_scoped3A : memref<!tpu.dma_semaphore, #tpu.memory_space<semaphore_mem>>) src(%arg5 : memref<10112xf32, #tpu.memory_space<hbm>>) dst(%arg13 : memref<10112xf32, #tpu.memory_space<vmem>>)
      tpu.yield
    }) : () -> ()
    "tpu.region"() ({
      %run_scoped3A = tpu.sem_alloc : memref<!tpu.dma_semaphore, #tpu.memory_space<semaphore_mem>>
      tpu.enqueue_dma source(%arg6 : memref<128xf32, #tpu.memory_space<hbm>>) target(%arg14 : memref<128xf32, #tpu.memory_space<vmem>>) target_semaphore(%run_scoped3A : memref<!tpu.dma_semaphore, #tpu.memory_space<semaphore_mem>>)
      tpu.wait_dma2 semaphore(%run_scoped3A : memref<!tpu.dma_semaphore, #tpu.memory_space<semaphore_mem>>) src(%arg6 : memref<128xf32, #tpu.memory_space<hbm>>) dst(%arg14 : memref<128xf32, #tpu.memory_space<vmem>>)
      tpu.yield
    }) : () -> ()
    "tpu.region"() ({
      %run_scoped3A = tpu.sem_alloc : memref<!tpu.dma_semaphore, #tpu.memory_space<semaphore_mem>>
      %dma_start3A = arith.constant 0 : i32
      %dma_start3A_23 = arith.constant 0 : i32
      %dma_start3A_24 = tpu.memref_slice %arg2[%add3A, %dma_start3A, %dma_start3A_23] : memref<32x80x128xi32, #tpu.memory_space<hbm>> -> memref<1x80x128xi32, #tpu.memory_space<hbm>>
      %dma_start3A_25 = tpu.memref_squeeze %dma_start3A_24 : memref<1x80x128xi32, #tpu.memory_space<hbm>> -> memref<80x128xi32, #tpu.memory_space<hbm>>
      %dma_start3A_26 = arith.constant 0 : i32
      %dma_start3A_27 = arith.constant 0 : i32
      %dma_start3A_28 = tpu.memref_slice %arg2[%add3A, %dma_start3A_26, %dma_start3A_27] : memref<32x80x128xi32, #tpu.memory_space<hbm>> -> memref<1x80x128xi32, #tpu.memory_space<hbm>>
      %dma_start3A_29 = tpu.memref_squeeze %dma_start3A_28 : memref<1x80x128xi32, #tpu.memory_space<hbm>> -> memref<80x128xi32, #tpu.memory_space<hbm>>
      tpu.enqueue_dma source(%dma_start3A_29 : memref<80x128xi32, #tpu.memory_space<hbm>>) target(%arg9 : memref<80x128xi32, #tpu.memory_space<vmem>>) target_semaphore(%run_scoped3A : memref<!tpu.dma_semaphore, #tpu.memory_space<semaphore_mem>>)
      %dma_wait3A = arith.constant 0 : i32
      %dma_wait3A_30 = arith.constant 0 : i32
      %dma_wait3A_31 = tpu.memref_slice %arg2[%add3A, %dma_wait3A, %dma_wait3A_30] : memref<32x80x128xi32, #tpu.memory_space<hbm>> -> memref<1x80x128xi32, #tpu.memory_space<hbm>>
      %dma_wait3A_32 = tpu.memref_squeeze %dma_wait3A_31 : memref<1x80x128xi32, #tpu.memory_space<hbm>> -> memref<80x128xi32, #tpu.memory_space<hbm>>
      %dma_wait3A_33 = arith.constant 0 : i32
      %dma_wait3A_34 = arith.constant 0 : i32
      %dma_wait3A_35 = tpu.memref_slice %arg2[%add3A, %dma_wait3A_33, %dma_wait3A_34] : memref<32x80x128xi32, #tpu.memory_space<hbm>> -> memref<1x80x128xi32, #tpu.memory_space<hbm>>
      %dma_wait3A_36 = tpu.memref_squeeze %dma_wait3A_35 : memref<1x80x128xi32, #tpu.memory_space<hbm>> -> memref<80x128xi32, #tpu.memory_space<hbm>>
      tpu.wait_dma2 semaphore(%run_scoped3A : memref<!tpu.dma_semaphore, #tpu.memory_space<semaphore_mem>>) src(%dma_wait3A_36 : memref<80x128xi32, #tpu.memory_space<hbm>>) dst(%arg9 : memref<80x128xi32, #tpu.memory_space<vmem>>)
      tpu.yield
    }) : () -> ()
    "tpu.region"() ({
      %run_scoped3A = tpu.sem_alloc : memref<!tpu.dma_semaphore, #tpu.memory_space<semaphore_mem>>
      %dma_start3A = arith.constant 0 : i32
      %dma_start3A_23 = arith.constant 0 : i32
      %dma_start3A_24 = tpu.memref_slice %arg3[%add3A, %dma_start3A, %dma_start3A_23] : memref<32x80x128xi32, #tpu.memory_space<hbm>> -> memref<1x80x128xi32, #tpu.memory_space<hbm>>
      %dma_start3A_25 = tpu.memref_squeeze %dma_start3A_24 : memref<1x80x128xi32, #tpu.memory_space<hbm>> -> memref<80x128xi32, #tpu.memory_space<hbm>>
      %dma_start3A_26 = arith.constant 0 : i32
      %dma_start3A_27 = arith.constant 0 : i32
      %dma_start3A_28 = tpu.memref_slice %arg3[%add3A, %dma_start3A_26, %dma_start3A_27] : memref<32x80x128xi32, #tpu.memory_space<hbm>> -> memref<1x80x128xi32, #tpu.memory_space<hbm>>
      %dma_start3A_29 = tpu.memref_squeeze %dma_start3A_28 : memref<1x80x128xi32, #tpu.memory_space<hbm>> -> memref<80x128xi32, #tpu.memory_space<hbm>>
      tpu.enqueue_dma source(%dma_start3A_29 : memref<80x128xi32, #tpu.memory_space<hbm>>) target(%arg10 : memref<80x128xi32, #tpu.memory_space<vmem>>) target_semaphore(%run_scoped3A : memref<!tpu.dma_semaphore, #tpu.memory_space<semaphore_mem>>)
      %dma_wait3A = arith.constant 0 : i32
      %dma_wait3A_30 = arith.constant 0 : i32
      %dma_wait3A_31 = tpu.memref_slice %arg3[%add3A, %dma_wait3A, %dma_wait3A_30] : memref<32x80x128xi32, #tpu.memory_space<hbm>> -> memref<1x80x128xi32, #tpu.memory_space<hbm>>
      %dma_wait3A_32 = tpu.memref_squeeze %dma_wait3A_31 : memref<1x80x128xi32, #tpu.memory_space<hbm>> -> memref<80x128xi32, #tpu.memory_space<hbm>>
      %dma_wait3A_33 = arith.constant 0 : i32
      %dma_wait3A_34 = arith.constant 0 : i32
      %dma_wait3A_35 = tpu.memref_slice %arg3[%add3A, %dma_wait3A_33, %dma_wait3A_34] : memref<32x80x128xi32, #tpu.memory_space<hbm>> -> memref<1x80x128xi32, #tpu.memory_space<hbm>>
      %dma_wait3A_36 = tpu.memref_squeeze %dma_wait3A_35 : memref<1x80x128xi32, #tpu.memory_space<hbm>> -> memref<80x128xi32, #tpu.memory_space<hbm>>
      tpu.wait_dma2 semaphore(%run_scoped3A : memref<!tpu.dma_semaphore, #tpu.memory_space<semaphore_mem>>) src(%dma_wait3A_36 : memref<80x128xi32, #tpu.memory_space<hbm>>) dst(%arg10 : memref<80x128xi32, #tpu.memory_space<vmem>>)
      tpu.yield
    }) : () -> ()
    %get3A = arith.constant 0 : index
    %get3A_9 = tpu.vector_load %arg14[%get3A] {strides = array<i32>} : memref<128xf32, #tpu.memory_space<vmem>>, vector<16xf32>,
    %scan3A_10 = arith.constant 0 : i32
    %scan3A_11 = arith.constant 0 : i32
    %scan3A_12 = arith.constant 80 : i32
    %scan3A_13 = arith.addi %scan3A_11, %scan3A_12 : i32
    %scan3A_14 = arith.constant 1 : i32
    %scan3A_15 = scf.for %scan3A_23 = %scan3A_11 to %scan3A_13 step %scan3A_14 iter_args(%scan3A_24 = %scan3A_10) -> (i32)  : i32 {
      %get3A_25 = arith.index_cast %scan3A_23 : i32 to index
      %get3A_26 = arith.constant 0 : index
      %get3A_27 = tpu.vector_load %arg9[%get3A_25, %get3A_26] {strides = array<i32>} : memref<80x128xi32, #tpu.memory_space<vmem>>, vector<16xi32>,
      %get3A_28 = arith.index_cast %scan3A_23 : i32 to index
      %get3A_29 = arith.constant 0 : index
      %get3A_30 = tpu.vector_load %arg10[%get3A_28, %get3A_29] {strides = array<i32>} : memref<80x128xi32, #tpu.memory_space<vmem>>, vector<16xi32>,
      %gather3A = tpu.vector_load_idx %arg12[%get3A_27] : memref<10112xf32, #tpu.memory_space<vmem>>[vector<16xi32>], vector<16xf32>,
      %gather3A_31 = tpu.vector_load_idx %arg13[%get3A_30] : memref<10112xf32, #tpu.memory_space<vmem>>[vector<16xi32>], vector<16xf32>,
      %add3A_32 = arith.addf %gather3A, %gather3A_31 : vector<16xf32>
      %gt3A = arith.constant 0.000000e+00 : f32
      %gt3A_33 = vector.broadcast %gt3A : f32 to vector<16xf32>
      %gt3A_34 = arith.cmpf ogt, %add3A_32, %gt3A_33 : vector<16xf32>
      %mul3A_35 = arith.constant 2.000000e-01 : f32
      %mul3A_36 = vector.broadcast %mul3A_35 : f32 to vector<16xf32>
      %mul3A_37 = arith.mulf %mul3A_36, %add3A_32 : vector<16xf32>
      %select_n3A = arith.select %gt3A_34, %add3A_32, %mul3A_37 : vector<16xi1>, vector<16xf32>
      %sub3A = arith.subf %select_n3A, %get3A_9 : vector<16xf32>
      %exp3A = math.exp %sub3A : vector<16xf32>
      %swap3A = arith.index_cast %scan3A_23 : i32 to index
      %swap3A_38 = arith.constant 0 : index
      %swap3A_39 = tpu.vector_load %arg11[%swap3A, %swap3A_38] {strides = array<i32>} : memref<80x128xf32, #tpu.memory_space<vmem>>, vector<16xf32>,
      tpu.vector_store %arg11[%swap3A, %swap3A_38], %exp3A {strides = array<i32>} : memref<80x128xf32, #tpu.memory_space<vmem>>, vector<16xf32>,
      %get3A_40 = arith.index_cast %scan3A_23 : i32 to index
      %get3A_41 = arith.constant 16 : index
      %get3A_42 = tpu.vector_load %arg9[%get3A_40, %get3A_41] {strides = array<i32>} : memref<80x128xi32, #tpu.memory_space<vmem>>, vector<16xi32>,
      %get3A_43 = arith.index_cast %scan3A_23 : i32 to index
      %get3A_44 = arith.constant 16 : index
      %get3A_45 = tpu.vector_load %arg10[%get3A_43, %get3A_44] {strides = array<i32>} : memref<80x128xi32, #tpu.memory_space<vmem>>, vector<16xi32>,
      %gather3A_46 = tpu.vector_load_idx %arg12[%get3A_42] : memref<10112xf32, #tpu.memory_space<vmem>>[vector<16xi32>], vector<16xf32>,
      %gather3A_47 = tpu.vector_load_idx %arg13[%get3A_45] : memref<10112xf32, #tpu.memory_space<vmem>>[vector<16xi32>], vector<16xf32>,
      %add3A_48 = arith.addf %gather3A_46, %gather3A_47 : vector<16xf32>
      %gt3A_49 = arith.constant 0.000000e+00 : f32
      %gt3A_50 = vector.broadcast %gt3A_49 : f32 to vector<16xf32>
      %gt3A_51 = arith.cmpf ogt, %add3A_48, %gt3A_50 : vector<16xf32>
      %mul3A_52 = arith.constant 2.000000e-01 : f32
      %mul3A_53 = vector.broadcast %mul3A_52 : f32 to vector<16xf32>
      %mul3A_54 = arith.mulf %mul3A_53, %add3A_48 : vector<16xf32>
      %select_n3A_55 = arith.select %gt3A_51, %add3A_48, %mul3A_54 : vector<16xi1>, vector<16xf32>
      %sub3A_56 = arith.subf %select_n3A_55, %get3A_9 : vector<16xf32>
      %exp3A_57 = math.exp %sub3A_56 : vector<16xf32>
      %swap3A_58 = arith.index_cast %scan3A_23 : i32 to index
      %swap3A_59 = arith.constant 16 : index
      %swap3A_60 = tpu.vector_load %arg11[%swap3A_58, %swap3A_59] {strides = array<i32>} : memref<80x128xf32, #tpu.memory_space<vmem>>, vector<16xf32>,
      tpu.vector_store %arg11[%swap3A_58, %swap3A_59], %exp3A_57 {strides = array<i32>} : memref<80x128xf32, #tpu.memory_space<vmem>>, vector<16xf32>,
      %get3A_61 = arith.index_cast %scan3A_23 : i32 to index
      %get3A_62 = arith.constant 32 : index
      %get3A_63 = tpu.vector_load %arg9[%get3A_61, %get3A_62] {strides = array<i32>} : memref<80x128xi32, #tpu.memory_space<vmem>>, vector<16xi32>,
      %get3A_64 = arith.index_cast %scan3A_23 : i32 to index
      %get3A_65 = arith.constant 32 : index
      %get3A_66 = tpu.vector_load %arg10[%get3A_64, %get3A_65] {strides = array<i32>} : memref<80x128xi32, #tpu.memory_space<vmem>>, vector<16xi32>,
      %gather3A_67 = tpu.vector_load_idx %arg12[%get3A_63] : memref<10112xf32, #tpu.memory_space<vmem>>[vector<16xi32>], vector<16xf32>,
      %gather3A_68 = tpu.vector_load_idx %arg13[%get3A_66] : memref<10112xf32, #tpu.memory_space<vmem>>[vector<16xi32>], vector<16xf32>,
      %add3A_69 = arith.addf %gather3A_67, %gather3A_68 : vector<16xf32>
      %gt3A_70 = arith.constant 0.000000e+00 : f32
      %gt3A_71 = vector.broadcast %gt3A_70 : f32 to vector<16xf32>
      %gt3A_72 = arith.cmpf ogt, %add3A_69, %gt3A_71 : vector<16xf32>
      %mul3A_73 = arith.constant 2.000000e-01 : f32
      %mul3A_74 = vector.broadcast %mul3A_73 : f32 to vector<16xf32>
      %mul3A_75 = arith.mulf %mul3A_74, %add3A_69 : vector<16xf32>
      %select_n3A_76 = arith.select %gt3A_72, %add3A_69, %mul3A_75 : vector<16xi1>, vector<16xf32>
      %sub3A_77 = arith.subf %select_n3A_76, %get3A_9 : vector<16xf32>
      %exp3A_78 = math.exp %sub3A_77 : vector<16xf32>
      %swap3A_79 = arith.index_cast %scan3A_23 : i32 to index
      %swap3A_80 = arith.constant 32 : index
      %swap3A_81 = tpu.vector_load %arg11[%swap3A_79, %swap3A_80] {strides = array<i32>} : memref<80x128xf32, #tpu.memory_space<vmem>>, vector<16xf32>,
      tpu.vector_store %arg11[%swap3A_79, %swap3A_80], %exp3A_78 {strides = array<i32>} : memref<80x128xf32, #tpu.memory_space<vmem>>, vector<16xf32>,
      %get3A_82 = arith.index_cast %scan3A_23 : i32 to index
      %get3A_83 = arith.constant 48 : index
      %get3A_84 = tpu.vector_load %arg9[%get3A_82, %get3A_83] {strides = array<i32>} : memref<80x128xi32, #tpu.memory_space<vmem>>, vector<16xi32>,
      %get3A_85 = arith.index_cast %scan3A_23 : i32 to index
      %get3A_86 = arith.constant 48 : index
      %get3A_87 = tpu.vector_load %arg10[%get3A_85, %get3A_86] {strides = array<i32>} : memref<80x128xi32, #tpu.memory_space<vmem>>, vector<16xi32>,
      %gather3A_88 = tpu.vector_load_idx %arg12[%get3A_84] : memref<10112xf32, #tpu.memory_space<vmem>>[vector<16xi32>], vector<16xf32>,
      %gather3A_89 = tpu.vector_load_idx %arg13[%get3A_87] : memref<10112xf32, #tpu.memory_space<vmem>>[vector<16xi32>], vector<16xf32>,
      %add3A_90 = arith.addf %gather3A_88, %gather3A_89 : vector<16xf32>
      %gt3A_91 = arith.constant 0.000000e+00 : f32
      %gt3A_92 = vector.broadcast %gt3A_91 : f32 to vector<16xf32>
      %gt3A_93 = arith.cmpf ogt, %add3A_90, %gt3A_92 : vector<16xf32>
      %mul3A_94 = arith.constant 2.000000e-01 : f32
      %mul3A_95 = vector.broadcast %mul3A_94 : f32 to vector<16xf32>
      %mul3A_96 = arith.mulf %mul3A_95, %add3A_90 : vector<16xf32>
      %select_n3A_97 = arith.select %gt3A_93, %add3A_90, %mul3A_96 : vector<16xi1>, vector<16xf32>
      %sub3A_98 = arith.subf %select_n3A_97, %get3A_9 : vector<16xf32>
      %exp3A_99 = math.exp %sub3A_98 : vector<16xf32>
      %swap3A_100 = arith.index_cast %scan3A_23 : i32 to index
      %swap3A_101 = arith.constant 48 : index
      %swap3A_102 = tpu.vector_load %arg11[%swap3A_100, %swap3A_101] {strides = array<i32>} : memref<80x128xf32, #tpu.memory_space<vmem>>, vector<16xf32>,
      tpu.vector_store %arg11[%swap3A_100, %swap3A_101], %exp3A_99 {strides = array<i32>} : memref<80x128xf32, #tpu.memory_space<vmem>>, vector<16xf32>,
      %get3A_103 = arith.index_cast %scan3A_23 : i32 to index
      %get3A_104 = arith.constant 64 : index
      %get3A_105 = tpu.vector_load %arg9[%get3A_103, %get3A_104] {strides = array<i32>} : memref<80x128xi32, #tpu.memory_space<vmem>>, vector<16xi32>,
      %get3A_106 = arith.index_cast %scan3A_23 : i32 to index
      %get3A_107 = arith.constant 64 : index
      %get3A_108 = tpu.vector_load %arg10[%get3A_106, %get3A_107] {strides = array<i32>} : memref<80x128xi32, #tpu.memory_space<vmem>>, vector<16xi32>,
      %gather3A_109 = tpu.vector_load_idx %arg12[%get3A_105] : memref<10112xf32, #tpu.memory_space<vmem>>[vector<16xi32>], vector<16xf32>,
      %gather3A_110 = tpu.vector_load_idx %arg13[%get3A_108] : memref<10112xf32, #tpu.memory_space<vmem>>[vector<16xi32>], vector<16xf32>,
      %add3A_111 = arith.addf %gather3A_109, %gather3A_110 : vector<16xf32>
      %gt3A_112 = arith.constant 0.000000e+00 : f32
      %gt3A_113 = vector.broadcast %gt3A_112 : f32 to vector<16xf32>
      %gt3A_114 = arith.cmpf ogt, %add3A_111, %gt3A_113 : vector<16xf32>
      %mul3A_115 = arith.constant 2.000000e-01 : f32
      %mul3A_116 = vector.broadcast %mul3A_115 : f32 to vector<16xf32>
      %mul3A_117 = arith.mulf %mul3A_116, %add3A_111 : vector<16xf32>
      %select_n3A_118 = arith.select %gt3A_114, %add3A_111, %mul3A_117 : vector<16xi1>, vector<16xf32>
      %sub3A_119 = arith.subf %select_n3A_118, %get3A_9 : vector<16xf32>
      %exp3A_120 = math.exp %sub3A_119 : vector<16xf32>
      %swap3A_121 = arith.index_cast %scan3A_23 : i32 to index
      %swap3A_122 = arith.constant 64 : index
      %swap3A_123 = tpu.vector_load %arg11[%swap3A_121, %swap3A_122] {strides = array<i32>} : memref<80x128xf32, #tpu.memory_space<vmem>>, vector<16xf32>,
      tpu.vector_store %arg11[%swap3A_121, %swap3A_122], %exp3A_120 {strides = array<i32>} : memref<80x128xf32, #tpu.memory_space<vmem>>, vector<16xf32>,
      %get3A_124 = arith.index_cast %scan3A_23 : i32 to index
      %get3A_125 = arith.constant 80 : index
      %get3A_126 = tpu.vector_load %arg9[%get3A_124, %get3A_125] {strides = array<i32>} : memref<80x128xi32, #tpu.memory_space<vmem>>, vector<16xi32>,
      %get3A_127 = arith.index_cast %scan3A_23 : i32 to index
      %get3A_128 = arith.constant 80 : index
      %get3A_129 = tpu.vector_load %arg10[%get3A_127, %get3A_128] {strides = array<i32>} : memref<80x128xi32, #tpu.memory_space<vmem>>, vector<16xi32>,
      %gather3A_130 = tpu.vector_load_idx %arg12[%get3A_126] : memref<10112xf32, #tpu.memory_space<vmem>>[vector<16xi32>], vector<16xf32>,
      %gather3A_131 = tpu.vector_load_idx %arg13[%get3A_129] : memref<10112xf32, #tpu.memory_space<vmem>>[vector<16xi32>], vector<16xf32>,
      %add3A_132 = arith.addf %gather3A_130, %gather3A_131 : vector<16xf32>
      %gt3A_133 = arith.constant 0.000000e+00 : f32
      %gt3A_134 = vector.broadcast %gt3A_133 : f32 to vector<16xf32>
      %gt3A_135 = arith.cmpf ogt, %add3A_132, %gt3A_134 : vector<16xf32>
      %mul3A_136 = arith.constant 2.000000e-01 : f32
      %mul3A_137 = vector.broadcast %mul3A_136 : f32 to vector<16xf32>
      %mul3A_138 = arith.mulf %mul3A_137, %add3A_132 : vector<16xf32>
      %select_n3A_139 = arith.select %gt3A_135, %add3A_132, %mul3A_138 : vector<16xi1>, vector<16xf32>
      %sub3A_140 = arith.subf %select_n3A_139, %get3A_9 : vector<16xf32>
      %exp3A_141 = math.exp %sub3A_140 : vector<16xf32>
      %swap3A_142 = arith.index_cast %scan3A_23 : i32 to index
      %swap3A_143 = arith.constant 80 : index
      %swap3A_144 = tpu.vector_load %arg11[%swap3A_142, %swap3A_143] {strides = array<i32>} : memref<80x128xf32, #tpu.memory_space<vmem>>, vector<16xf32>,
      tpu.vector_store %arg11[%swap3A_142, %swap3A_143], %exp3A_141 {strides = array<i32>} : memref<80x128xf32, #tpu.memory_space<vmem>>, vector<16xf32>,
      %get3A_145 = arith.index_cast %scan3A_23 : i32 to index
      %get3A_146 = arith.constant 96 : index
      %get3A_147 = tpu.vector_load %arg9[%get3A_145, %get3A_146] {strides = array<i32>} : memref<80x128xi32, #tpu.memory_space<vmem>>, vector<16xi32>,
      %get3A_148 = arith.index_cast %scan3A_23 : i32 to index
      %get3A_149 = arith.constant 96 : index
      %get3A_150 = tpu.vector_load %arg10[%get3A_148, %get3A_149] {strides = array<i32>} : memref<80x128xi32, #tpu.memory_space<vmem>>, vector<16xi32>,
      %gather3A_151 = tpu.vector_load_idx %arg12[%get3A_147] : memref<10112xf32, #tpu.memory_space<vmem>>[vector<16xi32>], vector<16xf32>,
      %gather3A_152 = tpu.vector_load_idx %arg13[%get3A_150] : memref<10112xf32, #tpu.memory_space<vmem>>[vector<16xi32>], vector<16xf32>,
      %add3A_153 = arith.addf %gather3A_151, %gather3A_152 : vector<16xf32>
      %gt3A_154 = arith.constant 0.000000e+00 : f32
      %gt3A_155 = vector.broadcast %gt3A_154 : f32 to vector<16xf32>
      %gt3A_156 = arith.cmpf ogt, %add3A_153, %gt3A_155 : vector<16xf32>
      %mul3A_157 = arith.constant 2.000000e-01 : f32
      %mul3A_158 = vector.broadcast %mul3A_157 : f32 to vector<16xf32>
      %mul3A_159 = arith.mulf %mul3A_158, %add3A_153 : vector<16xf32>
      %select_n3A_160 = arith.select %gt3A_156, %add3A_153, %mul3A_159 : vector<16xi1>, vector<16xf32>
      %sub3A_161 = arith.subf %select_n3A_160, %get3A_9 : vector<16xf32>
      %exp3A_162 = math.exp %sub3A_161 : vector<16xf32>
      %swap3A_163 = arith.index_cast %scan3A_23 : i32 to index
      %swap3A_164 = arith.constant 96 : index
      %swap3A_165 = tpu.vector_load %arg11[%swap3A_163, %swap3A_164] {strides = array<i32>} : memref<80x128xf32, #tpu.memory_space<vmem>>, vector<16xf32>,
      tpu.vector_store %arg11[%swap3A_163, %swap3A_164], %exp3A_162 {strides = array<i32>} : memref<80x128xf32, #tpu.memory_space<vmem>>, vector<16xf32>,
      %get3A_166 = arith.index_cast %scan3A_23 : i32 to index
      %get3A_167 = arith.constant 112 : index
      %get3A_168 = tpu.vector_load %arg9[%get3A_166, %get3A_167] {strides = array<i32>} : memref<80x128xi32, #tpu.memory_space<vmem>>, vector<16xi32>,
      %get3A_169 = arith.index_cast %scan3A_23 : i32 to index
      %get3A_170 = arith.constant 112 : index
      %get3A_171 = tpu.vector_load %arg10[%get3A_169, %get3A_170] {strides = array<i32>} : memref<80x128xi32, #tpu.memory_space<vmem>>, vector<16xi32>,
      %gather3A_172 = tpu.vector_load_idx %arg12[%get3A_168] : memref<10112xf32, #tpu.memory_space<vmem>>[vector<16xi32>], vector<16xf32>,
      %gather3A_173 = tpu.vector_load_idx %arg13[%get3A_171] : memref<10112xf32, #tpu.memory_space<vmem>>[vector<16xi32>], vector<16xf32>,
      %add3A_174 = arith.addf %gather3A_172, %gather3A_173 : vector<16xf32>
      %gt3A_175 = arith.constant 0.000000e+00 : f32
      %gt3A_176 = vector.broadcast %gt3A_175 : f32 to vector<16xf32>
      %gt3A_177 = arith.cmpf ogt, %add3A_174, %gt3A_176 : vector<16xf32>
      %mul3A_178 = arith.constant 2.000000e-01 : f32
      %mul3A_179 = vector.broadcast %mul3A_178 : f32 to vector<16xf32>
      %mul3A_180 = arith.mulf %mul3A_179, %add3A_174 : vector<16xf32>
      %select_n3A_181 = arith.select %gt3A_177, %add3A_174, %mul3A_180 : vector<16xi1>, vector<16xf32>
      %sub3A_182 = arith.subf %select_n3A_181, %get3A_9 : vector<16xf32>
      %exp3A_183 = math.exp %sub3A_182 : vector<16xf32>
      %swap3A_184 = arith.index_cast %scan3A_23 : i32 to index
      %swap3A_185 = arith.constant 112 : index
      %swap3A_186 = tpu.vector_load %arg11[%swap3A_184, %swap3A_185] {strides = array<i32>} : memref<80x128xf32, #tpu.memory_space<vmem>>, vector<16xf32>,
      tpu.vector_store %arg11[%swap3A_184, %swap3A_185], %exp3A_183 {strides = array<i32>} : memref<80x128xf32, #tpu.memory_space<vmem>>, vector<16xf32>,
      "tpu.region"() ({
        %run_scoped3A = tpu.sem_alloc : memref<!tpu.dma_semaphore, #tpu.memory_space<semaphore_mem>>
        %dma_start3A = arith.constant 0 : i32
        %dma_start3A_188 = tpu.memref_slice %arg11[%scan3A_23, %dma_start3A] : memref<80x128xf32, #tpu.memory_space<vmem>> -> memref<1x128xf32, #tpu.memory_space<vmem>>
        %dma_start3A_189 = tpu.memref_squeeze %dma_start3A_188 : memref<1x128xf32, #tpu.memory_space<vmem>> -> memref<128xf32, #tpu.memory_space<vmem>>
        %dma_start3A_190 = arith.constant 0 : i32
        %dma_start3A_191 = tpu.memref_slice %arg10[%scan3A_23, %dma_start3A_190] : memref<80x128xi32, #tpu.memory_space<vmem>> -> memref<1x128xi32, #tpu.memory_space<vmem>>
        %dma_start3A_192 = tpu.memref_squeeze %dma_start3A_191 : memref<1x128xi32, #tpu.memory_space<vmem>> -> memref<128xi32, #tpu.memory_space<vmem>>
        %dma_start3A_193 = arith.constant 0 : i32
        %dma_start3A_194 = tpu.memref_slice %arg15[%dma_start3A_193] : memref<10112xf32, #tpu.memory_space<vmem_shared>> -> memref<10112xf32, #tpu.memory_space<vmem_shared>>
        tpu.enqueue_indirect_dma source(%dma_start3A_189 : memref<128xf32, #tpu.memory_space<vmem>>) target(%dma_start3A_194 : memref<10112xf32, #tpu.memory_space<vmem_shared>>) offsets(%dma_start3A_192 : memref<128xi32, #tpu.memory_space<vmem>>) semaphore(%run_scoped3A : memref<!tpu.dma_semaphore, #tpu.memory_space<semaphore_mem>>) {add = true}
        %dma_wait3A = arith.constant 0 : i32
        %dma_wait3A_195 = tpu.memref_slice %arg11[%scan3A_23, %dma_wait3A] : memref<80x128xf32, #tpu.memory_space<vmem>> -> memref<1x128xf32, #tpu.memory_space<vmem>>
        %dma_wait3A_196 = tpu.memref_squeeze %dma_wait3A_195 : memref<1x128xf32, #tpu.memory_space<vmem>> -> memref<128xf32, #tpu.memory_space<vmem>>
        %dma_wait3A_197 = arith.constant 0 : i32
        %dma_wait3A_198 = tpu.memref_slice %arg10[%scan3A_23, %dma_wait3A_197] : memref<80x128xi32, #tpu.memory_space<vmem>> -> memref<1x128xi32, #tpu.memory_space<vmem>>
        %dma_wait3A_199 = tpu.memref_squeeze %dma_wait3A_198 : memref<1x128xi32, #tpu.memory_space<vmem>> -> memref<128xi32, #tpu.memory_space<vmem>>
        %dma_wait3A_200 = arith.constant 0 : i32
        %dma_wait3A_201 = tpu.memref_slice %arg15[%dma_wait3A_200] : memref<10112xf32, #tpu.memory_space<vmem_shared>> -> memref<10112xf32, #tpu.memory_space<vmem_shared>>
        tpu.wait_indirect_dma semaphore(%run_scoped3A : memref<!tpu.dma_semaphore, #tpu.memory_space<semaphore_mem>>) src(%dma_wait3A_196 : memref<128xf32, #tpu.memory_space<vmem>>) dst(%dma_wait3A_201 : memref<10112xf32, #tpu.memory_space<vmem_shared>>)
        tpu.yield
      }) : () -> ()
      %scan3A_187 = arith.constant 0 : i32
      scf.yield %scan3A_187 : i32
    }
    %scan3A_16 = arith.constant 80 : i32
    "tpu.region"() ({
      %run_scoped3A = tpu.sem_alloc : memref<!tpu.dma_semaphore, #tpu.memory_space<semaphore_mem>>
      %dma_start3A = arith.constant 0 : i32
      %dma_start3A_23 = arith.constant 0 : i32
      %dma_start3A_24 = tpu.memref_slice %arg7[%add3A, %dma_start3A, %dma_start3A_23] : memref<32x80x128xf32, #tpu.memory_space<hbm>> -> memref<1x80x128xf32, #tpu.memory_space<hbm>>
      %dma_start3A_25 = tpu.memref_squeeze %dma_start3A_24 : memref<1x80x128xf32, #tpu.memory_space<hbm>> -> memref<80x128xf32, #tpu.memory_space<hbm>>
      %dma_start3A_26 = arith.constant 0 : i32
      %dma_start3A_27 = arith.constant 0 : i32
      %dma_start3A_28 = tpu.memref_slice %arg7[%add3A, %dma_start3A_26, %dma_start3A_27] : memref<32x80x128xf32, #tpu.memory_space<hbm>> -> memref<1x80x128xf32, #tpu.memory_space<hbm>>
      %dma_start3A_29 = tpu.memref_squeeze %dma_start3A_28 : memref<1x80x128xf32, #tpu.memory_space<hbm>> -> memref<80x128xf32, #tpu.memory_space<hbm>>
      tpu.enqueue_dma source(%arg11 : memref<80x128xf32, #tpu.memory_space<vmem>>) target(%dma_start3A_29 : memref<80x128xf32, #tpu.memory_space<hbm>>) target_semaphore(%run_scoped3A : memref<!tpu.dma_semaphore, #tpu.memory_space<semaphore_mem>>)
      %dma_wait3A = arith.constant 0 : i32
      %dma_wait3A_30 = arith.constant 0 : i32
      %dma_wait3A_31 = tpu.memref_slice %arg7[%add3A, %dma_wait3A, %dma_wait3A_30] : memref<32x80x128xf32, #tpu.memory_space<hbm>> -> memref<1x80x128xf32, #tpu.memory_space<hbm>>
      %dma_wait3A_32 = tpu.memref_squeeze %dma_wait3A_31 : memref<1x80x128xf32, #tpu.memory_space<hbm>> -> memref<80x128xf32, #tpu.memory_space<hbm>>
      %dma_wait3A_33 = arith.constant 0 : i32
      %dma_wait3A_34 = arith.constant 0 : i32
      %dma_wait3A_35 = tpu.memref_slice %arg7[%add3A, %dma_wait3A_33, %dma_wait3A_34] : memref<32x80x128xf32, #tpu.memory_space<hbm>> -> memref<1x80x128xf32, #tpu.memory_space<hbm>>
      %dma_wait3A_36 = tpu.memref_squeeze %dma_wait3A_35 : memref<1x80x128xf32, #tpu.memory_space<hbm>> -> memref<80x128xf32, #tpu.memory_space<hbm>>
      tpu.wait_dma2 semaphore(%run_scoped3A : memref<!tpu.dma_semaphore, #tpu.memory_space<semaphore_mem>>) src(%arg11 : memref<80x128xf32, #tpu.memory_space<vmem>>) dst(%dma_wait3A_36 : memref<80x128xf32, #tpu.memory_space<hbm>>)
      tpu.yield
    }) : () -> ()
    %barrier3A_17 = arith.constant 0 : index
    tpu.barrier barrier_id(%barrier3A_17)
    %eq3A_18 = arith.constant 0 : i32
    %eq3A_19 = arith.cmpi eq, %arg1, %eq3A_18 : i32
    %convert_element_type3A_20 = arith.extui %eq3A_19 : i1 to i32
    %cond3A_21 = arith.constant 0 : i32
    %cond3A_22 = arith.cmpi ne, %convert_element_type3A_20, %cond3A_21 : i32
    scf.if %cond3A_22 {
      "tpu.region"() ({
        %run_scoped3A = tpu.sem_alloc : memref<!tpu.dma_semaphore, #tpu.memory_space<semaphore_mem>>
        %dma_start3A = arith.constant 0 : i32
        %dma_start3A_23 = tpu.memref_slice %arg8[%arg0, %dma_start3A] : memref<2x10112xf32, #tpu.memory_space<hbm>> -> memref<1x10112xf32, #tpu.memory_space<hbm>>
        %dma_start3A_24 = tpu.memref_squeeze %dma_start3A_23 : memref<1x10112xf32, #tpu.memory_space<hbm>> -> memref<10112xf32, #tpu.memory_space<hbm>>
        tpu.enqueue_dma source(%arg15 : memref<10112xf32, #tpu.memory_space<vmem_shared>>) target(%dma_start3A_24 : memref<10112xf32, #tpu.memory_space<hbm>>) target_semaphore(%run_scoped3A : memref<!tpu.dma_semaphore, #tpu.memory_space<semaphore_mem>>)
        %dma_wait3A = arith.constant 0 : i32
        %dma_wait3A_25 = tpu.memref_slice %arg8[%arg0, %dma_wait3A] : memref<2x10112xf32, #tpu.memory_space<hbm>> -> memref<1x10112xf32, #tpu.memory_space<hbm>>
        %dma_wait3A_26 = tpu.memref_squeeze %dma_wait3A_25 : memref<1x10112xf32, #tpu.memory_space<hbm>> -> memref<10112xf32, #tpu.memory_space<hbm>>
        tpu.wait_dma2 semaphore(%run_scoped3A : memref<!tpu.dma_semaphore, #tpu.memory_space<semaphore_mem>>) src(%arg15 : memref<10112xf32, #tpu.memory_space<vmem_shared>>) dst(%dma_wait3A_26 : memref<10112xf32, #tpu.memory_space<hbm>>)
        tpu.yield
      }) : () -> ()
    } else {
    }
    return
  }
}

module attributes {stable_mosaic.version = 14 : i64} {
  func.func @_tc1_body(%arg0: memref<10000x128xf32, #tpu.memory_space<vmem>>, %arg1: memref<128x128xf32, #tpu.memory_space<vmem>>, %arg2: memref<2x10000xf32, #tpu.memory_space<vmem>>, %arg3: memref<10000x128xf32, #tpu.memory_space<vmem>>) attributes {dimension_semantics = [], scalar_prefetch = 0 : i64, scratch_operands = 0 : i64, tpu.core_type = #tpu.core_type<tc>} {
    %get3A = arith.constant 0 : index
    %get3A_0 = arith.constant 0 : index
    %get3A_1 = vector.load %arg2[%get3A, %get3A_0] : memref<2x10000xf32, #tpu.memory_space<vmem>>, vector<1x10000xf32>
    %get3A_2 = vector.shape_cast %get3A_1 : vector<1x10000xf32> to vector<10000xf32>
    %get3A_3 = arith.constant 1 : index
    %get3A_4 = arith.constant 0 : index
    %get3A_5 = vector.load %arg2[%get3A_3, %get3A_4] : memref<2x10000xf32, #tpu.memory_space<vmem>>, vector<1x10000xf32>
    %get3A_6 = vector.shape_cast %get3A_5 : vector<1x10000xf32> to vector<10000xf32>
    %add3A = arith.addf %get3A_2, %get3A_6 : vector<10000xf32>
    %add3A_7 = arith.constant 1.000000e+00 : f32
    %add3A_8 = vector.broadcast %add3A_7 : f32 to vector<10000xf32>
    %add3A_9 = arith.addf %add3A, %add3A_8 : vector<10000xf32>
    %sqrt3A = math.sqrt %add3A_9 : vector<10000xf32>
    %div3A = arith.constant 1.000000e+00 : f32
    %div3A_10 = vector.broadcast %div3A : f32 to vector<10000xf32>
    %div3A_11 = arith.divf %div3A_10, %sqrt3A : vector<10000xf32>
    %get3A_12 = arith.constant 0 : index
    %get3A_13 = arith.constant 0 : index
    %get3A_14 = vector.load %arg0[%get3A_12, %get3A_13] : memref<10000x128xf32, #tpu.memory_space<vmem>>, vector<10000x128xf32>
    %get3A_15 = arith.constant 0 : index
    %get3A_16 = arith.constant 0 : index
    %get3A_17 = vector.load %arg1[%get3A_15, %get3A_16] : memref<128x128xf32, #tpu.memory_space<vmem>>, vector<128x128xf32>
    %dot_general3A = arith.constant dense<0.000000e+00> : vector<10000x128xf32>
    %dot_general3A_18 = tpu.matmul %get3A_14, %get3A_17, %dot_general3A {dimension_numbers = #tpu.dot_dimension_numbers<[1], [0], [0], [1], [0, 0, 1, 1], [], []>, transpose_lhs_hint = false} : vector<10000x128xf32>, vector<128x128xf32>, vector<10000x128xf32> -> vector<10000x128xf32>
    %broadcast_in_dim3A = vector.shape_cast %div3A_11 : vector<10000xf32> to vector<10000x1xf32>
    %mul3A = vector.broadcast %broadcast_in_dim3A : vector<10000x1xf32> to vector<10000x128xf32>
    %mul3A_19 = arith.mulf %mul3A, %dot_general3A_18 : vector<10000x128xf32>
    %swap3A = arith.constant 0 : index
    %swap3A_20 = arith.constant 0 : index
    %swap3A_21 = vector.load %arg3[%swap3A, %swap3A_20] : memref<10000x128xf32, #tpu.memory_space<vmem>>, vector<10000x128xf32>
    tpu.vector_store %arg3[%swap3A, %swap3A_20], %mul3A_19 {strides = array<i32>} : memref<10000x128xf32, #tpu.memory_space<vmem>>, vector<10000x128xf32>,
    return
  }
}

module attributes {stable_mosaic.version = 14 : i64} {
  func.func @_tc2_body(%arg0: memref<10000x128xf32, #tpu.memory_space<vmem>>, %arg1: memref<10000x128xf32, #tpu.memory_space<vmem>>, %arg2: memref<2x10000x128xf32, #tpu.memory_space<vmem>>, %arg3: memref<2x10000xf32, #tpu.memory_space<vmem>>, %arg4: memref<128xf32, #tpu.memory_space<vmem>>, %arg5: memref<128xf32, #tpu.memory_space<vmem>>, %arg6: memref<128xf32, #tpu.memory_space<vmem>>, %arg7: memref<128xf32, #tpu.memory_space<vmem>>, %arg8: memref<128x128xf32, #tpu.memory_space<vmem>>, %arg9: memref<128xf32, #tpu.memory_space<vmem>>, %arg10: memref<128xf32, #tpu.memory_space<vmem>>, %arg11: memref<10000x128xf32, #tpu.memory_space<vmem>>, %arg12: memref<10000x128xf32, #tpu.memory_space<vmem>>, %arg13: memref<10000xf32, #tpu.memory_space<vmem>>, %arg14: memref<10000xf32, #tpu.memory_space<vmem>>, %arg15: memref<128xf32, #tpu.memory_space<vmem>>) attributes {dimension_semantics = [], scalar_prefetch = 0 : i64, scratch_operands = 0 : i64, tpu.core_type = #tpu.core_type<tc>} {
    %get3A = arith.constant 0 : index
    %get3A_0 = arith.constant 0 : index
    %get3A_1 = vector.load %arg3[%get3A, %get3A_0] : memref<2x10000xf32, #tpu.memory_space<vmem>>, vector<1x10000xf32>
    %get3A_2 = vector.shape_cast %get3A_1 : vector<1x10000xf32> to vector<10000xf32>
    %get3A_3 = arith.constant 1 : index
    %get3A_4 = arith.constant 0 : index
    %get3A_5 = vector.load %arg3[%get3A_3, %get3A_4] : memref<2x10000xf32, #tpu.memory_space<vmem>>, vector<1x10000xf32>
    %get3A_6 = vector.shape_cast %get3A_5 : vector<1x10000xf32> to vector<10000xf32>
    %add3A = arith.addf %get3A_2, %get3A_6 : vector<10000xf32>
    %add3A_7 = arith.constant 1.000000e+00 : f32
    %add3A_8 = vector.broadcast %add3A_7 : f32 to vector<10000xf32>
    %add3A_9 = arith.addf %add3A, %add3A_8 : vector<10000xf32>
    %sqrt3A = math.sqrt %add3A_9 : vector<10000xf32>
    %div3A = arith.constant 1.000000e+00 : f32
    %div3A_10 = vector.broadcast %div3A : f32 to vector<10000xf32>
    %div3A_11 = arith.divf %div3A_10, %sqrt3A : vector<10000xf32>
    %get3A_12 = arith.constant 0 : index
    %get3A_13 = arith.constant 0 : index
    %get3A_14 = arith.constant 0 : index
    %get3A_15 = vector.load %arg2[%get3A_12, %get3A_13, %get3A_14] : memref<2x10000x128xf32, #tpu.memory_space<vmem>>, vector<1x10000x128xf32>
    %get3A_16 = vector.shape_cast %get3A_15 : vector<1x10000x128xf32> to vector<10000x128xf32>
    %get3A_17 = arith.constant 1 : index
    %get3A_18 = arith.constant 0 : index
    %get3A_19 = arith.constant 0 : index
    %get3A_20 = vector.load %arg2[%get3A_17, %get3A_18, %get3A_19] : memref<2x10000x128xf32, #tpu.memory_space<vmem>>, vector<1x10000x128xf32>
    %get3A_21 = vector.shape_cast %get3A_20 : vector<1x10000x128xf32> to vector<10000x128xf32>
    %add3A_22 = arith.addf %get3A_16, %get3A_21 : vector<10000x128xf32>
    %broadcast_in_dim3A = vector.shape_cast %div3A_11 : vector<10000xf32> to vector<10000x1xf32>
    %get3A_23 = arith.constant 0 : index
    %get3A_24 = arith.constant 0 : index
    %get3A_25 = vector.load %arg1[%get3A_23, %get3A_24] : memref<10000x128xf32, #tpu.memory_space<vmem>>, vector<10000x128xf32>
    %add3A_26 = arith.addf %add3A_22, %get3A_25 : vector<10000x128xf32>
    %mul3A = vector.broadcast %broadcast_in_dim3A : vector<10000x1xf32> to vector<10000x128xf32>
    %mul3A_27 = arith.mulf %mul3A, %add3A_26 : vector<10000x128xf32>
    %get3A_28 = arith.constant 0 : index
    %get3A_29 = vector.load %arg4[%get3A_28] : memref<128xf32, #tpu.memory_space<vmem>>, vector<128xf32>
    %broadcast_in_dim3A_30 = vector.shape_cast %get3A_29 : vector<128xf32> to vector<1x128xf32>
    %add3A_31 = vector.broadcast %broadcast_in_dim3A_30 : vector<1x128xf32> to vector<10000x128xf32>
    %add3A_32 = arith.addf %mul3A_27, %add3A_31 : vector<10000x128xf32>
    %reduce_sum3A = arith.constant dense<0.000000e+00> : vector<128xf32>
    %reduce_sum3A_33 = vector.multi_reduction <add>, %add3A_32, %reduce_sum3A [0] : vector<10000x128xf32> to vector<128xf32>
    %broadcast_in_dim3A_34 = vector.shape_cast %reduce_sum3A_33 : vector<128xf32> to vector<1x128xf32>
    %div3A_35 = arith.constant 1.000000e+04 : f32
    %div3A_36 = vector.broadcast %div3A_35 : f32 to vector<1x128xf32>
    %div3A_37 = arith.divf %broadcast_in_dim3A_34, %div3A_36 : vector<1x128xf32>
    %get3A_38 = arith.constant 0 : index
    %get3A_39 = vector.load %arg7[%get3A_38] : memref<128xf32, #tpu.memory_space<vmem>>, vector<128xf32>
    %broadcast_in_dim3A_40 = vector.shape_cast %get3A_39 : vector<128xf32> to vector<1x128xf32>
    %mul3A_41 = arith.mulf %div3A_37, %broadcast_in_dim3A_40 : vector<1x128xf32>
    %sub3A = vector.broadcast %mul3A_41 : vector<1x128xf32> to vector<10000x128xf32>
    %sub3A_42 = arith.subf %add3A_32, %sub3A : vector<10000x128xf32>
    %mul3A_43 = arith.mulf %sub3A_42, %sub3A_42 : vector<10000x128xf32>
    %reduce_sum3A_44 = arith.constant dense<0.000000e+00> : vector<128xf32>
    %reduce_sum3A_45 = vector.multi_reduction <add>, %mul3A_43, %reduce_sum3A_44 [0] : vector<10000x128xf32> to vector<128xf32>
    %broadcast_in_dim3A_46 = vector.shape_cast %reduce_sum3A_45 : vector<128xf32> to vector<1x128xf32>
    %div3A_47 = arith.constant 1.000000e+04 : f32
    %div3A_48 = vector.broadcast %div3A_47 : f32 to vector<1x128xf32>
    %div3A_49 = arith.divf %broadcast_in_dim3A_46, %div3A_48 : vector<1x128xf32>
    %get3A_50 = arith.constant 0 : index
    %get3A_51 = vector.load %arg5[%get3A_50] : memref<128xf32, #tpu.memory_space<vmem>>, vector<128xf32>
    %broadcast_in_dim3A_52 = vector.shape_cast %get3A_51 : vector<128xf32> to vector<1x128xf32>
    %mul3A_53 = vector.broadcast %broadcast_in_dim3A_52 : vector<1x128xf32> to vector<10000x128xf32>
    %mul3A_54 = arith.mulf %mul3A_53, %sub3A_42 : vector<10000x128xf32>
    %add3A_55 = arith.constant 9.99999974E-6 : f32
    %add3A_56 = vector.broadcast %add3A_55 : f32 to vector<1x128xf32>
    %add3A_57 = arith.addf %div3A_49, %add3A_56 : vector<1x128xf32>
    %sqrt3A_58 = math.sqrt %add3A_57 : vector<1x128xf32>
    %div3A_59 = vector.broadcast %sqrt3A_58 : vector<1x128xf32> to vector<10000x128xf32>
    %div3A_60 = arith.divf %mul3A_54, %div3A_59 : vector<10000x128xf32>
    %get3A_61 = arith.constant 0 : index
    %get3A_62 = vector.load %arg6[%get3A_61] : memref<128xf32, #tpu.memory_space<vmem>>, vector<128xf32>
    %broadcast_in_dim3A_63 = vector.shape_cast %get3A_62 : vector<128xf32> to vector<1x128xf32>
    %add3A_64 = vector.broadcast %broadcast_in_dim3A_63 : vector<1x128xf32> to vector<10000x128xf32>
    %add3A_65 = arith.addf %div3A_60, %add3A_64 : vector<10000x128xf32>
    %gt3A = arith.constant 0.000000e+00 : f32
    %gt3A_66 = vector.broadcast %gt3A : f32 to vector<10000x128xf32>
    %gt3A_67 = arith.cmpf ogt, %add3A_65, %gt3A_66 : vector<10000x128xf32>
    %mul3A_68 = arith.constant 0.00999999977 : f32
    %mul3A_69 = vector.broadcast %mul3A_68 : f32 to vector<10000x128xf32>
    %mul3A_70 = arith.mulf %mul3A_69, %add3A_65 : vector<10000x128xf32>
    %select_n3A = arith.select %gt3A_67, %add3A_65, %mul3A_70 : vector<10000x128xi1>, vector<10000x128xf32>
    %get3A_71 = arith.constant 0 : index
    %get3A_72 = arith.constant 0 : index
    %get3A_73 = vector.load %arg0[%get3A_71, %get3A_72] : memref<10000x128xf32, #tpu.memory_space<vmem>>, vector<10000x128xf32>
    %add3A_74 = arith.addf %get3A_73, %select_n3A : vector<10000x128xf32>
    %swap3A = arith.constant 0 : index
    %swap3A_75 = arith.constant 0 : index
    %swap3A_76 = vector.load %arg11[%swap3A, %swap3A_75] : memref<10000x128xf32, #tpu.memory_space<vmem>>, vector<10000x128xf32>
    tpu.vector_store %arg11[%swap3A, %swap3A_75], %add3A_74 {strides = array<i32>} : memref<10000x128xf32, #tpu.memory_space<vmem>>, vector<10000x128xf32>,
    %get3A_77 = arith.constant 0 : index
    %get3A_78 = arith.constant 0 : index
    %get3A_79 = vector.load %arg8[%get3A_77, %get3A_78] : memref<128x128xf32, #tpu.memory_space<vmem>>, vector<128x128xf32>
    %dot_general3A = arith.constant dense<0.000000e+00> : vector<10000x128xf32>
    %dot_general3A_80 = tpu.matmul %add3A_74, %get3A_79, %dot_general3A {dimension_numbers = #tpu.dot_dimension_numbers<[1], [0], [0], [1], [0, 0, 1, 1], [], []>, transpose_lhs_hint = false} : vector<10000x128xf32>, vector<128x128xf32>, vector<10000x128xf32> -> vector<10000x128xf32>
    %swap3A_81 = arith.constant 0 : index
    %swap3A_82 = arith.constant 0 : index
    %swap3A_83 = vector.load %arg12[%swap3A_81, %swap3A_82] : memref<10000x128xf32, #tpu.memory_space<vmem>>, vector<10000x128xf32>
    tpu.vector_store %arg12[%swap3A_81, %swap3A_82], %dot_general3A_80 {strides = array<i32>} : memref<10000x128xf32, #tpu.memory_space<vmem>>, vector<10000x128xf32>,
    %get3A_84 = arith.constant 0 : index
    %get3A_85 = vector.load %arg9[%get3A_84] : memref<128xf32, #tpu.memory_space<vmem>>, vector<128xf32>
    %broadcast_in_dim3A_86 = vector.shape_cast %get3A_85 : vector<128xf32> to vector<1x128xf32>
    %mul3A_87 = vector.broadcast %broadcast_in_dim3A_86 : vector<1x128xf32> to vector<10000x128xf32>
    %mul3A_88 = arith.mulf %dot_general3A_80, %mul3A_87 : vector<10000x128xf32>
    %reduce_sum3A_89 = arith.constant dense<0.000000e+00> : vector<10000xf32>
    %reduce_sum3A_90 = vector.multi_reduction <add>, %mul3A_88, %reduce_sum3A_89 [1] : vector<10000x128xf32> to vector<10000xf32>
    %get3A_91 = arith.constant 0 : index
    %get3A_92 = vector.load %arg10[%get3A_91] : memref<128xf32, #tpu.memory_space<vmem>>, vector<128xf32>
    %broadcast_in_dim3A_93 = vector.shape_cast %get3A_92 : vector<128xf32> to vector<1x128xf32>
    %mul3A_94 = vector.broadcast %broadcast_in_dim3A_93 : vector<1x128xf32> to vector<10000x128xf32>
    %mul3A_95 = arith.mulf %dot_general3A_80, %mul3A_94 : vector<10000x128xf32>
    %reduce_sum3A_96 = arith.constant dense<0.000000e+00> : vector<10000xf32>
    %reduce_sum3A_97 = vector.multi_reduction <add>, %mul3A_95, %reduce_sum3A_96 [1] : vector<10000x128xf32> to vector<10000xf32>
    %swap3A_98 = arith.constant 0 : index
    %swap3A_99 = vector.load %arg13[%swap3A_98] : memref<10000xf32, #tpu.memory_space<vmem>>, vector<10000xf32>
    tpu.vector_store %arg13[%swap3A_98], %reduce_sum3A_90 {strides = array<i32>} : memref<10000xf32, #tpu.memory_space<vmem>>, vector<10000xf32>,
    %swap3A_100 = arith.constant 0 : index
    %swap3A_101 = vector.load %arg14[%swap3A_100] : memref<10000xf32, #tpu.memory_space<vmem>>, vector<10000xf32>
    tpu.vector_store %arg14[%swap3A_100], %reduce_sum3A_97 {strides = array<i32>} : memref<10000xf32, #tpu.memory_space<vmem>>, vector<10000xf32>,
    %reduce_max3A = vector.shape_cast %reduce_sum3A_90 : vector<10000xf32> to vector<1x10000xf32>
    %reduce_max3A_102 = arith.constant dense<0xFF800000> : vector<1xf32>
    %reduce_max3A_103 = vector.multi_reduction <maximumf>, %reduce_max3A, %reduce_max3A_102 [1] : vector<1x10000xf32> to vector<1xf32>
    %reduce_max3A_104 = vector.shape_cast %reduce_max3A_103 : vector<1xf32> to vector<1x1xf32>
    %reduce_max3A_105 = vector.extract %reduce_max3A_104[0, 0] : f32 from vector<1x1xf32>
    %reduce_max3A_106 = vector.shape_cast %reduce_sum3A_97 : vector<10000xf32> to vector<1x10000xf32>
    %reduce_max3A_107 = arith.constant dense<0xFF800000> : vector<1xf32>
    %reduce_max3A_108 = vector.multi_reduction <maximumf>, %reduce_max3A_106, %reduce_max3A_107 [1] : vector<1x10000xf32> to vector<1xf32>
    %reduce_max3A_109 = vector.shape_cast %reduce_max3A_108 : vector<1xf32> to vector<1x1xf32>
    %reduce_max3A_110 = vector.extract %reduce_max3A_109[0, 0] : f32 from vector<1x1xf32>
    %add3A_111 = arith.addf %reduce_max3A_105, %reduce_max3A_110 : f32
    %gt3A_112 = arith.constant 0.000000e+00 : f32
    %gt3A_113 = arith.cmpf ogt, %add3A_111, %gt3A_112 : f32
    %mul3A_114 = arith.constant 2.000000e-01 : f32
    %mul3A_115 = arith.mulf %mul3A_114, %add3A_111 : f32
    %select_n3A_116 = arith.select %gt3A_113, %add3A_111, %mul3A_115 : f32
    %broadcast_in_dim3A_117 = vector.broadcast %select_n3A_116 : f32 to vector<128xf32>
    %swap3A_118 = arith.constant 0 : index
    %swap3A_119 = vector.load %arg15[%swap3A_118] : memref<128xf32, #tpu.memory_space<vmem>>, vector<128xf32>
    tpu.vector_store %arg15[%swap3A_118], %broadcast_in_dim3A_117 {strides = array<i32>} : memref<128xf32, #tpu.memory_space<vmem>>, vector<128xf32>,
    return
  }
}

module attributes {stable_mosaic.version = 14 : i64} {
  func.func @_tc3_body(%arg0: memref<10000x128xf32, #tpu.memory_space<vmem>>, %arg1: memref<10000x128xf32, #tpu.memory_space<vmem>>, %arg2: memref<2x10000x128xf32, #tpu.memory_space<vmem>>, %arg3: memref<2x10000xf32, #tpu.memory_space<vmem>>, %arg4: memref<10000xf32, #tpu.memory_space<vmem>>, %arg5: memref<10000xf32, #tpu.memory_space<vmem>>, %arg6: memref<128xf32, #tpu.memory_space<vmem>>, %arg7: memref<128xf32, #tpu.memory_space<vmem>>, %arg8: memref<128xf32, #tpu.memory_space<vmem>>, %arg9: memref<128xf32, #tpu.memory_space<vmem>>, %arg10: memref<10000x128xf32, #tpu.memory_space<vmem>>) attributes {dimension_semantics = [], scalar_prefetch = 0 : i64, scratch_operands = 0 : i64, tpu.core_type = #tpu.core_type<tc>} {
    %get3A = arith.constant 0 : index
    %get3A_0 = vector.load %arg4[%get3A] : memref<10000xf32, #tpu.memory_space<vmem>>, vector<10000xf32>
    %get3A_1 = arith.constant 0 : index
    %get3A_2 = vector.load %arg5[%get3A_1] : memref<10000xf32, #tpu.memory_space<vmem>>, vector<10000xf32>
    %reduce_max3A = vector.shape_cast %get3A_0 : vector<10000xf32> to vector<1x10000xf32>
    %reduce_max3A_3 = arith.constant dense<0xFF800000> : vector<1xf32>
    %reduce_max3A_4 = vector.multi_reduction <maximumf>, %reduce_max3A, %reduce_max3A_3 [1] : vector<1x10000xf32> to vector<1xf32>
    %reduce_max3A_5 = vector.shape_cast %reduce_max3A_4 : vector<1xf32> to vector<1x1xf32>
    %reduce_max3A_6 = vector.extract %reduce_max3A_5[0, 0] : f32 from vector<1x1xf32>
    %reduce_max3A_7 = vector.shape_cast %get3A_2 : vector<10000xf32> to vector<1x10000xf32>
    %reduce_max3A_8 = arith.constant dense<0xFF800000> : vector<1xf32>
    %reduce_max3A_9 = vector.multi_reduction <maximumf>, %reduce_max3A_7, %reduce_max3A_8 [1] : vector<1x10000xf32> to vector<1xf32>
    %reduce_max3A_10 = vector.shape_cast %reduce_max3A_9 : vector<1xf32> to vector<1x1xf32>
    %reduce_max3A_11 = vector.extract %reduce_max3A_10[0, 0] : f32 from vector<1x1xf32>
    %add3A = arith.addf %reduce_max3A_6, %reduce_max3A_11 : f32
    %gt3A = arith.constant 0.000000e+00 : f32
    %gt3A_12 = arith.cmpf ogt, %add3A, %gt3A : f32
    %mul3A = arith.constant 2.000000e-01 : f32
    %mul3A_13 = arith.mulf %mul3A, %add3A : f32
    %select_n3A = arith.select %gt3A_12, %add3A, %mul3A_13 : f32
    %add3A_14 = arith.addf %get3A_0, %get3A_2 : vector<10000xf32>
    %gt3A_15 = arith.constant 0.000000e+00 : f32
    %gt3A_16 = vector.broadcast %gt3A_15 : f32 to vector<10000xf32>
    %gt3A_17 = arith.cmpf ogt, %add3A_14, %gt3A_16 : vector<10000xf32>
    %mul3A_18 = arith.constant 2.000000e-01 : f32
    %mul3A_19 = vector.broadcast %mul3A_18 : f32 to vector<10000xf32>
    %mul3A_20 = arith.mulf %mul3A_19, %add3A_14 : vector<10000xf32>
    %select_n3A_21 = arith.select %gt3A_17, %add3A_14, %mul3A_20 : vector<10000xi1>, vector<10000xf32>
    %sub3A = vector.broadcast %select_n3A : f32 to vector<10000xf32>
    %sub3A_22 = arith.subf %select_n3A_21, %sub3A : vector<10000xf32>
    %exp3A = math.exp %sub3A_22 : vector<10000xf32>
    %get3A_23 = arith.constant 0 : index
    %get3A_24 = arith.constant 0 : index
    %get3A_25 = vector.load %arg3[%get3A_23, %get3A_24] : memref<2x10000xf32, #tpu.memory_space<vmem>>, vector<1x10000xf32>
    %get3A_26 = vector.shape_cast %get3A_25 : vector<1x10000xf32> to vector<10000xf32>
    %get3A_27 = arith.constant 1 : index
    %get3A_28 = arith.constant 0 : index
    %get3A_29 = vector.load %arg3[%get3A_27, %get3A_28] : memref<2x10000xf32, #tpu.memory_space<vmem>>, vector<1x10000xf32>
    %get3A_30 = vector.shape_cast %get3A_29 : vector<1x10000xf32> to vector<10000xf32>
    %add3A_31 = arith.addf %get3A_26, %get3A_30 : vector<10000xf32>
    %add3A_32 = arith.addf %add3A_31, %exp3A : vector<10000xf32>
    %get3A_33 = arith.constant 0 : index
    %get3A_34 = arith.constant 0 : index
    %get3A_35 = vector.load %arg1[%get3A_33, %get3A_34] : memref<10000x128xf32, #tpu.memory_space<vmem>>, vector<10000x128xf32>
    %get3A_36 = arith.constant 0 : index
    %get3A_37 = arith.constant 0 : index
    %get3A_38 = arith.constant 0 : index
    %get3A_39 = vector.load %arg2[%get3A_36, %get3A_37, %get3A_38] : memref<2x10000x128xf32, #tpu.memory_space<vmem>>, vector<1x10000x128xf32>
    %get3A_40 = vector.shape_cast %get3A_39 : vector<1x10000x128xf32> to vector<10000x128xf32>
    %get3A_41 = arith.constant 1 : index
    %get3A_42 = arith.constant 0 : index
    %get3A_43 = arith.constant 0 : index
    %get3A_44 = vector.load %arg2[%get3A_41, %get3A_42, %get3A_43] : memref<2x10000x128xf32, #tpu.memory_space<vmem>>, vector<1x10000x128xf32>
    %get3A_45 = vector.shape_cast %get3A_44 : vector<1x10000x128xf32> to vector<10000x128xf32>
    %add3A_46 = arith.addf %get3A_40, %get3A_45 : vector<10000x128xf32>
    %broadcast_in_dim3A = vector.shape_cast %exp3A : vector<10000xf32> to vector<10000x1xf32>
    %mul3A_47 = vector.broadcast %broadcast_in_dim3A : vector<10000x1xf32> to vector<10000x128xf32>
    %mul3A_48 = arith.mulf %mul3A_47, %get3A_35 : vector<10000x128xf32>
    %add3A_49 = arith.addf %add3A_46, %mul3A_48 : vector<10000x128xf32>
    %add3A_50 = arith.constant 1.000000e-16 : f32
    %add3A_51 = vector.broadcast %add3A_50 : f32 to vector<10000xf32>
    %add3A_52 = arith.addf %add3A_32, %add3A_51 : vector<10000xf32>
    %broadcast_in_dim3A_53 = vector.shape_cast %add3A_52 : vector<10000xf32> to vector<10000x1xf32>
    %div3A = vector.broadcast %broadcast_in_dim3A_53 : vector<10000x1xf32> to vector<10000x128xf32>
    %div3A_54 = arith.divf %add3A_49, %div3A : vector<10000x128xf32>
    %get3A_55 = arith.constant 0 : index
    %get3A_56 = vector.load %arg6[%get3A_55] : memref<128xf32, #tpu.memory_space<vmem>>, vector<128xf32>
    %broadcast_in_dim3A_57 = vector.shape_cast %get3A_56 : vector<128xf32> to vector<1x128xf32>
    %add3A_58 = vector.broadcast %broadcast_in_dim3A_57 : vector<1x128xf32> to vector<10000x128xf32>
    %add3A_59 = arith.addf %div3A_54, %add3A_58 : vector<10000x128xf32>
    %reduce_sum3A = arith.constant dense<0.000000e+00> : vector<128xf32>
    %reduce_sum3A_60 = vector.multi_reduction <add>, %add3A_59, %reduce_sum3A [0] : vector<10000x128xf32> to vector<128xf32>
    %broadcast_in_dim3A_61 = vector.shape_cast %reduce_sum3A_60 : vector<128xf32> to vector<1x128xf32>
    %div3A_62 = arith.constant 1.000000e+04 : f32
    %div3A_63 = vector.broadcast %div3A_62 : f32 to vector<1x128xf32>
    %div3A_64 = arith.divf %broadcast_in_dim3A_61, %div3A_63 : vector<1x128xf32>
    %get3A_65 = arith.constant 0 : index
    %get3A_66 = vector.load %arg9[%get3A_65] : memref<128xf32, #tpu.memory_space<vmem>>, vector<128xf32>
    %broadcast_in_dim3A_67 = vector.shape_cast %get3A_66 : vector<128xf32> to vector<1x128xf32>
    %mul3A_68 = arith.mulf %div3A_64, %broadcast_in_dim3A_67 : vector<1x128xf32>
    %sub3A_69 = vector.broadcast %mul3A_68 : vector<1x128xf32> to vector<10000x128xf32>
    %sub3A_70 = arith.subf %add3A_59, %sub3A_69 : vector<10000x128xf32>
    %mul3A_71 = arith.mulf %sub3A_70, %sub3A_70 : vector<10000x128xf32>
    %reduce_sum3A_72 = arith.constant dense<0.000000e+00> : vector<128xf32>
    %reduce_sum3A_73 = vector.multi_reduction <add>, %mul3A_71, %reduce_sum3A_72 [0] : vector<10000x128xf32> to vector<128xf32>
    %broadcast_in_dim3A_74 = vector.shape_cast %reduce_sum3A_73 : vector<128xf32> to vector<1x128xf32>
    %div3A_75 = arith.constant 1.000000e+04 : f32
    %div3A_76 = vector.broadcast %div3A_75 : f32 to vector<1x128xf32>
    %div3A_77 = arith.divf %broadcast_in_dim3A_74, %div3A_76 : vector<1x128xf32>
    %get3A_78 = arith.constant 0 : index
    %get3A_79 = vector.load %arg7[%get3A_78] : memref<128xf32, #tpu.memory_space<vmem>>, vector<128xf32>
    %broadcast_in_dim3A_80 = vector.shape_cast %get3A_79 : vector<128xf32> to vector<1x128xf32>
    %mul3A_81 = vector.broadcast %broadcast_in_dim3A_80 : vector<1x128xf32> to vector<10000x128xf32>
    %mul3A_82 = arith.mulf %mul3A_81, %sub3A_70 : vector<10000x128xf32>
    %add3A_83 = arith.constant 9.99999974E-6 : f32
    %add3A_84 = vector.broadcast %add3A_83 : f32 to vector<1x128xf32>
    %add3A_85 = arith.addf %div3A_77, %add3A_84 : vector<1x128xf32>
    %sqrt3A = math.sqrt %add3A_85 : vector<1x128xf32>
    %div3A_86 = vector.broadcast %sqrt3A : vector<1x128xf32> to vector<10000x128xf32>
    %div3A_87 = arith.divf %mul3A_82, %div3A_86 : vector<10000x128xf32>
    %get3A_88 = arith.constant 0 : index
    %get3A_89 = vector.load %arg8[%get3A_88] : memref<128xf32, #tpu.memory_space<vmem>>, vector<128xf32>
    %broadcast_in_dim3A_90 = vector.shape_cast %get3A_89 : vector<128xf32> to vector<1x128xf32>
    %add3A_91 = vector.broadcast %broadcast_in_dim3A_90 : vector<1x128xf32> to vector<10000x128xf32>
    %add3A_92 = arith.addf %div3A_87, %add3A_91 : vector<10000x128xf32>
    %gt3A_93 = arith.constant 0.000000e+00 : f32
    %gt3A_94 = vector.broadcast %gt3A_93 : f32 to vector<10000x128xf32>
    %gt3A_95 = arith.cmpf ogt, %add3A_92, %gt3A_94 : vector<10000x128xf32>
    %mul3A_96 = arith.constant 0.00999999977 : f32
    %mul3A_97 = vector.broadcast %mul3A_96 : f32 to vector<10000x128xf32>
    %mul3A_98 = arith.mulf %mul3A_97, %add3A_92 : vector<10000x128xf32>
    %select_n3A_99 = arith.select %gt3A_95, %add3A_92, %mul3A_98 : vector<10000x128xi1>, vector<10000x128xf32>
    %get3A_100 = arith.constant 0 : index
    %get3A_101 = arith.constant 0 : index
    %get3A_102 = vector.load %arg0[%get3A_100, %get3A_101] : memref<10000x128xf32, #tpu.memory_space<vmem>>, vector<10000x128xf32>
    %add3A_103 = arith.addf %get3A_102, %select_n3A_99 : vector<10000x128xf32>
    %swap3A = arith.constant 0 : index
    %swap3A_104 = arith.constant 0 : index
    %swap3A_105 = vector.load %arg10[%swap3A, %swap3A_104] : memref<10000x128xf32, #tpu.memory_space<vmem>>, vector<10000x128xf32>
    tpu.vector_store %arg10[%swap3A, %swap3A_104], %add3A_103 {strides = array<i32>} : memref<10000x128xf32, #tpu.memory_space<vmem>>, vector<10000x128xf32>,
    return
  }
}

</mosaic_0001>

<sc_bundles>
// kernel: kernel.12.cloned.1.call-start
scs
__scs_entry_jumppad:
0x0: {  	(pc) =	sbr.rel $0x88, $3  }
0x1: {  	(tag) =	ssettag $0x0;
	lr =	simm.s32 $0x1  }
0x2: {  	[smem:$0x3F96] =	sst lr;
	_ =	strace $0xD0000000  }
0x3: {  	_ = 	snop  }
0x4: {  	_ = 	snop  }
0x5: {  	_ = 	snop  }
0x6: {  	_ = 	snop  }
0x7: {  	_ = 	snop  }
__scs_overlays_trampoline_lowered:
0x8: {  	[smem:$0x3FA5] =	sst s0  }
0x9: {  	[smem:$0x3FA6] =	sst s1  }
0xa: {  	[smem:$0x3FA7] =	sst s2  }
0xb: {  	[smem:$0x3FA8] =	sst s3  }
0xc: {  	[smem:$0x3FA9] =	sst s4  }
0xd: {  	[smem:$0x3FAA] =	sst s5  }
0xe: {  	[smem:$0x3FAB] =	sst s6  }
0xf: {  	[smem:$0x3FAC] =	sst s7  }
0x10: {  	[smem:$0x3FAD] =	sst s8  }
0x11: {  	[smem:$0x3FAE] =	sst s9;
	s0 =	simm.s32 @!p0 $0x0  }
0x12: {  	s1 =	sld [smem:$0x3F94];
	s0 =	simm.s32 @p0 $0x1  }
0x13: {  	[smem:$0x3FAF] =	sst s0;
	s0 =	simm.s32 @!p1 $0x0  }
0x14: {  	s2 =	sld [smem:$0x3F93];
	s0 =	simm.s32 @p1 $0x1  }
0x15: {  	[smem:$0x3FB0] =	sst s0;
	s0 =	simm.s32 @!p2 $0x0  }
0x16: {  	s3 =	sld [smem:$0x3FDB];
	s0 =	simm.s32 @p2 $0x1  }
0x17: {  	s4 =	simm.s32 $0x1BF5;
	[smem:$0x3FB2] =	sst s0  }
0x18: {  	s0 =	sld [smem:$0x3F95];
	_ =	swait.ge [sflag:s4], $0x0  }
0x19: {  	s7 =	sld [smem:$0x3F96]  }
0x1a: {  	s8 =	sadd.s32 $0xFFFFE003, lr  }
0x1b: {  	s9 =	sadd.s32 $0xFFFFFEF7, lr;
	s5 =	simm.s32 $0xFFFFFFFF;
	p2 =	slt.u32 s8, $0xFFFFF086  }
0x1c: {  	p1 =	slt.u32 s9, $0xF7A;
	s5 =	simm.s32 @!p2 $0x0  }
0x1d: {  	s5 =	simm.s32 @p1 $0x1;
	p0 =	seq.s32 s7, s2  }
0x1e: {  	s7 =	smul.u32 @!p0 $0xF7A, s2;
	p2 =	seq.s32 @!p0 s5, $0x0  }
0x1f: {  	s9 =	smul.u32 $0xF7A, s1;
	s8 =	simm.s32 @!p0 $0x1BF5;
	p2 =	por !p2, p0  }
0x20: {  	[sflag:s8] =	ssyncset.s32 @!p0 $0xFFFFF086;
	s6 =	sadd.s32 @!p0 s3, s7;
	s7 =	simm.s32 @!p0 $0x108  }
0x21: {  	s3 =	sadd.s32 s3, s9;
	s6 =	sadd.s32 @!p0 $0x88, s6;
	s7 =	simm.s32 @p2 $0x1082  }
0x22: {  	[simem:s7], [sflag:s8] =	dma.local @!p0 [hbm:s6], $0xF7A  }
0x23: {  	s9 =	sor.u32 $0xD0000000, s2;
	s6 =	simm.s32 $0x108;
	_ =	swait.ge @!p0 [sflag:s8], $0x0  }
0x24: {  	s3 =	sadd.s32 $0x88, s3;
	s6 =	simm.s32 @!p1 $0x1082;
	[sflag:s4] =	ssyncset.s32 $0xFFFFF086  }
0x25: {  	[simem:s6], [sflag:s4] =	dma.local [hbm:s3], $0xF7A  }
0x26: {  	[smem:$0x3F96] =	sst s1;
	(tag) =	ssettag s2;
	_ =	strace s9  }
0x27: {  	s1 =	sld [smem:$0x3FA6]  }
0x28: {  	s2 =	sld [smem:$0x3FA7]  }
0x29: {  	s4 =	sld [smem:$0x3FA9]  }
0x2a: {  	p0 =	seq.s32 s5, $0x0;
	s5 =	sld [smem:$0x3FAA]  }
0x2b: {  	s6 =	sld [smem:$0x3FAB]  }
0x2c: {  	s7 =	sld [smem:$0x3FAC]  }
0x2d: {  	s3 =	simm.s32 $0x108;
	s8 =	sld [smem:$0x3FAD]  }
0x2e: {  	s3 =	simm.s32 @!p0 $0x1082;
	s9 =	sld [smem:$0x3FAE]  }
0x2f: {  	lr =	sadd.s32 s0, s3;
	s0 =	sld [smem:$0x3FA5]  }
0x30: {  	s3 =	sld [smem:$0x3FA8]  }
0x31: {  	[smem:$0x3FB1] =	sst s10  }
0x32: {  	s10 =	sld [smem:$0x3FAF];
	_ =	sdelay $0x3  }
0x33: {  	p0 =	seq.s32 s10, $0x1;
	s10 =	sld [smem:$0x3FB1];
	_ =	sdelay $0x3  }
0x34: {  	[smem:$0x3FB1] =	sst s10  }
0x35: {  	s10 =	sld [smem:$0x3FB0];
	_ =	sdelay $0x3  }
0x36: {  	p1 =	seq.s32 s10, $0x1;
	s10 =	sld [smem:$0x3FB1];
	_ =	sdelay $0x3  }
0x37: {  	[smem:$0x3FB1] =	sst s10  }
0x38: {  	s10 =	sld [smem:$0x3FB2]  }
0x39: {  	_ = 	snop;
	(pc) =	sbr.ind lr, $3  }
0x3a: {  	_ = 	snop  }
0x3b: {  	_ = 	snop  }
0x3c: {  	p2 =	seq.s32 s10, $0x1;
	s10 =	sld [smem:$0x3FB1]  }
0x3d: {  	_ =	shalt  }
0x3e: {  	_ =	shalt  }
0x3f: {  	_ =	shalt  }
0x40: {  	_ =	shalt  }
0x41: {  	_ =	shalt  }
0x42: {  	_ =	shalt  }
0x43: {  	_ =	shalt  }
0x44: {  	_ =	shalt  }
0x45: {  	_ =	shalt  }
0x46: {  	_ =	shalt  }
0x47: {  	_ =	shalt  }
0x48: {  	_ =	shalt  }
0x49: {  	_ =	shalt  }
0x4a: {  	_ =	shalt  }
0x4b: {  	_ =	shalt  }
0x4c: {  	_ =	shalt  }
0x4d: {  	_ =	shalt  }
0x4e: {  	_ =	shalt  }
0x4f: {  	_ =	shalt  }
0x50: {  	_ =	shalt  }
0x51: {  	_ =	shalt  }
0x52: {  	_ =	shalt  }
0x53: {  	_ =	shalt  }
0x54: {  	_ =	shalt  }
0x55: {  	_ =	shalt  }
0x56: {  	_ =	shalt  }
0x57: {  	_ =	shalt  }
0x58: {  	_ =	shalt  }
0x59: {  	_ =	shalt  }
0x5a: {  	_ =	shalt  }
0x5b: {  	_ =	shalt  }
0x5c: {  	_ =	shalt  }
0x5d: {  	_ =	shalt  }
0x5e: {  	_ =	shalt  }
0x5f: {  	_ =	shalt  }
0x60: {  	_ =	shalt  }
0x61: {  	_ =	shalt  }
0x62: {  	_ =	shalt  }
0x63: {  	_ =	shalt  }
0x64: {  	_ =	shalt  }
0x65: {  	_ =	shalt  }
0x66: {  	_ =	shalt  }
0x67: {  	_ =	shalt  }
0x68: {  	_ =	shalt  }
0x69: {  	_ =	shalt  }
0x6a: {  	_ =	shalt  }
0x6b: {  	_ =	shalt  }
0x6c: {  	_ =	shalt  }
0x6d: {  	_ =	shalt  }
0x6e: {  	_ =	shalt  }
0x6f: {  	_ =	shalt  }
0x70: {  	_ =	shalt  }
0x71: {  	_ =	shalt  }
0x72: {  	_ =	shalt  }
0x73: {  	_ =	shalt  }
0x74: {  	_ =	shalt  }
0x75: {  	_ =	shalt  }
0x76: {  	_ =	shalt  }
0x77: {  	_ =	shalt  }
0x78: {  	_ =	shalt  }
0x79: {  	_ =	shalt  }
0x7a: {  	_ =	shalt  }
0x7b: {  	_ =	shalt  }
0x7c: {  	_ =	shalt  }
0x7d: {  	_ =	shalt  }
0x7e: {  	_ =	shalt  }
0x7f: {  	_ =	shalt  }
0x80: {  	_ =	shalt  }
0x81: {  	_ =	shalt  }
0x82: {  	_ =	shalt  }
0x83: {  	_ =	shalt  }
0x84: {  	_ =	shalt  }
0x85: {  	_ =	shalt  }
0x86: {  	_ =	shalt  }
0x87: {  	_ =	shalt  }
.Lfunc_end0:
.L_simem_size_0:
called_computation.1_lowered:
.L_overlay_start_0:
0x88: {  	s2 =	sld [smem:$0x3FD9]  }
0x89: {  	s3 =	sld [smem:$0x3FFE];
	_ =	sdelay $0x1  }
0x8a: {  	s1 =	srdreg.scid  }
0x8b: {  	s0 =	sand.u32 $0x1, s1  }
0x8c: {  	s17 =	sshll.u32 s0, $0xA;
	s2 =	sadd.s32 s3, s2  }
0x8d: {  	s2 =	sadd.s32 s2, s17  }
0x8e: {  	[smem:$0x3FBD] =	sst s2  }
0x8f: {  	_ = 	snop  }
0x90: {  	s2 =	sld [smem:$0x3FD0];
	(tm) =	ssettm $0x1  }
0x91: {  	s18 =	sld [smem:$0x3FFB];
	_ =	sdelay $0x3  }
0x92: {  	_ =	strace s18  }
0x93: {  	s3 =	sld [smem:$0x3FFC];
	_ =	sdelay $0x3  }
0x94: {  	_ =	strace s3  }
0x95: {  	s3 =	sld [smem:$0x3FFD];
	_ =	sdelay $0x3  }
0x96: {  	_ =	strace s3  }
0x97: {  	_ =	strace $0x8FFFFFFF  }
0x98: {  	s19 =	sld [smem:$0x3FDB];
	_ =	sdelay $0x1  }
0x99: {  	s4 =	simm.s32 $_scs_section_size  }
0x9a: {  	s5 =	simm.s32 $_size__tile_overlayer_lowered;
	s6 =	simm.s32 $_tile_overlayer_lowered  }
0x9b: {  	s22 =	simm.s32 $0x1BFF;
	s21 =	sshll.u32 s6, $0x1;
	s3 =	sadd.s32 s4, s19  }
0x9c: {  	s7 =	simm.s32 $0x0;
	s20 =	sshll.u32 s5, $0x1;
	s5 =	sadd.s32 s21, s3  }
0x9d: {  	[timem:s7], [sflag:s22] =	dma.local [hbm:s5], s20  }
0x9e: {  	_ =	swait.ge [sflag:s22], s20  }
0x9f: {  	s4 =	ssub.s32 $0x0, s20;
	[sflag:s22] =	ssyncset.done $0x0  }
0xa0: {  	[sflag:s22] =	ssyncadd.s32 s4;
	_ =	sdelay $0x1  }
0xa1: {  	s23 =	simm.s32 $0x1B8B  }
0xa2: {  	_ =	swait.ge [sflag:s23], $0x1  }
0xa3: {  	[sflag:s23] =	ssyncset.done $0x0  }
0xa4: {  	s25 =	simm.s32 $0x1B8E;
	s24 =	sld [smem:$0x3FFE];
	[sflag:s23] =	ssyncadd.s32 $0xFFFFFFFF  }
0xa5: {  	s26 =	simm.s32 $execute0_lowered;
	[smem:$0x3FD2] =	sst s25  }
0xa6: {  	s5 =	sshll.u32 s26, $0x1;
	_ =	strace $0x80000049;
	[dreg:$0x1] =	wrdreg $0xFFFFFFFF  }
0xa7: {  	s28 =	simm.s32 $_size_execute0_lowered;
	s3 =	sadd.s32 s3, s5;
	[dreg:$0x0] =	wrdreg $0x0  }
0xa8: {  	s5 =	sshll.u32 s28, $0x1;
	[dreg:$0x2] =	wrdreg s3  }
0xa9: {  	[dreg:$0x3] =	wrdreg s5  }
0xaa: {  	[dreg:$0x4] =	wrdreg $0xC0  }
0xab: {  	_ =	task [dreg:s7], $0x5FFFF  }
0xac: {  	[dreg:$0x1] =	wrdreg $0xFFFFFFFF  }
0xad: {  	[dreg:$0x0] =	wrdreg $0x60  }
0xae: {  	[dreg:$0x2] =	wrdreg s2  }
0xaf: {  	[dreg:$0x3] =	wrdreg s24  }
0xb0: {  	[dreg:$0x4] =	wrdreg $0x82000  }
0xb1: {  	[dreg:$0x5] =	wrdreg $0x9  }
0xb2: {  	_ =	task.clear_ibuf [dreg:s7], $0x6FFFF;
	_ =	strace $0x90000049  }
0xb3: {  	s29 =	simm.s32 $0x9;
	_ =	strace $0x8000004B  }
0xb4: {  	_ =	swait.ge [sflag:s29], $0x1  }
0xb5: {  	[sflag:s29] =	ssyncadd.s32 $0xFFFFFFFF  }
0xb6: {  	_ =	strace $0x9000004B  }
0xb7: {  	_ =	sfence  }
0xb8: {  	s30 =	sld [smem:$0x0];
	_ =	sdelay $0x2  }
0xb9: {  	s31 =	sshll.u32 s1, $0xD;
	s1 =	sshrl.u32 s1, $0x2  }
0xba: {  	s3 =	sand.u32 $0x4000, s31;
	s1 =	sadd.s32 s1, s30  }
0xbb: {  	s0 =	sor.u32 s3, s0;
	s1 =	sshll.u32 s1, $0x11  }
0xbc: {  	s0 =	sor.u32 s1, s0  }
0xbd: {  	s0 =	sadd.s32 $0x8F2B, s0  }
0xbe: {  	[sflag:s0] =	ssyncadd.remote.s32 $0x1  }
0xbf: {  	_ =	sfence.sel $0xFFFF  }
0xc0: {  	[dreg:$0x0] =	wrdreg $0xFFFFFFFF;
	(pc) =	sbr.abs _section_cstart, $3  }
0xc1: {  	[dreg:$0x1] =	wrdreg $0xFFFFFFFF  }
0xc2: {  	_ =	task.clear_ibuf [dreg:s7], $0x2FFFF;
	_ =	strace $0x9FFFFFFF  }
0xc3: {  	(tm) =	ssettm $0x7FFFFFFF  }
tec
execute0_lowered:
.L_overlay_start_1:
0x0: {  	(tag) =	ssettag $0x1  }
0x1: {  	s1 =	rddreg [dreg:$0x0]  }
0x2: {  	s0 =	srdreg.scid;
	s5 =	rddreg [dreg:$0x1]  }
0x3: {  	s3 =	rddreg [dreg:$0x2];
	s9 =	sand.u32 $0x1, s0  }
0x4: {  	s4 =	simm.s32 $0x0;
	s0 =	stileid.u32;
	s6 =	smul.u32 $0x13C000, s9  }
0x5: {  	s19 =	simm.s32 $0x5;
	s28 =	simm.s32 $0x4;
	s7 =	smul.u32 $0x13C00, s0  }
0x6: {  	s29 =	simm.s32 $0x0;
	[smem:$0x7FF] =	sst s4;
	s20 =	smul.u32 $0x4F000, s0  }
0x7: {  	s17 =	sadd.s32 $0x18600, s5;
	_ =	strace $0x8000004A;
	s14 =	smul.u32 $0x50000, s9  }
0x8: {  	s21 =	sshll.u32 s9, $0x4;
	s22 =	ssub.s32 $0x2, s9;
	s15 =	smul.u32 $0x5000, s0  }
0x9: {  	s8 =	sor.u32 s0, s21;
	s24 =	sshrl.u32 s22, $0x1;
	s21 =	simm.s32 $0x100  }
0xa: {  	s6 =	sadd.s32 s7, s6;
	s23 =	sshrl.u32 s20, $0x2;
	s12 =	smul.u32 $0x5000, s8  }
0xb: {  	s13 =	ssub.s32 s22, s24;
	s15 =	sadd.s32 s15, s14;
	s20 =	simm.s32 $0x80  }
0xc: {  	s22 =	simm.s32 $0x4200;
	s24 =	simm.s32 $0x3;
	s6 =	sshrl.u32 s6, $0x3  }
0xd: {  	s30 =	sor.u32 $0x400, s15;
	s31 =	sor.u32 $0x300, s15;
	s11 =	sadd.s32 s6, s5  }
0xe: {  	s5 =	sadd.s32 s23, s3;
	s10 =	sshrl.u32 s12, $0x3;
	s16 =	sor.u32 $0x100, s12  }
0xf: {  	s18 =	sor.u32 $0x200, s12;
	s12 =	smax.u32 s13, $0x1;
	s23 =	simm.s32 $0x1  }
0x10: {  	s6 =	sadd.s32 $0x4000, s5;
	s7 =	sadd.s32 $0x8000, s5;
	s8 =	sadd.s32 $0xC000, s5  }
0x11: {  	s9 =	sadd.s32 $0x10000, s5;
	s10 =	sadd.s32 s17, s10;
	s11 =	sadd.s32 $0x2C600, s11  }
0x12: {  	s25 =	sshrl.u32 s16, $0x3;
	s26 =	sshrl.u32 s18, $0x3;
	s16 =	sshrl.u32 s30, $0x3  }
0x13: {  	s18 =	sshrl.u32 s31, $0x3;
	s13 =	sadd.s32 s17, s25;
	s14 =	sadd.s32 s17, s26  }
0x14: {  	s15 =	sadd.s32 $0x9E0, s10;
	s16 =	sadd.s32 s16, s17;
	s17 =	sadd.s32 s18, s17  }
0x15: {  	v0 =	vimm.f32 $0.0e+00;
	s18 =	simm.s32 $0x200;
	s25 =	simm.s32 $0x2;
	s26 =	simm.s32 $0x180  }
.LBB2_1:
0x16: {  	s30 =	simm.s32 $0x0;
	s31 =	simm.s32 $0x200  }
.LBB2_2:
0x17: {  	p0 =	sne.s32 s31, $0xFE00;
	[tilespmem:s30+$0x270] =	vst v0  }
0x18: {  	[tilespmem:s30+$0x200] =	vst v0  }
0x19: {  	[tilespmem:s30+$0x210] =	vst v0  }
.Ltmp0:
0x1a: {  	[tilespmem:s30+$0x220] =	vst v0;
	(pc) =	sbr.rel @p0 .LBB2_2-.Ltmp0, $4  }
0x1b: {  	[tilespmem:s30+$0x230] =	vst v0  }
0x1c: {  	[tilespmem:s30+$0x240] =	vst v0  }
0x1d: {  	[tilespmem:s30+$0x250] =	vst v0  }
0x1e: {  	[tilespmem:s30+$0x260] =	vst v0;
	s30 =	sshra.s32 s31, $0x2;
	s31 =	sadd.s32 $0x200, s31  }
0x1f: {  	[tilespmem:s30+$0x270] =	vst v0  }
0x20: {  	[tilespmem:s30+$0x200] =	vst v0  }
0x21: {  	[tilespmem:s30+$0x210] =	vst v0  }
0x22: {  	[tilespmem:s30+$0x220] =	vst v0  }
0x23: {  	[tilespmem:s30+$0x230] =	vst v0  }
0x24: {  	[tilespmem:s30+$0x240] =	vst v0  }
0x25: {  	[tilespmem:s30+$0x250] =	vst v0  }
0x26: {  	[tilespmem:s30+$0x260] =	vst v0  }
0x27: {  	[spmem:s5] =	stream.linear.scatter [tilespmem:s18], [sflag:$0x5], $0x4000, $0x38;
	[tilespmem:$0x1BE00] =	vst v63  }
0x28: {  	_ =	swait.ge [sflag:s19], $0x4000  }
0x29: {  	[sflag:s19] =	ssyncset.done $0x0  }
0x2a: {  	[sflag:s19] =	ssyncadd.s32 $0xFFFFC000  }
0x2b: {  	[spmem:s6] =	stream.linear.scatter [tilespmem:s18], [sflag:$0x5], $0x4000, $0x38;
	[tilespmem:$0x1BE00] =	vst v63  }
0x2c: {  	_ =	swait.ge [sflag:s19], $0x4000  }
0x2d: {  	[sflag:s19] =	ssyncset.done $0x0  }
0x2e: {  	[sflag:s19] =	ssyncadd.s32 $0xFFFFC000  }
0x2f: {  	[spmem:s7] =	stream.linear.scatter [tilespmem:s18], [sflag:$0x5], $0x4000, $0x38;
	[tilespmem:$0x1BE00] =	vst v63  }
0x30: {  	_ =	swait.ge [sflag:s19], $0x4000  }
0x31: {  	[sflag:s19] =	ssyncset.done $0x0  }
0x32: {  	[sflag:s19] =	ssyncadd.s32 $0xFFFFC000  }
0x33: {  	[spmem:s8] =	stream.linear.scatter [tilespmem:s18], [sflag:$0x5], $0x4000, $0x38;
	[tilespmem:$0x1BE00] =	vst v63  }
0x34: {  	_ =	swait.ge [sflag:s19], $0x4000  }
0x35: {  	[sflag:s19] =	ssyncset.done $0x0  }
0x36: {  	[sflag:s19] =	ssyncadd.s32 $0xFFFFC000  }
0x37: {  	[spmem:s9] =	stream.linear.scatter [tilespmem:s18], [sflag:$0x5], $0x3C00, $0x38;
	[tilespmem:$0x1BE00] =	vst v63  }
0x38: {  	_ =	swait.ge [sflag:s19], $0x3C00  }
0x39: {  	[sflag:s19] =	ssyncset.done $0x0  }
0x3a: {  	[sflag:s19] =	ssyncadd.s32 $0xFFFFC400  }
0x3b: {  	s30 =	simm.s32 $0x0;
	[bflag:$0x0] =	sbarrier.arrive $0xFFFF  }
0x3c: {  	[tilespmem:s30], [sflag:$0x5] =	stream.linear.gather [hbm4b:s10+s30], $0x100, $0x38;
	[tilespmem:$0x1BE00] =	vst v63  }
0x3d: {  	_ =	swait.ge [sflag:s19], $0x100  }
0x3e: {  	[sflag:s19] =	ssyncset.done $0x0  }
0x3f: {  	[sflag:s19] =	ssyncadd.s32 $0xFFFFFF00  }
0x40: {  	[tilespmem:s18], [sflag:$0x1] =	stream.indirect.gather [hbm4b:s1+s20], $0x80, s30, s20, $0xb8;
	[tilespmem:$0x1BE00] =	vst v63  }
0x41: {  	_ = 	snop  }
0x42: {  	[tilespmem:s21], [sflag:$0x5] =	stream.linear.gather [hbm4b:s13+s30], $0x100, $0x38;
	[tilespmem:$0x1BE00] =	vst v63  }
0x43: {  	_ =	swait.ge [sflag:s19], $0x100  }
0x44: {  	[sflag:s19] =	ssyncset.done $0x0  }
0x45: {  	[sflag:s19] =	ssyncadd.s32 $0xFFFFFF00  }
0x46: {  	[tilespmem:s22], [sflag:$0x2] =	stream.indirect.gather [hbm4b:s1+s20], $0x80, s21, s20, $0xb8;
	[tilespmem:$0x1BE00] =	vst v63  }
0x47: {  	_ =	swait.ge [sflag:s23], $0x4000  }
0x48: {  	[sflag:s23] =	ssyncset.done $0x0  }
0x49: {  	[sflag:s23] =	ssyncadd.s32 $0xFFFFC000  }
0x4a: {  	[spmem:s3] =	stream.indirect.scatter.add.f32 [tilespmem:s18], [sflag:$0x3], $0x80, s20, s20, $0xb8;
	[tilespmem:$0x1BE00] =	vst v63  }
0x4b: {  	_ =	swait.ge [sflag:s24], $0x4000  }
0x4c: {  	[sflag:s24] =	ssyncset.done $0x0  }
0x4d: {  	[sflag:s24] =	ssyncadd.s32 $0xFFFFC000  }
0x4e: {  	[tilespmem:s30], [sflag:$0x5] =	stream.linear.gather [hbm4b:s14+s30], $0x100, $0x38;
	[tilespmem:$0x1BE00] =	vst v63  }
0x4f: {  	_ =	swait.ge [sflag:s19], $0x100  }
0x50: {  	[sflag:s19] =	ssyncset.done $0x0  }
0x51: {  	[sflag:s19] =	ssyncadd.s32 $0xFFFFFF00  }
0x52: {  	[tilespmem:s18], [sflag:$0x1] =	stream.indirect.gather [hbm4b:s1+s20], $0x80, s30, s20, $0xb8;
	[tilespmem:$0x1BE00] =	vst v63  }
0x53: {  	_ =	swait.ge [sflag:s25], $0x4000  }
0x54: {  	[sflag:s25] =	ssyncset.done $0x0  }
0x55: {  	[sflag:s25] =	ssyncadd.s32 $0xFFFFC000  }
0x56: {  	[spmem:s3] =	stream.indirect.scatter.add.f32 [tilespmem:s22], [sflag:$0x4], $0x80, s26, s20, $0xb8;
	[tilespmem:$0x1BE00] =	vst v63  }
0x57: {  	_ =	swait.ge [sflag:s28], $0x4000  }
0x58: {  	[sflag:s28] =	ssyncset.done $0x0  }
0x59: {  	s30 =	sadd.s32 $0x0, s17;
	[sflag:s28] =	ssyncadd.s32 $0xFFFFC000  }
0x5a: {  	[tilespmem:s21], [sflag:$0x5] =	stream.linear.gather [hbm4b:s30+s4], $0x100, $0x38;
	[tilespmem:$0x1BE00] =	vst v63  }
0x5b: {  	_ =	swait.ge [sflag:s19], $0x100  }
0x5c: {  	[sflag:s19] =	ssyncset.done $0x0  }
0x5d: {  	[sflag:s19] =	ssyncadd.s32 $0xFFFFFF00  }
0x5e: {  	[tilespmem:s22], [sflag:$0x2] =	stream.indirect.gather [hbm4b:s1+s20], $0x80, s21, s20, $0xb8;
	[tilespmem:$0x1BE00] =	vst v63  }
0x5f: {  	_ =	swait.ge [sflag:s23], $0x4000  }
0x60: {  	[sflag:s23] =	ssyncset.done $0x0  }
0x61: {  	[sflag:s23] =	ssyncadd.s32 $0xFFFFC000  }
0x62: {  	[spmem:s3] =	stream.indirect.scatter.add.f32 [tilespmem:s18], [sflag:$0x3], $0x80, s20, s20, $0xb8;
	[tilespmem:$0x1BE00] =	vst v63  }
0x63: {  	_ =	swait.ge [sflag:s24], $0x4000  }
0x64: {  	[sflag:s24] =	ssyncset.done $0x0  }
0x65: {  	s30 =	sadd.s32 $0x0, s16;
	[sflag:s24] =	ssyncadd.s32 $0xFFFFC000  }
0x66: {  	[tilespmem:s4], [sflag:$0x5] =	stream.linear.gather [hbm4b:s30+s4], $0x100, $0x38;
	[tilespmem:$0x1BE00] =	vst v63  }
0x67: {  	_ =	swait.ge [sflag:s19], $0x100  }
0x68: {  	[sflag:s19] =	ssyncset.done $0x0  }
0x69: {  	[sflag:s19] =	ssyncadd.s32 $0xFFFFFF00  }
0x6a: {  	[tilespmem:s18], [sflag:$0x1] =	stream.indirect.gather [hbm4b:s1+s20], $0x80, s4, s20, $0xb8;
	[tilespmem:$0x1BE00] =	vst v63  }
0x6b: {  	_ =	swait.ge [sflag:s25], $0x4000  }
0x6c: {  	[sflag:s25] =	ssyncset.done $0x0  }
0x6d: {  	s30 =	simm.s32 $0x40;
	[sflag:s25] =	ssyncadd.s32 $0xFFFFC000  }
.LBB2_4:
0x6e: {  	[spmem:s3] =	stream.indirect.scatter.add.f32 [tilespmem:s22], [sflag:$0x4], $0x80, s26, s20, $0xb8;
	[tilespmem:$0x1BE00] =	vst v63  }
0x6f: {  	s31 =	smov.u32 s30  }
0x70: {  	p0 =	sne.s32 s30, $0x940;
	s30 =	sadd.s32 $0x40, s30;
	_ =	swait.ge [sflag:s28], $0x4000  }
0x71: {  	[sflag:s28] =	ssyncset.done $0x0  }
0x72: {  	s2 =	sadd.s32 s31, s17;
	[sflag:s28] =	ssyncadd.s32 $0xFFFFC000  }
0x73: {  	[tilespmem:s21], [sflag:$0x5] =	stream.linear.gather [hbm4b:s2+s4], $0x100, $0x38;
	[tilespmem:$0x1BE00] =	vst v63  }
0x74: {  	_ =	swait.ge [sflag:s19], $0x100  }
0x75: {  	[sflag:s19] =	ssyncset.done $0x0  }
0x76: {  	[sflag:s19] =	ssyncadd.s32 $0xFFFFFF00  }
0x77: {  	[tilespmem:s22], [sflag:$0x2] =	stream.indirect.gather [hbm4b:s1+s20], $0x80, s21, s20, $0xb8;
	[tilespmem:$0x1BE00] =	vst v63  }
0x78: {  	_ =	swait.ge [sflag:s23], $0x4000  }
0x79: {  	[sflag:s23] =	ssyncset.done $0x0  }
0x7a: {  	[sflag:s23] =	ssyncadd.s32 $0xFFFFC000  }
0x7b: {  	[spmem:s3] =	stream.indirect.scatter.add.f32 [tilespmem:s18], [sflag:$0x3], $0x80, s20, s20, $0xb8;
	[tilespmem:$0x1BE00] =	vst v63  }
0x7c: {  	_ =	swait.ge [sflag:s24], $0x4000  }
0x7d: {  	[sflag:s24] =	ssyncset.done $0x0  }
0x7e: {  	s2 =	sadd.s32 s31, s16;
	[sflag:s24] =	ssyncadd.s32 $0xFFFFC000  }
0x7f: {  	[tilespmem:s4], [sflag:$0x5] =	stream.linear.gather [hbm4b:s2+s4], $0x100, $0x38;
	[tilespmem:$0x1BE00] =	vst v63  }
0x80: {  	_ =	swait.ge [sflag:s19], $0x100  }
0x81: {  	[sflag:s19] =	ssyncset.done $0x0  }
.Ltmp1:
0x82: {  	[sflag:s19] =	ssyncadd.s32 $0xFFFFFF00;
	(pc) =	sbr.rel @p0 .LBB2_4-.Ltmp1, $4  }
0x83: {  	[tilespmem:s18], [sflag:$0x1] =	stream.indirect.gather [hbm4b:s1+s20], $0x80, s4, s20, $0xb8;
	[tilespmem:$0x1BE00] =	vst v63  }
0x84: {  	_ =	swait.ge [sflag:s25], $0x4000  }
0x85: {  	[sflag:s25] =	ssyncset.done $0x0  }
0x86: {  	[sflag:s25] =	ssyncadd.s32 $0xFFFFC000  }
0x87: {  	[spmem:s3] =	stream.indirect.scatter.add.f32 [tilespmem:s22], [sflag:$0x4], $0x80, s26, s20, $0xb8;
	[tilespmem:$0x1BE00] =	vst v63  }
0x88: {  	_ =	swait.ge [sflag:s28], $0x4000  }
0x89: {  	[sflag:s28] =	ssyncset.done $0x0  }
0x8a: {  	[sflag:s28] =	ssyncadd.s32 $0xFFFFC000  }
0x8b: {  	[tilespmem:s21], [sflag:$0x5] =	stream.linear.gather [hbm4b:s15+s4], $0x100, $0x38;
	[tilespmem:$0x1BE00] =	vst v63  }
0x8c: {  	_ =	swait.ge [sflag:s19], $0x100  }
0x8d: {  	[sflag:s19] =	ssyncset.done $0x0  }
0x8e: {  	[sflag:s19] =	ssyncadd.s32 $0xFFFFFF00  }
0x8f: {  	[tilespmem:s22], [sflag:$0x2] =	stream.indirect.gather [hbm4b:s1+s20], $0x80, s21, s20, $0xb8;
	[tilespmem:$0x1BE00] =	vst v63  }
0x90: {  	_ =	swait.ge [sflag:s23], $0x4000  }
0x91: {  	[sflag:s23] =	ssyncset.done $0x0  }
0x92: {  	[sflag:s23] =	ssyncadd.s32 $0xFFFFC000  }
0x93: {  	[spmem:s3] =	stream.indirect.scatter.add.f32 [tilespmem:s18], [sflag:$0x3], $0x80, s20, s20, $0xb8;
	[tilespmem:$0x1BE00] =	vst v63  }
0x94: {  	_ =	swait.ge [sflag:s24], $0x4000  }
0x95: {  	[sflag:s24] =	ssyncset.done $0x0  }
0x96: {  	[sflag:s24] =	ssyncadd.s32 $0xFFFFC000  }
0x97: {  	_ =	swait.ge [sflag:s25], $0x4000  }
0x98: {  	[sflag:s25] =	ssyncset.done $0x0  }
0x99: {  	[sflag:s25] =	ssyncadd.s32 $0xFFFFC000  }
0x9a: {  	[spmem:s3] =	stream.indirect.scatter.add.f32 [tilespmem:s22], [sflag:$0x4], $0x80, s26, s20, $0xb8;
	[tilespmem:$0x1BE00] =	vst v63  }
0x9b: {  	_ =	swait.ge [sflag:s28], $0x4000  }
0x9c: {  	s2 =	sshll.u32 s0, $0x6;
	s29 =	sadd.s32 $0x1, s29;
	[sflag:s28] =	ssyncset.done $0x0  }
0x9d: {  	s30 =	sshrl.u32 s5, $0x3;
	p0 =	sne.s32 s29, s12;
	[sflag:s28] =	ssyncadd.s32 $0xFFFFC000  }
.Ltmp2:
0x9e: {  	s2 =	sor.u32 $0x1C05, s2;
	[bflag:$0x0] =	sbarrier.arrive $0xFFFF;
	(pc) =	sbr.rel @p0 .LBB2_1-.Ltmp2, $4  }
0x9f: {  	[hbm:s11], [sflag:s2] =	dma.local [spmem:s30], $0x2780  }
0xa0: {  	_ =	swait.ge [sflag:s19], $0x2780  }
0xa1: {  	[sflag:s19] =	ssyncset.done $0x0  }
0xa2: {  	[sflag:s19] =	ssyncadd.s32 $0xFFFFD880  }
0xa3: {  	_ =	sfence.sel $0x180000  }
0xa4: {  	[bflag:$0x0] =	sbarrier.arrive $0xFFFF  }
0xa5: {  	_ =	strace $0x9000004A  }
0xa6: {  	[bflag:$0x2] =	sbarrier.arrive $0xFFFF  }
0xa7: {  	p0 =	sne.s32 s0, $0x0;
	s0 =	rddreg [dreg:$0x3]  }
0xa8: {  	s0 =	sadd.s32 @!p0 $0x100000, s0  }
0xa9: {  	[sflag:s0] =	ssyncadd.tile.s32 @!p0 $0x1;
	_ =	shalt  }
.Lfunc_end2:
_tile_overlayer_lowered:
.L_overlay_start_2:
0xaa: {  	(tag) =	ssettag $0x2  }
0xab: {  	s0 =	rddreg [dreg:$0x0];
	s2 =	stileid.u32  }
0xac: {  	s1 =	rddreg [dreg:$0x1];
	p0 =	sne.s32 s2, $0x0  }
0xad: {  	s3 =	rddreg [dreg:$0x2];
	[bflag:$0x3] =	sbarrier.arrive $0xFFFF;
	s2 =	simm.s32 @!p0 $0x1C05  }
0xae: {  	[timem:s3], [sflag:s2] =	dma.local @!p0 [hbm:s0], s1  }
0xaf: {  	s0 =	simm.s32 @!p0 $0x5  }
0xb0: {  	_ =	swait.ge @!p0 [sflag:s0], s1  }
0xb1: {  	s1 =	ssub.s32 @!p0 $0x0, s1;
	[sflag:s0] =	ssyncset.done @!p0 $0x0  }
0xb2: {  	[sflag:s0] =	ssyncadd.s32 @!p0 s1  }
0xb3: {  	[bflag:$0x3] =	sbarrier.arrive $0xFFFF  }
0xb4: {  	_ =	shalt  }

// kernel: kernel.15.cloned.1.call-start
scs
__scs_entry_jumppad:
0x0: {  	(pc) =	sbr.rel $0x88, $3  }
0x1: {  	(tag) =	ssettag $0x0;
	lr =	simm.s32 $0x1  }
0x2: {  	[smem:$0x3F96] =	sst lr;
	_ =	strace $0xD0000000  }
0x3: {  	_ = 	snop  }
0x4: {  	_ = 	snop  }
0x5: {  	_ = 	snop  }
0x6: {  	_ = 	snop  }
0x7: {  	_ = 	snop  }
__scs_overlays_trampoline_lowered:
0x8: {  	[smem:$0x3FA5] =	sst s0  }
0x9: {  	[smem:$0x3FA6] =	sst s1  }
0xa: {  	[smem:$0x3FA7] =	sst s2  }
0xb: {  	[smem:$0x3FA8] =	sst s3  }
0xc: {  	[smem:$0x3FA9] =	sst s4  }
0xd: {  	[smem:$0x3FAA] =	sst s5  }
0xe: {  	[smem:$0x3FAB] =	sst s6  }
0xf: {  	[smem:$0x3FAC] =	sst s7  }
0x10: {  	[smem:$0x3FAD] =	sst s8  }
0x11: {  	[smem:$0x3FAE] =	sst s9;
	s0 =	simm.s32 @!p0 $0x0  }
0x12: {  	s1 =	sld [smem:$0x3F94];
	s0 =	simm.s32 @p0 $0x1  }
0x13: {  	[smem:$0x3FAF] =	sst s0;
	s0 =	simm.s32 @!p1 $0x0  }
0x14: {  	s2 =	sld [smem:$0x3F93];
	s0 =	simm.s32 @p1 $0x1  }
0x15: {  	[smem:$0x3FB0] =	sst s0;
	s0 =	simm.s32 @!p2 $0x0  }
0x16: {  	s3 =	sld [smem:$0x3FDB];
	s0 =	simm.s32 @p2 $0x1  }
0x17: {  	s4 =	simm.s32 $0x1BF5;
	[smem:$0x3FB2] =	sst s0  }
0x18: {  	s0 =	sld [smem:$0x3F95];
	_ =	swait.ge [sflag:s4], $0x0  }
0x19: {  	s7 =	sld [smem:$0x3F96]  }
0x1a: {  	s8 =	sadd.s32 $0xFFFFE003, lr  }
0x1b: {  	s9 =	sadd.s32 $0xFFFFFEF7, lr;
	s5 =	simm.s32 $0xFFFFFFFF;
	p2 =	slt.u32 s8, $0xFFFFF086  }
0x1c: {  	p1 =	slt.u32 s9, $0xF7A;
	s5 =	simm.s32 @!p2 $0x0  }
0x1d: {  	s5 =	simm.s32 @p1 $0x1;
	p0 =	seq.s32 s7, s2  }
0x1e: {  	s7 =	smul.u32 @!p0 $0xF7A, s2;
	p2 =	seq.s32 @!p0 s5, $0x0  }
0x1f: {  	s9 =	smul.u32 $0xF7A, s1;
	s8 =	simm.s32 @!p0 $0x1BF5;
	p2 =	por !p2, p0  }
0x20: {  	[sflag:s8] =	ssyncset.s32 @!p0 $0xFFFFF086;
	s6 =	sadd.s32 @!p0 s3, s7;
	s7 =	simm.s32 @!p0 $0x108  }
0x21: {  	s3 =	sadd.s32 s3, s9;
	s6 =	sadd.s32 @!p0 $0x88, s6;
	s7 =	simm.s32 @p2 $0x1082  }
0x22: {  	[simem:s7], [sflag:s8] =	dma.local @!p0 [hbm:s6], $0xF7A  }
0x23: {  	s9 =	sor.u32 $0xD0000000, s2;
	s6 =	simm.s32 $0x108;
	_ =	swait.ge @!p0 [sflag:s8], $0x0  }
0x24: {  	s3 =	sadd.s32 $0x88, s3;
	s6 =	simm.s32 @!p1 $0x1082;
	[sflag:s4] =	ssyncset.s32 $0xFFFFF086  }
0x25: {  	[simem:s6], [sflag:s4] =	dma.local [hbm:s3], $0xF7A  }
0x26: {  	[smem:$0x3F96] =	sst s1;
	(tag) =	ssettag s2;
	_ =	strace s9  }
0x27: {  	s1 =	sld [smem:$0x3FA6]  }
0x28: {  	s2 =	sld [smem:$0x3FA7]  }
0x29: {  	s4 =	sld [smem:$0x3FA9]  }
0x2a: {  	p0 =	seq.s32 s5, $0x0;
	s5 =	sld [smem:$0x3FAA]  }
0x2b: {  	s6 =	sld [smem:$0x3FAB]  }
0x2c: {  	s7 =	sld [smem:$0x3FAC]  }
0x2d: {  	s3 =	simm.s32 $0x108;
	s8 =	sld [smem:$0x3FAD]  }
0x2e: {  	s3 =	simm.s32 @!p0 $0x1082;
	s9 =	sld [smem:$0x3FAE]  }
0x2f: {  	lr =	sadd.s32 s0, s3;
	s0 =	sld [smem:$0x3FA5]  }
0x30: {  	s3 =	sld [smem:$0x3FA8]  }
0x31: {  	[smem:$0x3FB1] =	sst s10  }
0x32: {  	s10 =	sld [smem:$0x3FAF];
	_ =	sdelay $0x3  }
0x33: {  	p0 =	seq.s32 s10, $0x1;
	s10 =	sld [smem:$0x3FB1];
	_ =	sdelay $0x3  }
0x34: {  	[smem:$0x3FB1] =	sst s10  }
0x35: {  	s10 =	sld [smem:$0x3FB0];
	_ =	sdelay $0x3  }
0x36: {  	p1 =	seq.s32 s10, $0x1;
	s10 =	sld [smem:$0x3FB1];
	_ =	sdelay $0x3  }
0x37: {  	[smem:$0x3FB1] =	sst s10  }
0x38: {  	s10 =	sld [smem:$0x3FB2]  }
0x39: {  	_ = 	snop;
	(pc) =	sbr.ind lr, $3  }
0x3a: {  	_ = 	snop  }
0x3b: {  	_ = 	snop  }
0x3c: {  	p2 =	seq.s32 s10, $0x1;
	s10 =	sld [smem:$0x3FB1]  }
0x3d: {  	_ =	shalt  }
0x3e: {  	_ =	shalt  }
0x3f: {  	_ =	shalt  }
0x40: {  	_ =	shalt  }
0x41: {  	_ =	shalt  }
0x42: {  	_ =	shalt  }
0x43: {  	_ =	shalt  }
0x44: {  	_ =	shalt  }
0x45: {  	_ =	shalt  }
0x46: {  	_ =	shalt  }
0x47: {  	_ =	shalt  }
0x48: {  	_ =	shalt  }
0x49: {  	_ =	shalt  }
0x4a: {  	_ =	shalt  }
0x4b: {  	_ =	shalt  }
0x4c: {  	_ =	shalt  }
0x4d: {  	_ =	shalt  }
0x4e: {  	_ =	shalt  }
0x4f: {  	_ =	shalt  }
0x50: {  	_ =	shalt  }
0x51: {  	_ =	shalt  }
0x52: {  	_ =	shalt  }
0x53: {  	_ =	shalt  }
0x54: {  	_ =	shalt  }
0x55: {  	_ =	shalt  }
0x56: {  	_ =	shalt  }
0x57: {  	_ =	shalt  }
0x58: {  	_ =	shalt  }
0x59: {  	_ =	shalt  }
0x5a: {  	_ =	shalt  }
0x5b: {  	_ =	shalt  }
0x5c: {  	_ =	shalt  }
0x5d: {  	_ =	shalt  }
0x5e: {  	_ =	shalt  }
0x5f: {  	_ =	shalt  }
0x60: {  	_ =	shalt  }
0x61: {  	_ =	shalt  }
0x62: {  	_ =	shalt  }
0x63: {  	_ =	shalt  }
0x64: {  	_ =	shalt  }
0x65: {  	_ =	shalt  }
0x66: {  	_ =	shalt  }
0x67: {  	_ =	shalt  }
0x68: {  	_ =	shalt  }
0x69: {  	_ =	shalt  }
0x6a: {  	_ =	shalt  }
0x6b: {  	_ =	shalt  }
0x6c: {  	_ =	shalt  }
0x6d: {  	_ =	shalt  }
0x6e: {  	_ =	shalt  }
0x6f: {  	_ =	shalt  }
0x70: {  	_ =	shalt  }
0x71: {  	_ =	shalt  }
0x72: {  	_ =	shalt  }
0x73: {  	_ =	shalt  }
0x74: {  	_ =	shalt  }
0x75: {  	_ =	shalt  }
0x76: {  	_ =	shalt  }
0x77: {  	_ =	shalt  }
0x78: {  	_ =	shalt  }
0x79: {  	_ =	shalt  }
0x7a: {  	_ =	shalt  }
0x7b: {  	_ =	shalt  }
0x7c: {  	_ =	shalt  }
0x7d: {  	_ =	shalt  }
0x7e: {  	_ =	shalt  }
0x7f: {  	_ =	shalt  }
0x80: {  	_ =	shalt  }
0x81: {  	_ =	shalt  }
0x82: {  	_ =	shalt  }
0x83: {  	_ =	shalt  }
0x84: {  	_ =	shalt  }
0x85: {  	_ =	shalt  }
0x86: {  	_ =	shalt  }
0x87: {  	_ =	shalt  }
.Lfunc_end0:
.L_simem_size_0:
called_computation.2_lowered:
.L_overlay_start_0:
0x88: {  	s2 =	sld [smem:$0x3FD9]  }
0x89: {  	s3 =	sld [smem:$0x3FFE];
	_ =	sdelay $0x1  }
0x8a: {  	s1 =	srdreg.scid  }
0x8b: {  	s0 =	sand.u32 $0x1, s1  }
0x8c: {  	s16 =	sshll.u32 s0, $0xA;
	s2 =	sadd.s32 s3, s2  }
0x8d: {  	s2 =	sadd.s32 s2, s16  }
0x8e: {  	[smem:$0x3FBD] =	sst s2  }
0x8f: {  	_ = 	snop  }
0x90: {  	(tm) =	ssettm $0x1  }
0x91: {  	s17 =	sld [smem:$0x3FFB];
	_ =	sdelay $0x3  }
0x92: {  	_ =	strace s17  }
0x93: {  	s2 =	sld [smem:$0x3FFC];
	_ =	sdelay $0x3  }
0x94: {  	_ =	strace s2  }
0x95: {  	s2 =	sld [smem:$0x3FFD];
	_ =	sdelay $0x3  }
0x96: {  	_ =	strace s2  }
0x97: {  	_ =	strace $0x8FFFFFFF  }
0x98: {  	s18 =	sld [smem:$0x3FDB];
	_ =	sdelay $0x1  }
0x99: {  	s19 =	simm.s32 $_scs_section_size  }
0x9a: {  	s4 =	simm.s32 $_size__tile_overlayer_lowered;
	s5 =	simm.s32 $_tile_overlayer_lowered  }
0x9b: {  	s22 =	simm.s32 $0x1BFF;
	s21 =	sshll.u32 s5, $0x1;
	s2 =	sadd.s32 s19, s18  }
0x9c: {  	s6 =	simm.s32 $0x0;
	s20 =	sshll.u32 s4, $0x1;
	s4 =	sadd.s32 s21, s2  }
0x9d: {  	[timem:s6], [sflag:s22] =	dma.local [hbm:s4], s20  }
0x9e: {  	_ =	swait.ge [sflag:s22], s20  }
0x9f: {  	s3 =	ssub.s32 $0x0, s20;
	[sflag:s22] =	ssyncset.done $0x0  }
0xa0: {  	[sflag:s22] =	ssyncadd.s32 s3;
	_ =	sdelay $0x1  }
0xa1: {  	s23 =	simm.s32 $0x1B8B  }
0xa2: {  	_ =	swait.ge [sflag:s23], $0x1  }
0xa3: {  	[sflag:s23] =	ssyncset.done $0x0  }
0xa4: {  	s25 =	simm.s32 $0x1B8E;
	s24 =	sld [smem:$0x3FFE];
	[sflag:s23] =	ssyncadd.s32 $0xFFFFFFFF  }
0xa5: {  	s26 =	simm.s32 $execute0_lowered;
	[smem:$0x3FD2] =	sst s25  }
0xa6: {  	s4 =	sshll.u32 s26, $0x1;
	_ =	strace $0x8000004C;
	[dreg:$0x1] =	wrdreg $0xFFFFFFFF  }
0xa7: {  	s28 =	simm.s32 $_size_execute0_lowered;
	s2 =	sadd.s32 s2, s4;
	[dreg:$0x0] =	wrdreg $0x0  }
0xa8: {  	s4 =	sshll.u32 s28, $0x1;
	[dreg:$0x2] =	wrdreg s2  }
0xa9: {  	[dreg:$0x3] =	wrdreg s4  }
0xaa: {  	[dreg:$0x4] =	wrdreg $0xC0  }
0xab: {  	_ =	task [dreg:s6], $0x5FFFF  }
0xac: {  	[dreg:$0x1] =	wrdreg $0xFFFFFFFF  }
0xad: {  	[dreg:$0x0] =	wrdreg $0x60  }
0xae: {  	[dreg:$0x2] =	wrdreg s24  }
0xaf: {  	[dreg:$0x3] =	wrdreg $0xC7800  }
0xb0: {  	[dreg:$0x4] =	wrdreg $0x9  }
0xb1: {  	_ =	task.clear_ibuf [dreg:s6], $0x5FFFF;
	_ =	strace $0x9000004C  }
0xb2: {  	s29 =	simm.s32 $0x9;
	_ =	strace $0x8000004E  }
0xb3: {  	_ =	swait.ge [sflag:s29], $0x1  }
0xb4: {  	[sflag:s29] =	ssyncadd.s32 $0xFFFFFFFF  }
0xb5: {  	_ =	strace $0x9000004E  }
0xb6: {  	_ =	sfence  }
0xb7: {  	s30 =	sld [smem:$0x0];
	_ =	sdelay $0x2  }
0xb8: {  	s31 =	sshll.u32 s1, $0xD;
	s1 =	sshrl.u32 s1, $0x2  }
0xb9: {  	s3 =	sand.u32 $0x4000, s31;
	s1 =	sadd.s32 s1, s30  }
0xba: {  	s0 =	sor.u32 s3, s0;
	s1 =	sshll.u32 s1, $0x11  }
0xbb: {  	s0 =	sor.u32 s1, s0  }
0xbc: {  	s0 =	sadd.s32 $0x8F2B, s0  }
0xbd: {  	[sflag:s0] =	ssyncadd.remote.s32 $0x1  }
0xbe: {  	_ =	sfence.sel $0xFFFF  }
0xbf: {  	[dreg:$0x0] =	wrdreg $0xFFFFFFFF;
	(pc) =	sbr.abs _section_cstart, $3  }
0xc0: {  	[dreg:$0x1] =	wrdreg $0xFFFFFFFF  }
0xc1: {  	_ =	task.clear_ibuf [dreg:s6], $0x2FFFF;
	_ =	strace $0x9FFFFFFF  }
0xc2: {  	(tm) =	ssettm $0x7FFFFFFF  }
0xc3: {  	_ =	shalt  }
tec
execute0_lowered:
.L_overlay_start_1:
0x0: {  	(tag) =	ssettag $0x1  }
0x1: {  	s6 =	rddreg [dreg:$0x0]  }
0x2: {  	s1 =	rddreg [dreg:$0x1]  }
0x3: {  	s3 =	srdreg.scid;
	s0 =	rddreg [dreg:$0x2];
	s2 =	simm.s32 $0x0  }
0x4: {  	s11 =	stileid.u32;
	s13 =	simm.s32 $0x9F80;
	s14 =	simm.s32 $0xC700  }
0x5: {  	s15 =	simm.s32 $0x2800;
	s16 =	simm.s32 $0x80;
	s17 =	simm.s32 $0x5000  }
0x6: {  	s19 =	simm.s32 $0x0;
	s4 =	sand.u32 $0x1, s3;
	[smem:$0x7FF] =	sst s2  }
0x7: {  	s3 =	sadd.s32 $0x18800, s6;
	p0 =	sne.s32 s11, $0x0;
	s7 =	sshll.u32 s4, $0x4  }
0x8: {  	_ =	strace $0x8000004D;
	s9 =	ssub.s32 $0x2, s4;
	s4 =	sadd.s32 $0x18E00, s6  }
0x9: {  	s18 =	sshrl.u32 @!p0 s1, $0x3;
	s5 =	sor.u32 s11, s7;
	s10 =	sshrl.u32 s9, $0x1  }
0xa: {  	s12 =	sadd.s32 s7, s6;
	s11 =	simm.s32 $0x7800;
	s8 =	smul.u32 $0x500, s5  }
0xb: {  	s5 =	sadd.s32 $0x18600, s6;
	s10 =	ssub.s32 s9, s10;
	s9 =	sadd.s32 $0x23400, s12  }
0xc: {  	s12 =	simm.s32 $0x1;
	s10 =	smax.u32 s10, $0x1;
	s8 =	sadd.s32 s8, s6  }
0xd: {  	v0 =	vimm.f32 $0.0e+00;
	s6 =	sadd.s32 $0xE600, s8;
	s7 =	sadd.s32 $0x4600, s8;
	s8 =	sadd.s32 $0x19400, s8  }
.LBB2_1:
0xe: {  	s20 =	simm.s32 $0x40;
	s21 =	simm.s32 $0x0  }
.LBB2_2:
0xf: {  	p1 =	sne.s32 s20, $0x9DC0;
	[tilespmem:s21+$0x7800] =	vst v0;
	s21 =	smov.u32 s20;
	s20 =	sadd.s32 $0x40, s20  }
.Ltmp0:
0x10: {  	(pc) =	sbr.rel @p1 .LBB2_2-.Ltmp0, $2  }
0x11: {  	_ =	sdelay $0x2  }
0x12: {  	s21 =	sshra.s32 s21, $0x2  }
0x13: {  	[tilespmem:s21+$0x7800] =	vst v0;
	s20 =	simm.s32 @!p0 $0x7800  }
0x14: {  	[spmem:s1] =	stream.linear.scatter @!p0 [tilespmem:s20], [sflag:$0x1], $0x2780, $0x38;
	[tilespmem:$0xC9F8] =	vst v63  }
0x15: {  	s20 =	simm.s32 @!p0 $0x1  }
0x16: {  	_ =	swait.ge @!p0 [sflag:s20], $0x2780  }
0x17: {  	[sflag:s20] =	ssyncset.done @!p0 $0x0  }
0x18: {  	[sflag:s20] =	ssyncadd.s32 @!p0 $0xFFFFD880  }
0x19: {  	s31 =	simm.s32 $0x0;
	[bflag:$0x0] =	sbarrier.arrive $0xFFFF  }
0x1a: {  	[tilespmem:s11], [sflag:$0x1] =	stream.linear.gather [hbm4b:s3+s31], $0x2780, $0x38;
	[tilespmem:$0xC9F8] =	vst v63  }
0x1b: {  	_ =	swait.ge [sflag:s12], $0x2780  }
0x1c: {  	[sflag:s12] =	ssyncset.done $0x0  }
0x1d: {  	[sflag:s12] =	ssyncadd.s32 $0xFFFFD880  }
0x1e: {  	[tilespmem:s13], [sflag:$0x1] =	stream.linear.gather [hbm4b:s4+s31], $0x2780, $0x38;
	[tilespmem:$0xC9F8] =	vst v63  }
0x1f: {  	_ =	swait.ge [sflag:s12], $0x2780  }
0x20: {  	[sflag:s12] =	ssyncset.done $0x0  }
0x21: {  	[sflag:s12] =	ssyncadd.s32 $0xFFFFD880  }
0x22: {  	[tilespmem:s14], [sflag:$0x1] =	stream.linear.gather [hbm4b:s5+s31], $0x80, $0x38;
	[tilespmem:$0xC9F8] =	vst v63  }
0x23: {  	_ =	swait.ge [sflag:s12], $0x80  }
0x24: {  	[sflag:s12] =	ssyncset.done $0x0  }
0x25: {  	[sflag:s12] =	ssyncadd.s32 $0xFFFFFF80  }
0x26: {  	[tilespmem:s31], [sflag:$0x1] =	stream.linear.gather [hbm4b:s6+s31], $0x2800, $0x38;
	[tilespmem:$0xC9F8] =	vst v63  }
0x27: {  	_ =	swait.ge [sflag:s12], $0x2800  }
0x28: {  	[sflag:s12] =	ssyncset.done $0x0  }
0x29: {  	[sflag:s12] =	ssyncadd.s32 $0xFFFFD800  }
0x2a: {  	[tilespmem:s15], [sflag:$0x1] =	stream.linear.gather [hbm4b:s7+s31], $0x2800, $0x38;
	[tilespmem:$0xC9F8] =	vst v63  }
0x2b: {  	_ =	swait.ge [sflag:s12], $0x2800  }
0x2c: {  	[sflag:s12] =	ssyncset.done $0x0  }
0x2d: {  	s20 =	simm.s32 $0x0;
	[sflag:s12] =	ssyncadd.s32 $0xFFFFD800  }
0x2e: {  	v1 =	vld [tilespmem:s20+$0x0]  }
0x2f: {  	v2 =	vld [tilespmem:s20+$0x2800];
	_ =	sdelay $0x6  }
0x30: {  	v3 =	vld.idx.msk [tilespmem:v1+s11+$0x0], $0xffff  }
0x31: {  	v2 =	vld.idx.msk [tilespmem:v2+s13+$0x0], $0xffff;
	_ =	sdelay $0x4  }
0x32: {  	v1 =	vld [tilespmem:$0xC700];
	v2 =	vadd.f32 v2, v3;
	_ =	sdelay $0x1  }
0x33: {  	v3 =	vmul.f32 $2.000000030e-01, v2  }
0x34: {  	vm0 =	vgt.f32 v2, $0.0e+00  }
0x35: {  	v2 =	vsel vm0, v2, v3  }
0x36: {  	v2 =	vsub.f32 v2, v1;
	_ =	sdelay $0x1  }
0x37: {  	v2 =	vmul.f32 $1.442695020e+00, v2;
	_ =	sdelay $0x1  }
0x38: {  	(erf) = vpow2.f32 v2;
	_ =	sdelay $0x2  }
0x39: {  	v2 =	vld [tilespmem:s20+$0x10]  }
0x3a: {  	v3 =	vld [tilespmem:s20+$0x2810];
	_ =	sdelay $0x4  }
0x3b: {  	v4 =	vpop (erf)  }
0x3c: {  	[tilespmem:s20+$0x5000] =	vst v4  }
0x3d: {  	v2 =	vld.idx.msk [tilespmem:v2+s11+$0x0], $0xffff  }
0x3e: {  	v3 =	vld.idx.msk [tilespmem:v3+s13+$0x0], $0xffff;
	_ =	sdelay $0x4  }
0x3f: {  	v2 =	vadd.f32 v3, v2;
	_ =	sdelay $0x1  }
0x40: {  	v3 =	vmul.f32 $2.000000030e-01, v2  }
0x41: {  	vm9 =	vgt.f32 v2, $0.0e+00  }
0x42: {  	v2 =	vsel vm9, v2, v3  }
0x43: {  	v2 =	vsub.f32 v2, v1;
	_ =	sdelay $0x1  }
0x44: {  	v2 =	vmul.f32 $1.442695020e+00, v2;
	_ =	sdelay $0x1  }
0x45: {  	(erf) = vpow2.f32 v2;
	_ =	sdelay $0x2  }
0x46: {  	v2 =	vld [tilespmem:s20+$0x20]  }
0x47: {  	v3 =	vld [tilespmem:s20+$0x2820];
	_ =	sdelay $0x4  }
0x48: {  	v58 =	vpop (erf)  }
0x49: {  	[tilespmem:s20+$0x5010] =	vst v58  }
0x4a: {  	v2 =	vld.idx.msk [tilespmem:v2+s11+$0x0], $0xffff  }
0x4b: {  	v3 =	vld.idx.msk [tilespmem:v3+s13+$0x0], $0xffff;
	_ =	sdelay $0x4  }
0x4c: {  	v2 =	vadd.f32 v3, v2;
	_ =	sdelay $0x1  }
0x4d: {  	v3 =	vmul.f32 $2.000000030e-01, v2  }
0x4e: {  	vm10 =	vgt.f32 v2, $0.0e+00  }
0x4f: {  	v2 =	vsel vm10, v2, v3  }
0x50: {  	v2 =	vsub.f32 v2, v1;
	_ =	sdelay $0x1  }
0x51: {  	v2 =	vmul.f32 $1.442695020e+00, v2;
	_ =	sdelay $0x1  }
0x52: {  	(erf) = vpow2.f32 v2;
	_ =	sdelay $0x2  }
0x53: {  	v2 =	vld [tilespmem:s20+$0x30]  }
0x54: {  	v3 =	vld [tilespmem:s20+$0x2830];
	_ =	sdelay $0x4  }
0x55: {  	v59 =	vpop (erf)  }
0x56: {  	[tilespmem:s20+$0x5020] =	vst v59  }
0x57: {  	v2 =	vld.idx.msk [tilespmem:v2+s11+$0x0], $0xffff  }
0x58: {  	v3 =	vld.idx.msk [tilespmem:v3+s13+$0x0], $0xffff;
	_ =	sdelay $0x4  }
0x59: {  	v2 =	vadd.f32 v3, v2;
	_ =	sdelay $0x1  }
0x5a: {  	v3 =	vmul.f32 $2.000000030e-01, v2  }
0x5b: {  	vm11 =	vgt.f32 v2, $0.0e+00  }
0x5c: {  	v2 =	vsel vm11, v2, v3  }
0x5d: {  	v2 =	vsub.f32 v2, v1;
	_ =	sdelay $0x1  }
0x5e: {  	v2 =	vmul.f32 $1.442695020e+00, v2;
	_ =	sdelay $0x1  }
0x5f: {  	(erf) = vpow2.f32 v2;
	_ =	sdelay $0x2  }
0x60: {  	v2 =	vld [tilespmem:s20+$0x40]  }
0x61: {  	v3 =	vld [tilespmem:s20+$0x2840];
	_ =	sdelay $0x4  }
0x62: {  	v60 =	vpop (erf)  }
0x63: {  	[tilespmem:s20+$0x5030] =	vst v60  }
0x64: {  	v2 =	vld.idx.msk [tilespmem:v2+s11+$0x0], $0xffff  }
0x65: {  	v3 =	vld.idx.msk [tilespmem:v3+s13+$0x0], $0xffff;
	_ =	sdelay $0x4  }
0x66: {  	v2 =	vadd.f32 v3, v2;
	_ =	sdelay $0x1  }
0x67: {  	v3 =	vmul.f32 $2.000000030e-01, v2  }
0x68: {  	vm12 =	vgt.f32 v2, $0.0e+00  }
0x69: {  	v2 =	vsel vm12, v2, v3  }
0x6a: {  	v2 =	vsub.f32 v2, v1;
	_ =	sdelay $0x1  }
0x6b: {  	v2 =	vmul.f32 $1.442695020e+00, v2;
	_ =	sdelay $0x1  }
0x6c: {  	(erf) = vpow2.f32 v2;
	_ =	sdelay $0x2  }
0x6d: {  	v2 =	vld [tilespmem:s20+$0x50]  }
0x6e: {  	v3 =	vld [tilespmem:s20+$0x2850];
	_ =	sdelay $0x4  }
0x6f: {  	v61 =	vpop (erf)  }
0x70: {  	[tilespmem:s20+$0x5040] =	vst v61  }
0x71: {  	v2 =	vld.idx.msk [tilespmem:v2+s11+$0x0], $0xffff  }
0x72: {  	v3 =	vld.idx.msk [tilespmem:v3+s13+$0x0], $0xffff;
	_ =	sdelay $0x4  }
0x73: {  	v2 =	vadd.f32 v3, v2;
	_ =	sdelay $0x1  }
0x74: {  	v3 =	vmul.f32 $2.000000030e-01, v2  }
0x75: {  	vm13 =	vgt.f32 v2, $0.0e+00  }
0x76: {  	v2 =	vsel vm13, v2, v3  }
0x77: {  	v2 =	vsub.f32 v2, v1;
	_ =	sdelay $0x1  }
0x78: {  	v2 =	vmul.f32 $1.442695020e+00, v2;
	_ =	sdelay $0x1  }
0x79: {  	(erf) = vpow2.f32 v2;
	_ =	sdelay $0x2  }
0x7a: {  	v2 =	vld [tilespmem:s20+$0x60]  }
0x7b: {  	v3 =	vld [tilespmem:s20+$0x2860];
	_ =	sdelay $0x4  }
0x7c: {  	v62 =	vpop (erf)  }
0x7d: {  	[tilespmem:s20+$0x5050] =	vst v62  }
0x7e: {  	v2 =	vld.idx.msk [tilespmem:v2+s11+$0x0], $0xffff  }
0x7f: {  	v3 =	vld.idx.msk [tilespmem:v3+s13+$0x0], $0xffff;
	_ =	sdelay $0x4  }
0x80: {  	v2 =	vadd.f32 v3, v2;
	_ =	sdelay $0x1  }
0x81: {  	v3 =	vmul.f32 $2.000000030e-01, v2  }
0x82: {  	vm14 =	vgt.f32 v2, $0.0e+00  }
0x83: {  	v2 =	vsel vm14, v2, v3  }
0x84: {  	v2 =	vsub.f32 v2, v1;
	_ =	sdelay $0x1  }
0x85: {  	v2 =	vmul.f32 $1.442695020e+00, v2;
	_ =	sdelay $0x1  }
0x86: {  	(erf) = vpow2.f32 v2;
	_ =	sdelay $0x2  }
0x87: {  	v2 =	vld [tilespmem:s20+$0x70]  }
0x88: {  	v3 =	vld [tilespmem:s20+$0x2870];
	_ =	sdelay $0x4  }
0x89: {  	v63 =	vpop (erf)  }
0x8a: {  	[tilespmem:s20+$0x5060] =	vst v63  }
0x8b: {  	v2 =	vld.idx.msk [tilespmem:v2+s11+$0x0], $0xffff  }
0x8c: {  	v3 =	vld.idx.msk [tilespmem:v3+s13+$0x0], $0xffff;
	_ =	sdelay $0x4  }
0x8d: {  	v2 =	vadd.f32 v3, v2;
	_ =	sdelay $0x1  }
0x8e: {  	v3 =	vmul.f32 $2.000000030e-01, v2  }
0x8f: {  	vm15 =	vgt.f32 v2, $0.0e+00  }
0x90: {  	v2 =	vsel vm15, v2, v3  }
0x91: {  	v2 =	vsub.f32 v2, v1;
	_ =	sdelay $0x1  }
0x92: {  	v2 =	vmul.f32 $1.442695020e+00, v2;
	_ =	sdelay $0x1  }
0x93: {  	(erf) = vpow2.f32 v2;
	_ =	sdelay $0x1  }
0x94: {  	s21 =	simm.s32 $0x200;
	s22 =	simm.s32 $0x2800;
	s23 =	simm.s32 $0x5000  }
.LBB2_4:
0x95: {  	_ =	sdelay $0x2  }
0x96: {  	p1 =	sne.s32 s21, $0x9E00;
	s24 =	smov.u32 s21;
	s21 =	sadd.s32 $0x200, s21  }
0x97: {  	_ =	sdelay $0x1  }
0x98: {  	v2 =	vpop (erf)  }
0x99: {  	[tilespmem:s20+$0x5070] =	vst v2  }
0x9a: {  	[spmem:s1] =	stream.indirect.scatter.add.f32 [tilespmem:s23], [sflag:$0x1], $0x1, s22, s16, $0xb8;
	[tilespmem:$0xC9F8] =	vst v63  }
0x9b: {  	_ =	swait.ge [sflag:s12], $0x80  }
0x9c: {  	[sflag:s12] =	ssyncset.done $0x0  }
0x9d: {  	s20 =	sshra.s32 s24, $0x2;
	[sflag:s12] =	ssyncadd.s32 $0xFFFFFF80  }
0x9e: {  	v2 =	vld [tilespmem:s20+$0x0]  }
0x9f: {  	v3 =	vld [tilespmem:s20+$0x2800];
	_ =	sdelay $0x6  }
0xa0: {  	v2 =	vld.idx.msk [tilespmem:v2+s11+$0x0], $0xffff  }
0xa1: {  	v3 =	vld.idx.msk [tilespmem:v3+s13+$0x0], $0xffff;
	_ =	sdelay $0x5  }
0xa2: {  	v2 =	vadd.f32 v3, v2;
	_ =	sdelay $0x1  }
0xa3: {  	vm0 =	vgt.f32 v2, $0.0e+00;
	v3 =	vmul.f32 $2.000000030e-01, v2;
	_ =	sdelay $0x1  }
0xa4: {  	v2 =	vsel vm0, v2, v3  }
0xa5: {  	v2 =	vsub.f32 v2, v1;
	_ =	sdelay $0x1  }
0xa6: {  	v2 =	vmul.f32 $1.442695020e+00, v2;
	_ =	sdelay $0x1  }
0xa7: {  	(erf) = vpow2.f32 v2;
	_ =	sdelay $0x1  }
0xa8: {  	v2 =	vld [tilespmem:s20+$0x2810]  }
0xa9: {  	v3 =	vld [tilespmem:s20+$0x10];
	_ =	sdelay $0x5  }
0xaa: {  	v4 =	vpop (erf)  }
0xab: {  	[tilespmem:s20+$0x5000] =	vst v4  }
0xac: {  	v3 =	vld.idx.msk [tilespmem:v3+s11+$0x0], $0xffff  }
0xad: {  	v2 =	vld.idx.msk [tilespmem:v2+s13+$0x0], $0xffff;
	_ =	sdelay $0x5  }
0xae: {  	v2 =	vadd.f32 v2, v3;
	_ =	sdelay $0x1  }
0xaf: {  	vm0 =	vgt.f32 v2, $0.0e+00;
	v3 =	vmul.f32 $2.000000030e-01, v2;
	_ =	sdelay $0x1  }
0xb0: {  	v2 =	vsel vm0, v2, v3  }
0xb1: {  	v2 =	vsub.f32 v2, v1;
	_ =	sdelay $0x1  }
0xb2: {  	v2 =	vmul.f32 $1.442695020e+00, v2;
	_ =	sdelay $0x1  }
0xb3: {  	(erf) = vpow2.f32 v2;
	_ =	sdelay $0x1  }
0xb4: {  	v2 =	vld [tilespmem:s20+$0x2820]  }
0xb5: {  	v3 =	vld [tilespmem:s20+$0x20];
	_ =	sdelay $0x5  }
0xb6: {  	v4 =	vpop (erf)  }
0xb7: {  	[tilespmem:s20+$0x5010] =	vst v4  }
0xb8: {  	v3 =	vld.idx.msk [tilespmem:v3+s11+$0x0], $0xffff  }
0xb9: {  	v2 =	vld.idx.msk [tilespmem:v2+s13+$0x0], $0xffff;
	_ =	sdelay $0x5  }
0xba: {  	v2 =	vadd.f32 v2, v3;
	_ =	sdelay $0x1  }
0xbb: {  	vm0 =	vgt.f32 v2, $0.0e+00;
	v3 =	vmul.f32 $2.000000030e-01, v2;
	_ =	sdelay $0x1  }
0xbc: {  	v2 =	vsel vm0, v2, v3  }
0xbd: {  	v2 =	vsub.f32 v2, v1;
	_ =	sdelay $0x1  }
0xbe: {  	v2 =	vmul.f32 $1.442695020e+00, v2;
	_ =	sdelay $0x1  }
0xbf: {  	(erf) = vpow2.f32 v2;
	_ =	sdelay $0x1  }
0xc0: {  	v2 =	vld [tilespmem:s20+$0x2830]  }
0xc1: {  	v3 =	vld [tilespmem:s20+$0x30];
	_ =	sdelay $0x5  }
0xc2: {  	v4 =	vpop (erf)  }
0xc3: {  	[tilespmem:s20+$0x5020] =	vst v4  }
0xc4: {  	v3 =	vld.idx.msk [tilespmem:v3+s11+$0x0], $0xffff  }
0xc5: {  	v2 =	vld.idx.msk [tilespmem:v2+s13+$0x0], $0xffff;
	_ =	sdelay $0x5  }
0xc6: {  	v2 =	vadd.f32 v2, v3;
	_ =	sdelay $0x1  }
0xc7: {  	vm0 =	vgt.f32 v2, $0.0e+00;
	v3 =	vmul.f32 $2.000000030e-01, v2;
	_ =	sdelay $0x1  }
0xc8: {  	v2 =	vsel vm0, v2, v3  }
0xc9: {  	v2 =	vsub.f32 v2, v1;
	_ =	sdelay $0x1  }
0xca: {  	v2 =	vmul.f32 $1.442695020e+00, v2;
	_ =	sdelay $0x1  }
0xcb: {  	(erf) = vpow2.f32 v2;
	_ =	sdelay $0x1  }
0xcc: {  	v2 =	vld [tilespmem:s20+$0x2840]  }
0xcd: {  	v3 =	vld [tilespmem:s20+$0x40];
	_ =	sdelay $0x5  }
0xce: {  	v4 =	vpop (erf)  }
0xcf: {  	[tilespmem:s20+$0x5030] =	vst v4  }
0xd0: {  	v3 =	vld.idx.msk [tilespmem:v3+s11+$0x0], $0xffff  }
0xd1: {  	v2 =	vld.idx.msk [tilespmem:v2+s13+$0x0], $0xffff;
	_ =	sdelay $0x5  }
0xd2: {  	v2 =	vadd.f32 v2, v3;
	_ =	sdelay $0x1  }
0xd3: {  	vm0 =	vgt.f32 v2, $0.0e+00;
	v3 =	vmul.f32 $2.000000030e-01, v2;
	_ =	sdelay $0x1  }
0xd4: {  	v2 =	vsel vm0, v2, v3  }
0xd5: {  	v2 =	vsub.f32 v2, v1;
	_ =	sdelay $0x1  }
0xd6: {  	v2 =	vmul.f32 $1.442695020e+00, v2;
	_ =	sdelay $0x1  }
0xd7: {  	(erf) = vpow2.f32 v2;
	_ =	sdelay $0x1  }
0xd8: {  	v2 =	vld [tilespmem:s20+$0x2850]  }
0xd9: {  	v3 =	vld [tilespmem:s20+$0x50];
	_ =	sdelay $0x5  }
0xda: {  	v4 =	vpop (erf)  }
0xdb: {  	[tilespmem:s20+$0x5040] =	vst v4  }
0xdc: {  	v3 =	vld.idx.msk [tilespmem:v3+s11+$0x0], $0xffff  }
0xdd: {  	v2 =	vld.idx.msk [tilespmem:v2+s13+$0x0], $0xffff;
	_ =	sdelay $0x5  }
0xde: {  	v2 =	vadd.f32 v2, v3;
	_ =	sdelay $0x1  }
0xdf: {  	vm0 =	vgt.f32 v2, $0.0e+00;
	v3 =	vmul.f32 $2.000000030e-01, v2;
	_ =	sdelay $0x1  }
0xe0: {  	v2 =	vsel vm0, v2, v3  }
0xe1: {  	v2 =	vsub.f32 v2, v1;
	_ =	sdelay $0x1  }
0xe2: {  	v2 =	vmul.f32 $1.442695020e+00, v2;
	_ =	sdelay $0x1  }
0xe3: {  	(erf) = vpow2.f32 v2;
	_ =	sdelay $0x1  }
0xe4: {  	v2 =	vld [tilespmem:s20+$0x2860]  }
0xe5: {  	v3 =	vld [tilespmem:s20+$0x60];
	_ =	sdelay $0x5  }
0xe6: {  	v4 =	vpop (erf)  }
0xe7: {  	[tilespmem:s20+$0x5050] =	vst v4  }
0xe8: {  	v3 =	vld.idx.msk [tilespmem:v3+s11+$0x0], $0xffff  }
0xe9: {  	v2 =	vld.idx.msk [tilespmem:v2+s13+$0x0], $0xffff;
	_ =	sdelay $0x5  }
0xea: {  	v2 =	vadd.f32 v2, v3;
	_ =	sdelay $0x1  }
0xeb: {  	vm0 =	vgt.f32 v2, $0.0e+00;
	v3 =	vmul.f32 $2.000000030e-01, v2;
	_ =	sdelay $0x1  }
0xec: {  	v2 =	vsel vm0, v2, v3  }
0xed: {  	v2 =	vsub.f32 v2, v1;
	_ =	sdelay $0x1  }
0xee: {  	v2 =	vmul.f32 $1.442695020e+00, v2;
	_ =	sdelay $0x1  }
0xef: {  	(erf) = vpow2.f32 v2;
	_ =	sdelay $0x1  }
0xf0: {  	v2 =	vld [tilespmem:s20+$0x2870]  }
0xf1: {  	v3 =	vld [tilespmem:s20+$0x70];
	_ =	sdelay $0x5  }
0xf2: {  	v4 =	vpop (erf)  }
0xf3: {  	[tilespmem:s20+$0x5060] =	vst v4  }
0xf4: {  	v3 =	vld.idx.msk [tilespmem:v3+s11+$0x0], $0xffff  }
0xf5: {  	v2 =	vld.idx.msk [tilespmem:v2+s13+$0x0], $0xffff;
	_ =	sdelay $0x5  }
0xf6: {  	v2 =	vadd.f32 v2, v3;
	_ =	sdelay $0x1  }
0xf7: {  	vm0 =	vgt.f32 v2, $0.0e+00;
	v3 =	vmul.f32 $2.000000030e-01, v2;
	_ =	sdelay $0x1  }
0xf8: {  	v2 =	vsel vm0, v2, v3  }
0xf9: {  	v2 =	vsub.f32 v2, v1;
	_ =	sdelay $0x1  }
.Ltmp1:
0xfa: {  	v2 =	vmul.f32 $1.442695020e+00, v2;
	(pc) =	sbr.rel @p1 .LBB2_4-.Ltmp1, $3  }
0xfb: {  	_ = 	snop  }
0xfc: {  	(erf) = vpow2.f32 v2;
	_ =	sdelay $0x1  }
0xfd: {  	s22 =	sadd.s32 $0x2800, s20;
	s23 =	sadd.s32 $0x5000, s20  }
0xfe: {  	_ =	sdelay $0x5  }
0xff: {  	v1 =	vpop (erf)  }
0x100: {  	[tilespmem:s20+$0x5070] =	vst v1  }
0x101: {  	[spmem:s1] =	stream.indirect.scatter.add.f32 [tilespmem:s23], [sflag:$0x1], $0x1, s22, s16, $0xb8;
	[tilespmem:$0xC9F8] =	vst v63  }
0x102: {  	_ =	swait.ge [sflag:s12], $0x80  }
0x103: {  	[sflag:s12] =	ssyncset.done $0x0  }
0x104: {  	[sflag:s12] =	ssyncadd.s32 $0xFFFFFF80  }
0x105: {  	[hbm4b:s8+s2] =	stream.linear.scatter [tilespmem:s17], [sflag:$0x1], $0x2800, $0x38;
	[tilespmem:$0xC9F8] =	vst v63  }
0x106: {  	s19 =	sadd.s32 $0x1, s19;
	_ =	swait.ge [sflag:s12], $0x2800  }
0x107: {  	s21 =	simm.s32 @!p0 $0x20;
	p1 =	sne.s32 s19, s10;
	[sflag:s12] =	ssyncset.done $0x0  }
0x108: {  	s20 =	simm.s32 @!p0 $0x1;
	s22 =	simm.s32 @!p0 $0x10;
	[sflag:s12] =	ssyncadd.s32 $0xFFFFD800  }
.Ltmp2:
0x109: {  	s23 =	simm.s32 @!p0 $0x1C01;
	[bflag:$0x0] =	sbarrier.arrive $0xFFFF;
	(pc) =	sbr.rel @p1 .LBB2_1-.Ltmp2, $4  }
0x10a: {  	[hbm:s9@s21], [sflag:s23] =	dma.strided @!p0 [spmem:s18@s22], $0x4F0, s20, $0x10   }
0x10b: {  	_ =	swait.ge @!p0 [sflag:s20], $0x4F0  }
0x10c: {  	[sflag:s20] =	ssyncset.done @!p0 $0x0  }
0x10d: {  	[sflag:s20] =	ssyncadd.s32 @!p0 $0xFFFFFB10  }
0x10e: {  	_ =	sfence.sel $0x180000  }
0x10f: {  	[bflag:$0x0] =	sbarrier.arrive $0xFFFF  }
0x110: {  	_ =	strace $0x9000004D  }
0x111: {  	s0 =	sadd.s32 @!p0 $0x100000, s0;
	[bflag:$0x2] =	sbarrier.arrive $0xFFFF  }
0x112: {  	[sflag:s0] =	ssyncadd.tile.s32 @!p0 $0x1;
	_ =	shalt  }
.Lfunc_end2:
_tile_overlayer_lowered:
.L_overlay_start_2:
0x113: {  	(tag) =	ssettag $0x2  }
0x114: {  	s0 =	rddreg [dreg:$0x0];
	s2 =	stileid.u32  }
0x115: {  	s1 =	rddreg [dreg:$0x1];
	p0 =	sne.s32 s2, $0x0  }
0x116: {  	s3 =	rddreg [dreg:$0x2];
	[bflag:$0x3] =	sbarrier.arrive $0xFFFF;
	s2 =	simm.s32 @!p0 $0x1C01  }
0x117: {  	[timem:s3], [sflag:s2] =	dma.local @!p0 [hbm:s0], s1  }
0x118: {  	s0 =	simm.s32 @!p0 $0x1  }
0x119: {  	_ =	swait.ge @!p0 [sflag:s0], s1  }
0x11a: {  	s1 =	ssub.s32 @!p0 $0x0, s1;
	[sflag:s0] =	ssyncset.done @!p0 $0x0  }
0x11b: {  	[sflag:s0] =	ssyncadd.s32 @!p0 s1  }
0x11c: {  	[bflag:$0x3] =	sbarrier.arrive $0xFFFF  }
0x11d: {  	_ =	shalt  }

// kernel: kernel.18.cloned.1.call-start
scs
__scs_entry_jumppad:
0x0: {  	(pc) =	sbr.rel $0x88, $3  }
0x1: {  	(tag) =	ssettag $0x0;
	lr =	simm.s32 $0x1  }
0x2: {  	[smem:$0x3F96] =	sst lr;
	_ =	strace $0xD0000000  }
0x3: {  	_ = 	snop  }
0x4: {  	_ = 	snop  }
0x5: {  	_ = 	snop  }
0x6: {  	_ = 	snop  }
0x7: {  	_ = 	snop  }
__scs_overlays_trampoline_lowered:
0x8: {  	[smem:$0x3FA5] =	sst s0  }
0x9: {  	[smem:$0x3FA6] =	sst s1  }
0xa: {  	[smem:$0x3FA7] =	sst s2  }
0xb: {  	[smem:$0x3FA8] =	sst s3  }
0xc: {  	[smem:$0x3FA9] =	sst s4  }
0xd: {  	[smem:$0x3FAA] =	sst s5  }
0xe: {  	[smem:$0x3FAB] =	sst s6  }
0xf: {  	[smem:$0x3FAC] =	sst s7  }
0x10: {  	[smem:$0x3FAD] =	sst s8  }
0x11: {  	[smem:$0x3FAE] =	sst s9;
	s0 =	simm.s32 @!p0 $0x0  }
0x12: {  	s1 =	sld [smem:$0x3F94];
	s0 =	simm.s32 @p0 $0x1  }
0x13: {  	[smem:$0x3FAF] =	sst s0;
	s0 =	simm.s32 @!p1 $0x0  }
0x14: {  	s2 =	sld [smem:$0x3F93];
	s0 =	simm.s32 @p1 $0x1  }
0x15: {  	[smem:$0x3FB0] =	sst s0;
	s0 =	simm.s32 @!p2 $0x0  }
0x16: {  	s3 =	sld [smem:$0x3FDB];
	s0 =	simm.s32 @p2 $0x1  }
0x17: {  	s4 =	simm.s32 $0x1BF5;
	[smem:$0x3FB2] =	sst s0  }
0x18: {  	s0 =	sld [smem:$0x3F95];
	_ =	swait.ge [sflag:s4], $0x0  }
0x19: {  	s7 =	sld [smem:$0x3F96]  }
0x1a: {  	s8 =	sadd.s32 $0xFFFFE003, lr  }
0x1b: {  	s9 =	sadd.s32 $0xFFFFFEF7, lr;
	s5 =	simm.s32 $0xFFFFFFFF;
	p2 =	slt.u32 s8, $0xFFFFF086  }
0x1c: {  	p1 =	slt.u32 s9, $0xF7A;
	s5 =	simm.s32 @!p2 $0x0  }
0x1d: {  	s5 =	simm.s32 @p1 $0x1;
	p0 =	seq.s32 s7, s2  }
0x1e: {  	s7 =	smul.u32 @!p0 $0xF7A, s2;
	p2 =	seq.s32 @!p0 s5, $0x0  }
0x1f: {  	s9 =	smul.u32 $0xF7A, s1;
	s8 =	simm.s32 @!p0 $0x1BF5;
	p2 =	por !p2, p0  }
0x20: {  	[sflag:s8] =	ssyncset.s32 @!p0 $0xFFFFF086;
	s6 =	sadd.s32 @!p0 s3, s7;
	s7 =	simm.s32 @!p0 $0x108  }
0x21: {  	s3 =	sadd.s32 s3, s9;
	s6 =	sadd.s32 @!p0 $0x88, s6;
	s7 =	simm.s32 @p2 $0x1082  }
0x22: {  	[simem:s7], [sflag:s8] =	dma.local @!p0 [hbm:s6], $0xF7A  }
0x23: {  	s9 =	sor.u32 $0xD0000000, s2;
	s6 =	simm.s32 $0x108;
	_ =	swait.ge @!p0 [sflag:s8], $0x0  }
0x24: {  	s3 =	sadd.s32 $0x88, s3;
	s6 =	simm.s32 @!p1 $0x1082;
	[sflag:s4] =	ssyncset.s32 $0xFFFFF086  }
0x25: {  	[simem:s6], [sflag:s4] =	dma.local [hbm:s3], $0xF7A  }
0x26: {  	[smem:$0x3F96] =	sst s1;
	(tag) =	ssettag s2;
	_ =	strace s9  }
0x27: {  	s1 =	sld [smem:$0x3FA6]  }
0x28: {  	s2 =	sld [smem:$0x3FA7]  }
0x29: {  	s4 =	sld [smem:$0x3FA9]  }
0x2a: {  	p0 =	seq.s32 s5, $0x0;
	s5 =	sld [smem:$0x3FAA]  }
0x2b: {  	s6 =	sld [smem:$0x3FAB]  }
0x2c: {  	s7 =	sld [smem:$0x3FAC]  }
0x2d: {  	s3 =	simm.s32 $0x108;
	s8 =	sld [smem:$0x3FAD]  }
0x2e: {  	s3 =	simm.s32 @!p0 $0x1082;
	s9 =	sld [smem:$0x3FAE]  }
0x2f: {  	lr =	sadd.s32 s0, s3;
	s0 =	sld [smem:$0x3FA5]  }
0x30: {  	s3 =	sld [smem:$0x3FA8]  }
0x31: {  	[smem:$0x3FB1] =	sst s10  }
0x32: {  	s10 =	sld [smem:$0x3FAF];
	_ =	sdelay $0x3  }
0x33: {  	p0 =	seq.s32 s10, $0x1;
	s10 =	sld [smem:$0x3FB1];
	_ =	sdelay $0x3  }
0x34: {  	[smem:$0x3FB1] =	sst s10  }
0x35: {  	s10 =	sld [smem:$0x3FB0];
	_ =	sdelay $0x3  }
0x36: {  	p1 =	seq.s32 s10, $0x1;
	s10 =	sld [smem:$0x3FB1];
	_ =	sdelay $0x3  }
0x37: {  	[smem:$0x3FB1] =	sst s10  }
0x38: {  	s10 =	sld [smem:$0x3FB2]  }
0x39: {  	_ = 	snop;
	(pc) =	sbr.ind lr, $3  }
0x3a: {  	_ = 	snop  }
0x3b: {  	_ = 	snop  }
0x3c: {  	p2 =	seq.s32 s10, $0x1;
	s10 =	sld [smem:$0x3FB1]  }
0x3d: {  	_ =	shalt  }
0x3e: {  	_ =	shalt  }
0x3f: {  	_ =	shalt  }
0x40: {  	_ =	shalt  }
0x41: {  	_ =	shalt  }
0x42: {  	_ =	shalt  }
0x43: {  	_ =	shalt  }
0x44: {  	_ =	shalt  }
0x45: {  	_ =	shalt  }
0x46: {  	_ =	shalt  }
0x47: {  	_ =	shalt  }
0x48: {  	_ =	shalt  }
0x49: {  	_ =	shalt  }
0x4a: {  	_ =	shalt  }
0x4b: {  	_ =	shalt  }
0x4c: {  	_ =	shalt  }
0x4d: {  	_ =	shalt  }
0x4e: {  	_ =	shalt  }
0x4f: {  	_ =	shalt  }
0x50: {  	_ =	shalt  }
0x51: {  	_ =	shalt  }
0x52: {  	_ =	shalt  }
0x53: {  	_ =	shalt  }
0x54: {  	_ =	shalt  }
0x55: {  	_ =	shalt  }
0x56: {  	_ =	shalt  }
0x57: {  	_ =	shalt  }
0x58: {  	_ =	shalt  }
0x59: {  	_ =	shalt  }
0x5a: {  	_ =	shalt  }
0x5b: {  	_ =	shalt  }
0x5c: {  	_ =	shalt  }
0x5d: {  	_ =	shalt  }
0x5e: {  	_ =	shalt  }
0x5f: {  	_ =	shalt  }
0x60: {  	_ =	shalt  }
0x61: {  	_ =	shalt  }
0x62: {  	_ =	shalt  }
0x63: {  	_ =	shalt  }
0x64: {  	_ =	shalt  }
0x65: {  	_ =	shalt  }
0x66: {  	_ =	shalt  }
0x67: {  	_ =	shalt  }
0x68: {  	_ =	shalt  }
0x69: {  	_ =	shalt  }
0x6a: {  	_ =	shalt  }
0x6b: {  	_ =	shalt  }
0x6c: {  	_ =	shalt  }
0x6d: {  	_ =	shalt  }
0x6e: {  	_ =	shalt  }
0x6f: {  	_ =	shalt  }
0x70: {  	_ =	shalt  }
0x71: {  	_ =	shalt  }
0x72: {  	_ =	shalt  }
0x73: {  	_ =	shalt  }
0x74: {  	_ =	shalt  }
0x75: {  	_ =	shalt  }
0x76: {  	_ =	shalt  }
0x77: {  	_ =	shalt  }
0x78: {  	_ =	shalt  }
0x79: {  	_ =	shalt  }
0x7a: {  	_ =	shalt  }
0x7b: {  	_ =	shalt  }
0x7c: {  	_ =	shalt  }
0x7d: {  	_ =	shalt  }
0x7e: {  	_ =	shalt  }
0x7f: {  	_ =	shalt  }
0x80: {  	_ =	shalt  }
0x81: {  	_ =	shalt  }
0x82: {  	_ =	shalt  }
0x83: {  	_ =	shalt  }
0x84: {  	_ =	shalt  }
0x85: {  	_ =	shalt  }
0x86: {  	_ =	shalt  }
0x87: {  	_ =	shalt  }
.Lfunc_end0:
.L_simem_size_0:
called_computation.3_lowered:
.L_overlay_start_0:
0x88: {  	s2 =	sld [smem:$0x3FD9]  }
0x89: {  	s3 =	sld [smem:$0x3FFE];
	_ =	sdelay $0x1  }
0x8a: {  	s1 =	srdreg.scid  }
0x8b: {  	s0 =	sand.u32 $0x1, s1  }
0x8c: {  	s17 =	sshll.u32 s0, $0xA;
	s2 =	sadd.s32 s3, s2  }
0x8d: {  	s2 =	sadd.s32 s2, s17  }
0x8e: {  	[smem:$0x3FBD] =	sst s2  }
0x8f: {  	_ = 	snop  }
0x90: {  	s2 =	sld [smem:$0x3FD0];
	(tm) =	ssettm $0x1  }
0x91: {  	s18 =	sld [smem:$0x3FFB];
	_ =	sdelay $0x3  }
0x92: {  	_ =	strace s18  }
0x93: {  	s3 =	sld [smem:$0x3FFC];
	_ =	sdelay $0x3  }
0x94: {  	_ =	strace s3  }
0x95: {  	s3 =	sld [smem:$0x3FFD];
	_ =	sdelay $0x3  }
0x96: {  	_ =	strace s3  }
0x97: {  	_ =	strace $0x8FFFFFFF  }
0x98: {  	s19 =	sld [smem:$0x3FDB];
	_ =	sdelay $0x1  }
0x99: {  	s4 =	simm.s32 $_scs_section_size  }
0x9a: {  	s5 =	simm.s32 $_size__tile_overlayer_lowered;
	s6 =	simm.s32 $_tile_overlayer_lowered  }
0x9b: {  	s22 =	simm.s32 $0x1BFF;
	s21 =	sshll.u32 s6, $0x1;
	s3 =	sadd.s32 s4, s19  }
0x9c: {  	s7 =	simm.s32 $0x0;
	s20 =	sshll.u32 s5, $0x1;
	s5 =	sadd.s32 s21, s3  }
0x9d: {  	[timem:s7], [sflag:s22] =	dma.local [hbm:s5], s20  }
0x9e: {  	_ =	swait.ge [sflag:s22], s20  }
0x9f: {  	s4 =	ssub.s32 $0x0, s20;
	[sflag:s22] =	ssyncset.done $0x0  }
0xa0: {  	[sflag:s22] =	ssyncadd.s32 s4;
	_ =	sdelay $0x1  }
0xa1: {  	s23 =	simm.s32 $0x1B8B  }
0xa2: {  	_ =	swait.ge [sflag:s23], $0x1  }
0xa3: {  	[sflag:s23] =	ssyncset.done $0x0  }
0xa4: {  	s25 =	simm.s32 $0x1B8E;
	s24 =	sld [smem:$0x3FFE];
	[sflag:s23] =	ssyncadd.s32 $0xFFFFFFFF  }
0xa5: {  	s26 =	simm.s32 $execute0_lowered;
	[smem:$0x3FD2] =	sst s25  }
0xa6: {  	s5 =	sshll.u32 s26, $0x1;
	_ =	strace $0x8000004F;
	[dreg:$0x1] =	wrdreg $0xFFFFFFFF  }
0xa7: {  	s28 =	simm.s32 $_size_execute0_lowered;
	s3 =	sadd.s32 s3, s5;
	[dreg:$0x0] =	wrdreg $0x0  }
0xa8: {  	s5 =	sshll.u32 s28, $0x1;
	[dreg:$0x2] =	wrdreg s3  }
0xa9: {  	[dreg:$0x3] =	wrdreg s5  }
0xaa: {  	[dreg:$0x4] =	wrdreg $0xC0  }
0xab: {  	_ =	task [dreg:s7], $0x5FFFF  }
0xac: {  	[dreg:$0x1] =	wrdreg $0xFFFFFFFF  }
0xad: {  	[dreg:$0x0] =	wrdreg $0x60  }
0xae: {  	[dreg:$0x2] =	wrdreg s2  }
0xaf: {  	[dreg:$0x3] =	wrdreg s24  }
0xb0: {  	[dreg:$0x4] =	wrdreg $0x84000  }
0xb1: {  	[dreg:$0x5] =	wrdreg $0x9  }
0xb2: {  	_ =	task.clear_ibuf [dreg:s7], $0x6FFFF;
	_ =	strace $0x9000004F  }
0xb3: {  	s29 =	simm.s32 $0x9;
	_ =	strace $0x80000051  }
0xb4: {  	_ =	swait.ge [sflag:s29], $0x1  }
0xb5: {  	[sflag:s29] =	ssyncadd.s32 $0xFFFFFFFF  }
0xb6: {  	_ =	strace $0x90000051  }
0xb7: {  	_ =	sfence  }
0xb8: {  	s30 =	sld [smem:$0x0];
	_ =	sdelay $0x2  }
0xb9: {  	s31 =	sshll.u32 s1, $0xD;
	s1 =	sshrl.u32 s1, $0x2  }
0xba: {  	s3 =	sand.u32 $0x4000, s31;
	s1 =	sadd.s32 s1, s30  }
0xbb: {  	s0 =	sor.u32 s3, s0;
	s1 =	sshll.u32 s1, $0x11  }
0xbc: {  	s0 =	sor.u32 s1, s0  }
0xbd: {  	s0 =	sadd.s32 $0x8F2B, s0  }
0xbe: {  	[sflag:s0] =	ssyncadd.remote.s32 $0x1  }
0xbf: {  	_ =	sfence.sel $0xFFFF  }
0xc0: {  	[dreg:$0x0] =	wrdreg $0xFFFFFFFF;
	(pc) =	sbr.abs _section_cstart, $3  }
0xc1: {  	[dreg:$0x1] =	wrdreg $0xFFFFFFFF  }
0xc2: {  	_ =	task.clear_ibuf [dreg:s7], $0x2FFFF;
	_ =	strace $0x9FFFFFFF  }
0xc3: {  	(tm) =	ssettm $0x7FFFFFFF  }
tec
execute0_lowered:
.L_overlay_start_1:
0x0: {  	(tag) =	ssettag $0x1  }
0x1: {  	s1 =	rddreg [dreg:$0x0]  }
0x2: {  	s0 =	rddreg [dreg:$0x1]  }
0x3: {  	s2 =	rddreg [dreg:$0x2];
	s3 =	srdreg.scid  }
0x4: {  	s4 =	simm.s32 $0x0;
	s16 =	simm.s32 $0x400;
	s17 =	simm.s32 $0x5  }
0x5: {  	s18 =	simm.s32 $0x80;
	s19 =	simm.s32 $0x200;
	s20 =	simm.s32 $0x4400  }
0x6: {  	s21 =	simm.s32 $0x1;
	s22 =	simm.s32 $0x2;
	s23 =	simm.s32 $0x3  }
0x7: {  	s24 =	simm.s32 $0x280;
	s25 =	simm.s32 $0x4;
	s6 =	sand.u32 $0x1, s3  }
0x8: {  	s26 =	simm.s32 $0x0;
	s3 =	stileid.u32;
	s7 =	smul.u32 $0x13C000, s6  }
0x9: {  	[smem:$0x7FF] =	sst s4;
	s5 =	sadd.s32 $0x23E00, s0;
	s8 =	smul.u32 $0x13C00, s3  }
0xa: {  	_ =	strace $0x80000050;
	s31 =	sshll.u32 s6, $0x4;
	s9 =	smul.u32 $0x4F000, s3  }
0xb: {  	s6 =	ssub.s32 $0x2, s6;
	s7 =	sadd.s32 s8, s7;
	s8 =	sor.u32 s3, s31  }
0xc: {  	v0 =	vimm.f32 $0.0e+00;
	v1 =	vimm.s32 $0x0;
	s10 =	sshrl.u32 s6, $0x1;
	s9 =	sshrl.u32 s9, $0x2;
	s13 =	smul.u32 $0xA000, s8  }
.Ltmp0:
0xd: {  	v2 =	vimm.s32 $0x1;
	v3 =	vimm.s32 $0x2;
	v4 =	vimm.s32 $0x3;
	s15 =	ssub.s32 s6, s10;
	s7 =	sshrl.u32 s7, $0x3;
	(pc) =	sbr.rel .LBB2_1-.Ltmp0, $4  }
0xe: {  	v5 =	vimm.s32 $0x4;
	v6 =	vimm.s32 $0x5;
	v7 =	vimm.s32 $0x6;
	s6 =	sadd.s32 s9, s2;
	s15 =	smax.u32 s15, $0x1;
	s0 =	sadd.s32 s7, s0  }
0xf: {  	v8 =	vimm.s32 $0x7;
	v9 =	vimm.s32 $0x8;
	v10 =	vimm.s32 $0x9;
	s7 =	sadd.s32 $0x4000, s6;
	s8 =	sadd.s32 $0x8000, s6;
	s9 =	sadd.s32 $0xC000, s6  }
0x10: {  	v11 =	vimm.s32 $0xA;
	v12 =	vimm.s32 $0xB;
	v13 =	vimm.s32 $0xC;
	s10 =	sadd.s32 $0x10000, s6;
	s11 =	sshrl.u32 s13, $0x3;
	s12 =	sor.u32 $0x200, s13  }
0x11: {  	v14 =	vimm.s32 $0xD;
	v15 =	vimm.s32 $0xE;
	v16 =	vimm.s32 $0xF;
	s13 =	sor.u32 $0x400, s13;
	s14 =	sadd.s32 $0x4BE00, s0;
	s11 =	sadd.s32 s5, s11  }
.LBB2_10:
0x12: {  	[spmem:s2] =	stream.indirect.scatter.add.f32 [tilespmem:s20], [sflag:$0x4], $0x80, s24, s18, $0xb8;
	[tilespmem:$0x1C000] =	vst v63  }
0x13: {  	_ =	swait.ge [sflag:s25], $0x4000  }
0x14: {  	s0 =	sshll.u32 s3, $0x6;
	s26 =	sadd.s32 $0x1, s26;
	[sflag:s25] =	ssyncset.done $0x0  }
0x15: {  	s28 =	sshrl.u32 s6, $0x3;
	p0 =	sne.s32 s26, s15;
	[sflag:s25] =	ssyncadd.s32 $0xFFFFC000  }
.Ltmp1:
0x16: {  	s0 =	sor.u32 $0x1C05, s0;
	[bflag:$0x0] =	sbarrier.arrive $0xFFFF;
	(pc) =	sbr.rel @!p0 .LBB2_11-.Ltmp1, $4  }
0x17: {  	[hbm:s14], [sflag:s0] =	dma.local [spmem:s28], $0x2780  }
0x18: {  	_ =	swait.ge [sflag:s17], $0x2780  }
0x19: {  	[sflag:s17] =	ssyncset.done $0x0  }
0x1a: {  	[sflag:s17] =	ssyncadd.s32 $0xFFFFD880  }
.LBB2_1:
0x1b: {  	s0 =	simm.s32 $0x0;
	s28 =	simm.s32 $0x200  }
.LBB2_2:
0x1c: {  	p0 =	sne.s32 s28, $0xFE00;
	[tilespmem:s0+$0x470] =	vst v0  }
0x1d: {  	[tilespmem:s0+$0x400] =	vst v0  }
0x1e: {  	[tilespmem:s0+$0x410] =	vst v0  }
.Ltmp2:
0x1f: {  	[tilespmem:s0+$0x420] =	vst v0;
	(pc) =	sbr.rel @p0 .LBB2_2-.Ltmp2, $4  }
0x20: {  	[tilespmem:s0+$0x430] =	vst v0  }
0x21: {  	[tilespmem:s0+$0x440] =	vst v0  }
0x22: {  	[tilespmem:s0+$0x450] =	vst v0  }
0x23: {  	[tilespmem:s0+$0x460] =	vst v0;
	s0 =	sshra.s32 s28, $0x2;
	s28 =	sadd.s32 $0x200, s28  }
0x24: {  	[tilespmem:s0+$0x470] =	vst v0  }
0x25: {  	[tilespmem:s0+$0x400] =	vst v0  }
0x26: {  	[tilespmem:s0+$0x410] =	vst v0  }
0x27: {  	[tilespmem:s0+$0x420] =	vst v0  }
0x28: {  	[tilespmem:s0+$0x430] =	vst v0  }
0x29: {  	[tilespmem:s0+$0x440] =	vst v0  }
0x2a: {  	[tilespmem:s0+$0x450] =	vst v0  }
0x2b: {  	[tilespmem:s0+$0x460] =	vst v0  }
0x2c: {  	[spmem:s6] =	stream.linear.scatter [tilespmem:s16], [sflag:$0x5], $0x4000, $0x38;
	[tilespmem:$0x1C000] =	vst v63  }
0x2d: {  	_ =	swait.ge [sflag:s17], $0x4000  }
0x2e: {  	[sflag:s17] =	ssyncset.done $0x0  }
0x2f: {  	[sflag:s17] =	ssyncadd.s32 $0xFFFFC000  }
0x30: {  	[spmem:s7] =	stream.linear.scatter [tilespmem:s16], [sflag:$0x5], $0x4000, $0x38;
	[tilespmem:$0x1C000] =	vst v63  }
0x31: {  	_ =	swait.ge [sflag:s17], $0x4000  }
0x32: {  	[sflag:s17] =	ssyncset.done $0x0  }
0x33: {  	[sflag:s17] =	ssyncadd.s32 $0xFFFFC000  }
0x34: {  	[spmem:s8] =	stream.linear.scatter [tilespmem:s16], [sflag:$0x5], $0x4000, $0x38;
	[tilespmem:$0x1C000] =	vst v63  }
0x35: {  	_ =	swait.ge [sflag:s17], $0x4000  }
0x36: {  	[sflag:s17] =	ssyncset.done $0x0  }
0x37: {  	[sflag:s17] =	ssyncadd.s32 $0xFFFFC000  }
0x38: {  	[spmem:s9] =	stream.linear.scatter [tilespmem:s16], [sflag:$0x5], $0x4000, $0x38;
	[tilespmem:$0x1C000] =	vst v63  }
0x39: {  	_ =	swait.ge [sflag:s17], $0x4000  }
0x3a: {  	[sflag:s17] =	ssyncset.done $0x0  }
0x3b: {  	[sflag:s17] =	ssyncadd.s32 $0xFFFFC000  }
0x3c: {  	[spmem:s10] =	stream.linear.scatter [tilespmem:s16], [sflag:$0x5], $0x3C00, $0x38;
	[tilespmem:$0x1C000] =	vst v63  }
0x3d: {  	_ =	swait.ge [sflag:s17], $0x3C00  }
0x3e: {  	[sflag:s17] =	ssyncset.done $0x0  }
0x3f: {  	[sflag:s17] =	ssyncadd.s32 $0xFFFFC400  }
0x40: {  	s28 =	simm.s32 $0x0;
	[bflag:$0x0] =	sbarrier.arrive $0xFFFF  }
0x41: {  	[tilespmem:s28], [sflag:$0x5] =	stream.linear.gather [hbm4b:s11+s28], $0x180, $0x38;
	[tilespmem:$0x1C000] =	vst v63  }
0x42: {  	_ =	swait.ge [sflag:s17], $0x180  }
0x43: {  	[sflag:s17] =	ssyncset.done $0x0  }
0x44: {  	s29 =	simm.s32 $0x0;
	[sflag:s17] =	ssyncadd.s32 $0xFFFFFE80  }
0x45: {  	[tilespmem:s16], [sflag:$0x1] =	stream.indirect.gather [hbm4b:s1+s18], $0x80, s28, s18, $0xb8;
	[tilespmem:$0x1C000] =	vst v63  }
.LBB2_4:
0x46: {  	p0 =	seq.s32 s29, $0x0  }
0x47: {  	s30 =	sshll.u32 s29, $0xA;
	s0 =	simm.s32 @!p0 $0x4  }
0x48: {  	s31 =	sadd.s32 s30, s12;
	_ =	swait.ge @!p0 [sflag:s0], $0x4000  }
0x49: {  	s31 =	sshrl.u32 s31, $0x3;
	[sflag:s0] =	ssyncset.done @!p0 $0x0  }
0x4a: {  	[sflag:s0] =	ssyncadd.s32 @!p0 $0xFFFFC000;
	s0 =	sadd.s32 s5, s31  }
0x4b: {  	[tilespmem:s19], [sflag:$0x5] =	stream.linear.gather [hbm4b:s0+s28], $0x180, $0x38;
	[tilespmem:$0x1C000] =	vst v63  }
0x4c: {  	_ =	swait.ge [sflag:s17], $0x180  }
0x4d: {  	[sflag:s17] =	ssyncset.done $0x0  }
0x4e: {  	[sflag:s17] =	ssyncadd.s32 $0xFFFFFE80  }
0x4f: {  	[tilespmem:s20], [sflag:$0x2] =	stream.indirect.gather [hbm4b:s1+s18], $0x80, s19, s18, $0xb8;
	[tilespmem:$0x1C000] =	vst v63  }
0x50: {  	_ =	swait.ge [sflag:s21], $0x4000  }
0x51: {  	[sflag:s21] =	ssyncset.done $0x0  }
0x52: {  	s31 =	simm.s32 $0x0;
	[sflag:s21] =	ssyncadd.s32 $0xFFFFC000  }
.LBB2_5:
0x53: {  	s0 =	sshll.u32 s31, $0x4  }
0x54: {  	s0 =	sand.u32 $0x3FFFFFF0, s0  }
0x55: {  	v17 =	vld [tilespmem:s0+$0x100];
	s0 =	sshll.u32 s31, $0xB  }
0x56: {  	s0 =	sand.u32 $0x3FFFF800, s0  }
0x57: {  	v18 =	vld [tilespmem:s0+$0x400]  }
0x58: {  	v19 =	vld [tilespmem:s0+$0x410]  }
0x59: {  	v20 =	vld [tilespmem:s0+$0x420]  }
0x5a: {  	v22 =	vld [tilespmem:s0+$0x430];
	v21 =	vperm.xlane v17, v1  }
0x5b: {  	v23 =	vld [tilespmem:s0+$0x440]  }
0x5c: {  	v24 =	vld [tilespmem:s0+$0x450];
	v18 =	vmul.f32 v18, v21  }
0x5d: {  	v25 =	vld [tilespmem:s0+$0x460];
	v19 =	vmul.f32 v19, v21  }
0x5e: {  	v38 =	vld [tilespmem:s0+$0x470];
	[tilespmem:s0+$0x400] =	vst v18;
	v18 =	vmul.f32 v20, v21  }
0x5f: {  	v39 =	vld [tilespmem:s0+$0x480];
	[tilespmem:s0+$0x410] =	vst v19;
	v19 =	vmul.f32 v22, v21  }
0x60: {  	v40 =	vld [tilespmem:s0+$0x490];
	[tilespmem:s0+$0x420] =	vst v18;
	v18 =	vmul.f32 v23, v21  }
0x61: {  	v41 =	vld [tilespmem:s0+$0x4A0];
	[tilespmem:s0+$0x430] =	vst v19;
	v19 =	vmul.f32 v24, v21  }
0x62: {  	v26 =	vld [tilespmem:s0+$0x4B0];
	v42 =	vperm.xlane v17, v2;
	[tilespmem:s0+$0x440] =	vst v18;
	v18 =	vmul.f32 v25, v21  }
0x63: {  	v43 =	vld [tilespmem:s0+$0x4C0];
	[tilespmem:s0+$0x450] =	vst v19;
	v19 =	vmul.f32 v38, v21  }
0x64: {  	v44 =	vld [tilespmem:s0+$0x4D0];
	[tilespmem:s0+$0x460] =	vst v18;
	v18 =	vmul.f32 v39, v42  }
0x65: {  	v45 =	vld [tilespmem:s0+$0x4E0];
	[tilespmem:s0+$0x470] =	vst v19;
	v19 =	vmul.f32 v40, v42  }
0x66: {  	v46 =	vld [tilespmem:s0+$0x4F0];
	[tilespmem:s0+$0x480] =	vst v18;
	v18 =	vmul.f32 v41, v42  }
0x67: {  	v47 =	vld [tilespmem:s0+$0x500];
	[tilespmem:s0+$0x490] =	vst v19;
	v19 =	vmul.f32 v26, v42  }
0x68: {  	v48 =	vld [tilespmem:s0+$0x510];
	[tilespmem:s0+$0x4A0] =	vst v18;
	v18 =	vmul.f32 v43, v42  }
0x69: {  	v49 =	vld [tilespmem:s0+$0x520];
	[tilespmem:s0+$0x4B0] =	vst v19;
	v19 =	vmul.f32 v44, v42  }
0x6a: {  	v51 =	vld [tilespmem:s0+$0x530];
	v50 =	vperm.xlane v17, v3;
	[tilespmem:s0+$0x4C0] =	vst v18;
	v18 =	vmul.f32 v45, v42  }
0x6b: {  	v52 =	vld [tilespmem:s0+$0x540];
	[tilespmem:s0+$0x4D0] =	vst v19;
	v19 =	vmul.f32 v46, v42  }
0x6c: {  	v53 =	vld [tilespmem:s0+$0x550];
	[tilespmem:s0+$0x4E0] =	vst v18;
	v18 =	vmul.f32 v47, v50  }
0x6d: {  	v54 =	vld [tilespmem:s0+$0x560];
	[tilespmem:s0+$0x4F0] =	vst v19;
	v19 =	vmul.f32 v48, v50  }
0x6e: {  	v55 =	vld [tilespmem:s0+$0x570];
	[tilespmem:s0+$0x500] =	vst v18;
	v18 =	vmul.f32 v49, v50  }
0x6f: {  	v56 =	vld [tilespmem:s0+$0x580];
	[tilespmem:s0+$0x510] =	vst v19;
	v19 =	vmul.f32 v51, v50  }
0x70: {  	v57 =	vld [tilespmem:s0+$0x590];
	[tilespmem:s0+$0x520] =	vst v18;
	v18 =	vmul.f32 v52, v50  }
0x71: {  	v58 =	vld [tilespmem:s0+$0x5A0];
	[tilespmem:s0+$0x530] =	vst v19;
	v19 =	vmul.f32 v53, v50  }
0x72: {  	v60 =	vld [tilespmem:s0+$0x5B0];
	v59 =	vperm.xlane v17, v4;
	[tilespmem:s0+$0x540] =	vst v18;
	v18 =	vmul.f32 v54, v50  }
0x73: {  	v61 =	vld [tilespmem:s0+$0x5C0];
	[tilespmem:s0+$0x550] =	vst v19;
	v19 =	vmul.f32 v55, v50  }
0x74: {  	v62 =	vld [tilespmem:s0+$0x5D0];
	[tilespmem:s0+$0x560] =	vst v18;
	v18 =	vmul.f32 v56, v59  }
0x75: {  	v63 =	vld [tilespmem:s0+$0x5E0];
	[tilespmem:s0+$0x570] =	vst v19;
	v19 =	vmul.f32 v57, v59  }
0x76: {  	v28 =	vld [tilespmem:s0+$0x5F0];
	[tilespmem:s0+$0x580] =	vst v18;
	v18 =	vmul.f32 v58, v59  }
0x77: {  	v29 =	vld [tilespmem:s0+$0x600];
	[tilespmem:s0+$0x590] =	vst v19;
	v19 =	vmul.f32 v60, v59  }
0x78: {  	v30 =	vld [tilespmem:s0+$0x610];
	[tilespmem:s0+$0x5A0] =	vst v18;
	v18 =	vmul.f32 v61, v59  }
0x79: {  	v31 =	vld [tilespmem:s0+$0x620];
	[tilespmem:s0+$0x5B0] =	vst v19;
	v19 =	vmul.f32 v62, v59  }
0x7a: {  	v33 =	vld [tilespmem:s0+$0x630];
	v32 =	vperm.xlane v17, v5;
	[tilespmem:s0+$0x5C0] =	vst v18;
	v18 =	vmul.f32 v63, v59  }
0x7b: {  	v34 =	vld [tilespmem:s0+$0x640];
	[tilespmem:s0+$0x5D0] =	vst v19;
	v19 =	vmul.f32 v28, v59  }
0x7c: {  	v35 =	vld [tilespmem:s0+$0x650];
	[tilespmem:s0+$0x5E0] =	vst v18;
	v18 =	vmul.f32 v29, v32  }
0x7d: {  	v36 =	vld [tilespmem:s0+$0x660];
	[tilespmem:s0+$0x5F0] =	vst v19;
	v19 =	vmul.f32 v30, v32  }
0x7e: {  	v37 =	vld [tilespmem:s0+$0x670];
	[tilespmem:s0+$0x600] =	vst v18;
	v18 =	vmul.f32 v31, v32  }
0x7f: {  	v38 =	vld [tilespmem:s0+$0x680];
	[tilespmem:s0+$0x610] =	vst v19;
	v19 =	vmul.f32 v33, v32  }
0x80: {  	v39 =	vld [tilespmem:s0+$0x690];
	[tilespmem:s0+$0x620] =	vst v18;
	v18 =	vmul.f32 v34, v32  }
0x81: {  	v40 =	vld [tilespmem:s0+$0x6A0];
	[tilespmem:s0+$0x630] =	vst v19;
	v19 =	vmul.f32 v35, v32  }
0x82: {  	v41 =	vperm.xlane v17, v6;
	v42 =	vld [tilespmem:s0+$0x6B0];
	[tilespmem:s0+$0x640] =	vst v18;
	v18 =	vmul.f32 v36, v32  }
0x83: {  	v43 =	vld [tilespmem:s0+$0x6C0];
	[tilespmem:s0+$0x650] =	vst v19;
	v19 =	vmul.f32 v37, v32  }
0x84: {  	v44 =	vld [tilespmem:s0+$0x6D0];
	[tilespmem:s0+$0x660] =	vst v18;
	v18 =	vmul.f32 v38, v41  }
0x85: {  	v45 =	vld [tilespmem:s0+$0x6E0];
	[tilespmem:s0+$0x670] =	vst v19;
	v19 =	vmul.f32 v39, v41  }
0x86: {  	v46 =	vld [tilespmem:s0+$0x6F0];
	[tilespmem:s0+$0x680] =	vst v18;
	v18 =	vmul.f32 v40, v41  }
0x87: {  	v47 =	vld [tilespmem:s0+$0x700];
	[tilespmem:s0+$0x690] =	vst v19;
	v19 =	vmul.f32 v42, v41  }
0x88: {  	v48 =	vld [tilespmem:s0+$0x710];
	[tilespmem:s0+$0x6A0] =	vst v18;
	v18 =	vmul.f32 v43, v41  }
0x89: {  	v49 =	vld [tilespmem:s0+$0x720];
	[tilespmem:s0+$0x6B0] =	vst v19;
	v19 =	vmul.f32 v44, v41  }
0x8a: {  	v51 =	vld [tilespmem:s0+$0x730];
	v50 =	vperm.xlane v17, v7;
	[tilespmem:s0+$0x6C0] =	vst v18;
	v18 =	vmul.f32 v45, v41  }
0x8b: {  	v52 =	vld [tilespmem:s0+$0x740];
	[tilespmem:s0+$0x6D0] =	vst v19;
	v19 =	vmul.f32 v46, v41  }
0x8c: {  	v53 =	vld [tilespmem:s0+$0x750];
	[tilespmem:s0+$0x6E0] =	vst v18;
	v18 =	vmul.f32 v47, v50  }
0x8d: {  	v54 =	vld [tilespmem:s0+$0x760];
	[tilespmem:s0+$0x6F0] =	vst v19;
	v19 =	vmul.f32 v48, v50  }
0x8e: {  	v55 =	vld [tilespmem:s0+$0x770];
	[tilespmem:s0+$0x700] =	vst v18;
	v18 =	vmul.f32 v49, v50  }
0x8f: {  	v56 =	vld [tilespmem:s0+$0x780];
	[tilespmem:s0+$0x710] =	vst v19;
	v19 =	vmul.f32 v51, v50  }
0x90: {  	v57 =	vld [tilespmem:s0+$0x790];
	[tilespmem:s0+$0x720] =	vst v18;
	v18 =	vmul.f32 v52, v50  }
0x91: {  	v58 =	vld [tilespmem:s0+$0x7A0];
	[tilespmem:s0+$0x730] =	vst v19;
	v19 =	vmul.f32 v53, v50  }
0x92: {  	v60 =	vld [tilespmem:s0+$0x7B0];
	v59 =	vperm.xlane v17, v8;
	[tilespmem:s0+$0x740] =	vst v18;
	v18 =	vmul.f32 v54, v50  }
0x93: {  	v61 =	vld [tilespmem:s0+$0x7C0];
	[tilespmem:s0+$0x750] =	vst v19;
	v19 =	vmul.f32 v55, v50  }
0x94: {  	v62 =	vld [tilespmem:s0+$0x7D0];
	[tilespmem:s0+$0x760] =	vst v18;
	v18 =	vmul.f32 v56, v59  }
0x95: {  	v63 =	vld [tilespmem:s0+$0x7E0];
	[tilespmem:s0+$0x770] =	vst v19;
	v19 =	vmul.f32 v57, v59  }
0x96: {  	v28 =	vld [tilespmem:s0+$0x7F0];
	[tilespmem:s0+$0x780] =	vst v18;
	v18 =	vmul.f32 v58, v59  }
0x97: {  	v29 =	vld [tilespmem:s0+$0x800];
	[tilespmem:s0+$0x790] =	vst v19;
	v19 =	vmul.f32 v60, v59  }
0x98: {  	v30 =	vld [tilespmem:s0+$0x810];
	[tilespmem:s0+$0x7A0] =	vst v18;
	v18 =	vmul.f32 v61, v59  }
0x99: {  	v31 =	vld [tilespmem:s0+$0x820];
	[tilespmem:s0+$0x7B0] =	vst v19;
	v19 =	vmul.f32 v62, v59  }
0x9a: {  	v33 =	vld [tilespmem:s0+$0x830];
	v32 =	vperm.xlane v17, v9;
	[tilespmem:s0+$0x7C0] =	vst v18;
	v18 =	vmul.f32 v63, v59  }
0x9b: {  	v34 =	vld [tilespmem:s0+$0x840];
	[tilespmem:s0+$0x7D0] =	vst v19;
	v19 =	vmul.f32 v28, v59  }
0x9c: {  	v35 =	vld [tilespmem:s0+$0x850];
	[tilespmem:s0+$0x7E0] =	vst v18;
	v18 =	vmul.f32 v29, v32  }
0x9d: {  	v36 =	vld [tilespmem:s0+$0x860];
	[tilespmem:s0+$0x7F0] =	vst v19;
	v19 =	vmul.f32 v30, v32  }
0x9e: {  	v37 =	vld [tilespmem:s0+$0x870];
	[tilespmem:s0+$0x800] =	vst v18;
	v18 =	vmul.f32 v31, v32  }
0x9f: {  	v38 =	vld [tilespmem:s0+$0x880];
	[tilespmem:s0+$0x810] =	vst v19;
	v19 =	vmul.f32 v33, v32  }
0xa0: {  	v39 =	vld [tilespmem:s0+$0x890];
	[tilespmem:s0+$0x820] =	vst v18;
	v18 =	vmul.f32 v34, v32  }
0xa1: {  	v40 =	vld [tilespmem:s0+$0x8A0];
	[tilespmem:s0+$0x830] =	vst v19;
	v19 =	vmul.f32 v35, v32  }
0xa2: {  	v42 =	vld [tilespmem:s0+$0x8B0];
	v41 =	vperm.xlane v17, v10;
	[tilespmem:s0+$0x840] =	vst v18;
	v18 =	vmul.f32 v36, v32  }
0xa3: {  	v43 =	vld [tilespmem:s0+$0x8C0];
	[tilespmem:s0+$0x850] =	vst v19;
	v19 =	vmul.f32 v37, v32  }
0xa4: {  	v44 =	vld [tilespmem:s0+$0x8D0];
	[tilespmem:s0+$0x860] =	vst v18;
	v18 =	vmul.f32 v38, v41  }
0xa5: {  	v45 =	vld [tilespmem:s0+$0x8E0];
	[tilespmem:s0+$0x870] =	vst v19;
	v19 =	vmul.f32 v39, v41  }
0xa6: {  	v46 =	vld [tilespmem:s0+$0x8F0];
	[tilespmem:s0+$0x880] =	vst v18;
	v18 =	vmul.f32 v40, v41  }
0xa7: {  	v47 =	vld [tilespmem:s0+$0x900];
	[tilespmem:s0+$0x890] =	vst v19;
	v19 =	vmul.f32 v42, v41  }
0xa8: {  	v48 =	vld [tilespmem:s0+$0x910];
	[tilespmem:s0+$0x8A0] =	vst v18;
	v18 =	vmul.f32 v43, v41  }
0xa9: {  	v49 =	vld [tilespmem:s0+$0x920];
	[tilespmem:s0+$0x8B0] =	vst v19;
	v19 =	vmul.f32 v44, v41  }
0xaa: {  	v51 =	vld [tilespmem:s0+$0x930];
	v50 =	vperm.xlane v17, v11;
	[tilespmem:s0+$0x8C0] =	vst v18;
	v18 =	vmul.f32 v45, v41  }
0xab: {  	v52 =	vld [tilespmem:s0+$0x940];
	[tilespmem:s0+$0x8D0] =	vst v19;
	v19 =	vmul.f32 v46, v41  }
0xac: {  	v53 =	vld [tilespmem:s0+$0x950];
	[tilespmem:s0+$0x8E0] =	vst v18;
	v18 =	vmul.f32 v47, v50  }
0xad: {  	v54 =	vld [tilespmem:s0+$0x960];
	[tilespmem:s0+$0x8F0] =	vst v19;
	v19 =	vmul.f32 v48, v50  }
0xae: {  	v55 =	vld [tilespmem:s0+$0x970];
	[tilespmem:s0+$0x900] =	vst v18;
	v18 =	vmul.f32 v49, v50  }
0xaf: {  	v56 =	vld [tilespmem:s0+$0x980];
	[tilespmem:s0+$0x910] =	vst v19;
	v19 =	vmul.f32 v51, v50  }
0xb0: {  	v57 =	vld [tilespmem:s0+$0x990];
	[tilespmem:s0+$0x920] =	vst v18;
	v18 =	vmul.f32 v52, v50  }
0xb1: {  	v58 =	vld [tilespmem:s0+$0x9A0];
	[tilespmem:s0+$0x930] =	vst v19;
	v19 =	vmul.f32 v53, v50  }
0xb2: {  	v60 =	vld [tilespmem:s0+$0x9B0];
	v59 =	vperm.xlane v17, v12;
	[tilespmem:s0+$0x940] =	vst v18;
	v18 =	vmul.f32 v54, v50  }
0xb3: {  	v61 =	vld [tilespmem:s0+$0x9C0];
	[tilespmem:s0+$0x950] =	vst v19;
	v19 =	vmul.f32 v55, v50  }
0xb4: {  	v62 =	vld [tilespmem:s0+$0x9D0];
	[tilespmem:s0+$0x960] =	vst v18;
	v18 =	vmul.f32 v56, v59  }
0xb5: {  	v63 =	vld [tilespmem:s0+$0x9E0];
	[tilespmem:s0+$0x970] =	vst v19;
	v19 =	vmul.f32 v57, v59  }
0xb6: {  	v28 =	vld [tilespmem:s0+$0x9F0];
	[tilespmem:s0+$0x980] =	vst v18;
	v18 =	vmul.f32 v58, v59  }
0xb7: {  	v29 =	vld [tilespmem:s0+$0xA00];
	[tilespmem:s0+$0x990] =	vst v19;
	v19 =	vmul.f32 v60, v59  }
0xb8: {  	v30 =	vld [tilespmem:s0+$0xA10];
	[tilespmem:s0+$0x9A0] =	vst v18;
	v18 =	vmul.f32 v61, v59  }
0xb9: {  	v31 =	vld [tilespmem:s0+$0xA20];
	[tilespmem:s0+$0x9B0] =	vst v19;
	v19 =	vmul.f32 v62, v59  }
0xba: {  	v33 =	vld [tilespmem:s0+$0xA30];
	v32 =	vperm.xlane v17, v13;
	[tilespmem:s0+$0x9C0] =	vst v18;
	v18 =	vmul.f32 v63, v59  }
0xbb: {  	v34 =	vld [tilespmem:s0+$0xA40];
	[tilespmem:s0+$0x9D0] =	vst v19;
	v19 =	vmul.f32 v28, v59  }
0xbc: {  	v35 =	vld [tilespmem:s0+$0xA50];
	[tilespmem:s0+$0x9E0] =	vst v18;
	v18 =	vmul.f32 v29, v32  }
0xbd: {  	v36 =	vld [tilespmem:s0+$0xA60];
	[tilespmem:s0+$0x9F0] =	vst v19;
	v19 =	vmul.f32 v30, v32  }
0xbe: {  	v37 =	vld [tilespmem:s0+$0xA70];
	[tilespmem:s0+$0xA00] =	vst v18;
	v18 =	vmul.f32 v31, v32  }
0xbf: {  	v38 =	vld [tilespmem:s0+$0xA80];
	[tilespmem:s0+$0xA10] =	vst v19;
	v19 =	vmul.f32 v33, v32  }
0xc0: {  	v39 =	vld [tilespmem:s0+$0xA90];
	[tilespmem:s0+$0xA20] =	vst v18;
	v18 =	vmul.f32 v34, v32  }
0xc1: {  	v40 =	vld [tilespmem:s0+$0xAA0];
	[tilespmem:s0+$0xA30] =	vst v19;
	v19 =	vmul.f32 v35, v32  }
0xc2: {  	v42 =	vld [tilespmem:s0+$0xAB0];
	v41 =	vperm.xlane v17, v14;
	[tilespmem:s0+$0xA40] =	vst v18;
	v18 =	vmul.f32 v36, v32  }
0xc3: {  	v43 =	vld [tilespmem:s0+$0xAC0];
	[tilespmem:s0+$0xA50] =	vst v19;
	v19 =	vmul.f32 v37, v32  }
0xc4: {  	v44 =	vld [tilespmem:s0+$0xAD0];
	[tilespmem:s0+$0xA60] =	vst v18;
	v18 =	vmul.f32 v38, v41  }
0xc5: {  	v45 =	vld [tilespmem:s0+$0xAE0];
	[tilespmem:s0+$0xA70] =	vst v19;
	v19 =	vmul.f32 v39, v41  }
0xc6: {  	v46 =	vld [tilespmem:s0+$0xAF0];
	[tilespmem:s0+$0xA80] =	vst v18;
	v18 =	vmul.f32 v40, v41  }
0xc7: {  	v47 =	vld [tilespmem:s0+$0xB00];
	[tilespmem:s0+$0xA90] =	vst v19;
	v19 =	vmul.f32 v42, v41  }
0xc8: {  	v48 =	vld [tilespmem:s0+$0xB10];
	[tilespmem:s0+$0xAA0] =	vst v18;
	v18 =	vmul.f32 v43, v41  }
0xc9: {  	v49 =	vld [tilespmem:s0+$0xB20];
	[tilespmem:s0+$0xAB0] =	vst v19;
	v19 =	vmul.f32 v44, v41  }
0xca: {  	v51 =	vld [tilespmem:s0+$0xB30];
	v50 =	vperm.xlane v17, v15;
	[tilespmem:s0+$0xAC0] =	vst v18;
	v18 =	vmul.f32 v45, v41  }
0xcb: {  	v52 =	vld [tilespmem:s0+$0xB40];
	[tilespmem:s0+$0xAD0] =	vst v19;
	v19 =	vmul.f32 v46, v41  }
0xcc: {  	v53 =	vld [tilespmem:s0+$0xB50];
	[tilespmem:s0+$0xAE0] =	vst v18;
	v18 =	vmul.f32 v47, v50  }
0xcd: {  	v54 =	vld [tilespmem:s0+$0xB60];
	[tilespmem:s0+$0xAF0] =	vst v19;
	v19 =	vmul.f32 v48, v50  }
0xce: {  	v55 =	vld [tilespmem:s0+$0xB70];
	[tilespmem:s0+$0xB00] =	vst v18;
	v18 =	vmul.f32 v49, v50  }
0xcf: {  	v56 =	vld [tilespmem:s0+$0xB80];
	[tilespmem:s0+$0xB10] =	vst v19;
	v19 =	vmul.f32 v51, v50  }
0xd0: {  	v57 =	vld [tilespmem:s0+$0xB90];
	[tilespmem:s0+$0xB20] =	vst v18;
	v18 =	vmul.f32 v52, v50  }
0xd1: {  	v58 =	vld [tilespmem:s0+$0xBA0];
	[tilespmem:s0+$0xB30] =	vst v19;
	v19 =	vmul.f32 v53, v50  }
0xd2: {  	v17 =	vperm.xlane v17, v16;
	v59 =	vld [tilespmem:s0+$0xBB0];
	[tilespmem:s0+$0xB40] =	vst v18;
	v18 =	vmul.f32 v54, v50  }
0xd3: {  	v60 =	vld [tilespmem:s0+$0xBC0];
	[tilespmem:s0+$0xB50] =	vst v19;
	v19 =	vmul.f32 v55, v50  }
0xd4: {  	v61 =	vld [tilespmem:s0+$0xBD0];
	[tilespmem:s0+$0xB60] =	vst v18;
	v18 =	vmul.f32 v56, v17  }
0xd5: {  	v62 =	vld [tilespmem:s0+$0xBE0];
	[tilespmem:s0+$0xB70] =	vst v19;
	v19 =	vmul.f32 v57, v17  }
0xd6: {  	v63 =	vld [tilespmem:s0+$0xBF0];
	[tilespmem:s0+$0xB80] =	vst v18;
	v18 =	vmul.f32 v58, v17  }
0xd7: {  	[tilespmem:s0+$0xB90] =	vst v19;
	v19 =	vmul.f32 v59, v17  }
0xd8: {  	p0 =	sne.s32 s31, $0x7;
	[tilespmem:s0+$0xBA0] =	vst v18;
	v18 =	vmul.f32 v60, v17  }
.Ltmp3:
0xd9: {  	[tilespmem:s0+$0xBB0] =	vst v19;
	v19 =	vmul.f32 v61, v17;
	(pc) =	sbr.rel @p0 .LBB2_5-.Ltmp3, $4  }
0xda: {  	[tilespmem:s0+$0xBC0] =	vst v18;
	v18 =	vmul.f32 v62, v17  }
0xdb: {  	[tilespmem:s0+$0xBD0] =	vst v19;
	v17 =	vmul.f32 v63, v17  }
0xdc: {  	[tilespmem:s0+$0xBE0] =	vst v18  }
0xdd: {  	s31 =	sadd.s32 $0x1, s31;
	[tilespmem:s0+$0xBF0] =	vst v17  }
0xde: {  	[spmem:s2] =	stream.indirect.scatter.add.f32 [tilespmem:s16], [sflag:$0x3], $0x80, s18, s18, $0xb8;
	[tilespmem:$0x1C000] =	vst v63  }
0xdf: {  	_ =	swait.ge [sflag:s22], $0x4000  }
0xe0: {  	[sflag:s22] =	ssyncset.done $0x0  }
0xe1: {  	s31 =	simm.s32 $0x0;
	[sflag:s22] =	ssyncadd.s32 $0xFFFFC000  }
.LBB2_7:
0xe2: {  	s0 =	sshll.u32 s31, $0x4  }
0xe3: {  	s0 =	sand.u32 $0x3FFFFFF0, s0  }
0xe4: {  	v17 =	vld [tilespmem:s0+$0x300];
	s0 =	sshll.u32 s31, $0xB  }
0xe5: {  	s0 =	sand.u32 $0x3FFFF800, s0  }
0xe6: {  	v18 =	vld [tilespmem:s0+$0x4400]  }
0xe7: {  	v19 =	vld [tilespmem:s0+$0x4410]  }
0xe8: {  	v20 =	vld [tilespmem:s0+$0x4420]  }
0xe9: {  	v22 =	vld [tilespmem:s0+$0x4430];
	v21 =	vperm.xlane v17, v1  }
0xea: {  	v23 =	vld [tilespmem:s0+$0x4440]  }
0xeb: {  	v24 =	vld [tilespmem:s0+$0x4450];
	v18 =	vmul.f32 v18, v21  }
0xec: {  	v25 =	vld [tilespmem:s0+$0x4460];
	v19 =	vmul.f32 v19, v21  }
0xed: {  	v38 =	vld [tilespmem:s0+$0x4470];
	[tilespmem:s0+$0x4400] =	vst v18;
	v18 =	vmul.f32 v20, v21  }
0xee: {  	v39 =	vld [tilespmem:s0+$0x4480];
	[tilespmem:s0+$0x4410] =	vst v19;
	v19 =	vmul.f32 v22, v21  }
0xef: {  	v40 =	vld [tilespmem:s0+$0x4490];
	[tilespmem:s0+$0x4420] =	vst v18;
	v18 =	vmul.f32 v23, v21  }
0xf0: {  	v41 =	vld [tilespmem:s0+$0x44A0];
	[tilespmem:s0+$0x4430] =	vst v19;
	v19 =	vmul.f32 v24, v21  }
0xf1: {  	v26 =	vld [tilespmem:s0+$0x44B0];
	v42 =	vperm.xlane v17, v2;
	[tilespmem:s0+$0x4440] =	vst v18;
	v18 =	vmul.f32 v25, v21  }
0xf2: {  	v43 =	vld [tilespmem:s0+$0x44C0];
	[tilespmem:s0+$0x4450] =	vst v19;
	v19 =	vmul.f32 v38, v21  }
0xf3: {  	v44 =	vld [tilespmem:s0+$0x44D0];
	[tilespmem:s0+$0x4460] =	vst v18;
	v18 =	vmul.f32 v39, v42  }
0xf4: {  	v45 =	vld [tilespmem:s0+$0x44E0];
	[tilespmem:s0+$0x4470] =	vst v19;
	v19 =	vmul.f32 v40, v42  }
0xf5: {  	v46 =	vld [tilespmem:s0+$0x44F0];
	[tilespmem:s0+$0x4480] =	vst v18;
	v18 =	vmul.f32 v41, v42  }
0xf6: {  	v47 =	vld [tilespmem:s0+$0x4500];
	[tilespmem:s0+$0x4490] =	vst v19;
	v19 =	vmul.f32 v26, v42  }
0xf7: {  	v48 =	vld [tilespmem:s0+$0x4510];
	[tilespmem:s0+$0x44A0] =	vst v18;
	v18 =	vmul.f32 v43, v42  }
0xf8: {  	v49 =	vld [tilespmem:s0+$0x4520];
	[tilespmem:s0+$0x44B0] =	vst v19;
	v19 =	vmul.f32 v44, v42  }
0xf9: {  	v51 =	vld [tilespmem:s0+$0x4530];
	v50 =	vperm.xlane v17, v3;
	[tilespmem:s0+$0x44C0] =	vst v18;
	v18 =	vmul.f32 v45, v42  }
0xfa: {  	v52 =	vld [tilespmem:s0+$0x4540];
	[tilespmem:s0+$0x44D0] =	vst v19;
	v19 =	vmul.f32 v46, v42  }
0xfb: {  	v53 =	vld [tilespmem:s0+$0x4550];
	[tilespmem:s0+$0x44E0] =	vst v18;
	v18 =	vmul.f32 v47, v50  }
0xfc: {  	v54 =	vld [tilespmem:s0+$0x4560];
	[tilespmem:s0+$0x44F0] =	vst v19;
	v19 =	vmul.f32 v48, v50  }
0xfd: {  	v55 =	vld [tilespmem:s0+$0x4570];
	[tilespmem:s0+$0x4500] =	vst v18;
	v18 =	vmul.f32 v49, v50  }
0xfe: {  	v56 =	vld [tilespmem:s0+$0x4580];
	[tilespmem:s0+$0x4510] =	vst v19;
	v19 =	vmul.f32 v51, v50  }
0xff: {  	v57 =	vld [tilespmem:s0+$0x4590];
	[tilespmem:s0+$0x4520] =	vst v18;
	v18 =	vmul.f32 v52, v50  }
0x100: {  	v58 =	vld [tilespmem:s0+$0x45A0];
	[tilespmem:s0+$0x4530] =	vst v19;
	v19 =	vmul.f32 v53, v50  }
0x101: {  	v60 =	vld [tilespmem:s0+$0x45B0];
	v59 =	vperm.xlane v17, v4;
	[tilespmem:s0+$0x4540] =	vst v18;
	v18 =	vmul.f32 v54, v50  }
0x102: {  	v61 =	vld [tilespmem:s0+$0x45C0];
	[tilespmem:s0+$0x4550] =	vst v19;
	v19 =	vmul.f32 v55, v50  }
0x103: {  	v62 =	vld [tilespmem:s0+$0x45D0];
	[tilespmem:s0+$0x4560] =	vst v18;
	v18 =	vmul.f32 v56, v59  }
0x104: {  	v63 =	vld [tilespmem:s0+$0x45E0];
	[tilespmem:s0+$0x4570] =	vst v19;
	v19 =	vmul.f32 v57, v59  }
0x105: {  	v28 =	vld [tilespmem:s0+$0x45F0];
	[tilespmem:s0+$0x4580] =	vst v18;
	v18 =	vmul.f32 v58, v59  }
0x106: {  	v29 =	vld [tilespmem:s0+$0x4600];
	[tilespmem:s0+$0x4590] =	vst v19;
	v19 =	vmul.f32 v60, v59  }
0x107: {  	v30 =	vld [tilespmem:s0+$0x4610];
	[tilespmem:s0+$0x45A0] =	vst v18;
	v18 =	vmul.f32 v61, v59  }
0x108: {  	v31 =	vld [tilespmem:s0+$0x4620];
	[tilespmem:s0+$0x45B0] =	vst v19;
	v19 =	vmul.f32 v62, v59  }
0x109: {  	v33 =	vld [tilespmem:s0+$0x4630];
	v32 =	vperm.xlane v17, v5;
	[tilespmem:s0+$0x45C0] =	vst v18;
	v18 =	vmul.f32 v63, v59  }
0x10a: {  	v34 =	vld [tilespmem:s0+$0x4640];
	[tilespmem:s0+$0x45D0] =	vst v19;
	v19 =	vmul.f32 v28, v59  }
0x10b: {  	v35 =	vld [tilespmem:s0+$0x4650];
	[tilespmem:s0+$0x45E0] =	vst v18;
	v18 =	vmul.f32 v29, v32  }
0x10c: {  	v36 =	vld [tilespmem:s0+$0x4660];
	[tilespmem:s0+$0x45F0] =	vst v19;
	v19 =	vmul.f32 v30, v32  }
0x10d: {  	v37 =	vld [tilespmem:s0+$0x4670];
	[tilespmem:s0+$0x4600] =	vst v18;
	v18 =	vmul.f32 v31, v32  }
0x10e: {  	v38 =	vld [tilespmem:s0+$0x4680];
	[tilespmem:s0+$0x4610] =	vst v19;
	v19 =	vmul.f32 v33, v32  }
0x10f: {  	v39 =	vld [tilespmem:s0+$0x4690];
	[tilespmem:s0+$0x4620] =	vst v18;
	v18 =	vmul.f32 v34, v32  }
0x110: {  	v40 =	vld [tilespmem:s0+$0x46A0];
	[tilespmem:s0+$0x4630] =	vst v19;
	v19 =	vmul.f32 v35, v32  }
0x111: {  	v41 =	vperm.xlane v17, v6;
	v42 =	vld [tilespmem:s0+$0x46B0];
	[tilespmem:s0+$0x4640] =	vst v18;
	v18 =	vmul.f32 v36, v32  }
0x112: {  	v43 =	vld [tilespmem:s0+$0x46C0];
	[tilespmem:s0+$0x4650] =	vst v19;
	v19 =	vmul.f32 v37, v32  }
0x113: {  	v44 =	vld [tilespmem:s0+$0x46D0];
	[tilespmem:s0+$0x4660] =	vst v18;
	v18 =	vmul.f32 v38, v41  }
0x114: {  	v45 =	vld [tilespmem:s0+$0x46E0];
	[tilespmem:s0+$0x4670] =	vst v19;
	v19 =	vmul.f32 v39, v41  }
0x115: {  	v46 =	vld [tilespmem:s0+$0x46F0];
	[tilespmem:s0+$0x4680] =	vst v18;
	v18 =	vmul.f32 v40, v41  }
0x116: {  	v47 =	vld [tilespmem:s0+$0x4700];
	[tilespmem:s0+$0x4690] =	vst v19;
	v19 =	vmul.f32 v42, v41  }
0x117: {  	v48 =	vld [tilespmem:s0+$0x4710];
	[tilespmem:s0+$0x46A0] =	vst v18;
	v18 =	vmul.f32 v43, v41  }
0x118: {  	v49 =	vld [tilespmem:s0+$0x4720];
	[tilespmem:s0+$0x46B0] =	vst v19;
	v19 =	vmul.f32 v44, v41  }
0x119: {  	v51 =	vld [tilespmem:s0+$0x4730];
	v50 =	vperm.xlane v17, v7;
	[tilespmem:s0+$0x46C0] =	vst v18;
	v18 =	vmul.f32 v45, v41  }
0x11a: {  	v52 =	vld [tilespmem:s0+$0x4740];
	[tilespmem:s0+$0x46D0] =	vst v19;
	v19 =	vmul.f32 v46, v41  }
0x11b: {  	v53 =	vld [tilespmem:s0+$0x4750];
	[tilespmem:s0+$0x46E0] =	vst v18;
	v18 =	vmul.f32 v47, v50  }
0x11c: {  	v54 =	vld [tilespmem:s0+$0x4760];
	[tilespmem:s0+$0x46F0] =	vst v19;
	v19 =	vmul.f32 v48, v50  }
0x11d: {  	v55 =	vld [tilespmem:s0+$0x4770];
	[tilespmem:s0+$0x4700] =	vst v18;
	v18 =	vmul.f32 v49, v50  }
0x11e: {  	v56 =	vld [tilespmem:s0+$0x4780];
	[tilespmem:s0+$0x4710] =	vst v19;
	v19 =	vmul.f32 v51, v50  }
0x11f: {  	v57 =	vld [tilespmem:s0+$0x4790];
	[tilespmem:s0+$0x4720] =	vst v18;
	v18 =	vmul.f32 v52, v50  }
0x120: {  	v58 =	vld [tilespmem:s0+$0x47A0];
	[tilespmem:s0+$0x4730] =	vst v19;
	v19 =	vmul.f32 v53, v50  }
0x121: {  	v60 =	vld [tilespmem:s0+$0x47B0];
	v59 =	vperm.xlane v17, v8;
	[tilespmem:s0+$0x4740] =	vst v18;
	v18 =	vmul.f32 v54, v50  }
0x122: {  	v61 =	vld [tilespmem:s0+$0x47C0];
	[tilespmem:s0+$0x4750] =	vst v19;
	v19 =	vmul.f32 v55, v50  }
0x123: {  	v62 =	vld [tilespmem:s0+$0x47D0];
	[tilespmem:s0+$0x4760] =	vst v18;
	v18 =	vmul.f32 v56, v59  }
0x124: {  	v63 =	vld [tilespmem:s0+$0x47E0];
	[tilespmem:s0+$0x4770] =	vst v19;
	v19 =	vmul.f32 v57, v59  }
0x125: {  	v28 =	vld [tilespmem:s0+$0x47F0];
	[tilespmem:s0+$0x4780] =	vst v18;
	v18 =	vmul.f32 v58, v59  }
0x126: {  	v29 =	vld [tilespmem:s0+$0x4800];
	[tilespmem:s0+$0x4790] =	vst v19;
	v19 =	vmul.f32 v60, v59  }
0x127: {  	v30 =	vld [tilespmem:s0+$0x4810];
	[tilespmem:s0+$0x47A0] =	vst v18;
	v18 =	vmul.f32 v61, v59  }
0x128: {  	v31 =	vld [tilespmem:s0+$0x4820];
	[tilespmem:s0+$0x47B0] =	vst v19;
	v19 =	vmul.f32 v62, v59  }
0x129: {  	v33 =	vld [tilespmem:s0+$0x4830];
	v32 =	vperm.xlane v17, v9;
	[tilespmem:s0+$0x47C0] =	vst v18;
	v18 =	vmul.f32 v63, v59  }
0x12a: {  	v34 =	vld [tilespmem:s0+$0x4840];
	[tilespmem:s0+$0x47D0] =	vst v19;
	v19 =	vmul.f32 v28, v59  }
0x12b: {  	v35 =	vld [tilespmem:s0+$0x4850];
	[tilespmem:s0+$0x47E0] =	vst v18;
	v18 =	vmul.f32 v29, v32  }
0x12c: {  	v36 =	vld [tilespmem:s0+$0x4860];
	[tilespmem:s0+$0x47F0] =	vst v19;
	v19 =	vmul.f32 v30, v32  }
0x12d: {  	v37 =	vld [tilespmem:s0+$0x4870];
	[tilespmem:s0+$0x4800] =	vst v18;
	v18 =	vmul.f32 v31, v32  }
0x12e: {  	v38 =	vld [tilespmem:s0+$0x4880];
	[tilespmem:s0+$0x4810] =	vst v19;
	v19 =	vmul.f32 v33, v32  }
0x12f: {  	v39 =	vld [tilespmem:s0+$0x4890];
	[tilespmem:s0+$0x4820] =	vst v18;
	v18 =	vmul.f32 v34, v32  }
0x130: {  	v40 =	vld [tilespmem:s0+$0x48A0];
	[tilespmem:s0+$0x4830] =	vst v19;
	v19 =	vmul.f32 v35, v32  }
0x131: {  	v42 =	vld [tilespmem:s0+$0x48B0];
	v41 =	vperm.xlane v17, v10;
	[tilespmem:s0+$0x4840] =	vst v18;
	v18 =	vmul.f32 v36, v32  }
0x132: {  	v43 =	vld [tilespmem:s0+$0x48C0];
	[tilespmem:s0+$0x4850] =	vst v19;
	v19 =	vmul.f32 v37, v32  }
0x133: {  	v44 =	vld [tilespmem:s0+$0x48D0];
	[tilespmem:s0+$0x4860] =	vst v18;
	v18 =	vmul.f32 v38, v41  }
0x134: {  	v45 =	vld [tilespmem:s0+$0x48E0];
	[tilespmem:s0+$0x4870] =	vst v19;
	v19 =	vmul.f32 v39, v41  }
0x135: {  	v46 =	vld [tilespmem:s0+$0x48F0];
	[tilespmem:s0+$0x4880] =	vst v18;
	v18 =	vmul.f32 v40, v41  }
0x136: {  	v47 =	vld [tilespmem:s0+$0x4900];
	[tilespmem:s0+$0x4890] =	vst v19;
	v19 =	vmul.f32 v42, v41  }
0x137: {  	v48 =	vld [tilespmem:s0+$0x4910];
	[tilespmem:s0+$0x48A0] =	vst v18;
	v18 =	vmul.f32 v43, v41  }
0x138: {  	v49 =	vld [tilespmem:s0+$0x4920];
	[tilespmem:s0+$0x48B0] =	vst v19;
	v19 =	vmul.f32 v44, v41  }
0x139: {  	v51 =	vld [tilespmem:s0+$0x4930];
	v50 =	vperm.xlane v17, v11;
	[tilespmem:s0+$0x48C0] =	vst v18;
	v18 =	vmul.f32 v45, v41  }
0x13a: {  	v52 =	vld [tilespmem:s0+$0x4940];
	[tilespmem:s0+$0x48D0] =	vst v19;
	v19 =	vmul.f32 v46, v41  }
0x13b: {  	v53 =	vld [tilespmem:s0+$0x4950];
	[tilespmem:s0+$0x48E0] =	vst v18;
	v18 =	vmul.f32 v47, v50  }
0x13c: {  	v54 =	vld [tilespmem:s0+$0x4960];
	[tilespmem:s0+$0x48F0] =	vst v19;
	v19 =	vmul.f32 v48, v50  }
0x13d: {  	v55 =	vld [tilespmem:s0+$0x4970];
	[tilespmem:s0+$0x4900] =	vst v18;
	v18 =	vmul.f32 v49, v50  }
0x13e: {  	v56 =	vld [tilespmem:s0+$0x4980];
	[tilespmem:s0+$0x4910] =	vst v19;
	v19 =	vmul.f32 v51, v50  }
0x13f: {  	v57 =	vld [tilespmem:s0+$0x4990];
	[tilespmem:s0+$0x4920] =	vst v18;
	v18 =	vmul.f32 v52, v50  }
0x140: {  	v58 =	vld [tilespmem:s0+$0x49A0];
	[tilespmem:s0+$0x4930] =	vst v19;
	v19 =	vmul.f32 v53, v50  }
0x141: {  	v60 =	vld [tilespmem:s0+$0x49B0];
	v59 =	vperm.xlane v17, v12;
	[tilespmem:s0+$0x4940] =	vst v18;
	v18 =	vmul.f32 v54, v50  }
0x142: {  	v61 =	vld [tilespmem:s0+$0x49C0];
	[tilespmem:s0+$0x4950] =	vst v19;
	v19 =	vmul.f32 v55, v50  }
0x143: {  	v62 =	vld [tilespmem:s0+$0x49D0];
	[tilespmem:s0+$0x4960] =	vst v18;
	v18 =	vmul.f32 v56, v59  }
0x144: {  	v63 =	vld [tilespmem:s0+$0x49E0];
	[tilespmem:s0+$0x4970] =	vst v19;
	v19 =	vmul.f32 v57, v59  }
0x145: {  	v28 =	vld [tilespmem:s0+$0x49F0];
	[tilespmem:s0+$0x4980] =	vst v18;
	v18 =	vmul.f32 v58, v59  }
0x146: {  	v29 =	vld [tilespmem:s0+$0x4A00];
	[tilespmem:s0+$0x4990] =	vst v19;
	v19 =	vmul.f32 v60, v59  }
0x147: {  	v30 =	vld [tilespmem:s0+$0x4A10];
	[tilespmem:s0+$0x49A0] =	vst v18;
	v18 =	vmul.f32 v61, v59  }
0x148: {  	v31 =	vld [tilespmem:s0+$0x4A20];
	[tilespmem:s0+$0x49B0] =	vst v19;
	v19 =	vmul.f32 v62, v59  }
0x149: {  	v33 =	vld [tilespmem:s0+$0x4A30];
	v32 =	vperm.xlane v17, v13;
	[tilespmem:s0+$0x49C0] =	vst v18;
	v18 =	vmul.f32 v63, v59  }
0x14a: {  	v34 =	vld [tilespmem:s0+$0x4A40];
	[tilespmem:s0+$0x49D0] =	vst v19;
	v19 =	vmul.f32 v28, v59  }
0x14b: {  	v35 =	vld [tilespmem:s0+$0x4A50];
	[tilespmem:s0+$0x49E0] =	vst v18;
	v18 =	vmul.f32 v29, v32  }
0x14c: {  	v36 =	vld [tilespmem:s0+$0x4A60];
	[tilespmem:s0+$0x49F0] =	vst v19;
	v19 =	vmul.f32 v30, v32  }
0x14d: {  	v37 =	vld [tilespmem:s0+$0x4A70];
	[tilespmem:s0+$0x4A00] =	vst v18;
	v18 =	vmul.f32 v31, v32  }
0x14e: {  	v38 =	vld [tilespmem:s0+$0x4A80];
	[tilespmem:s0+$0x4A10] =	vst v19;
	v19 =	vmul.f32 v33, v32  }
0x14f: {  	v39 =	vld [tilespmem:s0+$0x4A90];
	[tilespmem:s0+$0x4A20] =	vst v18;
	v18 =	vmul.f32 v34, v32  }
0x150: {  	v40 =	vld [tilespmem:s0+$0x4AA0];
	[tilespmem:s0+$0x4A30] =	vst v19;
	v19 =	vmul.f32 v35, v32  }
0x151: {  	v42 =	vld [tilespmem:s0+$0x4AB0];
	v41 =	vperm.xlane v17, v14;
	[tilespmem:s0+$0x4A40] =	vst v18;
	v18 =	vmul.f32 v36, v32  }
0x152: {  	v43 =	vld [tilespmem:s0+$0x4AC0];
	[tilespmem:s0+$0x4A50] =	vst v19;
	v19 =	vmul.f32 v37, v32  }
0x153: {  	v44 =	vld [tilespmem:s0+$0x4AD0];
	[tilespmem:s0+$0x4A60] =	vst v18;
	v18 =	vmul.f32 v38, v41  }
0x154: {  	v45 =	vld [tilespmem:s0+$0x4AE0];
	[tilespmem:s0+$0x4A70] =	vst v19;
	v19 =	vmul.f32 v39, v41  }
0x155: {  	v46 =	vld [tilespmem:s0+$0x4AF0];
	[tilespmem:s0+$0x4A80] =	vst v18;
	v18 =	vmul.f32 v40, v41  }
0x156: {  	v47 =	vld [tilespmem:s0+$0x4B00];
	[tilespmem:s0+$0x4A90] =	vst v19;
	v19 =	vmul.f32 v42, v41  }
0x157: {  	v48 =	vld [tilespmem:s0+$0x4B10];
	[tilespmem:s0+$0x4AA0] =	vst v18;
	v18 =	vmul.f32 v43, v41  }
0x158: {  	v49 =	vld [tilespmem:s0+$0x4B20];
	[tilespmem:s0+$0x4AB0] =	vst v19;
	v19 =	vmul.f32 v44, v41  }
0x159: {  	v51 =	vld [tilespmem:s0+$0x4B30];
	v50 =	vperm.xlane v17, v15;
	[tilespmem:s0+$0x4AC0] =	vst v18;
	v18 =	vmul.f32 v45, v41  }
0x15a: {  	v52 =	vld [tilespmem:s0+$0x4B40];
	[tilespmem:s0+$0x4AD0] =	vst v19;
	v19 =	vmul.f32 v46, v41  }
0x15b: {  	v53 =	vld [tilespmem:s0+$0x4B50];
	[tilespmem:s0+$0x4AE0] =	vst v18;
	v18 =	vmul.f32 v47, v50  }
0x15c: {  	v54 =	vld [tilespmem:s0+$0x4B60];
	[tilespmem:s0+$0x4AF0] =	vst v19;
	v19 =	vmul.f32 v48, v50  }
0x15d: {  	v55 =	vld [tilespmem:s0+$0x4B70];
	[tilespmem:s0+$0x4B00] =	vst v18;
	v18 =	vmul.f32 v49, v50  }
0x15e: {  	v56 =	vld [tilespmem:s0+$0x4B80];
	[tilespmem:s0+$0x4B10] =	vst v19;
	v19 =	vmul.f32 v51, v50  }
0x15f: {  	v57 =	vld [tilespmem:s0+$0x4B90];
	[tilespmem:s0+$0x4B20] =	vst v18;
	v18 =	vmul.f32 v52, v50  }
0x160: {  	v58 =	vld [tilespmem:s0+$0x4BA0];
	[tilespmem:s0+$0x4B30] =	vst v19;
	v19 =	vmul.f32 v53, v50  }
0x161: {  	v17 =	vperm.xlane v17, v16;
	v59 =	vld [tilespmem:s0+$0x4BB0];
	[tilespmem:s0+$0x4B40] =	vst v18;
	v18 =	vmul.f32 v54, v50  }
0x162: {  	v60 =	vld [tilespmem:s0+$0x4BC0];
	[tilespmem:s0+$0x4B50] =	vst v19;
	v19 =	vmul.f32 v55, v50  }
0x163: {  	v61 =	vld [tilespmem:s0+$0x4BD0];
	[tilespmem:s0+$0x4B60] =	vst v18;
	v18 =	vmul.f32 v56, v17  }
0x164: {  	v62 =	vld [tilespmem:s0+$0x4BE0];
	[tilespmem:s0+$0x4B70] =	vst v19;
	v19 =	vmul.f32 v57, v17  }
0x165: {  	v63 =	vld [tilespmem:s0+$0x4BF0];
	[tilespmem:s0+$0x4B80] =	vst v18;
	v18 =	vmul.f32 v58, v17  }
0x166: {  	[tilespmem:s0+$0x4B90] =	vst v19;
	v19 =	vmul.f32 v59, v17  }
0x167: {  	p0 =	sne.s32 s31, $0x7;
	[tilespmem:s0+$0x4BA0] =	vst v18;
	v18 =	vmul.f32 v60, v17  }
.Ltmp4:
0x168: {  	[tilespmem:s0+$0x4BB0] =	vst v19;
	v19 =	vmul.f32 v61, v17;
	(pc) =	sbr.rel @p0 .LBB2_7-.Ltmp4, $4  }
0x169: {  	[tilespmem:s0+$0x4BC0] =	vst v18;
	v18 =	vmul.f32 v62, v17  }
0x16a: {  	[tilespmem:s0+$0x4BD0] =	vst v19;
	v17 =	vmul.f32 v63, v17  }
0x16b: {  	[tilespmem:s0+$0x4BE0] =	vst v18  }
0x16c: {  	s31 =	sadd.s32 $0x1, s31;
	[tilespmem:s0+$0x4BF0] =	vst v17  }
0x16d: {  	p0 =	seq.s32 s29, $0x27  }
.Ltmp5:
0x16e: {  	_ = 	snop;
	(pc) =	sbr.rel @p0 .LBB2_10-.Ltmp5, $4  }
0x16f: {  	_ = 	snop  }
0x170: {  	_ =	swait.ge [sflag:s23], $0x4000  }
0x171: {  	[sflag:s23] =	ssyncset.done $0x0  }
0x172: {  	[sflag:s23] =	ssyncadd.s32 $0xFFFFC000  }
0x173: {  	s0 =	sadd.s32 s30, s13  }
0x174: {  	s0 =	sshrl.u32 s0, $0x3  }
0x175: {  	s0 =	sadd.s32 s5, s0  }
0x176: {  	[tilespmem:s4], [sflag:$0x5] =	stream.linear.gather [hbm4b:s0+s4], $0x180, $0x38;
	[tilespmem:$0x1C000] =	vst v63  }
0x177: {  	_ =	swait.ge [sflag:s17], $0x180  }
.Ltmp6:
0x178: {  	[sflag:s17] =	ssyncset.done $0x0;
	(pc) =	sbr.rel .LBB2_4-.Ltmp6, $4  }
0x179: {  	[sflag:s17] =	ssyncadd.s32 $0xFFFFFE80  }
0x17a: {  	[tilespmem:s16], [sflag:$0x1] =	stream.indirect.gather [hbm4b:s1+s18], $0x80, s4, s18, $0xb8;
	[tilespmem:$0x1C000] =	vst v63  }
0x17b: {  	s29 =	sadd.s32 $0x1, s29  }
0x17c: {  	[spmem:s2] =	stream.indirect.scatter.add.f32 [tilespmem:s20], [sflag:$0x4], $0x80, s24, s18, $0xb8;
	[tilespmem:$0x1C000] =	vst v63  }
.LBB2_11:
0x17d: {  	_ =	sfence.sel $0x180000  }
0x17e: {  	[bflag:$0x0] =	sbarrier.arrive $0xFFFF  }
0x17f: {  	_ =	strace $0x90000050  }
0x180: {  	[bflag:$0x2] =	sbarrier.arrive $0xFFFF  }
0x181: {  	p0 =	sne.s32 s3, $0x0;
	s0 =	rddreg [dreg:$0x3]  }
0x182: {  	s0 =	sadd.s32 @!p0 $0x100000, s0  }
0x183: {  	[sflag:s0] =	ssyncadd.tile.s32 @!p0 $0x1;
	_ =	shalt  }
.Lfunc_end2:
_tile_overlayer_lowered:
.L_overlay_start_2:
0x184: {  	(tag) =	ssettag $0x2  }
0x185: {  	s0 =	rddreg [dreg:$0x0];
	s2 =	stileid.u32  }
0x186: {  	s1 =	rddreg [dreg:$0x1];
	p0 =	sne.s32 s2, $0x0  }
0x187: {  	s3 =	rddreg [dreg:$0x2];
	[bflag:$0x3] =	sbarrier.arrive $0xFFFF;
	s2 =	simm.s32 @!p0 $0x1C05  }
0x188: {  	[timem:s3], [sflag:s2] =	dma.local @!p0 [hbm:s0], s1  }
0x189: {  	s0 =	simm.s32 @!p0 $0x5  }
0x18a: {  	_ =	swait.ge @!p0 [sflag:s0], s1  }
0x18b: {  	s1 =	ssub.s32 @!p0 $0x0, s1;
	[sflag:s0] =	ssyncset.done @!p0 $0x0  }
0x18c: {  	[sflag:s0] =	ssyncadd.s32 @!p0 s1  }
0x18d: {  	[bflag:$0x3] =	sbarrier.arrive $0xFFFF  }
0x18e: {  	_ =	shalt  }

// kernel: kernel.9.cloned.1.call-start
scs
__scs_entry_jumppad:
0x0: {  	(pc) =	sbr.rel $0x88, $3  }
0x1: {  	(tag) =	ssettag $0x0;
	lr =	simm.s32 $0x1  }
0x2: {  	[smem:$0x3F96] =	sst lr;
	_ =	strace $0xD0000000  }
0x3: {  	_ = 	snop  }
0x4: {  	_ = 	snop  }
0x5: {  	_ = 	snop  }
0x6: {  	_ = 	snop  }
0x7: {  	_ = 	snop  }
__scs_overlays_trampoline_lowered:
0x8: {  	[smem:$0x3FA5] =	sst s0  }
0x9: {  	[smem:$0x3FA6] =	sst s1  }
0xa: {  	[smem:$0x3FA7] =	sst s2  }
0xb: {  	[smem:$0x3FA8] =	sst s3  }
0xc: {  	[smem:$0x3FA9] =	sst s4  }
0xd: {  	[smem:$0x3FAA] =	sst s5  }
0xe: {  	[smem:$0x3FAB] =	sst s6  }
0xf: {  	[smem:$0x3FAC] =	sst s7  }
0x10: {  	[smem:$0x3FAD] =	sst s8  }
0x11: {  	[smem:$0x3FAE] =	sst s9;
	s0 =	simm.s32 @!p0 $0x0  }
0x12: {  	s1 =	sld [smem:$0x3F94];
	s0 =	simm.s32 @p0 $0x1  }
0x13: {  	[smem:$0x3FAF] =	sst s0;
	s0 =	simm.s32 @!p1 $0x0  }
0x14: {  	s2 =	sld [smem:$0x3F93];
	s0 =	simm.s32 @p1 $0x1  }
0x15: {  	[smem:$0x3FB0] =	sst s0;
	s0 =	simm.s32 @!p2 $0x0  }
0x16: {  	s3 =	sld [smem:$0x3FDB];
	s0 =	simm.s32 @p2 $0x1  }
0x17: {  	s4 =	simm.s32 $0x1BF5;
	[smem:$0x3FB2] =	sst s0  }
0x18: {  	s0 =	sld [smem:$0x3F95];
	_ =	swait.ge [sflag:s4], $0x0  }
0x19: {  	s7 =	sld [smem:$0x3F96]  }
0x1a: {  	s8 =	sadd.s32 $0xFFFFE003, lr  }
0x1b: {  	s9 =	sadd.s32 $0xFFFFFEF7, lr;
	s5 =	simm.s32 $0xFFFFFFFF;
	p2 =	slt.u32 s8, $0xFFFFF086  }
0x1c: {  	p1 =	slt.u32 s9, $0xF7A;
	s5 =	simm.s32 @!p2 $0x0  }
0x1d: {  	s5 =	simm.s32 @p1 $0x1;
	p0 =	seq.s32 s7, s2  }
0x1e: {  	s7 =	smul.u32 @!p0 $0xF7A, s2;
	p2 =	seq.s32 @!p0 s5, $0x0  }
0x1f: {  	s9 =	smul.u32 $0xF7A, s1;
	s8 =	simm.s32 @!p0 $0x1BF5;
	p2 =	por !p2, p0  }
0x20: {  	[sflag:s8] =	ssyncset.s32 @!p0 $0xFFFFF086;
	s6 =	sadd.s32 @!p0 s3, s7;
	s7 =	simm.s32 @!p0 $0x108  }
0x21: {  	s3 =	sadd.s32 s3, s9;
	s6 =	sadd.s32 @!p0 $0x88, s6;
	s7 =	simm.s32 @p2 $0x1082  }
0x22: {  	[simem:s7], [sflag:s8] =	dma.local @!p0 [hbm:s6], $0xF7A  }
0x23: {  	s9 =	sor.u32 $0xD0000000, s2;
	s6 =	simm.s32 $0x108;
	_ =	swait.ge @!p0 [sflag:s8], $0x0  }
0x24: {  	s3 =	sadd.s32 $0x88, s3;
	s6 =	simm.s32 @!p1 $0x1082;
	[sflag:s4] =	ssyncset.s32 $0xFFFFF086  }
0x25: {  	[simem:s6], [sflag:s4] =	dma.local [hbm:s3], $0xF7A  }
0x26: {  	[smem:$0x3F96] =	sst s1;
	(tag) =	ssettag s2;
	_ =	strace s9  }
0x27: {  	s1 =	sld [smem:$0x3FA6]  }
0x28: {  	s2 =	sld [smem:$0x3FA7]  }
0x29: {  	s4 =	sld [smem:$0x3FA9]  }
0x2a: {  	p0 =	seq.s32 s5, $0x0;
	s5 =	sld [smem:$0x3FAA]  }
0x2b: {  	s6 =	sld [smem:$0x3FAB]  }
0x2c: {  	s7 =	sld [smem:$0x3FAC]  }
0x2d: {  	s3 =	simm.s32 $0x108;
	s8 =	sld [smem:$0x3FAD]  }
0x2e: {  	s3 =	simm.s32 @!p0 $0x1082;
	s9 =	sld [smem:$0x3FAE]  }
0x2f: {  	lr =	sadd.s32 s0, s3;
	s0 =	sld [smem:$0x3FA5]  }
0x30: {  	s3 =	sld [smem:$0x3FA8]  }
0x31: {  	[smem:$0x3FB1] =	sst s10  }
0x32: {  	s10 =	sld [smem:$0x3FAF];
	_ =	sdelay $0x3  }
0x33: {  	p0 =	seq.s32 s10, $0x1;
	s10 =	sld [smem:$0x3FB1];
	_ =	sdelay $0x3  }
0x34: {  	[smem:$0x3FB1] =	sst s10  }
0x35: {  	s10 =	sld [smem:$0x3FB0];
	_ =	sdelay $0x3  }
0x36: {  	p1 =	seq.s32 s10, $0x1;
	s10 =	sld [smem:$0x3FB1];
	_ =	sdelay $0x3  }
0x37: {  	[smem:$0x3FB1] =	sst s10  }
0x38: {  	s10 =	sld [smem:$0x3FB2]  }
0x39: {  	_ = 	snop;
	(pc) =	sbr.ind lr, $3  }
0x3a: {  	_ = 	snop  }
0x3b: {  	_ = 	snop  }
0x3c: {  	p2 =	seq.s32 s10, $0x1;
	s10 =	sld [smem:$0x3FB1]  }
0x3d: {  	_ =	shalt  }
0x3e: {  	_ =	shalt  }
0x3f: {  	_ =	shalt  }
0x40: {  	_ =	shalt  }
0x41: {  	_ =	shalt  }
0x42: {  	_ =	shalt  }
0x43: {  	_ =	shalt  }
0x44: {  	_ =	shalt  }
0x45: {  	_ =	shalt  }
0x46: {  	_ =	shalt  }
0x47: {  	_ =	shalt  }
0x48: {  	_ =	shalt  }
0x49: {  	_ =	shalt  }
0x4a: {  	_ =	shalt  }
0x4b: {  	_ =	shalt  }
0x4c: {  	_ =	shalt  }
0x4d: {  	_ =	shalt  }
0x4e: {  	_ =	shalt  }
0x4f: {  	_ =	shalt  }
0x50: {  	_ =	shalt  }
0x51: {  	_ =	shalt  }
0x52: {  	_ =	shalt  }
0x53: {  	_ =	shalt  }
0x54: {  	_ =	shalt  }
0x55: {  	_ =	shalt  }
0x56: {  	_ =	shalt  }
0x57: {  	_ =	shalt  }
0x58: {  	_ =	shalt  }
0x59: {  	_ =	shalt  }
0x5a: {  	_ =	shalt  }
0x5b: {  	_ =	shalt  }
0x5c: {  	_ =	shalt  }
0x5d: {  	_ =	shalt  }
0x5e: {  	_ =	shalt  }
0x5f: {  	_ =	shalt  }
0x60: {  	_ =	shalt  }
0x61: {  	_ =	shalt  }
0x62: {  	_ =	shalt  }
0x63: {  	_ =	shalt  }
0x64: {  	_ =	shalt  }
0x65: {  	_ =	shalt  }
0x66: {  	_ =	shalt  }
0x67: {  	_ =	shalt  }
0x68: {  	_ =	shalt  }
0x69: {  	_ =	shalt  }
0x6a: {  	_ =	shalt  }
0x6b: {  	_ =	shalt  }
0x6c: {  	_ =	shalt  }
0x6d: {  	_ =	shalt  }
0x6e: {  	_ =	shalt  }
0x6f: {  	_ =	shalt  }
0x70: {  	_ =	shalt  }
0x71: {  	_ =	shalt  }
0x72: {  	_ =	shalt  }
0x73: {  	_ =	shalt  }
0x74: {  	_ =	shalt  }
0x75: {  	_ =	shalt  }
0x76: {  	_ =	shalt  }
0x77: {  	_ =	shalt  }
0x78: {  	_ =	shalt  }
0x79: {  	_ =	shalt  }
0x7a: {  	_ =	shalt  }
0x7b: {  	_ =	shalt  }
0x7c: {  	_ =	shalt  }
0x7d: {  	_ =	shalt  }
0x7e: {  	_ =	shalt  }
0x7f: {  	_ =	shalt  }
0x80: {  	_ =	shalt  }
0x81: {  	_ =	shalt  }
0x82: {  	_ =	shalt  }
0x83: {  	_ =	shalt  }
0x84: {  	_ =	shalt  }
0x85: {  	_ =	shalt  }
0x86: {  	_ =	shalt  }
0x87: {  	_ =	shalt  }
.Lfunc_end0:
.L_simem_size_0:
called_computation_lowered:
.L_overlay_start_0:
0x88: {  	s2 =	sld [smem:$0x3FD9]  }
0x89: {  	s3 =	sld [smem:$0x3FFE];
	_ =	sdelay $0x1  }
0x8a: {  	s1 =	srdreg.scid  }
0x8b: {  	s0 =	sand.u32 $0x1, s1  }
0x8c: {  	s17 =	sshll.u32 s0, $0xA;
	s2 =	sadd.s32 s3, s2  }
0x8d: {  	s2 =	sadd.s32 s2, s17  }
0x8e: {  	[smem:$0x3FBD] =	sst s2  }
0x8f: {  	_ = 	snop  }
0x90: {  	s2 =	sld [smem:$0x3FD0];
	(tm) =	ssettm $0x1  }
0x91: {  	s18 =	sld [smem:$0x3FFB];
	_ =	sdelay $0x3  }
0x92: {  	_ =	strace s18  }
0x93: {  	s3 =	sld [smem:$0x3FFC];
	_ =	sdelay $0x3  }
0x94: {  	_ =	strace s3  }
0x95: {  	s3 =	sld [smem:$0x3FFD];
	_ =	sdelay $0x3  }
0x96: {  	_ =	strace s3  }
0x97: {  	_ =	strace $0x8FFFFFFF  }
0x98: {  	s19 =	sld [smem:$0x3FDB];
	_ =	sdelay $0x1  }
0x99: {  	s4 =	simm.s32 $_scs_section_size  }
0x9a: {  	s5 =	simm.s32 $_size__tile_overlayer_lowered;
	s6 =	simm.s32 $_tile_overlayer_lowered  }
0x9b: {  	s22 =	simm.s32 $0x1BFF;
	s21 =	sshll.u32 s6, $0x1;
	s3 =	sadd.s32 s4, s19  }
0x9c: {  	s7 =	simm.s32 $0x0;
	s20 =	sshll.u32 s5, $0x1;
	s5 =	sadd.s32 s21, s3  }
0x9d: {  	[timem:s7], [sflag:s22] =	dma.local [hbm:s5], s20  }
0x9e: {  	_ =	swait.ge [sflag:s22], s20  }
0x9f: {  	s4 =	ssub.s32 $0x0, s20;
	[sflag:s22] =	ssyncset.done $0x0  }
0xa0: {  	[sflag:s22] =	ssyncadd.s32 s4;
	_ =	sdelay $0x1  }
0xa1: {  	s23 =	simm.s32 $0x1B8B  }
0xa2: {  	_ =	swait.ge [sflag:s23], $0x1  }
0xa3: {  	[sflag:s23] =	ssyncset.done $0x0  }
0xa4: {  	s25 =	simm.s32 $0x1B8E;
	s24 =	sld [smem:$0x3FFE];
	[sflag:s23] =	ssyncadd.s32 $0xFFFFFFFF  }
0xa5: {  	s26 =	simm.s32 $execute0_lowered;
	[smem:$0x3FD2] =	sst s25  }
0xa6: {  	s5 =	sshll.u32 s26, $0x1;
	_ =	strace $0x80000046;
	[dreg:$0x1] =	wrdreg $0xFFFFFFFF  }
0xa7: {  	s28 =	simm.s32 $_size_execute0_lowered;
	s3 =	sadd.s32 s3, s5;
	[dreg:$0x0] =	wrdreg $0x0  }
0xa8: {  	s5 =	sshll.u32 s28, $0x1;
	[dreg:$0x2] =	wrdreg s3  }
0xa9: {  	[dreg:$0x3] =	wrdreg s5  }
0xaa: {  	[dreg:$0x4] =	wrdreg $0xC0  }
0xab: {  	_ =	task [dreg:s7], $0x5FFFF  }
0xac: {  	[dreg:$0x1] =	wrdreg $0xFFFFFFFF  }
0xad: {  	[dreg:$0x0] =	wrdreg $0x60  }
0xae: {  	[dreg:$0x2] =	wrdreg s24  }
0xaf: {  	[dreg:$0x3] =	wrdreg s2  }
0xb0: {  	[dreg:$0x4] =	wrdreg $0x50000  }
0xb1: {  	[dreg:$0x5] =	wrdreg $0x9  }
0xb2: {  	_ =	task.clear_ibuf [dreg:s7], $0x6FFFF;
	_ =	strace $0x90000046  }
0xb3: {  	s29 =	simm.s32 $0x9;
	_ =	strace $0x80000048  }
0xb4: {  	_ =	swait.ge [sflag:s29], $0x1  }
0xb5: {  	[sflag:s29] =	ssyncadd.s32 $0xFFFFFFFF  }
0xb6: {  	_ =	strace $0x90000048  }
0xb7: {  	_ =	sfence  }
0xb8: {  	s30 =	sld [smem:$0x0];
	_ =	sdelay $0x2  }
0xb9: {  	s31 =	sshll.u32 s1, $0xD;
	s1 =	sshrl.u32 s1, $0x2  }
0xba: {  	s3 =	sand.u32 $0x4000, s31;
	s1 =	sadd.s32 s1, s30  }
0xbb: {  	s0 =	sor.u32 s3, s0;
	s1 =	sshll.u32 s1, $0x11  }
0xbc: {  	s0 =	sor.u32 s1, s0  }
0xbd: {  	s0 =	sadd.s32 $0x8F2B, s0  }
0xbe: {  	[sflag:s0] =	ssyncadd.remote.s32 $0x1  }
0xbf: {  	_ =	sfence.sel $0xFFFF  }
0xc0: {  	[dreg:$0x0] =	wrdreg $0xFFFFFFFF;
	(pc) =	sbr.abs _section_cstart, $3  }
0xc1: {  	[dreg:$0x1] =	wrdreg $0xFFFFFFFF  }
0xc2: {  	_ =	task.clear_ibuf [dreg:s7], $0x2FFFF;
	_ =	strace $0x9FFFFFFF  }
0xc3: {  	(tm) =	ssettm $0x7FFFFFFF  }
tec
execute0_lowered:
.L_overlay_start_1:
0x0: {  	(tag) =	ssettag $0x1  }
0x1: {  	s0 =	srdreg.scid;
	s3 =	rddreg [dreg:$0x0]  }
0x2: {  	s5 =	rddreg [dreg:$0x1];
	s4 =	sand.u32 $0x1, s0  }
0x3: {  	s6 =	stileid.u32;
	s1 =	rddreg [dreg:$0x2];
	s7 =	sshll.u32 s4, $0x4  }
0x4: {  	s2 =	simm.s32 $0x0;
	s0 =	rddreg [dreg:$0x3];
	s8 =	sor.u32 s6, s7  }
0x5: {  	[smem:$0x7FF] =	sst s2;
	p0 =	sne.s32 s6, $0x0;
	s8 =	smul.u32 $0x500, s8  }
0x6: {  	s4 =	ssub.s32 $0x2, s4;
	_ =	strace $0x80000047;
	s9 =	sshrl.u32 @!p0 s1, $0x3  }
0x7: {  	s31 =	sshrl.u32 s4, $0x1;
	s6 =	simm.s32 $0x1;
	s3 =	sadd.s32 s8, s3  }
0x8: {  	s8 =	ssub.s32 s4, s31;
	s4 =	sadd.s32 s5, s7;
	s7 =	simm.s32 $0x80  }
0x9: {  	v0 =	vimm.f32 $1.000000000e+00;
	v1 =	vimm.f32 $0.0e+00;
	s3 =	sadd.s32 $0x4600, s3;
	s5 =	smax.u32 s8, $0x1;
	s8 =	simm.s32 $0x2800  }
.LBB2_1:
0xa: {  	[tilespmem:$0x2800] =	vst v0  }
0xb: {  	[tilespmem:$0x2810] =	vst v0  }
0xc: {  	[tilespmem:$0x2820] =	vst v0  }
0xd: {  	[tilespmem:$0x2830] =	vst v0  }
0xe: {  	[tilespmem:$0x2840] =	vst v0  }
0xf: {  	[tilespmem:$0x2850] =	vst v0  }
0x10: {  	[tilespmem:$0x2860] =	vst v0  }
0x11: {  	[tilespmem:$0x2870] =	vst v0;
	s10 =	simm.s32 $0x40;
	s11 =	simm.s32 $0x0  }
.LBB2_2:
0x12: {  	p1 =	sne.s32 s10, $0x9DC0;
	[tilespmem:s11+$0x2880] =	vst v1;
	s11 =	smov.u32 s10;
	s10 =	sadd.s32 $0x40, s10  }
.Ltmp0:
0x13: {  	(pc) =	sbr.rel @p1 .LBB2_2-.Ltmp0, $2  }
0x14: {  	_ =	sdelay $0x2  }
0x15: {  	s11 =	sshra.s32 s11, $0x2  }
0x16: {  	[tilespmem:s11+$0x2880] =	vst v1;
	s10 =	simm.s32 @!p0 $0x2880  }
0x17: {  	[spmem:s1] =	stream.linear.scatter @!p0 [tilespmem:s10], [sflag:$0x1], $0x2780, $0x38;
	[tilespmem:$0x5278] =	vst v63  }
0x18: {  	s10 =	simm.s32 @!p0 $0x1  }
0x19: {  	_ =	swait.ge @!p0 [sflag:s10], $0x2780  }
0x1a: {  	[sflag:s10] =	ssyncset.done @!p0 $0x0  }
0x1b: {  	[sflag:s10] =	ssyncadd.s32 @!p0 $0xFFFFD880  }
0x1c: {  	s30 =	simm.s32 $0x0;
	[bflag:$0x0] =	sbarrier.arrive $0xFFFF  }
0x1d: {  	[tilespmem:s30], [sflag:$0x1] =	stream.linear.gather [hbm4b:s3+s30], $0x2800, $0x38;
	[tilespmem:$0x5278] =	vst v63  }
0x1e: {  	_ =	swait.ge [sflag:s6], $0x2800  }
0x1f: {  	[sflag:s6] =	ssyncset.done $0x0  }
0x20: {  	s31 =	simm.s32 $0x0;
	[sflag:s6] =	ssyncadd.s32 $0xFFFFD800  }
0x21: {  	[spmem:s1] =	stream.indirect.scatter.add.f32 [tilespmem:s8], [sflag:$0x1], $0x1, s31, s7, $0xb8;
	[tilespmem:$0x5278] =	vst v63  }
0x22: {  	_ =	swait.ge [sflag:s6], $0x80  }
0x23: {  	s10 =	simm.s32 $0x200;
	[sflag:s6] =	ssyncset.done $0x0  }
.LBB2_4:
0x24: {  	s11 =	sshra.s32 s10, $0x2;
	[sflag:s6] =	ssyncadd.s32 $0xFFFFFF80;
	p1 =	sne.s32 s10, $0x9E00  }
0x25: {  	[spmem:s1] =	stream.indirect.scatter.add.f32 [tilespmem:s8], [sflag:$0x1], $0x1, s11, s7, $0xb8;
	[tilespmem:$0x5278] =	vst v63  }
.Ltmp1:
0x26: {  	_ = 	snop;
	(pc) =	sbr.rel @p1 .LBB2_4-.Ltmp1, $4  }
0x27: {  	_ = 	snop  }
0x28: {  	s10 =	sadd.s32 $0x200, s10  }
0x29: {  	_ =	swait.ge [sflag:s6], $0x80  }
0x2a: {  	[sflag:s6] =	ssyncset.done $0x0  }
0x2b: {  	[sflag:s6] =	ssyncadd.s32 $0xFFFFFF80;
	s10 =	simm.s32 @!p0 $0x1;
	s2 =	sadd.s32 $0x1, s2  }
0x2c: {  	s11 =	simm.s32 @!p0 $0x20;
	s12 =	simm.s32 @!p0 $0x10;
	p1 =	sne.s32 s2, s5  }
.Ltmp2:
0x2d: {  	s13 =	simm.s32 @!p0 $0x1C01;
	[bflag:$0x0] =	sbarrier.arrive $0xFFFF;
	(pc) =	sbr.rel @p1 .LBB2_1-.Ltmp2, $4  }
0x2e: {  	[hbm:s4@s11], [sflag:s13] =	dma.strided @!p0 [spmem:s9@s12], $0x4F0, s10, $0x10   }
0x2f: {  	_ =	swait.ge @!p0 [sflag:s10], $0x4F0  }
0x30: {  	[sflag:s10] =	ssyncset.done @!p0 $0x0  }
0x31: {  	[sflag:s10] =	ssyncadd.s32 @!p0 $0xFFFFFB10  }
0x32: {  	_ =	sfence.sel $0x180000  }
0x33: {  	[bflag:$0x0] =	sbarrier.arrive $0xFFFF  }
0x34: {  	_ =	strace $0x90000047  }
0x35: {  	s0 =	sadd.s32 @!p0 $0x100000, s0;
	[bflag:$0x2] =	sbarrier.arrive $0xFFFF  }
0x36: {  	[sflag:s0] =	ssyncadd.tile.s32 @!p0 $0x1;
	_ =	shalt  }
.Lfunc_end2:
_tile_overlayer_lowered:
.L_overlay_start_2:
0x37: {  	(tag) =	ssettag $0x2  }
0x38: {  	s0 =	rddreg [dreg:$0x0];
	s2 =	stileid.u32  }
0x39: {  	s1 =	rddreg [dreg:$0x1];
	p0 =	sne.s32 s2, $0x0  }
0x3a: {  	s3 =	rddreg [dreg:$0x2];
	[bflag:$0x3] =	sbarrier.arrive $0xFFFF;
	s2 =	simm.s32 @!p0 $0x1C01  }
0x3b: {  	[timem:s3], [sflag:s2] =	dma.local @!p0 [hbm:s0], s1  }
0x3c: {  	s0 =	simm.s32 @!p0 $0x1  }
0x3d: {  	_ =	swait.ge @!p0 [sflag:s0], s1  }
0x3e: {  	s1 =	ssub.s32 @!p0 $0x0, s1;
	[sflag:s0] =	ssyncset.done @!p0 $0x0  }
0x3f: {  	[sflag:s0] =	ssyncadd.s32 @!p0 s1  }
0x40: {  	[bflag:$0x3] =	sbarrier.arrive $0xFFFF  }
0x41: {  	_ =	shalt  }

</sc_bundles>
